<compile_context>
chip_gen: v7x
topology: tpu7x:2x2x1
jax: 0.10.2.dev20260603
libtpu: 0.0.44.dev20260713+nightly
codegen_flags: <defaults>
</compile_context>

<pallas_src>
import functools

import jax
import jax.numpy as jnp
from jax import lax
from jax.experimental import pallas as pl
from jax.experimental.pallas import tpu as pltpu
from jax.experimental.pallas import tpu_sc as plsc

_N_FIELDS = 26
_VOCAB = 100000
_EMB = 64
_NUM_DIM = 13
_BATCH = 16384
_TOK = _N_FIELDS + 1

_NC = 2
_NS = 16
_NW = _NC * _NS

_LANES = 16
_SUB = 8

_ROWS = _BATCH * _N_FIELDS
_NB_W = _BATCH // _NW
_QB = 1
_QROWS = _QB * _N_FIELDS
_OB = 4
_GPB = _OB // _QB
_NBLK = _NB_W // _OB
_NGRP = _NB_W // _QB
_XPW = _NB_W * _N_FIELDS


def _num_matmul(x_num, W, b):
    bm = 2048

    def body(x_ref, w_ref, b_ref, o_ref):
        acc = (
            jnp.dot(x_ref[...], w_ref[...], preferred_element_type=jnp.float32)
            + b_ref[...]
        )
        o_ref[:, 0:_EMB] = acc

    return pl.pallas_call(
        body,
        out_shape=jax.ShapeDtypeStruct((_BATCH, 2 * _EMB), jnp.float32),
        grid=(_BATCH // bm,),
        in_specs=[
            pl.BlockSpec((bm, _NUM_DIM), lambda i: (i, 0)),
            pl.BlockSpec((_NUM_DIM, _EMB), lambda i: (0, 0)),
            pl.BlockSpec((1, _EMB), lambda i: (0, 0)),
        ],
        out_specs=pl.BlockSpec((bm, 2 * _EMB), lambda i: (i, 0)),
    )(x_num, W, b.reshape(1, _EMB))


def _sc_body(xcat_hbm, num_hbm, table_hbm, out_hbm,
             xbuf, gbuf8, cbuf, numbuf,
             gsem0, gsem1, osem0, osem1, nsem):
    wid = lax.axis_index("s") * _NC + lax.axis_index("c")

    pltpu.sync_copy(xcat_hbm.at[pl.ds(wid * _XPW, _XPW)],
                    xbuf.at[pl.ds(0, _XPW)])

    gsems = (gsem0, gsem1)
    osems = (osem0, osem1)

    def start_group(g, slot):
        base = g * _QROWS

        def field(f, carry):
            v = xbuf[pl.ds(base + f, _LANES)][0]
            v8 = pl.multiple_of(lax.bitwise_and(v, -_SUB), _SUB)
            pltpu.async_copy(
                table_hbm.at[f, pl.ds(v8, _SUB), :],
                gbuf8.at[slot, f],
                gsems[slot],
            )
            return carry

        lax.fori_loop(0, _N_FIELDS, field, 0, unroll=2)

    def wait_group(slot):
        pltpu.make_async_copy(
            table_hbm.at[0, pl.ds(0, _SUB * _QROWS), :].reshape(
                _QROWS, _SUB, _EMB),
            gbuf8.at[slot],
            gsems[slot],
        ).wait()

    def compact(g, slot, ib, q):
        base = g * _QROWS

        def field(f, carry):
            voff = lax.bitwise_and(xbuf[pl.ds(base + f, _LANES)][0], _SUB - 1)
            for eg in range(_EMB // _LANES):
                cbuf[ib, q, f, pl.ds(eg * _LANES, _LANES)] = (
                    gbuf8[slot, f, voff, pl.ds(eg * _LANES, _LANES)]
                )
            return carry

        lax.fori_loop(0, _N_FIELDS, field, 0, unroll=2)

    def do_block(i, ib):
        blk = 2 * i + ib
        b0 = wid * _NB_W + blk * _OB

        @pl.when(i > 0)
        def _():
            pltpu.make_async_copy(
                cbuf.at[ib], out_hbm.at[pl.ds(b0 - 2 * _OB, _OB)], osems[ib]
            ).wait()

        pltpu.async_copy(
            num_hbm.at[pl.ds(b0, _OB), :], numbuf.at[ib], nsem)

        for q in range(_GPB):
            g = blk * _GPB + q
            slot = q % 2

            @pl.when(g + 1 < _NGRP)
            def _():
                start_group(g + 1, (q + 1) % 2)

            wait_group(slot)
            compact(g, slot, ib, q)

        pltpu.make_async_copy(
            num_hbm.at[pl.ds(b0, _OB), :], numbuf.at[ib], nsem).wait()
        for bl in range(_OB):
            for eg in range(_EMB // _LANES):
                cbuf[ib, bl, _N_FIELDS, pl.ds(eg * _LANES, _LANES)] = (
                    numbuf[ib, bl, pl.ds(eg * _LANES, _LANES)]
                )
        pltpu.async_copy(
            cbuf.at[ib], out_hbm.at[pl.ds(b0, _OB)], osems[ib])

    start_group(0, 0)

    def pair(i, carry):
        do_block(i, 0)
        do_block(i, 1)
        return carry

    lax.fori_loop(0, _NBLK // 2, pair, 0)

    for ib in range(2):
        b0 = wid * _NB_W + (_NBLK - 2 + ib) * _OB
        pltpu.make_async_copy(
            cbuf.at[ib], out_hbm.at[pl.ds(b0, _OB)], osems[ib]
        ).wait()


_sc_gather = functools.partial(
    pl.kernel,
    out_type=jax.ShapeDtypeStruct((_BATCH, _TOK, _EMB), jnp.float32),
    mesh=plsc.VectorSubcoreMesh(core_axis_name="c", subcore_axis_name="s"),
    scratch_types=[
        pltpu.VMEM((_XPW + _LANES,), jnp.int32),
        pltpu.VMEM((2, _QROWS, _SUB, _EMB), jnp.float32),
        pltpu.VMEM((2, _OB, _TOK, _EMB), jnp.float32),
        pltpu.VMEM((2, _OB, 2 * _EMB), jnp.float32),
        pltpu.SemaphoreType.DMA,
        pltpu.SemaphoreType.DMA,
        pltpu.SemaphoreType.DMA,
        pltpu.SemaphoreType.DMA,
        pltpu.SemaphoreType.DMA,
    ],
)(_sc_body)


def kernel(x_cat, x_num, tables, W, b):
    num = _num_matmul(x_num, W, b)
    xflat = x_cat.astype(jnp.int32).reshape(_ROWS)
    return _sc_gather(xflat, num, tables)

# --- scband reference (transcript-rebuilt; emitter-appended) ---
"""Pipeline reference for scband-tabular-tokenizer-80049600463202 (READ-ONLY COPY).

The authoritative reference and input builder live on the scoring server;
editing this copy changes nothing except your own understanding.
"""

import jax, jax.numpy as jnp
import numpy as np

N_FIELDS = 26
VOCAB = 100000
EMB = 64
NUM_DIM = 13
BATCH = 16384

def setup_inputs(seed: int = 0) -> dict:
    key = jax.random.key(seed)
    k1, k2, k3, k4, k5 = jax.random.split(key, 5)
    x_cat = jax.random.randint(k1, (BATCH, N_FIELDS), 0, VOCAB, dtype=jnp.int64 if jax.config.read('jax_enable_x64') else jnp.int32)
    x_num = jax.random.normal(k2, (BATCH, NUM_DIM), dtype=jnp.float32)
    # one embedding table per categorical field, each of size (VOCAB+1, EMB), stacked
    tables = jax.random.normal(k3, (N_FIELDS, VOCAB + 1, EMB), dtype=jnp.float32) * 0.02
    W = jax.random.normal(k4, (NUM_DIM, EMB), dtype=jnp.float32) * (1.0 / np.sqrt(NUM_DIM))
    b = jax.random.normal(k5, (EMB,), dtype=jnp.float32) * 0.01
    return {"x_cat": x_cat, "x_num": x_num, "tables": tables, "W": W, "b": b}

def reference(x_cat, x_num, tables, W, b):
    # per-field embedding lookup: cat_tokens[b, f] = tables[f][x_cat[b, f]]
    field_idx = jnp.arange(N_FIELDS)[None, :]  # (1, N_FIELDS) broadcasts against (B, N_FIELDS)
    cat_tokens = tables[field_idx, x_cat]      # (B, N_FIELDS, EMB)
    num_token = (x_num @ W + b)[:, None, :]    # (B, 1, EMB)
    return jnp.concatenate([cat_tokens, num_token], axis=1)  # (B, N_FIELDS+1, EMB)

if __name__ == "__main__":
    import jax
    _d = setup_inputs()
    print(jax.jit(kernel)(*tuple(_d.values())))

</pallas_src>

<mosaic_0001>
#map = affine_map<(d0, d1) -> (0)>
#map1 = affine_map<(d0, d1) -> (0, 0)>
#map2 = affine_map<(d0, d1) -> (0, 0, 0)>
module attributes {stable_mosaic.version = 14 : i64} {
  func.func @_sc_body(%arg0: i32, %arg1: i32, %arg2: memref<425984xi32, #tpu.memory_space<hbm>>, %arg3: memref<16384x128xf32, #tpu.memory_space<hbm>>, %arg4: memref<26x100001x64xf32, #tpu.memory_space<hbm>>, %arg5: memref<16384x27x64xf32, #tpu.memory_space<hbm>>, %arg6: memref<13328xi32, #tpu.memory_space<vmem>>, %arg7: memref<2x26x8x64xf32, #tpu.memory_space<vmem>>, %arg8: memref<2x4x27x64xf32, #tpu.memory_space<vmem>>, %arg9: memref<2x4x128xf32, #tpu.memory_space<vmem>>, %arg10: memref<!tpu.dma_semaphore, #tpu.memory_space<semaphore_mem>>, %arg11: memref<!tpu.dma_semaphore, #tpu.memory_space<semaphore_mem>>, %arg12: memref<!tpu.dma_semaphore, #tpu.memory_space<semaphore_mem>>, %arg13: memref<!tpu.dma_semaphore, #tpu.memory_space<semaphore_mem>>, %arg14: memref<!tpu.dma_semaphore, #tpu.memory_space<semaphore_mem>>) attributes {dimension_semantics = [#tpu.dimension_semantics<core_parallel>, #tpu.dimension_semantics<subcore_parallel>], iteration_bounds = array<i64: 2, 16>, scalar_prefetch = 0 : i64, scratch_operands = 9 : i64, tpu.core_type = #tpu.core_type<sc_vector_subcore>, window_params = [{transform_indices = #map}, {transform_indices = #map1}, {transform_indices = #map2}, {transform_indices = #map2}]} {
    %mul3A = arith.constant 2 : i32
    %mul3A_0 = arith.muli %arg1, %mul3A : i32
    %add3A = arith.addi %mul3A_0, %arg0 : i32
    %mul3A_1 = arith.constant 13312 : i32
    %mul3A_2 = arith.muli %add3A, %mul3A_1 : i32
    "tpu.region"() ({
      %run_scoped3A = tpu.sem_alloc : memref<!tpu.dma_semaphore, #tpu.memory_space<semaphore_mem>>
      %dma_start3A = arith.constant 0 : i32
      %dma_start3A_55 = tpu.memref_slice %arg6[%dma_start3A] : memref<13328xi32, #tpu.memory_space<vmem>> -> memref<13312xi32, #tpu.memory_space<vmem>>
      %dma_start3A_56 = tpu.memref_slice %arg2[%mul3A_2] : memref<425984xi32, #tpu.memory_space<hbm>> -> memref<13312xi32, #tpu.memory_space<hbm>>
      %dma_start3A_57 = arith.constant 0 : i32
      %dma_start3A_58 = tpu.memref_slice %arg6[%dma_start3A_57] : memref<13328xi32, #tpu.memory_space<vmem>> -> memref<13312xi32, #tpu.memory_space<vmem>>
      %dma_start3A_59 = tpu.memref_slice %arg2[%mul3A_2] : memref<425984xi32, #tpu.memory_space<hbm>> -> memref<13312xi32, #tpu.memory_space<hbm>>
      tpu.enqueue_dma source(%dma_start3A_59 : memref<13312xi32, #tpu.memory_space<hbm>>) target(%dma_start3A_58 : memref<13312xi32, #tpu.memory_space<vmem>>) target_semaphore(%run_scoped3A : memref<!tpu.dma_semaphore, #tpu.memory_space<semaphore_mem>>)
      %dma_wait3A_60 = arith.constant 0 : i32
      %dma_wait3A_61 = tpu.memref_slice %arg6[%dma_wait3A_60] : memref<13328xi32, #tpu.memory_space<vmem>> -> memref<13312xi32, #tpu.memory_space<vmem>>
      %dma_wait3A_62 = tpu.memref_slice %arg2[%mul3A_2] : memref<425984xi32, #tpu.memory_space<hbm>> -> memref<13312xi32, #tpu.memory_space<hbm>>
      %dma_wait3A_63 = arith.constant 0 : i32
      %dma_wait3A_64 = tpu.memref_slice %arg6[%dma_wait3A_63] : memref<13328xi32, #tpu.memory_space<vmem>> -> memref<13312xi32, #tpu.memory_space<vmem>>
      %dma_wait3A_65 = tpu.memref_slice %arg2[%mul3A_2] : memref<425984xi32, #tpu.memory_space<hbm>> -> memref<13312xi32, #tpu.memory_space<hbm>>
      tpu.wait_dma2 semaphore(%run_scoped3A : memref<!tpu.dma_semaphore, #tpu.memory_space<semaphore_mem>>) src(%dma_wait3A_65 : memref<13312xi32, #tpu.memory_space<hbm>>) dst(%dma_wait3A_64 : memref<13312xi32, #tpu.memory_space<vmem>>)
      tpu.yield
    }) : () -> ()
    %scan3A = arith.constant 0 : i32
    %scan3A_3 = arith.constant 0 : i32
    %scan3A_4 = arith.constant 26 : i32
    %scan3A_5 = arith.addi %scan3A_3, %scan3A_4 : i32
    %scan3A_6 = arith.constant 2 : i32
    scf.for %scan3A_55 = %scan3A_3 to %scan3A_5 step %scan3A_6  : i32 {
      %add3A_56 = arith.constant 0 : i32
      %add3A_57 = arith.addi %add3A_56, %scan3A_55 : i32
      %get3A = arith.index_cast %add3A_57 : i32 to index
      %get3A_58 = tpu.vector_load %arg6[%get3A] {strides = array<i32>} : memref<13328xi32, #tpu.memory_space<vmem>>, vector<16xi32>,
      %get3A_59 = vector.shape_cast %get3A_58 : vector<16xi32> to vector<16xi32>
      %slice3A = vector.extract_strided_slice %get3A_59 {offsets = [0], sizes = [1], strides = [1]} : vector<16xi32> to vector<1xi32>
      %squeeze3A = vector.extract %slice3A[0] : i32 from vector<1xi32>
      %and3A = arith.constant -8 : i32
      %and3A_60 = arith.andi %squeeze3A, %and3A : i32
      %multiple_of3A = tpu.assume_multiple %and3A_60, 8 : i32
      %dma_start3A = arith.constant 0 : i32
      %dma_start3A_61 = arith.constant 0 : i32
      %dma_start3A_62 = arith.constant 0 : i32
      %dma_start3A_63 = tpu.memref_slice %arg7[%dma_start3A, %scan3A_55, %dma_start3A_61, %dma_start3A_62] : memref<2x26x8x64xf32, #tpu.memory_space<vmem>> -> memref<1x1x8x64xf32, #tpu.memory_space<vmem>>
      %dma_start3A_64 = tpu.memref_squeeze %dma_start3A_63 : memref<1x1x8x64xf32, #tpu.memory_space<vmem>> -> memref<8x64xf32, #tpu.memory_space<vmem>>
      %dma_start3A_65 = arith.constant 0 : i32
      %dma_start3A_66 = tpu.memref_slice %arg4[%scan3A_55, %multiple_of3A, %dma_start3A_65] : memref<26x100001x64xf32, #tpu.memory_space<hbm>> -> memref<1x8x64xf32, #tpu.memory_space<hbm>>
      %dma_start3A_67 = tpu.memref_squeeze %dma_start3A_66 : memref<1x8x64xf32, #tpu.memory_space<hbm>> -> memref<8x64xf32, #tpu.memory_space<hbm>>
      %dma_start3A_68 = arith.constant 0 : i32
      %dma_start3A_69 = arith.constant 0 : i32
      %dma_start3A_70 = tpu.memref_slice %arg7[%dma_start3A, %scan3A_55, %dma_start3A_68, %dma_start3A_69] : memref<2x26x8x64xf32, #tpu.memory_space<vmem>> -> memref<1x1x8x64xf32, #tpu.memory_space<vmem>>
      %dma_start3A_71 = tpu.memref_squeeze %dma_start3A_70 : memref<1x1x8x64xf32, #tpu.memory_space<vmem>> -> memref<8x64xf32, #tpu.memory_space<vmem>>
      %dma_start3A_72 = arith.constant 0 : i32
      %dma_start3A_73 = tpu.memref_slice %arg4[%scan3A_55, %multiple_of3A, %dma_start3A_72] : memref<26x100001x64xf32, #tpu.memory_space<hbm>> -> memref<1x8x64xf32, #tpu.memory_space<hbm>>
      %dma_start3A_74 = tpu.memref_squeeze %dma_start3A_73 : memref<1x8x64xf32, #tpu.memory_space<hbm>> -> memref<8x64xf32, #tpu.memory_space<hbm>>
      tpu.enqueue_dma source(%dma_start3A_74 : memref<8x64xf32, #tpu.memory_space<hbm>>) target(%dma_start3A_71 : memref<8x64xf32, #tpu.memory_space<vmem>>) target_semaphore(%arg10 : memref<!tpu.dma_semaphore, #tpu.memory_space<semaphore_mem>>)
      %scan3A_75 = arith.constant 1 : i32
      %scan3A_76 = arith.addi %scan3A_55, %scan3A_75 : i32
      %add3A_77 = arith.constant 0 : i32
      %add3A_78 = arith.addi %add3A_77, %scan3A_76 : i32
      %get3A_79 = arith.index_cast %add3A_78 : i32 to index
      %get3A_80 = tpu.vector_load %arg6[%get3A_79] {strides = array<i32>} : memref<13328xi32, #tpu.memory_space<vmem>>, vector<16xi32>,
      %get3A_81 = vector.shape_cast %get3A_80 : vector<16xi32> to vector<16xi32>
      %slice3A_82 = vector.extract_strided_slice %get3A_81 {offsets = [0], sizes = [1], strides = [1]} : vector<16xi32> to vector<1xi32>
      %squeeze3A_83 = vector.extract %slice3A_82[0] : i32 from vector<1xi32>
      %and3A_84 = arith.constant -8 : i32
      %and3A_85 = arith.andi %squeeze3A_83, %and3A_84 : i32
      %multiple_of3A_86 = tpu.assume_multiple %and3A_85, 8 : i32
      %dma_start3A_87 = arith.constant 0 : i32
      %dma_start3A_88 = arith.constant 0 : i32
      %dma_start3A_89 = arith.constant 0 : i32
      %dma_start3A_90 = tpu.memref_slice %arg7[%dma_start3A_87, %scan3A_76, %dma_start3A_88, %dma_start3A_89] : memref<2x26x8x64xf32, #tpu.memory_space<vmem>> -> memref<1x1x8x64xf32, #tpu.memory_space<vmem>>
      %dma_start3A_91 = tpu.memref_squeeze %dma_start3A_90 : memref<1x1x8x64xf32, #tpu.memory_space<vmem>> -> memref<8x64xf32, #tpu.memory_space<vmem>>
      %dma_start3A_92 = arith.constant 0 : i32
      %dma_start3A_93 = tpu.memref_slice %arg4[%scan3A_76, %multiple_of3A_86, %dma_start3A_92] : memref<26x100001x64xf32, #tpu.memory_space<hbm>> -> memref<1x8x64xf32, #tpu.memory_space<hbm>>
      %dma_start3A_94 = tpu.memref_squeeze %dma_start3A_93 : memref<1x8x64xf32, #tpu.memory_space<hbm>> -> memref<8x64xf32, #tpu.memory_space<hbm>>
      %dma_start3A_95 = arith.constant 0 : i32
      %dma_start3A_96 = arith.constant 0 : i32
      %dma_start3A_97 = tpu.memref_slice %arg7[%dma_start3A_87, %scan3A_76, %dma_start3A_95, %dma_start3A_96] : memref<2x26x8x64xf32, #tpu.memory_space<vmem>> -> memref<1x1x8x64xf32, #tpu.memory_space<vmem>>
      %dma_start3A_98 = tpu.memref_squeeze %dma_start3A_97 : memref<1x1x8x64xf32, #tpu.memory_space<vmem>> -> memref<8x64xf32, #tpu.memory_space<vmem>>
      %dma_start3A_99 = arith.constant 0 : i32
      %dma_start3A_100 = tpu.memref_slice %arg4[%scan3A_76, %multiple_of3A_86, %dma_start3A_99] : memref<26x100001x64xf32, #tpu.memory_space<hbm>> -> memref<1x8x64xf32, #tpu.memory_space<hbm>>
      %dma_start3A_101 = tpu.memref_squeeze %dma_start3A_100 : memref<1x8x64xf32, #tpu.memory_space<hbm>> -> memref<8x64xf32, #tpu.memory_space<hbm>>
      tpu.enqueue_dma source(%dma_start3A_101 : memref<8x64xf32, #tpu.memory_space<hbm>>) target(%dma_start3A_98 : memref<8x64xf32, #tpu.memory_space<vmem>>) target_semaphore(%arg10 : memref<!tpu.dma_semaphore, #tpu.memory_space<semaphore_mem>>)
    }
    %scan3A_7 = arith.constant 26 : i32
    %scan3A_8 = arith.constant 0 : i32
    %scan3A_9 = arith.constant 0 : i32
    %scan3A_10 = arith.constant 64 : i32
    %scan3A_11 = arith.addi %scan3A_9, %scan3A_10 : i32
    %scan3A_12 = arith.constant 1 : i32
    scf.for %scan3A_55 = %scan3A_9 to %scan3A_11 step %scan3A_12  : i32 {
      %mul3A_56 = arith.constant 2 : i32
      %mul3A_57 = arith.muli %mul3A_56, %scan3A_55 : i32
      %add3A_58 = arith.constant 0 : i32
      %add3A_59 = arith.addi %mul3A_57, %add3A_58 : i32
      %mul3A_60 = arith.constant 512 : i32
      %mul3A_61 = arith.muli %add3A, %mul3A_60 : i32
      %mul3A_62 = arith.constant 4 : i32
      %mul3A_63 = arith.muli %add3A_59, %mul3A_62 : i32
      %add3A_64 = arith.addi %mul3A_61, %mul3A_63 : i32
      %gt3A = arith.constant 0 : i32
      %gt3A_65 = arith.cmpi sgt, %scan3A_55, %gt3A : i32
      %convert_element_type3A = arith.extui %gt3A_65 : i1 to i32
      %cond3A = arith.constant 0 : i32
      %cond3A_66 = arith.cmpi ne, %convert_element_type3A, %cond3A : i32
      scf.if %cond3A_66 {
        %sub3A = arith.constant 8 : i32
        %sub3A_1035 = arith.subi %add3A_64, %sub3A : i32
        %dma_wait3A_1036 = arith.constant 0 : i32
        %dma_wait3A_1037 = arith.constant 0 : i32
        %dma_wait3A_1038 = arith.constant 0 : i32
        %dma_wait3A_1039 = arith.constant 0 : i32
        %dma_wait3A_1040 = tpu.memref_slice %arg8[%dma_wait3A_1036, %dma_wait3A_1037, %dma_wait3A_1038, %dma_wait3A_1039] : memref<2x4x27x64xf32, #tpu.memory_space<vmem>> -> memref<1x4x27x64xf32, #tpu.memory_space<vmem>>
        %dma_wait3A_1041 = tpu.memref_squeeze %dma_wait3A_1040 : memref<1x4x27x64xf32, #tpu.memory_space<vmem>> -> memref<4x27x64xf32, #tpu.memory_space<vmem>>
        %dma_wait3A_1042 = arith.constant 0 : i32
        %dma_wait3A_1043 = arith.constant 0 : i32
        %dma_wait3A_1044 = tpu.memref_slice %arg5[%sub3A_1035, %dma_wait3A_1042, %dma_wait3A_1043] : memref<16384x27x64xf32, #tpu.memory_space<hbm>> -> memref<4x27x64xf32, #tpu.memory_space<hbm>>
        %dma_wait3A_1045 = arith.constant 0 : i32
        %dma_wait3A_1046 = arith.constant 0 : i32
        %dma_wait3A_1047 = tpu.memref_slice %arg5[%sub3A_1035, %dma_wait3A_1045, %dma_wait3A_1046] : memref<16384x27x64xf32, #tpu.memory_space<hbm>> -> memref<4x27x64xf32, #tpu.memory_space<hbm>>
        %dma_wait3A_1048 = arith.constant 0 : i32
        %dma_wait3A_1049 = arith.constant 0 : i32
        %dma_wait3A_1050 = arith.constant 0 : i32
        %dma_wait3A_1051 = tpu.memref_slice %arg8[%dma_wait3A_1036, %dma_wait3A_1048, %dma_wait3A_1049, %dma_wait3A_1050] : memref<2x4x27x64xf32, #tpu.memory_space<vmem>> -> memref<1x4x27x64xf32, #tpu.memory_space<vmem>>
        %dma_wait3A_1052 = tpu.memref_squeeze %dma_wait3A_1051 : memref<1x4x27x64xf32, #tpu.memory_space<vmem>> -> memref<4x27x64xf32, #tpu.memory_space<vmem>>
        tpu.wait_dma2 semaphore(%arg12 : memref<!tpu.dma_semaphore, #tpu.memory_space<semaphore_mem>>) src(%dma_wait3A_1052 : memref<4x27x64xf32, #tpu.memory_space<vmem>>) dst(%dma_wait3A_1047 : memref<4x27x64xf32, #tpu.memory_space<hbm>>)
      } else {
      }
      %dma_start3A = arith.constant 0 : i32
      %dma_start3A_67 = arith.constant 0 : i32
      %dma_start3A_68 = arith.constant 0 : i32
      %dma_start3A_69 = tpu.memref_slice %arg9[%dma_start3A, %dma_start3A_67, %dma_start3A_68] : memref<2x4x128xf32, #tpu.memory_space<vmem>> -> memref<1x4x128xf32, #tpu.memory_space<vmem>>
      %dma_start3A_70 = tpu.memref_squeeze %dma_start3A_69 : memref<1x4x128xf32, #tpu.memory_space<vmem>> -> memref<4x128xf32, #tpu.memory_space<vmem>>
      %dma_start3A_71 = arith.constant 0 : i32
      %dma_start3A_72 = tpu.memref_slice %arg3[%add3A_64, %dma_start3A_71] : memref<16384x128xf32, #tpu.memory_space<hbm>> -> memref<4x128xf32, #tpu.memory_space<hbm>>
      %dma_start3A_73 = arith.constant 0 : i32
      %dma_start3A_74 = arith.constant 0 : i32
      %dma_start3A_75 = tpu.memref_slice %arg9[%dma_start3A, %dma_start3A_73, %dma_start3A_74] : memref<2x4x128xf32, #tpu.memory_space<vmem>> -> memref<1x4x128xf32, #tpu.memory_space<vmem>>
      %dma_start3A_76 = tpu.memref_squeeze %dma_start3A_75 : memref<1x4x128xf32, #tpu.memory_space<vmem>> -> memref<4x128xf32, #tpu.memory_space<vmem>>
      %dma_start3A_77 = arith.constant 0 : i32
      %dma_start3A_78 = tpu.memref_slice %arg3[%add3A_64, %dma_start3A_77] : memref<16384x128xf32, #tpu.memory_space<hbm>> -> memref<4x128xf32, #tpu.memory_space<hbm>>
      tpu.enqueue_dma source(%dma_start3A_78 : memref<4x128xf32, #tpu.memory_space<hbm>>) target(%dma_start3A_76 : memref<4x128xf32, #tpu.memory_space<vmem>>) target_semaphore(%arg14 : memref<!tpu.dma_semaphore, #tpu.memory_space<semaphore_mem>>)
      %mul3A_79 = arith.constant 4 : i32
      %mul3A_80 = arith.muli %add3A_59, %mul3A_79 : i32
      %add3A_81 = arith.constant 0 : i32
      %add3A_82 = arith.addi %mul3A_80, %add3A_81 : i32
      %add3A_83 = arith.constant 1 : i32
      %add3A_84 = arith.addi %add3A_82, %add3A_83 : i32
      %lt3A = arith.constant 512 : i32
      %lt3A_85 = arith.cmpi slt, %add3A_84, %lt3A : i32
      %convert_element_type3A_86 = arith.extui %lt3A_85 : i1 to i32
      %cond3A_87 = arith.constant 0 : i32
      %cond3A_88 = arith.cmpi ne, %convert_element_type3A_86, %cond3A_87 : i32
      scf.if %cond3A_88 {
        %add3A_1035 = arith.constant 1 : i32
        %add3A_1036 = arith.addi %add3A_82, %add3A_1035 : i32
        %mul3A_1037 = arith.constant 26 : i32
        %mul3A_1038 = arith.muli %add3A_1036, %mul3A_1037 : i32
        %scan3A_1039 = arith.constant 0 : i32
        %scan3A_1040 = arith.constant 0 : i32
        %scan3A_1041 = arith.constant 26 : i32
        %scan3A_1042 = arith.addi %scan3A_1040, %scan3A_1041 : i32
        %scan3A_1043 = arith.constant 2 : i32
        scf.for %scan3A_1045 = %scan3A_1040 to %scan3A_1042 step %scan3A_1043  : i32 {
          %add3A_1046 = arith.addi %mul3A_1038, %scan3A_1045 : i32
          %get3A_1047 = arith.index_cast %add3A_1046 : i32 to index
          %get3A_1048 = tpu.vector_load %arg6[%get3A_1047] {strides = array<i32>} : memref<13328xi32, #tpu.memory_space<vmem>>, vector<16xi32>,
          %get3A_1049 = vector.shape_cast %get3A_1048 : vector<16xi32> to vector<16xi32>
          %slice3A = vector.extract_strided_slice %get3A_1049 {offsets = [0], sizes = [1], strides = [1]} : vector<16xi32> to vector<1xi32>
          %squeeze3A = vector.extract %slice3A[0] : i32 from vector<1xi32>
          %and3A = arith.constant -8 : i32
          %and3A_1050 = arith.andi %squeeze3A, %and3A : i32
          %multiple_of3A = tpu.assume_multiple %and3A_1050, 8 : i32
          %dma_start3A_1051 = arith.constant 1 : i32
          %dma_start3A_1052 = arith.constant 0 : i32
          %dma_start3A_1053 = arith.constant 0 : i32
          %dma_start3A_1054 = tpu.memref_slice %arg7[%dma_start3A_1051, %scan3A_1045, %dma_start3A_1052, %dma_start3A_1053] : memref<2x26x8x64xf32, #tpu.memory_space<vmem>> -> memref<1x1x8x64xf32, #tpu.memory_space<vmem>>
          %dma_start3A_1055 = tpu.memref_squeeze %dma_start3A_1054 : memref<1x1x8x64xf32, #tpu.memory_space<vmem>> -> memref<8x64xf32, #tpu.memory_space<vmem>>
          %dma_start3A_1056 = arith.constant 0 : i32
          %dma_start3A_1057 = tpu.memref_slice %arg4[%scan3A_1045, %multiple_of3A, %dma_start3A_1056] : memref<26x100001x64xf32, #tpu.memory_space<hbm>> -> memref<1x8x64xf32, #tpu.memory_space<hbm>>
          %dma_start3A_1058 = tpu.memref_squeeze %dma_start3A_1057 : memref<1x8x64xf32, #tpu.memory_space<hbm>> -> memref<8x64xf32, #tpu.memory_space<hbm>>
          %dma_start3A_1059 = arith.constant 0 : i32
          %dma_start3A_1060 = arith.constant 0 : i32
          %dma_start3A_1061 = tpu.memref_slice %arg7[%dma_start3A_1051, %scan3A_1045, %dma_start3A_1059, %dma_start3A_1060] : memref<2x26x8x64xf32, #tpu.memory_space<vmem>> -> memref<1x1x8x64xf32, #tpu.memory_space<vmem>>
          %dma_start3A_1062 = tpu.memref_squeeze %dma_start3A_1061 : memref<1x1x8x64xf32, #tpu.memory_space<vmem>> -> memref<8x64xf32, #tpu.memory_space<vmem>>
          %dma_start3A_1063 = arith.constant 0 : i32
          %dma_start3A_1064 = tpu.memref_slice %arg4[%scan3A_1045, %multiple_of3A, %dma_start3A_1063] : memref<26x100001x64xf32, #tpu.memory_space<hbm>> -> memref<1x8x64xf32, #tpu.memory_space<hbm>>
          %dma_start3A_1065 = tpu.memref_squeeze %dma_start3A_1064 : memref<1x8x64xf32, #tpu.memory_space<hbm>> -> memref<8x64xf32, #tpu.memory_space<hbm>>
          tpu.enqueue_dma source(%dma_start3A_1065 : memref<8x64xf32, #tpu.memory_space<hbm>>) target(%dma_start3A_1062 : memref<8x64xf32, #tpu.memory_space<vmem>>) target_semaphore(%arg11 : memref<!tpu.dma_semaphore, #tpu.memory_space<semaphore_mem>>)
          %scan3A_1066 = arith.constant 1 : i32
          %scan3A_1067 = arith.addi %scan3A_1045, %scan3A_1066 : i32
          %add3A_1068 = arith.addi %mul3A_1038, %scan3A_1067 : i32
          %get3A_1069 = arith.index_cast %add3A_1068 : i32 to index
          %get3A_1070 = tpu.vector_load %arg6[%get3A_1069] {strides = array<i32>} : memref<13328xi32, #tpu.memory_space<vmem>>, vector<16xi32>,
          %get3A_1071 = vector.shape_cast %get3A_1070 : vector<16xi32> to vector<16xi32>
          %slice3A_1072 = vector.extract_strided_slice %get3A_1071 {offsets = [0], sizes = [1], strides = [1]} : vector<16xi32> to vector<1xi32>
          %squeeze3A_1073 = vector.extract %slice3A_1072[0] : i32 from vector<1xi32>
          %and3A_1074 = arith.constant -8 : i32
          %and3A_1075 = arith.andi %squeeze3A_1073, %and3A_1074 : i32
          %multiple_of3A_1076 = tpu.assume_multiple %and3A_1075, 8 : i32
          %dma_start3A_1077 = arith.constant 1 : i32
          %dma_start3A_1078 = arith.constant 0 : i32
          %dma_start3A_1079 = arith.constant 0 : i32
          %dma_start3A_1080 = tpu.memref_slice %arg7[%dma_start3A_1077, %scan3A_1067, %dma_start3A_1078, %dma_start3A_1079] : memref<2x26x8x64xf32, #tpu.memory_space<vmem>> -> memref<1x1x8x64xf32, #tpu.memory_space<vmem>>
          %dma_start3A_1081 = tpu.memref_squeeze %dma_start3A_1080 : memref<1x1x8x64xf32, #tpu.memory_space<vmem>> -> memref<8x64xf32, #tpu.memory_space<vmem>>
          %dma_start3A_1082 = arith.constant 0 : i32
          %dma_start3A_1083 = tpu.memref_slice %arg4[%scan3A_1067, %multiple_of3A_1076, %dma_start3A_1082] : memref<26x100001x64xf32, #tpu.memory_space<hbm>> -> memref<1x8x64xf32, #tpu.memory_space<hbm>>
          %dma_start3A_1084 = tpu.memref_squeeze %dma_start3A_1083 : memref<1x8x64xf32, #tpu.memory_space<hbm>> -> memref<8x64xf32, #tpu.memory_space<hbm>>
          %dma_start3A_1085 = arith.constant 0 : i32
          %dma_start3A_1086 = arith.constant 0 : i32
          %dma_start3A_1087 = tpu.memref_slice %arg7[%dma_start3A_1077, %scan3A_1067, %dma_start3A_1085, %dma_start3A_1086] : memref<2x26x8x64xf32, #tpu.memory_space<vmem>> -> memref<1x1x8x64xf32, #tpu.memory_space<vmem>>
          %dma_start3A_1088 = tpu.memref_squeeze %dma_start3A_1087 : memref<1x1x8x64xf32, #tpu.memory_space<vmem>> -> memref<8x64xf32, #tpu.memory_space<vmem>>
          %dma_start3A_1089 = arith.constant 0 : i32
          %dma_start3A_1090 = tpu.memref_slice %arg4[%scan3A_1067, %multiple_of3A_1076, %dma_start3A_1089] : memref<26x100001x64xf32, #tpu.memory_space<hbm>> -> memref<1x8x64xf32, #tpu.memory_space<hbm>>
          %dma_start3A_1091 = tpu.memref_squeeze %dma_start3A_1090 : memref<1x8x64xf32, #tpu.memory_space<hbm>> -> memref<8x64xf32, #tpu.memory_space<hbm>>
          tpu.enqueue_dma source(%dma_start3A_1091 : memref<8x64xf32, #tpu.memory_space<hbm>>) target(%dma_start3A_1088 : memref<8x64xf32, #tpu.memory_space<vmem>>) target_semaphore(%arg11 : memref<!tpu.dma_semaphore, #tpu.memory_space<semaphore_mem>>)
        }
        %scan3A_1044 = arith.constant 26 : i32
      } else {
      }
      %dma_wait3A_89 = arith.constant 0 : i32
      %dma_wait3A_90 = arith.constant 0 : i32
      %dma_wait3A_91 = arith.constant 0 : i32
      %dma_wait3A_92 = arith.constant 0 : i32
      %dma_wait3A_93 = arith.constant 0 : i32
      %dma_wait3A_94 = tpu.memref_slice %arg7[%dma_wait3A_90, %dma_wait3A_91, %dma_wait3A_92, %dma_wait3A_93] : memref<2x26x8x64xf32, #tpu.memory_space<vmem>> -> memref<1x26x8x64xf32, #tpu.memory_space<vmem>>
      %dma_wait3A_95 = tpu.memref_squeeze %dma_wait3A_94 : memref<1x26x8x64xf32, #tpu.memory_space<vmem>> -> memref<26x8x64xf32, #tpu.memory_space<vmem>>
      %dma_wait3A_96 = arith.constant 0 : i32
      %dma_wait3A_97 = arith.constant 0 : i32
      %dma_wait3A_98 = tpu.memref_slice %arg4[%dma_wait3A_89, %dma_wait3A_96, %dma_wait3A_97] : memref<26x100001x64xf32, #tpu.memory_space<hbm>> -> memref<1x208x64xf32, #tpu.memory_space<hbm>>
      %dma_wait3A_99 = tpu.memref_squeeze %dma_wait3A_98 : memref<1x208x64xf32, #tpu.memory_space<hbm>> -> memref<208x64xf32, #tpu.memory_space<hbm>>
      %dma_wait3A_100 = tpu.memref_reshape %dma_wait3A_99 : memref<208x64xf32, #tpu.memory_space<hbm>> -> memref<26x8x64xf32, #tpu.memory_space<hbm>>
      %dma_wait3A_101 = arith.constant 0 : i32
      %dma_wait3A_102 = arith.constant 0 : i32
      %dma_wait3A_103 = arith.constant 0 : i32
      %dma_wait3A_104 = tpu.memref_slice %arg7[%dma_wait3A_90, %dma_wait3A_101, %dma_wait3A_102, %dma_wait3A_103] : memref<2x26x8x64xf32, #tpu.memory_space<vmem>> -> memref<1x26x8x64xf32, #tpu.memory_space<vmem>>
      %dma_wait3A_105 = tpu.memref_squeeze %dma_wait3A_104 : memref<1x26x8x64xf32, #tpu.memory_space<vmem>> -> memref<26x8x64xf32, #tpu.memory_space<vmem>>
      %dma_wait3A_106 = arith.constant 0 : i32
      %dma_wait3A_107 = arith.constant 0 : i32
      %dma_wait3A_108 = tpu.memref_slice %arg4[%dma_wait3A_89, %dma_wait3A_106, %dma_wait3A_107] : memref<26x100001x64xf32, #tpu.memory_space<hbm>> -> memref<1x208x64xf32, #tpu.memory_space<hbm>>
      %dma_wait3A_109 = tpu.memref_squeeze %dma_wait3A_108 : memref<1x208x64xf32, #tpu.memory_space<hbm>> -> memref<208x64xf32, #tpu.memory_space<hbm>>
      %dma_wait3A_110 = tpu.memref_reshape %dma_wait3A_109 : memref<208x64xf32, #tpu.memory_space<hbm>> -> memref<26x8x64xf32, #tpu.memory_space<hbm>>
      tpu.wait_dma2 semaphore(%arg10 : memref<!tpu.dma_semaphore, #tpu.memory_space<semaphore_mem>>) src(%dma_wait3A_110 : memref<26x8x64xf32, #tpu.memory_space<hbm>>) dst(%dma_wait3A_105 : memref<26x8x64xf32, #tpu.memory_space<vmem>>)
      %mul3A_111 = arith.constant 26 : i32
      %mul3A_112 = arith.muli %add3A_82, %mul3A_111 : i32
      %scan3A_113 = arith.constant 0 : i32
      %scan3A_114 = arith.constant 0 : i32
      %scan3A_115 = arith.constant 26 : i32
      %scan3A_116 = arith.addi %scan3A_114, %scan3A_115 : i32
      %scan3A_117 = arith.constant 2 : i32
      scf.for %scan3A_1035 = %scan3A_114 to %scan3A_116 step %scan3A_117  : i32 {
        %add3A_1036 = arith.addi %mul3A_112, %scan3A_1035 : i32
        %get3A_1037 = arith.index_cast %add3A_1036 : i32 to index
        %get3A_1038 = tpu.vector_load %arg6[%get3A_1037] {strides = array<i32>} : memref<13328xi32, #tpu.memory_space<vmem>>, vector<16xi32>,
        %get3A_1039 = vector.shape_cast %get3A_1038 : vector<16xi32> to vector<16xi32>
        %slice3A = vector.extract_strided_slice %get3A_1039 {offsets = [0], sizes = [1], strides = [1]} : vector<16xi32> to vector<1xi32>
        %squeeze3A = vector.extract %slice3A[0] : i32 from vector<1xi32>
        %and3A = arith.constant 7 : i32
        %and3A_1040 = arith.andi %squeeze3A, %and3A : i32
        %get3A_1041 = arith.constant 0 : i32
        %get3A_1042 = arith.index_cast %get3A_1041 : i32 to index
        %get3A_1043 = arith.index_cast %scan3A_1035 : i32 to index
        %get3A_1044 = arith.index_cast %and3A_1040 : i32 to index
        %get3A_1045 = arith.constant 0 : index
        %get3A_1046 = tpu.vector_load %arg7[%get3A_1042, %get3A_1043, %get3A_1044, %get3A_1045] {strides = array<i32>} : memref<2x26x8x64xf32, #tpu.memory_space<vmem>>, vector<1x1x1x16xf32>,
        %get3A_1047 = vector.shape_cast %get3A_1046 : vector<1x1x1x16xf32> to vector<16xf32>
        %swap3A_1048 = arith.constant 0 : i32
        %swap3A_1049 = arith.constant 0 : i32
        %swap3A_1050 = arith.index_cast %swap3A_1048 : i32 to index
        %swap3A_1051 = arith.index_cast %swap3A_1049 : i32 to index
        %swap3A_1052 = arith.index_cast %scan3A_1035 : i32 to index
        %swap3A_1053 = arith.constant 0 : index
        %swap3A_1054 = tpu.vector_load %arg8[%swap3A_1050, %swap3A_1051, %swap3A_1052, %swap3A_1053] {strides = array<i32>} : memref<2x4x27x64xf32, #tpu.memory_space<vmem>>, vector<1x1x1x16xf32>,
        %swap3A_1055 = vector.shape_cast %swap3A_1054 : vector<1x1x1x16xf32> to vector<16xf32>
        %swap3A_1056 = vector.shape_cast %get3A_1047 : vector<16xf32> to vector<1x1x1x16xf32>
        tpu.vector_store %arg8[%swap3A_1050, %swap3A_1051, %swap3A_1052, %swap3A_1053], %swap3A_1056 {strides = array<i32>} : memref<2x4x27x64xf32, #tpu.memory_space<vmem>>, vector<1x1x1x16xf32>,
        %get3A_1057 = arith.constant 0 : i32
        %get3A_1058 = arith.index_cast %get3A_1057 : i32 to index
        %get3A_1059 = arith.index_cast %scan3A_1035 : i32 to index
        %get3A_1060 = arith.index_cast %and3A_1040 : i32 to index
        %get3A_1061 = arith.constant 16 : index
        %get3A_1062 = tpu.vector_load %arg7[%get3A_1058, %get3A_1059, %get3A_1060, %get3A_1061] {strides = array<i32>} : memref<2x26x8x64xf32, #tpu.memory_space<vmem>>, vector<1x1x1x16xf32>,
        %get3A_1063 = vector.shape_cast %get3A_1062 : vector<1x1x1x16xf32> to vector<16xf32>
        %swap3A_1064 = arith.constant 0 : i32
        %swap3A_1065 = arith.constant 0 : i32
        %swap3A_1066 = arith.index_cast %swap3A_1064 : i32 to index
        %swap3A_1067 = arith.index_cast %swap3A_1065 : i32 to index
        %swap3A_1068 = arith.index_cast %scan3A_1035 : i32 to index
        %swap3A_1069 = arith.constant 16 : index
        %swap3A_1070 = tpu.vector_load %arg8[%swap3A_1066, %swap3A_1067, %swap3A_1068, %swap3A_1069] {strides = array<i32>} : memref<2x4x27x64xf32, #tpu.memory_space<vmem>>, vector<1x1x1x16xf32>,
        %swap3A_1071 = vector.shape_cast %swap3A_1070 : vector<1x1x1x16xf32> to vector<16xf32>
        %swap3A_1072 = vector.shape_cast %get3A_1063 : vector<16xf32> to vector<1x1x1x16xf32>
        tpu.vector_store %arg8[%swap3A_1066, %swap3A_1067, %swap3A_1068, %swap3A_1069], %swap3A_1072 {strides = array<i32>} : memref<2x4x27x64xf32, #tpu.memory_space<vmem>>, vector<1x1x1x16xf32>,
        %get3A_1073 = arith.constant 0 : i32
        %get3A_1074 = arith.index_cast %get3A_1073 : i32 to index
        %get3A_1075 = arith.index_cast %scan3A_1035 : i32 to index
        %get3A_1076 = arith.index_cast %and3A_1040 : i32 to index
        %get3A_1077 = arith.constant 32 : index
        %get3A_1078 = tpu.vector_load %arg7[%get3A_1074, %get3A_1075, %get3A_1076, %get3A_1077] {strides = array<i32>} : memref<2x26x8x64xf32, #tpu.memory_space<vmem>>, vector<1x1x1x16xf32>,
        %get3A_1079 = vector.shape_cast %get3A_1078 : vector<1x1x1x16xf32> to vector<16xf32>
        %swap3A_1080 = arith.constant 0 : i32
        %swap3A_1081 = arith.constant 0 : i32
        %swap3A_1082 = arith.index_cast %swap3A_1080 : i32 to index
        %swap3A_1083 = arith.index_cast %swap3A_1081 : i32 to index
        %swap3A_1084 = arith.index_cast %scan3A_1035 : i32 to index
        %swap3A_1085 = arith.constant 32 : index
        %swap3A_1086 = tpu.vector_load %arg8[%swap3A_1082, %swap3A_1083, %swap3A_1084, %swap3A_1085] {strides = array<i32>} : memref<2x4x27x64xf32, #tpu.memory_space<vmem>>, vector<1x1x1x16xf32>,
        %swap3A_1087 = vector.shape_cast %swap3A_1086 : vector<1x1x1x16xf32> to vector<16xf32>
        %swap3A_1088 = vector.shape_cast %get3A_1079 : vector<16xf32> to vector<1x1x1x16xf32>
        tpu.vector_store %arg8[%swap3A_1082, %swap3A_1083, %swap3A_1084, %swap3A_1085], %swap3A_1088 {strides = array<i32>} : memref<2x4x27x64xf32, #tpu.memory_space<vmem>>, vector<1x1x1x16xf32>,
        %get3A_1089 = arith.constant 0 : i32
        %get3A_1090 = arith.index_cast %get3A_1089 : i32 to index
        %get3A_1091 = arith.index_cast %scan3A_1035 : i32 to index
        %get3A_1092 = arith.index_cast %and3A_1040 : i32 to index
        %get3A_1093 = arith.constant 48 : index
        %get3A_1094 = tpu.vector_load %arg7[%get3A_1090, %get3A_1091, %get3A_1092, %get3A_1093] {strides = array<i32>} : memref<2x26x8x64xf32, #tpu.memory_space<vmem>>, vector<1x1x1x16xf32>,
        %get3A_1095 = vector.shape_cast %get3A_1094 : vector<1x1x1x16xf32> to vector<16xf32>
        %swap3A_1096 = arith.constant 0 : i32
        %swap3A_1097 = arith.constant 0 : i32
        %swap3A_1098 = arith.index_cast %swap3A_1096 : i32 to index
        %swap3A_1099 = arith.index_cast %swap3A_1097 : i32 to index
        %swap3A_1100 = arith.index_cast %scan3A_1035 : i32 to index
        %swap3A_1101 = arith.constant 48 : index
        %swap3A_1102 = tpu.vector_load %arg8[%swap3A_1098, %swap3A_1099, %swap3A_1100, %swap3A_1101] {strides = array<i32>} : memref<2x4x27x64xf32, #tpu.memory_space<vmem>>, vector<1x1x1x16xf32>,
        %swap3A_1103 = vector.shape_cast %swap3A_1102 : vector<1x1x1x16xf32> to vector<16xf32>
        %swap3A_1104 = vector.shape_cast %get3A_1095 : vector<16xf32> to vector<1x1x1x16xf32>
        tpu.vector_store %arg8[%swap3A_1098, %swap3A_1099, %swap3A_1100, %swap3A_1101], %swap3A_1104 {strides = array<i32>} : memref<2x4x27x64xf32, #tpu.memory_space<vmem>>, vector<1x1x1x16xf32>,
        %scan3A_1105 = arith.constant 1 : i32
        %scan3A_1106 = arith.addi %scan3A_1035, %scan3A_1105 : i32
        %add3A_1107 = arith.addi %mul3A_112, %scan3A_1106 : i32
        %get3A_1108 = arith.index_cast %add3A_1107 : i32 to index
        %get3A_1109 = tpu.vector_load %arg6[%get3A_1108] {strides = array<i32>} : memref<13328xi32, #tpu.memory_space<vmem>>, vector<16xi32>,
        %get3A_1110 = vector.shape_cast %get3A_1109 : vector<16xi32> to vector<16xi32>
        %slice3A_1111 = vector.extract_strided_slice %get3A_1110 {offsets = [0], sizes = [1], strides = [1]} : vector<16xi32> to vector<1xi32>
        %squeeze3A_1112 = vector.extract %slice3A_1111[0] : i32 from vector<1xi32>
        %and3A_1113 = arith.constant 7 : i32
        %and3A_1114 = arith.andi %squeeze3A_1112, %and3A_1113 : i32
        %get3A_1115 = arith.constant 0 : i32
        %get3A_1116 = arith.index_cast %get3A_1115 : i32 to index
        %get3A_1117 = arith.index_cast %scan3A_1106 : i32 to index
        %get3A_1118 = arith.index_cast %and3A_1114 : i32 to index
        %get3A_1119 = arith.constant 0 : index
        %get3A_1120 = tpu.vector_load %arg7[%get3A_1116, %get3A_1117, %get3A_1118, %get3A_1119] {strides = array<i32>} : memref<2x26x8x64xf32, #tpu.memory_space<vmem>>, vector<1x1x1x16xf32>,
        %get3A_1121 = vector.shape_cast %get3A_1120 : vector<1x1x1x16xf32> to vector<16xf32>
        %swap3A_1122 = arith.constant 0 : i32
        %swap3A_1123 = arith.constant 0 : i32
        %swap3A_1124 = arith.index_cast %swap3A_1122 : i32 to index
        %swap3A_1125 = arith.index_cast %swap3A_1123 : i32 to index
        %swap3A_1126 = arith.index_cast %scan3A_1106 : i32 to index
        %swap3A_1127 = arith.constant 0 : index
        %swap3A_1128 = tpu.vector_load %arg8[%swap3A_1124, %swap3A_1125, %swap3A_1126, %swap3A_1127] {strides = array<i32>} : memref<2x4x27x64xf32, #tpu.memory_space<vmem>>, vector<1x1x1x16xf32>,
        %swap3A_1129 = vector.shape_cast %swap3A_1128 : vector<1x1x1x16xf32> to vector<16xf32>
        %swap3A_1130 = vector.shape_cast %get3A_1121 : vector<16xf32> to vector<1x1x1x16xf32>
        tpu.vector_store %arg8[%swap3A_1124, %swap3A_1125, %swap3A_1126, %swap3A_1127], %swap3A_1130 {strides = array<i32>} : memref<2x4x27x64xf32, #tpu.memory_space<vmem>>, vector<1x1x1x16xf32>,
        %get3A_1131 = arith.constant 0 : i32
        %get3A_1132 = arith.index_cast %get3A_1131 : i32 to index
        %get3A_1133 = arith.index_cast %scan3A_1106 : i32 to index
        %get3A_1134 = arith.index_cast %and3A_1114 : i32 to index
        %get3A_1135 = arith.constant 16 : index
        %get3A_1136 = tpu.vector_load %arg7[%get3A_1132, %get3A_1133, %get3A_1134, %get3A_1135] {strides = array<i32>} : memref<2x26x8x64xf32, #tpu.memory_space<vmem>>, vector<1x1x1x16xf32>,
        %get3A_1137 = vector.shape_cast %get3A_1136 : vector<1x1x1x16xf32> to vector<16xf32>
        %swap3A_1138 = arith.constant 0 : i32
        %swap3A_1139 = arith.constant 0 : i32
        %swap3A_1140 = arith.index_cast %swap3A_1138 : i32 to index
        %swap3A_1141 = arith.index_cast %swap3A_1139 : i32 to index
        %swap3A_1142 = arith.index_cast %scan3A_1106 : i32 to index
        %swap3A_1143 = arith.constant 16 : index
        %swap3A_1144 = tpu.vector_load %arg8[%swap3A_1140, %swap3A_1141, %swap3A_1142, %swap3A_1143] {strides = array<i32>} : memref<2x4x27x64xf32, #tpu.memory_space<vmem>>, vector<1x1x1x16xf32>,
        %swap3A_1145 = vector.shape_cast %swap3A_1144 : vector<1x1x1x16xf32> to vector<16xf32>
        %swap3A_1146 = vector.shape_cast %get3A_1137 : vector<16xf32> to vector<1x1x1x16xf32>
        tpu.vector_store %arg8[%swap3A_1140, %swap3A_1141, %swap3A_1142, %swap3A_1143], %swap3A_1146 {strides = array<i32>} : memref<2x4x27x64xf32, #tpu.memory_space<vmem>>, vector<1x1x1x16xf32>,
        %get3A_1147 = arith.constant 0 : i32
        %get3A_1148 = arith.index_cast %get3A_1147 : i32 to index
        %get3A_1149 = arith.index_cast %scan3A_1106 : i32 to index
        %get3A_1150 = arith.index_cast %and3A_1114 : i32 to index
        %get3A_1151 = arith.constant 32 : index
        %get3A_1152 = tpu.vector_load %arg7[%get3A_1148, %get3A_1149, %get3A_1150, %get3A_1151] {strides = array<i32>} : memref<2x26x8x64xf32, #tpu.memory_space<vmem>>, vector<1x1x1x16xf32>,
        %get3A_1153 = vector.shape_cast %get3A_1152 : vector<1x1x1x16xf32> to vector<16xf32>
        %swap3A_1154 = arith.constant 0 : i32
        %swap3A_1155 = arith.constant 0 : i32
        %swap3A_1156 = arith.index_cast %swap3A_1154 : i32 to index
        %swap3A_1157 = arith.index_cast %swap3A_1155 : i32 to index
        %swap3A_1158 = arith.index_cast %scan3A_1106 : i32 to index
        %swap3A_1159 = arith.constant 32 : index
        %swap3A_1160 = tpu.vector_load %arg8[%swap3A_1156, %swap3A_1157, %swap3A_1158, %swap3A_1159] {strides = array<i32>} : memref<2x4x27x64xf32, #tpu.memory_space<vmem>>, vector<1x1x1x16xf32>,
        %swap3A_1161 = vector.shape_cast %swap3A_1160 : vector<1x1x1x16xf32> to vector<16xf32>
        %swap3A_1162 = vector.shape_cast %get3A_1153 : vector<16xf32> to vector<1x1x1x16xf32>
        tpu.vector_store %arg8[%swap3A_1156, %swap3A_1157, %swap3A_1158, %swap3A_1159], %swap3A_1162 {strides = array<i32>} : memref<2x4x27x64xf32, #tpu.memory_space<vmem>>, vector<1x1x1x16xf32>,
        %get3A_1163 = arith.constant 0 : i32
        %get3A_1164 = arith.index_cast %get3A_1163 : i32 to index
        %get3A_1165 = arith.index_cast %scan3A_1106 : i32 to index
        %get3A_1166 = arith.index_cast %and3A_1114 : i32 to index
        %get3A_1167 = arith.constant 48 : index
        %get3A_1168 = tpu.vector_load %arg7[%get3A_1164, %get3A_1165, %get3A_1166, %get3A_1167] {strides = array<i32>} : memref<2x26x8x64xf32, #tpu.memory_space<vmem>>, vector<1x1x1x16xf32>,
        %get3A_1169 = vector.shape_cast %get3A_1168 : vector<1x1x1x16xf32> to vector<16xf32>
        %swap3A_1170 = arith.constant 0 : i32
        %swap3A_1171 = arith.constant 0 : i32
        %swap3A_1172 = arith.index_cast %swap3A_1170 : i32 to index
        %swap3A_1173 = arith.index_cast %swap3A_1171 : i32 to index
        %swap3A_1174 = arith.index_cast %scan3A_1106 : i32 to index
        %swap3A_1175 = arith.constant 48 : index
        %swap3A_1176 = tpu.vector_load %arg8[%swap3A_1172, %swap3A_1173, %swap3A_1174, %swap3A_1175] {strides = array<i32>} : memref<2x4x27x64xf32, #tpu.memory_space<vmem>>, vector<1x1x1x16xf32>,
        %swap3A_1177 = vector.shape_cast %swap3A_1176 : vector<1x1x1x16xf32> to vector<16xf32>
        %swap3A_1178 = vector.shape_cast %get3A_1169 : vector<16xf32> to vector<1x1x1x16xf32>
        tpu.vector_store %arg8[%swap3A_1172, %swap3A_1173, %swap3A_1174, %swap3A_1175], %swap3A_1178 {strides = array<i32>} : memref<2x4x27x64xf32, #tpu.memory_space<vmem>>, vector<1x1x1x16xf32>,
      }
      %scan3A_118 = arith.constant 26 : i32
      %mul3A_119 = arith.constant 4 : i32
      %mul3A_120 = arith.muli %add3A_59, %mul3A_119 : i32
      %add3A_121 = arith.constant 1 : i32
      %add3A_122 = arith.addi %mul3A_120, %add3A_121 : i32
      %add3A_123 = arith.constant 1 : i32
      %add3A_124 = arith.addi %add3A_122, %add3A_123 : i32
      %lt3A_125 = arith.constant 512 : i32
      %lt3A_126 = arith.cmpi slt, %add3A_124, %lt3A_125 : i32
      %convert_element_type3A_127 = arith.extui %lt3A_126 : i1 to i32
      %cond3A_128 = arith.constant 0 : i32
      %cond3A_129 = arith.cmpi ne, %convert_element_type3A_127, %cond3A_128 : i32
      scf.if %cond3A_129 {
        %add3A_1035 = arith.constant 1 : i32
        %add3A_1036 = arith.addi %add3A_122, %add3A_1035 : i32
        %mul3A_1037 = arith.constant 26 : i32
        %mul3A_1038 = arith.muli %add3A_1036, %mul3A_1037 : i32
        %scan3A_1039 = arith.constant 0 : i32
        %scan3A_1040 = arith.constant 0 : i32
        %scan3A_1041 = arith.constant 26 : i32
        %scan3A_1042 = arith.addi %scan3A_1040, %scan3A_1041 : i32
        %scan3A_1043 = arith.constant 2 : i32
        scf.for %scan3A_1045 = %scan3A_1040 to %scan3A_1042 step %scan3A_1043  : i32 {
          %add3A_1046 = arith.addi %mul3A_1038, %scan3A_1045 : i32
          %get3A_1047 = arith.index_cast %add3A_1046 : i32 to index
          %get3A_1048 = tpu.vector_load %arg6[%get3A_1047] {strides = array<i32>} : memref<13328xi32, #tpu.memory_space<vmem>>, vector<16xi32>,
          %get3A_1049 = vector.shape_cast %get3A_1048 : vector<16xi32> to vector<16xi32>
          %slice3A = vector.extract_strided_slice %get3A_1049 {offsets = [0], sizes = [1], strides = [1]} : vector<16xi32> to vector<1xi32>
          %squeeze3A = vector.extract %slice3A[0] : i32 from vector<1xi32>
          %and3A = arith.constant -8 : i32
          %and3A_1050 = arith.andi %squeeze3A, %and3A : i32
          %multiple_of3A = tpu.assume_multiple %and3A_1050, 8 : i32
          %dma_start3A_1051 = arith.constant 0 : i32
          %dma_start3A_1052 = arith.constant 0 : i32
          %dma_start3A_1053 = arith.constant 0 : i32
          %dma_start3A_1054 = tpu.memref_slice %arg7[%dma_start3A_1051, %scan3A_1045, %dma_start3A_1052, %dma_start3A_1053] : memref<2x26x8x64xf32, #tpu.memory_space<vmem>> -> memref<1x1x8x64xf32, #tpu.memory_space<vmem>>
          %dma_start3A_1055 = tpu.memref_squeeze %dma_start3A_1054 : memref<1x1x8x64xf32, #tpu.memory_space<vmem>> -> memref<8x64xf32, #tpu.memory_space<vmem>>
          %dma_start3A_1056 = arith.constant 0 : i32
          %dma_start3A_1057 = tpu.memref_slice %arg4[%scan3A_1045, %multiple_of3A, %dma_start3A_1056] : memref<26x100001x64xf32, #tpu.memory_space<hbm>> -> memref<1x8x64xf32, #tpu.memory_space<hbm>>
          %dma_start3A_1058 = tpu.memref_squeeze %dma_start3A_1057 : memref<1x8x64xf32, #tpu.memory_space<hbm>> -> memref<8x64xf32, #tpu.memory_space<hbm>>
          %dma_start3A_1059 = arith.constant 0 : i32
          %dma_start3A_1060 = arith.constant 0 : i32
          %dma_start3A_1061 = tpu.memref_slice %arg7[%dma_start3A_1051, %scan3A_1045, %dma_start3A_1059, %dma_start3A_1060] : memref<2x26x8x64xf32, #tpu.memory_space<vmem>> -> memref<1x1x8x64xf32, #tpu.memory_space<vmem>>
          %dma_start3A_1062 = tpu.memref_squeeze %dma_start3A_1061 : memref<1x1x8x64xf32, #tpu.memory_space<vmem>> -> memref<8x64xf32, #tpu.memory_space<vmem>>
          %dma_start3A_1063 = arith.constant 0 : i32
          %dma_start3A_1064 = tpu.memref_slice %arg4[%scan3A_1045, %multiple_of3A, %dma_start3A_1063] : memref<26x100001x64xf32, #tpu.memory_space<hbm>> -> memref<1x8x64xf32, #tpu.memory_space<hbm>>
          %dma_start3A_1065 = tpu.memref_squeeze %dma_start3A_1064 : memref<1x8x64xf32, #tpu.memory_space<hbm>> -> memref<8x64xf32, #tpu.memory_space<hbm>>
          tpu.enqueue_dma source(%dma_start3A_1065 : memref<8x64xf32, #tpu.memory_space<hbm>>) target(%dma_start3A_1062 : memref<8x64xf32, #tpu.memory_space<vmem>>) target_semaphore(%arg10 : memref<!tpu.dma_semaphore, #tpu.memory_space<semaphore_mem>>)
          %scan3A_1066 = arith.constant 1 : i32
          %scan3A_1067 = arith.addi %scan3A_1045, %scan3A_1066 : i32
          %add3A_1068 = arith.addi %mul3A_1038, %scan3A_1067 : i32
          %get3A_1069 = arith.index_cast %add3A_1068 : i32 to index
          %get3A_1070 = tpu.vector_load %arg6[%get3A_1069] {strides = array<i32>} : memref<13328xi32, #tpu.memory_space<vmem>>, vector<16xi32>,
          %get3A_1071 = vector.shape_cast %get3A_1070 : vector<16xi32> to vector<16xi32>
          %slice3A_1072 = vector.extract_strided_slice %get3A_1071 {offsets = [0], sizes = [1], strides = [1]} : vector<16xi32> to vector<1xi32>
          %squeeze3A_1073 = vector.extract %slice3A_1072[0] : i32 from vector<1xi32>
          %and3A_1074 = arith.constant -8 : i32
          %and3A_1075 = arith.andi %squeeze3A_1073, %and3A_1074 : i32
          %multiple_of3A_1076 = tpu.assume_multiple %and3A_1075, 8 : i32
          %dma_start3A_1077 = arith.constant 0 : i32
          %dma_start3A_1078 = arith.constant 0 : i32
          %dma_start3A_1079 = arith.constant 0 : i32
          %dma_start3A_1080 = tpu.memref_slice %arg7[%dma_start3A_1077, %scan3A_1067, %dma_start3A_1078, %dma_start3A_1079] : memref<2x26x8x64xf32, #tpu.memory_space<vmem>> -> memref<1x1x8x64xf32, #tpu.memory_space<vmem>>
          %dma_start3A_1081 = tpu.memref_squeeze %dma_start3A_1080 : memref<1x1x8x64xf32, #tpu.memory_space<vmem>> -> memref<8x64xf32, #tpu.memory_space<vmem>>
          %dma_start3A_1082 = arith.constant 0 : i32
          %dma_start3A_1083 = tpu.memref_slice %arg4[%scan3A_1067, %multiple_of3A_1076, %dma_start3A_1082] : memref<26x100001x64xf32, #tpu.memory_space<hbm>> -> memref<1x8x64xf32, #tpu.memory_space<hbm>>
          %dma_start3A_1084 = tpu.memref_squeeze %dma_start3A_1083 : memref<1x8x64xf32, #tpu.memory_space<hbm>> -> memref<8x64xf32, #tpu.memory_space<hbm>>
          %dma_start3A_1085 = arith.constant 0 : i32
          %dma_start3A_1086 = arith.constant 0 : i32
          %dma_start3A_1087 = tpu.memref_slice %arg7[%dma_start3A_1077, %scan3A_1067, %dma_start3A_1085, %dma_start3A_1086] : memref<2x26x8x64xf32, #tpu.memory_space<vmem>> -> memref<1x1x8x64xf32, #tpu.memory_space<vmem>>
          %dma_start3A_1088 = tpu.memref_squeeze %dma_start3A_1087 : memref<1x1x8x64xf32, #tpu.memory_space<vmem>> -> memref<8x64xf32, #tpu.memory_space<vmem>>
          %dma_start3A_1089 = arith.constant 0 : i32
          %dma_start3A_1090 = tpu.memref_slice %arg4[%scan3A_1067, %multiple_of3A_1076, %dma_start3A_1089] : memref<26x100001x64xf32, #tpu.memory_space<hbm>> -> memref<1x8x64xf32, #tpu.memory_space<hbm>>
          %dma_start3A_1091 = tpu.memref_squeeze %dma_start3A_1090 : memref<1x8x64xf32, #tpu.memory_space<hbm>> -> memref<8x64xf32, #tpu.memory_space<hbm>>
          tpu.enqueue_dma source(%dma_start3A_1091 : memref<8x64xf32, #tpu.memory_space<hbm>>) target(%dma_start3A_1088 : memref<8x64xf32, #tpu.memory_space<vmem>>) target_semaphore(%arg10 : memref<!tpu.dma_semaphore, #tpu.memory_space<semaphore_mem>>)
        }
        %scan3A_1044 = arith.constant 26 : i32
      } else {
      }
      %dma_wait3A_130 = arith.constant 0 : i32
      %dma_wait3A_131 = arith.constant 1 : i32
      %dma_wait3A_132 = arith.constant 0 : i32
      %dma_wait3A_133 = arith.constant 0 : i32
      %dma_wait3A_134 = arith.constant 0 : i32
      %dma_wait3A_135 = tpu.memref_slice %arg7[%dma_wait3A_131, %dma_wait3A_132, %dma_wait3A_133, %dma_wait3A_134] : memref<2x26x8x64xf32, #tpu.memory_space<vmem>> -> memref<1x26x8x64xf32, #tpu.memory_space<vmem>>
      %dma_wait3A_136 = tpu.memref_squeeze %dma_wait3A_135 : memref<1x26x8x64xf32, #tpu.memory_space<vmem>> -> memref<26x8x64xf32, #tpu.memory_space<vmem>>
      %dma_wait3A_137 = arith.constant 0 : i32
      %dma_wait3A_138 = arith.constant 0 : i32
      %dma_wait3A_139 = tpu.memref_slice %arg4[%dma_wait3A_130, %dma_wait3A_137, %dma_wait3A_138] : memref<26x100001x64xf32, #tpu.memory_space<hbm>> -> memref<1x208x64xf32, #tpu.memory_space<hbm>>
      %dma_wait3A_140 = tpu.memref_squeeze %dma_wait3A_139 : memref<1x208x64xf32, #tpu.memory_space<hbm>> -> memref<208x64xf32, #tpu.memory_space<hbm>>
      %dma_wait3A_141 = tpu.memref_reshape %dma_wait3A_140 : memref<208x64xf32, #tpu.memory_space<hbm>> -> memref<26x8x64xf32, #tpu.memory_space<hbm>>
      %dma_wait3A_142 = arith.constant 0 : i32
      %dma_wait3A_143 = arith.constant 0 : i32
      %dma_wait3A_144 = arith.constant 0 : i32
      %dma_wait3A_145 = tpu.memref_slice %arg7[%dma_wait3A_131, %dma_wait3A_142, %dma_wait3A_143, %dma_wait3A_144] : memref<2x26x8x64xf32, #tpu.memory_space<vmem>> -> memref<1x26x8x64xf32, #tpu.memory_space<vmem>>
      %dma_wait3A_146 = tpu.memref_squeeze %dma_wait3A_145 : memref<1x26x8x64xf32, #tpu.memory_space<vmem>> -> memref<26x8x64xf32, #tpu.memory_space<vmem>>
      %dma_wait3A_147 = arith.constant 0 : i32
      %dma_wait3A_148 = arith.constant 0 : i32
      %dma_wait3A_149 = tpu.memref_slice %arg4[%dma_wait3A_130, %dma_wait3A_147, %dma_wait3A_148] : memref<26x100001x64xf32, #tpu.memory_space<hbm>> -> memref<1x208x64xf32, #tpu.memory_space<hbm>>
      %dma_wait3A_150 = tpu.memref_squeeze %dma_wait3A_149 : memref<1x208x64xf32, #tpu.memory_space<hbm>> -> memref<208x64xf32, #tpu.memory_space<hbm>>
      %dma_wait3A_151 = tpu.memref_reshape %dma_wait3A_150 : memref<208x64xf32, #tpu.memory_space<hbm>> -> memref<26x8x64xf32, #tpu.memory_space<hbm>>
      tpu.wait_dma2 semaphore(%arg11 : memref<!tpu.dma_semaphore, #tpu.memory_space<semaphore_mem>>) src(%dma_wait3A_151 : memref<26x8x64xf32, #tpu.memory_space<hbm>>) dst(%dma_wait3A_146 : memref<26x8x64xf32, #tpu.memory_space<vmem>>)
      %mul3A_152 = arith.constant 26 : i32
      %mul3A_153 = arith.muli %add3A_122, %mul3A_152 : i32
      %scan3A_154 = arith.constant 0 : i32
      %scan3A_155 = arith.constant 0 : i32
      %scan3A_156 = arith.constant 26 : i32
      %scan3A_157 = arith.addi %scan3A_155, %scan3A_156 : i32
      %scan3A_158 = arith.constant 2 : i32
      scf.for %scan3A_1035 = %scan3A_155 to %scan3A_157 step %scan3A_158  : i32 {
        %add3A_1036 = arith.addi %mul3A_153, %scan3A_1035 : i32
        %get3A_1037 = arith.index_cast %add3A_1036 : i32 to index
        %get3A_1038 = tpu.vector_load %arg6[%get3A_1037] {strides = array<i32>} : memref<13328xi32, #tpu.memory_space<vmem>>, vector<16xi32>,
        %get3A_1039 = vector.shape_cast %get3A_1038 : vector<16xi32> to vector<16xi32>
        %slice3A = vector.extract_strided_slice %get3A_1039 {offsets = [0], sizes = [1], strides = [1]} : vector<16xi32> to vector<1xi32>
        %squeeze3A = vector.extract %slice3A[0] : i32 from vector<1xi32>
        %and3A = arith.constant 7 : i32
        %and3A_1040 = arith.andi %squeeze3A, %and3A : i32
        %get3A_1041 = arith.constant 1 : i32
        %get3A_1042 = arith.index_cast %get3A_1041 : i32 to index
        %get3A_1043 = arith.index_cast %scan3A_1035 : i32 to index
        %get3A_1044 = arith.index_cast %and3A_1040 : i32 to index
        %get3A_1045 = arith.constant 0 : index
        %get3A_1046 = tpu.vector_load %arg7[%get3A_1042, %get3A_1043, %get3A_1044, %get3A_1045] {strides = array<i32>} : memref<2x26x8x64xf32, #tpu.memory_space<vmem>>, vector<1x1x1x16xf32>,
        %get3A_1047 = vector.shape_cast %get3A_1046 : vector<1x1x1x16xf32> to vector<16xf32>
        %swap3A_1048 = arith.constant 0 : i32
        %swap3A_1049 = arith.constant 1 : i32
        %swap3A_1050 = arith.index_cast %swap3A_1048 : i32 to index
        %swap3A_1051 = arith.index_cast %swap3A_1049 : i32 to index
        %swap3A_1052 = arith.index_cast %scan3A_1035 : i32 to index
        %swap3A_1053 = arith.constant 0 : index
        %swap3A_1054 = tpu.vector_load %arg8[%swap3A_1050, %swap3A_1051, %swap3A_1052, %swap3A_1053] {strides = array<i32>} : memref<2x4x27x64xf32, #tpu.memory_space<vmem>>, vector<1x1x1x16xf32>,
        %swap3A_1055 = vector.shape_cast %swap3A_1054 : vector<1x1x1x16xf32> to vector<16xf32>
        %swap3A_1056 = vector.shape_cast %get3A_1047 : vector<16xf32> to vector<1x1x1x16xf32>
        tpu.vector_store %arg8[%swap3A_1050, %swap3A_1051, %swap3A_1052, %swap3A_1053], %swap3A_1056 {strides = array<i32>} : memref<2x4x27x64xf32, #tpu.memory_space<vmem>>, vector<1x1x1x16xf32>,
        %get3A_1057 = arith.constant 1 : i32
        %get3A_1058 = arith.index_cast %get3A_1057 : i32 to index
        %get3A_1059 = arith.index_cast %scan3A_1035 : i32 to index
        %get3A_1060 = arith.index_cast %and3A_1040 : i32 to index
        %get3A_1061 = arith.constant 16 : index
        %get3A_1062 = tpu.vector_load %arg7[%get3A_1058, %get3A_1059, %get3A_1060, %get3A_1061] {strides = array<i32>} : memref<2x26x8x64xf32, #tpu.memory_space<vmem>>, vector<1x1x1x16xf32>,
        %get3A_1063 = vector.shape_cast %get3A_1062 : vector<1x1x1x16xf32> to vector<16xf32>
        %swap3A_1064 = arith.constant 0 : i32
        %swap3A_1065 = arith.constant 1 : i32
        %swap3A_1066 = arith.index_cast %swap3A_1064 : i32 to index
        %swap3A_1067 = arith.index_cast %swap3A_1065 : i32 to index
        %swap3A_1068 = arith.index_cast %scan3A_1035 : i32 to index
        %swap3A_1069 = arith.constant 16 : index
        %swap3A_1070 = tpu.vector_load %arg8[%swap3A_1066, %swap3A_1067, %swap3A_1068, %swap3A_1069] {strides = array<i32>} : memref<2x4x27x64xf32, #tpu.memory_space<vmem>>, vector<1x1x1x16xf32>,
        %swap3A_1071 = vector.shape_cast %swap3A_1070 : vector<1x1x1x16xf32> to vector<16xf32>
        %swap3A_1072 = vector.shape_cast %get3A_1063 : vector<16xf32> to vector<1x1x1x16xf32>
        tpu.vector_store %arg8[%swap3A_1066, %swap3A_1067, %swap3A_1068, %swap3A_1069], %swap3A_1072 {strides = array<i32>} : memref<2x4x27x64xf32, #tpu.memory_space<vmem>>, vector<1x1x1x16xf32>,
        %get3A_1073 = arith.constant 1 : i32
        %get3A_1074 = arith.index_cast %get3A_1073 : i32 to index
        %get3A_1075 = arith.index_cast %scan3A_1035 : i32 to index
        %get3A_1076 = arith.index_cast %and3A_1040 : i32 to index
        %get3A_1077 = arith.constant 32 : index
        %get3A_1078 = tpu.vector_load %arg7[%get3A_1074, %get3A_1075, %get3A_1076, %get3A_1077] {strides = array<i32>} : memref<2x26x8x64xf32, #tpu.memory_space<vmem>>, vector<1x1x1x16xf32>,
        %get3A_1079 = vector.shape_cast %get3A_1078 : vector<1x1x1x16xf32> to vector<16xf32>
        %swap3A_1080 = arith.constant 0 : i32
        %swap3A_1081 = arith.constant 1 : i32
        %swap3A_1082 = arith.index_cast %swap3A_1080 : i32 to index
        %swap3A_1083 = arith.index_cast %swap3A_1081 : i32 to index
        %swap3A_1084 = arith.index_cast %scan3A_1035 : i32 to index
        %swap3A_1085 = arith.constant 32 : index
        %swap3A_1086 = tpu.vector_load %arg8[%swap3A_1082, %swap3A_1083, %swap3A_1084, %swap3A_1085] {strides = array<i32>} : memref<2x4x27x64xf32, #tpu.memory_space<vmem>>, vector<1x1x1x16xf32>,
        %swap3A_1087 = vector.shape_cast %swap3A_1086 : vector<1x1x1x16xf32> to vector<16xf32>
        %swap3A_1088 = vector.shape_cast %get3A_1079 : vector<16xf32> to vector<1x1x1x16xf32>
        tpu.vector_store %arg8[%swap3A_1082, %swap3A_1083, %swap3A_1084, %swap3A_1085], %swap3A_1088 {strides = array<i32>} : memref<2x4x27x64xf32, #tpu.memory_space<vmem>>, vector<1x1x1x16xf32>,
        %get3A_1089 = arith.constant 1 : i32
        %get3A_1090 = arith.index_cast %get3A_1089 : i32 to index
        %get3A_1091 = arith.index_cast %scan3A_1035 : i32 to index
        %get3A_1092 = arith.index_cast %and3A_1040 : i32 to index
        %get3A_1093 = arith.constant 48 : index
        %get3A_1094 = tpu.vector_load %arg7[%get3A_1090, %get3A_1091, %get3A_1092, %get3A_1093] {strides = array<i32>} : memref<2x26x8x64xf32, #tpu.memory_space<vmem>>, vector<1x1x1x16xf32>,
        %get3A_1095 = vector.shape_cast %get3A_1094 : vector<1x1x1x16xf32> to vector<16xf32>
        %swap3A_1096 = arith.constant 0 : i32
        %swap3A_1097 = arith.constant 1 : i32
        %swap3A_1098 = arith.index_cast %swap3A_1096 : i32 to index
        %swap3A_1099 = arith.index_cast %swap3A_1097 : i32 to index
        %swap3A_1100 = arith.index_cast %scan3A_1035 : i32 to index
        %swap3A_1101 = arith.constant 48 : index
        %swap3A_1102 = tpu.vector_load %arg8[%swap3A_1098, %swap3A_1099, %swap3A_1100, %swap3A_1101] {strides = array<i32>} : memref<2x4x27x64xf32, #tpu.memory_space<vmem>>, vector<1x1x1x16xf32>,
        %swap3A_1103 = vector.shape_cast %swap3A_1102 : vector<1x1x1x16xf32> to vector<16xf32>
        %swap3A_1104 = vector.shape_cast %get3A_1095 : vector<16xf32> to vector<1x1x1x16xf32>
        tpu.vector_store %arg8[%swap3A_1098, %swap3A_1099, %swap3A_1100, %swap3A_1101], %swap3A_1104 {strides = array<i32>} : memref<2x4x27x64xf32, #tpu.memory_space<vmem>>, vector<1x1x1x16xf32>,
        %scan3A_1105 = arith.constant 1 : i32
        %scan3A_1106 = arith.addi %scan3A_1035, %scan3A_1105 : i32
        %add3A_1107 = arith.addi %mul3A_153, %scan3A_1106 : i32
        %get3A_1108 = arith.index_cast %add3A_1107 : i32 to index
        %get3A_1109 = tpu.vector_load %arg6[%get3A_1108] {strides = array<i32>} : memref<13328xi32, #tpu.memory_space<vmem>>, vector<16xi32>,
        %get3A_1110 = vector.shape_cast %get3A_1109 : vector<16xi32> to vector<16xi32>
        %slice3A_1111 = vector.extract_strided_slice %get3A_1110 {offsets = [0], sizes = [1], strides = [1]} : vector<16xi32> to vector<1xi32>
        %squeeze3A_1112 = vector.extract %slice3A_1111[0] : i32 from vector<1xi32>
        %and3A_1113 = arith.constant 7 : i32
        %and3A_1114 = arith.andi %squeeze3A_1112, %and3A_1113 : i32
        %get3A_1115 = arith.constant 1 : i32
        %get3A_1116 = arith.index_cast %get3A_1115 : i32 to index
        %get3A_1117 = arith.index_cast %scan3A_1106 : i32 to index
        %get3A_1118 = arith.index_cast %and3A_1114 : i32 to index
        %get3A_1119 = arith.constant 0 : index
        %get3A_1120 = tpu.vector_load %arg7[%get3A_1116, %get3A_1117, %get3A_1118, %get3A_1119] {strides = array<i32>} : memref<2x26x8x64xf32, #tpu.memory_space<vmem>>, vector<1x1x1x16xf32>,
        %get3A_1121 = vector.shape_cast %get3A_1120 : vector<1x1x1x16xf32> to vector<16xf32>
        %swap3A_1122 = arith.constant 0 : i32
        %swap3A_1123 = arith.constant 1 : i32
        %swap3A_1124 = arith.index_cast %swap3A_1122 : i32 to index
        %swap3A_1125 = arith.index_cast %swap3A_1123 : i32 to index
        %swap3A_1126 = arith.index_cast %scan3A_1106 : i32 to index
        %swap3A_1127 = arith.constant 0 : index
        %swap3A_1128 = tpu.vector_load %arg8[%swap3A_1124, %swap3A_1125, %swap3A_1126, %swap3A_1127] {strides = array<i32>} : memref<2x4x27x64xf32, #tpu.memory_space<vmem>>, vector<1x1x1x16xf32>,
        %swap3A_1129 = vector.shape_cast %swap3A_1128 : vector<1x1x1x16xf32> to vector<16xf32>
        %swap3A_1130 = vector.shape_cast %get3A_1121 : vector<16xf32> to vector<1x1x1x16xf32>
        tpu.vector_store %arg8[%swap3A_1124, %swap3A_1125, %swap3A_1126, %swap3A_1127], %swap3A_1130 {strides = array<i32>} : memref<2x4x27x64xf32, #tpu.memory_space<vmem>>, vector<1x1x1x16xf32>,
        %get3A_1131 = arith.constant 1 : i32
        %get3A_1132 = arith.index_cast %get3A_1131 : i32 to index
        %get3A_1133 = arith.index_cast %scan3A_1106 : i32 to index
        %get3A_1134 = arith.index_cast %and3A_1114 : i32 to index
        %get3A_1135 = arith.constant 16 : index
        %get3A_1136 = tpu.vector_load %arg7[%get3A_1132, %get3A_1133, %get3A_1134, %get3A_1135] {strides = array<i32>} : memref<2x26x8x64xf32, #tpu.memory_space<vmem>>, vector<1x1x1x16xf32>,
        %get3A_1137 = vector.shape_cast %get3A_1136 : vector<1x1x1x16xf32> to vector<16xf32>
        %swap3A_1138 = arith.constant 0 : i32
        %swap3A_1139 = arith.constant 1 : i32
        %swap3A_1140 = arith.index_cast %swap3A_1138 : i32 to index
        %swap3A_1141 = arith.index_cast %swap3A_1139 : i32 to index
        %swap3A_1142 = arith.index_cast %scan3A_1106 : i32 to index
        %swap3A_1143 = arith.constant 16 : index
        %swap3A_1144 = tpu.vector_load %arg8[%swap3A_1140, %swap3A_1141, %swap3A_1142, %swap3A_1143] {strides = array<i32>} : memref<2x4x27x64xf32, #tpu.memory_space<vmem>>, vector<1x1x1x16xf32>,
        %swap3A_1145 = vector.shape_cast %swap3A_1144 : vector<1x1x1x16xf32> to vector<16xf32>
        %swap3A_1146 = vector.shape_cast %get3A_1137 : vector<16xf32> to vector<1x1x1x16xf32>
        tpu.vector_store %arg8[%swap3A_1140, %swap3A_1141, %swap3A_1142, %swap3A_1143], %swap3A_1146 {strides = array<i32>} : memref<2x4x27x64xf32, #tpu.memory_space<vmem>>, vector<1x1x1x16xf32>,
        %get3A_1147 = arith.constant 1 : i32
        %get3A_1148 = arith.index_cast %get3A_1147 : i32 to index
        %get3A_1149 = arith.index_cast %scan3A_1106 : i32 to index
        %get3A_1150 = arith.index_cast %and3A_1114 : i32 to index
        %get3A_1151 = arith.constant 32 : index
        %get3A_1152 = tpu.vector_load %arg7[%get3A_1148, %get3A_1149, %get3A_1150, %get3A_1151] {strides = array<i32>} : memref<2x26x8x64xf32, #tpu.memory_space<vmem>>, vector<1x1x1x16xf32>,
        %get3A_1153 = vector.shape_cast %get3A_1152 : vector<1x1x1x16xf32> to vector<16xf32>
        %swap3A_1154 = arith.constant 0 : i32
        %swap3A_1155 = arith.constant 1 : i32
        %swap3A_1156 = arith.index_cast %swap3A_1154 : i32 to index
        %swap3A_1157 = arith.index_cast %swap3A_1155 : i32 to index
        %swap3A_1158 = arith.index_cast %scan3A_1106 : i32 to index
        %swap3A_1159 = arith.constant 32 : index
        %swap3A_1160 = tpu.vector_load %arg8[%swap3A_1156, %swap3A_1157, %swap3A_1158, %swap3A_1159] {strides = array<i32>} : memref<2x4x27x64xf32, #tpu.memory_space<vmem>>, vector<1x1x1x16xf32>,
        %swap3A_1161 = vector.shape_cast %swap3A_1160 : vector<1x1x1x16xf32> to vector<16xf32>
        %swap3A_1162 = vector.shape_cast %get3A_1153 : vector<16xf32> to vector<1x1x1x16xf32>
        tpu.vector_store %arg8[%swap3A_1156, %swap3A_1157, %swap3A_1158, %swap3A_1159], %swap3A_1162 {strides = array<i32>} : memref<2x4x27x64xf32, #tpu.memory_space<vmem>>, vector<1x1x1x16xf32>,
        %get3A_1163 = arith.constant 1 : i32
        %get3A_1164 = arith.index_cast %get3A_1163 : i32 to index
        %get3A_1165 = arith.index_cast %scan3A_1106 : i32 to index
        %get3A_1166 = arith.index_cast %and3A_1114 : i32 to index
        %get3A_1167 = arith.constant 48 : index
        %get3A_1168 = tpu.vector_load %arg7[%get3A_1164, %get3A_1165, %get3A_1166, %get3A_1167] {strides = array<i32>} : memref<2x26x8x64xf32, #tpu.memory_space<vmem>>, vector<1x1x1x16xf32>,
        %get3A_1169 = vector.shape_cast %get3A_1168 : vector<1x1x1x16xf32> to vector<16xf32>
        %swap3A_1170 = arith.constant 0 : i32
        %swap3A_1171 = arith.constant 1 : i32
        %swap3A_1172 = arith.index_cast %swap3A_1170 : i32 to index
        %swap3A_1173 = arith.index_cast %swap3A_1171 : i32 to index
        %swap3A_1174 = arith.index_cast %scan3A_1106 : i32 to index
        %swap3A_1175 = arith.constant 48 : index
        %swap3A_1176 = tpu.vector_load %arg8[%swap3A_1172, %swap3A_1173, %swap3A_1174, %swap3A_1175] {strides = array<i32>} : memref<2x4x27x64xf32, #tpu.memory_space<vmem>>, vector<1x1x1x16xf32>,
        %swap3A_1177 = vector.shape_cast %swap3A_1176 : vector<1x1x1x16xf32> to vector<16xf32>
        %swap3A_1178 = vector.shape_cast %get3A_1169 : vector<16xf32> to vector<1x1x1x16xf32>
        tpu.vector_store %arg8[%swap3A_1172, %swap3A_1173, %swap3A_1174, %swap3A_1175], %swap3A_1178 {strides = array<i32>} : memref<2x4x27x64xf32, #tpu.memory_space<vmem>>, vector<1x1x1x16xf32>,
      }
      %scan3A_159 = arith.constant 26 : i32
      %mul3A_160 = arith.constant 4 : i32
      %mul3A_161 = arith.muli %add3A_59, %mul3A_160 : i32
      %add3A_162 = arith.constant 2 : i32
      %add3A_163 = arith.addi %mul3A_161, %add3A_162 : i32
      %add3A_164 = arith.constant 1 : i32
      %add3A_165 = arith.addi %add3A_163, %add3A_164 : i32
      %lt3A_166 = arith.constant 512 : i32
      %lt3A_167 = arith.cmpi slt, %add3A_165, %lt3A_166 : i32
      %convert_element_type3A_168 = arith.extui %lt3A_167 : i1 to i32
      %cond3A_169 = arith.constant 0 : i32
      %cond3A_170 = arith.cmpi ne, %convert_element_type3A_168, %cond3A_169 : i32
      scf.if %cond3A_170 {
        %add3A_1035 = arith.constant 1 : i32
        %add3A_1036 = arith.addi %add3A_163, %add3A_1035 : i32
        %mul3A_1037 = arith.constant 26 : i32
        %mul3A_1038 = arith.muli %add3A_1036, %mul3A_1037 : i32
        %scan3A_1039 = arith.constant 0 : i32
        %scan3A_1040 = arith.constant 0 : i32
        %scan3A_1041 = arith.constant 26 : i32
        %scan3A_1042 = arith.addi %scan3A_1040, %scan3A_1041 : i32
        %scan3A_1043 = arith.constant 2 : i32
        scf.for %scan3A_1045 = %scan3A_1040 to %scan3A_1042 step %scan3A_1043  : i32 {
          %add3A_1046 = arith.addi %mul3A_1038, %scan3A_1045 : i32
          %get3A_1047 = arith.index_cast %add3A_1046 : i32 to index
          %get3A_1048 = tpu.vector_load %arg6[%get3A_1047] {strides = array<i32>} : memref<13328xi32, #tpu.memory_space<vmem>>, vector<16xi32>,
          %get3A_1049 = vector.shape_cast %get3A_1048 : vector<16xi32> to vector<16xi32>
          %slice3A = vector.extract_strided_slice %get3A_1049 {offsets = [0], sizes = [1], strides = [1]} : vector<16xi32> to vector<1xi32>
          %squeeze3A = vector.extract %slice3A[0] : i32 from vector<1xi32>
          %and3A = arith.constant -8 : i32
          %and3A_1050 = arith.andi %squeeze3A, %and3A : i32
          %multiple_of3A = tpu.assume_multiple %and3A_1050, 8 : i32
          %dma_start3A_1051 = arith.constant 1 : i32
          %dma_start3A_1052 = arith.constant 0 : i32
          %dma_start3A_1053 = arith.constant 0 : i32
          %dma_start3A_1054 = tpu.memref_slice %arg7[%dma_start3A_1051, %scan3A_1045, %dma_start3A_1052, %dma_start3A_1053] : memref<2x26x8x64xf32, #tpu.memory_space<vmem>> -> memref<1x1x8x64xf32, #tpu.memory_space<vmem>>
          %dma_start3A_1055 = tpu.memref_squeeze %dma_start3A_1054 : memref<1x1x8x64xf32, #tpu.memory_space<vmem>> -> memref<8x64xf32, #tpu.memory_space<vmem>>
          %dma_start3A_1056 = arith.constant 0 : i32
          %dma_start3A_1057 = tpu.memref_slice %arg4[%scan3A_1045, %multiple_of3A, %dma_start3A_1056] : memref<26x100001x64xf32, #tpu.memory_space<hbm>> -> memref<1x8x64xf32, #tpu.memory_space<hbm>>
          %dma_start3A_1058 = tpu.memref_squeeze %dma_start3A_1057 : memref<1x8x64xf32, #tpu.memory_space<hbm>> -> memref<8x64xf32, #tpu.memory_space<hbm>>
          %dma_start3A_1059 = arith.constant 0 : i32
          %dma_start3A_1060 = arith.constant 0 : i32
          %dma_start3A_1061 = tpu.memref_slice %arg7[%dma_start3A_1051, %scan3A_1045, %dma_start3A_1059, %dma_start3A_1060] : memref<2x26x8x64xf32, #tpu.memory_space<vmem>> -> memref<1x1x8x64xf32, #tpu.memory_space<vmem>>
          %dma_start3A_1062 = tpu.memref_squeeze %dma_start3A_1061 : memref<1x1x8x64xf32, #tpu.memory_space<vmem>> -> memref<8x64xf32, #tpu.memory_space<vmem>>
          %dma_start3A_1063 = arith.constant 0 : i32
          %dma_start3A_1064 = tpu.memref_slice %arg4[%scan3A_1045, %multiple_of3A, %dma_start3A_1063] : memref<26x100001x64xf32, #tpu.memory_space<hbm>> -> memref<1x8x64xf32, #tpu.memory_space<hbm>>
          %dma_start3A_1065 = tpu.memref_squeeze %dma_start3A_1064 : memref<1x8x64xf32, #tpu.memory_space<hbm>> -> memref<8x64xf32, #tpu.memory_space<hbm>>
          tpu.enqueue_dma source(%dma_start3A_1065 : memref<8x64xf32, #tpu.memory_space<hbm>>) target(%dma_start3A_1062 : memref<8x64xf32, #tpu.memory_space<vmem>>) target_semaphore(%arg11 : memref<!tpu.dma_semaphore, #tpu.memory_space<semaphore_mem>>)
          %scan3A_1066 = arith.constant 1 : i32
          %scan3A_1067 = arith.addi %scan3A_1045, %scan3A_1066 : i32
          %add3A_1068 = arith.addi %mul3A_1038, %scan3A_1067 : i32
          %get3A_1069 = arith.index_cast %add3A_1068 : i32 to index
          %get3A_1070 = tpu.vector_load %arg6[%get3A_1069] {strides = array<i32>} : memref<13328xi32, #tpu.memory_space<vmem>>, vector<16xi32>,
          %get3A_1071 = vector.shape_cast %get3A_1070 : vector<16xi32> to vector<16xi32>
          %slice3A_1072 = vector.extract_strided_slice %get3A_1071 {offsets = [0], sizes = [1], strides = [1]} : vector<16xi32> to vector<1xi32>
          %squeeze3A_1073 = vector.extract %slice3A_1072[0] : i32 from vector<1xi32>
          %and3A_1074 = arith.constant -8 : i32
          %and3A_1075 = arith.andi %squeeze3A_1073, %and3A_1074 : i32
          %multiple_of3A_1076 = tpu.assume_multiple %and3A_1075, 8 : i32
          %dma_start3A_1077 = arith.constant 1 : i32
          %dma_start3A_1078 = arith.constant 0 : i32
          %dma_start3A_1079 = arith.constant 0 : i32
          %dma_start3A_1080 = tpu.memref_slice %arg7[%dma_start3A_1077, %scan3A_1067, %dma_start3A_1078, %dma_start3A_1079] : memref<2x26x8x64xf32, #tpu.memory_space<vmem>> -> memref<1x1x8x64xf32, #tpu.memory_space<vmem>>
          %dma_start3A_1081 = tpu.memref_squeeze %dma_start3A_1080 : memref<1x1x8x64xf32, #tpu.memory_space<vmem>> -> memref<8x64xf32, #tpu.memory_space<vmem>>
          %dma_start3A_1082 = arith.constant 0 : i32
          %dma_start3A_1083 = tpu.memref_slice %arg4[%scan3A_1067, %multiple_of3A_1076, %dma_start3A_1082] : memref<26x100001x64xf32, #tpu.memory_space<hbm>> -> memref<1x8x64xf32, #tpu.memory_space<hbm>>
          %dma_start3A_1084 = tpu.memref_squeeze %dma_start3A_1083 : memref<1x8x64xf32, #tpu.memory_space<hbm>> -> memref<8x64xf32, #tpu.memory_space<hbm>>
          %dma_start3A_1085 = arith.constant 0 : i32
          %dma_start3A_1086 = arith.constant 0 : i32
          %dma_start3A_1087 = tpu.memref_slice %arg7[%dma_start3A_1077, %scan3A_1067, %dma_start3A_1085, %dma_start3A_1086] : memref<2x26x8x64xf32, #tpu.memory_space<vmem>> -> memref<1x1x8x64xf32, #tpu.memory_space<vmem>>
          %dma_start3A_1088 = tpu.memref_squeeze %dma_start3A_1087 : memref<1x1x8x64xf32, #tpu.memory_space<vmem>> -> memref<8x64xf32, #tpu.memory_space<vmem>>
          %dma_start3A_1089 = arith.constant 0 : i32
          %dma_start3A_1090 = tpu.memref_slice %arg4[%scan3A_1067, %multiple_of3A_1076, %dma_start3A_1089] : memref<26x100001x64xf32, #tpu.memory_space<hbm>> -> memref<1x8x64xf32, #tpu.memory_space<hbm>>
          %dma_start3A_1091 = tpu.memref_squeeze %dma_start3A_1090 : memref<1x8x64xf32, #tpu.memory_space<hbm>> -> memref<8x64xf32, #tpu.memory_space<hbm>>
          tpu.enqueue_dma source(%dma_start3A_1091 : memref<8x64xf32, #tpu.memory_space<hbm>>) target(%dma_start3A_1088 : memref<8x64xf32, #tpu.memory_space<vmem>>) target_semaphore(%arg11 : memref<!tpu.dma_semaphore, #tpu.memory_space<semaphore_mem>>)
        }
        %scan3A_1044 = arith.constant 26 : i32
      } else {
      }
      %dma_wait3A_171 = arith.constant 0 : i32
      %dma_wait3A_172 = arith.constant 0 : i32
      %dma_wait3A_173 = arith.constant 0 : i32
      %dma_wait3A_174 = arith.constant 0 : i32
      %dma_wait3A_175 = arith.constant 0 : i32
      %dma_wait3A_176 = tpu.memref_slice %arg7[%dma_wait3A_172, %dma_wait3A_173, %dma_wait3A_174, %dma_wait3A_175] : memref<2x26x8x64xf32, #tpu.memory_space<vmem>> -> memref<1x26x8x64xf32, #tpu.memory_space<vmem>>
      %dma_wait3A_177 = tpu.memref_squeeze %dma_wait3A_176 : memref<1x26x8x64xf32, #tpu.memory_space<vmem>> -> memref<26x8x64xf32, #tpu.memory_space<vmem>>
      %dma_wait3A_178 = arith.constant 0 : i32
      %dma_wait3A_179 = arith.constant 0 : i32
      %dma_wait3A_180 = tpu.memref_slice %arg4[%dma_wait3A_171, %dma_wait3A_178, %dma_wait3A_179] : memref<26x100001x64xf32, #tpu.memory_space<hbm>> -> memref<1x208x64xf32, #tpu.memory_space<hbm>>
      %dma_wait3A_181 = tpu.memref_squeeze %dma_wait3A_180 : memref<1x208x64xf32, #tpu.memory_space<hbm>> -> memref<208x64xf32, #tpu.memory_space<hbm>>
      %dma_wait3A_182 = tpu.memref_reshape %dma_wait3A_181 : memref<208x64xf32, #tpu.memory_space<hbm>> -> memref<26x8x64xf32, #tpu.memory_space<hbm>>
      %dma_wait3A_183 = arith.constant 0 : i32
      %dma_wait3A_184 = arith.constant 0 : i32
      %dma_wait3A_185 = arith.constant 0 : i32
      %dma_wait3A_186 = tpu.memref_slice %arg7[%dma_wait3A_172, %dma_wait3A_183, %dma_wait3A_184, %dma_wait3A_185] : memref<2x26x8x64xf32, #tpu.memory_space<vmem>> -> memref<1x26x8x64xf32, #tpu.memory_space<vmem>>
      %dma_wait3A_187 = tpu.memref_squeeze %dma_wait3A_186 : memref<1x26x8x64xf32, #tpu.memory_space<vmem>> -> memref<26x8x64xf32, #tpu.memory_space<vmem>>
      %dma_wait3A_188 = arith.constant 0 : i32
      %dma_wait3A_189 = arith.constant 0 : i32
      %dma_wait3A_190 = tpu.memref_slice %arg4[%dma_wait3A_171, %dma_wait3A_188, %dma_wait3A_189] : memref<26x100001x64xf32, #tpu.memory_space<hbm>> -> memref<1x208x64xf32, #tpu.memory_space<hbm>>
      %dma_wait3A_191 = tpu.memref_squeeze %dma_wait3A_190 : memref<1x208x64xf32, #tpu.memory_space<hbm>> -> memref<208x64xf32, #tpu.memory_space<hbm>>
      %dma_wait3A_192 = tpu.memref_reshape %dma_wait3A_191 : memref<208x64xf32, #tpu.memory_space<hbm>> -> memref<26x8x64xf32, #tpu.memory_space<hbm>>
      tpu.wait_dma2 semaphore(%arg10 : memref<!tpu.dma_semaphore, #tpu.memory_space<semaphore_mem>>) src(%dma_wait3A_192 : memref<26x8x64xf32, #tpu.memory_space<hbm>>) dst(%dma_wait3A_187 : memref<26x8x64xf32, #tpu.memory_space<vmem>>)
      %mul3A_193 = arith.constant 26 : i32
      %mul3A_194 = arith.muli %add3A_163, %mul3A_193 : i32
      %scan3A_195 = arith.constant 0 : i32
      %scan3A_196 = arith.constant 0 : i32
      %scan3A_197 = arith.constant 26 : i32
      %scan3A_198 = arith.addi %scan3A_196, %scan3A_197 : i32
      %scan3A_199 = arith.constant 2 : i32
      scf.for %scan3A_1035 = %scan3A_196 to %scan3A_198 step %scan3A_199  : i32 {
        %add3A_1036 = arith.addi %mul3A_194, %scan3A_1035 : i32
        %get3A_1037 = arith.index_cast %add3A_1036 : i32 to index
        %get3A_1038 = tpu.vector_load %arg6[%get3A_1037] {strides = array<i32>} : memref<13328xi32, #tpu.memory_space<vmem>>, vector<16xi32>,
        %get3A_1039 = vector.shape_cast %get3A_1038 : vector<16xi32> to vector<16xi32>
        %slice3A = vector.extract_strided_slice %get3A_1039 {offsets = [0], sizes = [1], strides = [1]} : vector<16xi32> to vector<1xi32>
        %squeeze3A = vector.extract %slice3A[0] : i32 from vector<1xi32>
        %and3A = arith.constant 7 : i32
        %and3A_1040 = arith.andi %squeeze3A, %and3A : i32
        %get3A_1041 = arith.constant 0 : i32
        %get3A_1042 = arith.index_cast %get3A_1041 : i32 to index
        %get3A_1043 = arith.index_cast %scan3A_1035 : i32 to index
        %get3A_1044 = arith.index_cast %and3A_1040 : i32 to index
        %get3A_1045 = arith.constant 0 : index
        %get3A_1046 = tpu.vector_load %arg7[%get3A_1042, %get3A_1043, %get3A_1044, %get3A_1045] {strides = array<i32>} : memref<2x26x8x64xf32, #tpu.memory_space<vmem>>, vector<1x1x1x16xf32>,
        %get3A_1047 = vector.shape_cast %get3A_1046 : vector<1x1x1x16xf32> to vector<16xf32>
        %swap3A_1048 = arith.constant 0 : i32
        %swap3A_1049 = arith.constant 2 : i32
        %swap3A_1050 = arith.index_cast %swap3A_1048 : i32 to index
        %swap3A_1051 = arith.index_cast %swap3A_1049 : i32 to index
        %swap3A_1052 = arith.index_cast %scan3A_1035 : i32 to index
        %swap3A_1053 = arith.constant 0 : index
        %swap3A_1054 = tpu.vector_load %arg8[%swap3A_1050, %swap3A_1051, %swap3A_1052, %swap3A_1053] {strides = array<i32>} : memref<2x4x27x64xf32, #tpu.memory_space<vmem>>, vector<1x1x1x16xf32>,
        %swap3A_1055 = vector.shape_cast %swap3A_1054 : vector<1x1x1x16xf32> to vector<16xf32>
        %swap3A_1056 = vector.shape_cast %get3A_1047 : vector<16xf32> to vector<1x1x1x16xf32>
        tpu.vector_store %arg8[%swap3A_1050, %swap3A_1051, %swap3A_1052, %swap3A_1053], %swap3A_1056 {strides = array<i32>} : memref<2x4x27x64xf32, #tpu.memory_space<vmem>>, vector<1x1x1x16xf32>,
        %get3A_1057 = arith.constant 0 : i32
        %get3A_1058 = arith.index_cast %get3A_1057 : i32 to index
        %get3A_1059 = arith.index_cast %scan3A_1035 : i32 to index
        %get3A_1060 = arith.index_cast %and3A_1040 : i32 to index
        %get3A_1061 = arith.constant 16 : index
        %get3A_1062 = tpu.vector_load %arg7[%get3A_1058, %get3A_1059, %get3A_1060, %get3A_1061] {strides = array<i32>} : memref<2x26x8x64xf32, #tpu.memory_space<vmem>>, vector<1x1x1x16xf32>,
        %get3A_1063 = vector.shape_cast %get3A_1062 : vector<1x1x1x16xf32> to vector<16xf32>
        %swap3A_1064 = arith.constant 0 : i32
        %swap3A_1065 = arith.constant 2 : i32
        %swap3A_1066 = arith.index_cast %swap3A_1064 : i32 to index
        %swap3A_1067 = arith.index_cast %swap3A_1065 : i32 to index
        %swap3A_1068 = arith.index_cast %scan3A_1035 : i32 to index
        %swap3A_1069 = arith.constant 16 : index
        %swap3A_1070 = tpu.vector_load %arg8[%swap3A_1066, %swap3A_1067, %swap3A_1068, %swap3A_1069] {strides = array<i32>} : memref<2x4x27x64xf32, #tpu.memory_space<vmem>>, vector<1x1x1x16xf32>,
        %swap3A_1071 = vector.shape_cast %swap3A_1070 : vector<1x1x1x16xf32> to vector<16xf32>
        %swap3A_1072 = vector.shape_cast %get3A_1063 : vector<16xf32> to vector<1x1x1x16xf32>
        tpu.vector_store %arg8[%swap3A_1066, %swap3A_1067, %swap3A_1068, %swap3A_1069], %swap3A_1072 {strides = array<i32>} : memref<2x4x27x64xf32, #tpu.memory_space<vmem>>, vector<1x1x1x16xf32>,
        %get3A_1073 = arith.constant 0 : i32
        %get3A_1074 = arith.index_cast %get3A_1073 : i32 to index
        %get3A_1075 = arith.index_cast %scan3A_1035 : i32 to index
        %get3A_1076 = arith.index_cast %and3A_1040 : i32 to index
        %get3A_1077 = arith.constant 32 : index
        %get3A_1078 = tpu.vector_load %arg7[%get3A_1074, %get3A_1075, %get3A_1076, %get3A_1077] {strides = array<i32>} : memref<2x26x8x64xf32, #tpu.memory_space<vmem>>, vector<1x1x1x16xf32>,
        %get3A_1079 = vector.shape_cast %get3A_1078 : vector<1x1x1x16xf32> to vector<16xf32>
        %swap3A_1080 = arith.constant 0 : i32
        %swap3A_1081 = arith.constant 2 : i32
        %swap3A_1082 = arith.index_cast %swap3A_1080 : i32 to index
        %swap3A_1083 = arith.index_cast %swap3A_1081 : i32 to index
        %swap3A_1084 = arith.index_cast %scan3A_1035 : i32 to index
        %swap3A_1085 = arith.constant 32 : index
        %swap3A_1086 = tpu.vector_load %arg8[%swap3A_1082, %swap3A_1083, %swap3A_1084, %swap3A_1085] {strides = array<i32>} : memref<2x4x27x64xf32, #tpu.memory_space<vmem>>, vector<1x1x1x16xf32>,
        %swap3A_1087 = vector.shape_cast %swap3A_1086 : vector<1x1x1x16xf32> to vector<16xf32>
        %swap3A_1088 = vector.shape_cast %get3A_1079 : vector<16xf32> to vector<1x1x1x16xf32>
        tpu.vector_store %arg8[%swap3A_1082, %swap3A_1083, %swap3A_1084, %swap3A_1085], %swap3A_1088 {strides = array<i32>} : memref<2x4x27x64xf32, #tpu.memory_space<vmem>>, vector<1x1x1x16xf32>,
        %get3A_1089 = arith.constant 0 : i32
        %get3A_1090 = arith.index_cast %get3A_1089 : i32 to index
        %get3A_1091 = arith.index_cast %scan3A_1035 : i32 to index
        %get3A_1092 = arith.index_cast %and3A_1040 : i32 to index
        %get3A_1093 = arith.constant 48 : index
        %get3A_1094 = tpu.vector_load %arg7[%get3A_1090, %get3A_1091, %get3A_1092, %get3A_1093] {strides = array<i32>} : memref<2x26x8x64xf32, #tpu.memory_space<vmem>>, vector<1x1x1x16xf32>,
        %get3A_1095 = vector.shape_cast %get3A_1094 : vector<1x1x1x16xf32> to vector<16xf32>
        %swap3A_1096 = arith.constant 0 : i32
        %swap3A_1097 = arith.constant 2 : i32
        %swap3A_1098 = arith.index_cast %swap3A_1096 : i32 to index
        %swap3A_1099 = arith.index_cast %swap3A_1097 : i32 to index
        %swap3A_1100 = arith.index_cast %scan3A_1035 : i32 to index
        %swap3A_1101 = arith.constant 48 : index
        %swap3A_1102 = tpu.vector_load %arg8[%swap3A_1098, %swap3A_1099, %swap3A_1100, %swap3A_1101] {strides = array<i32>} : memref<2x4x27x64xf32, #tpu.memory_space<vmem>>, vector<1x1x1x16xf32>,
        %swap3A_1103 = vector.shape_cast %swap3A_1102 : vector<1x1x1x16xf32> to vector<16xf32>
        %swap3A_1104 = vector.shape_cast %get3A_1095 : vector<16xf32> to vector<1x1x1x16xf32>
        tpu.vector_store %arg8[%swap3A_1098, %swap3A_1099, %swap3A_1100, %swap3A_1101], %swap3A_1104 {strides = array<i32>} : memref<2x4x27x64xf32, #tpu.memory_space<vmem>>, vector<1x1x1x16xf32>,
        %scan3A_1105 = arith.constant 1 : i32
        %scan3A_1106 = arith.addi %scan3A_1035, %scan3A_1105 : i32
        %add3A_1107 = arith.addi %mul3A_194, %scan3A_1106 : i32
        %get3A_1108 = arith.index_cast %add3A_1107 : i32 to index
        %get3A_1109 = tpu.vector_load %arg6[%get3A_1108] {strides = array<i32>} : memref<13328xi32, #tpu.memory_space<vmem>>, vector<16xi32>,
        %get3A_1110 = vector.shape_cast %get3A_1109 : vector<16xi32> to vector<16xi32>
        %slice3A_1111 = vector.extract_strided_slice %get3A_1110 {offsets = [0], sizes = [1], strides = [1]} : vector<16xi32> to vector<1xi32>
        %squeeze3A_1112 = vector.extract %slice3A_1111[0] : i32 from vector<1xi32>
        %and3A_1113 = arith.constant 7 : i32
        %and3A_1114 = arith.andi %squeeze3A_1112, %and3A_1113 : i32
        %get3A_1115 = arith.constant 0 : i32
        %get3A_1116 = arith.index_cast %get3A_1115 : i32 to index
        %get3A_1117 = arith.index_cast %scan3A_1106 : i32 to index
        %get3A_1118 = arith.index_cast %and3A_1114 : i32 to index
        %get3A_1119 = arith.constant 0 : index
        %get3A_1120 = tpu.vector_load %arg7[%get3A_1116, %get3A_1117, %get3A_1118, %get3A_1119] {strides = array<i32>} : memref<2x26x8x64xf32, #tpu.memory_space<vmem>>, vector<1x1x1x16xf32>,
        %get3A_1121 = vector.shape_cast %get3A_1120 : vector<1x1x1x16xf32> to vector<16xf32>
        %swap3A_1122 = arith.constant 0 : i32
        %swap3A_1123 = arith.constant 2 : i32
        %swap3A_1124 = arith.index_cast %swap3A_1122 : i32 to index
        %swap3A_1125 = arith.index_cast %swap3A_1123 : i32 to index
        %swap3A_1126 = arith.index_cast %scan3A_1106 : i32 to index
        %swap3A_1127 = arith.constant 0 : index
        %swap3A_1128 = tpu.vector_load %arg8[%swap3A_1124, %swap3A_1125, %swap3A_1126, %swap3A_1127] {strides = array<i32>} : memref<2x4x27x64xf32, #tpu.memory_space<vmem>>, vector<1x1x1x16xf32>,
        %swap3A_1129 = vector.shape_cast %swap3A_1128 : vector<1x1x1x16xf32> to vector<16xf32>
        %swap3A_1130 = vector.shape_cast %get3A_1121 : vector<16xf32> to vector<1x1x1x16xf32>
        tpu.vector_store %arg8[%swap3A_1124, %swap3A_1125, %swap3A_1126, %swap3A_1127], %swap3A_1130 {strides = array<i32>} : memref<2x4x27x64xf32, #tpu.memory_space<vmem>>, vector<1x1x1x16xf32>,
        %get3A_1131 = arith.constant 0 : i32
        %get3A_1132 = arith.index_cast %get3A_1131 : i32 to index
        %get3A_1133 = arith.index_cast %scan3A_1106 : i32 to index
        %get3A_1134 = arith.index_cast %and3A_1114 : i32 to index
        %get3A_1135 = arith.constant 16 : index
        %get3A_1136 = tpu.vector_load %arg7[%get3A_1132, %get3A_1133, %get3A_1134, %get3A_1135] {strides = array<i32>} : memref<2x26x8x64xf32, #tpu.memory_space<vmem>>, vector<1x1x1x16xf32>,
        %get3A_1137 = vector.shape_cast %get3A_1136 : vector<1x1x1x16xf32> to vector<16xf32>
        %swap3A_1138 = arith.constant 0 : i32
        %swap3A_1139 = arith.constant 2 : i32
        %swap3A_1140 = arith.index_cast %swap3A_1138 : i32 to index
        %swap3A_1141 = arith.index_cast %swap3A_1139 : i32 to index
        %swap3A_1142 = arith.index_cast %scan3A_1106 : i32 to index
        %swap3A_1143 = arith.constant 16 : index
        %swap3A_1144 = tpu.vector_load %arg8[%swap3A_1140, %swap3A_1141, %swap3A_1142, %swap3A_1143] {strides = array<i32>} : memref<2x4x27x64xf32, #tpu.memory_space<vmem>>, vector<1x1x1x16xf32>,
        %swap3A_1145 = vector.shape_cast %swap3A_1144 : vector<1x1x1x16xf32> to vector<16xf32>
        %swap3A_1146 = vector.shape_cast %get3A_1137 : vector<16xf32> to vector<1x1x1x16xf32>
        tpu.vector_store %arg8[%swap3A_1140, %swap3A_1141, %swap3A_1142, %swap3A_1143], %swap3A_1146 {strides = array<i32>} : memref<2x4x27x64xf32, #tpu.memory_space<vmem>>, vector<1x1x1x16xf32>,
        %get3A_1147 = arith.constant 0 : i32
        %get3A_1148 = arith.index_cast %get3A_1147 : i32 to index
        %get3A_1149 = arith.index_cast %scan3A_1106 : i32 to index
        %get3A_1150 = arith.index_cast %and3A_1114 : i32 to index
        %get3A_1151 = arith.constant 32 : index
        %get3A_1152 = tpu.vector_load %arg7[%get3A_1148, %get3A_1149, %get3A_1150, %get3A_1151] {strides = array<i32>} : memref<2x26x8x64xf32, #tpu.memory_space<vmem>>, vector<1x1x1x16xf32>,
        %get3A_1153 = vector.shape_cast %get3A_1152 : vector<1x1x1x16xf32> to vector<16xf32>
        %swap3A_1154 = arith.constant 0 : i32
        %swap3A_1155 = arith.constant 2 : i32
        %swap3A_1156 = arith.index_cast %swap3A_1154 : i32 to index
        %swap3A_1157 = arith.index_cast %swap3A_1155 : i32 to index
        %swap3A_1158 = arith.index_cast %scan3A_1106 : i32 to index
        %swap3A_1159 = arith.constant 32 : index
        %swap3A_1160 = tpu.vector_load %arg8[%swap3A_1156, %swap3A_1157, %swap3A_1158, %swap3A_1159] {strides = array<i32>} : memref<2x4x27x64xf32, #tpu.memory_space<vmem>>, vector<1x1x1x16xf32>,
        %swap3A_1161 = vector.shape_cast %swap3A_1160 : vector<1x1x1x16xf32> to vector<16xf32>
        %swap3A_1162 = vector.shape_cast %get3A_1153 : vector<16xf32> to vector<1x1x1x16xf32>
        tpu.vector_store %arg8[%swap3A_1156, %swap3A_1157, %swap3A_1158, %swap3A_1159], %swap3A_1162 {strides = array<i32>} : memref<2x4x27x64xf32, #tpu.memory_space<vmem>>, vector<1x1x1x16xf32>,
        %get3A_1163 = arith.constant 0 : i32
        %get3A_1164 = arith.index_cast %get3A_1163 : i32 to index
        %get3A_1165 = arith.index_cast %scan3A_1106 : i32 to index
        %get3A_1166 = arith.index_cast %and3A_1114 : i32 to index
        %get3A_1167 = arith.constant 48 : index
        %get3A_1168 = tpu.vector_load %arg7[%get3A_1164, %get3A_1165, %get3A_1166, %get3A_1167] {strides = array<i32>} : memref<2x26x8x64xf32, #tpu.memory_space<vmem>>, vector<1x1x1x16xf32>,
        %get3A_1169 = vector.shape_cast %get3A_1168 : vector<1x1x1x16xf32> to vector<16xf32>
        %swap3A_1170 = arith.constant 0 : i32
        %swap3A_1171 = arith.constant 2 : i32
        %swap3A_1172 = arith.index_cast %swap3A_1170 : i32 to index
        %swap3A_1173 = arith.index_cast %swap3A_1171 : i32 to index
        %swap3A_1174 = arith.index_cast %scan3A_1106 : i32 to index
        %swap3A_1175 = arith.constant 48 : index
        %swap3A_1176 = tpu.vector_load %arg8[%swap3A_1172, %swap3A_1173, %swap3A_1174, %swap3A_1175] {strides = array<i32>} : memref<2x4x27x64xf32, #tpu.memory_space<vmem>>, vector<1x1x1x16xf32>,
        %swap3A_1177 = vector.shape_cast %swap3A_1176 : vector<1x1x1x16xf32> to vector<16xf32>
        %swap3A_1178 = vector.shape_cast %get3A_1169 : vector<16xf32> to vector<1x1x1x16xf32>
        tpu.vector_store %arg8[%swap3A_1172, %swap3A_1173, %swap3A_1174, %swap3A_1175], %swap3A_1178 {strides = array<i32>} : memref<2x4x27x64xf32, #tpu.memory_space<vmem>>, vector<1x1x1x16xf32>,
      }
      %scan3A_200 = arith.constant 26 : i32
      %mul3A_201 = arith.constant 4 : i32
      %mul3A_202 = arith.muli %add3A_59, %mul3A_201 : i32
      %add3A_203 = arith.constant 3 : i32
      %add3A_204 = arith.addi %mul3A_202, %add3A_203 : i32
      %add3A_205 = arith.constant 1 : i32
      %add3A_206 = arith.addi %add3A_204, %add3A_205 : i32
      %lt3A_207 = arith.constant 512 : i32
      %lt3A_208 = arith.cmpi slt, %add3A_206, %lt3A_207 : i32
      %convert_element_type3A_209 = arith.extui %lt3A_208 : i1 to i32
      %cond3A_210 = arith.constant 0 : i32
      %cond3A_211 = arith.cmpi ne, %convert_element_type3A_209, %cond3A_210 : i32
      scf.if %cond3A_211 {
        %add3A_1035 = arith.constant 1 : i32
        %add3A_1036 = arith.addi %add3A_204, %add3A_1035 : i32
        %mul3A_1037 = arith.constant 26 : i32
        %mul3A_1038 = arith.muli %add3A_1036, %mul3A_1037 : i32
        %scan3A_1039 = arith.constant 0 : i32
        %scan3A_1040 = arith.constant 0 : i32
        %scan3A_1041 = arith.constant 26 : i32
        %scan3A_1042 = arith.addi %scan3A_1040, %scan3A_1041 : i32
        %scan3A_1043 = arith.constant 2 : i32
        scf.for %scan3A_1045 = %scan3A_1040 to %scan3A_1042 step %scan3A_1043  : i32 {
          %add3A_1046 = arith.addi %mul3A_1038, %scan3A_1045 : i32
          %get3A_1047 = arith.index_cast %add3A_1046 : i32 to index
          %get3A_1048 = tpu.vector_load %arg6[%get3A_1047] {strides = array<i32>} : memref<13328xi32, #tpu.memory_space<vmem>>, vector<16xi32>,
          %get3A_1049 = vector.shape_cast %get3A_1048 : vector<16xi32> to vector<16xi32>
          %slice3A = vector.extract_strided_slice %get3A_1049 {offsets = [0], sizes = [1], strides = [1]} : vector<16xi32> to vector<1xi32>
          %squeeze3A = vector.extract %slice3A[0] : i32 from vector<1xi32>
          %and3A = arith.constant -8 : i32
          %and3A_1050 = arith.andi %squeeze3A, %and3A : i32
          %multiple_of3A = tpu.assume_multiple %and3A_1050, 8 : i32
          %dma_start3A_1051 = arith.constant 0 : i32
          %dma_start3A_1052 = arith.constant 0 : i32
          %dma_start3A_1053 = arith.constant 0 : i32
          %dma_start3A_1054 = tpu.memref_slice %arg7[%dma_start3A_1051, %scan3A_1045, %dma_start3A_1052, %dma_start3A_1053] : memref<2x26x8x64xf32, #tpu.memory_space<vmem>> -> memref<1x1x8x64xf32, #tpu.memory_space<vmem>>
          %dma_start3A_1055 = tpu.memref_squeeze %dma_start3A_1054 : memref<1x1x8x64xf32, #tpu.memory_space<vmem>> -> memref<8x64xf32, #tpu.memory_space<vmem>>
          %dma_start3A_1056 = arith.constant 0 : i32
          %dma_start3A_1057 = tpu.memref_slice %arg4[%scan3A_1045, %multiple_of3A, %dma_start3A_1056] : memref<26x100001x64xf32, #tpu.memory_space<hbm>> -> memref<1x8x64xf32, #tpu.memory_space<hbm>>
          %dma_start3A_1058 = tpu.memref_squeeze %dma_start3A_1057 : memref<1x8x64xf32, #tpu.memory_space<hbm>> -> memref<8x64xf32, #tpu.memory_space<hbm>>
          %dma_start3A_1059 = arith.constant 0 : i32
          %dma_start3A_1060 = arith.constant 0 : i32
          %dma_start3A_1061 = tpu.memref_slice %arg7[%dma_start3A_1051, %scan3A_1045, %dma_start3A_1059, %dma_start3A_1060] : memref<2x26x8x64xf32, #tpu.memory_space<vmem>> -> memref<1x1x8x64xf32, #tpu.memory_space<vmem>>
          %dma_start3A_1062 = tpu.memref_squeeze %dma_start3A_1061 : memref<1x1x8x64xf32, #tpu.memory_space<vmem>> -> memref<8x64xf32, #tpu.memory_space<vmem>>
          %dma_start3A_1063 = arith.constant 0 : i32
          %dma_start3A_1064 = tpu.memref_slice %arg4[%scan3A_1045, %multiple_of3A, %dma_start3A_1063] : memref<26x100001x64xf32, #tpu.memory_space<hbm>> -> memref<1x8x64xf32, #tpu.memory_space<hbm>>
          %dma_start3A_1065 = tpu.memref_squeeze %dma_start3A_1064 : memref<1x8x64xf32, #tpu.memory_space<hbm>> -> memref<8x64xf32, #tpu.memory_space<hbm>>
          tpu.enqueue_dma source(%dma_start3A_1065 : memref<8x64xf32, #tpu.memory_space<hbm>>) target(%dma_start3A_1062 : memref<8x64xf32, #tpu.memory_space<vmem>>) target_semaphore(%arg10 : memref<!tpu.dma_semaphore, #tpu.memory_space<semaphore_mem>>)
          %scan3A_1066 = arith.constant 1 : i32
          %scan3A_1067 = arith.addi %scan3A_1045, %scan3A_1066 : i32
          %add3A_1068 = arith.addi %mul3A_1038, %scan3A_1067 : i32
          %get3A_1069 = arith.index_cast %add3A_1068 : i32 to index
          %get3A_1070 = tpu.vector_load %arg6[%get3A_1069] {strides = array<i32>} : memref<13328xi32, #tpu.memory_space<vmem>>, vector<16xi32>,
          %get3A_1071 = vector.shape_cast %get3A_1070 : vector<16xi32> to vector<16xi32>
          %slice3A_1072 = vector.extract_strided_slice %get3A_1071 {offsets = [0], sizes = [1], strides = [1]} : vector<16xi32> to vector<1xi32>
          %squeeze3A_1073 = vector.extract %slice3A_1072[0] : i32 from vector<1xi32>
          %and3A_1074 = arith.constant -8 : i32
          %and3A_1075 = arith.andi %squeeze3A_1073, %and3A_1074 : i32
          %multiple_of3A_1076 = tpu.assume_multiple %and3A_1075, 8 : i32
          %dma_start3A_1077 = arith.constant 0 : i32
          %dma_start3A_1078 = arith.constant 0 : i32
          %dma_start3A_1079 = arith.constant 0 : i32
          %dma_start3A_1080 = tpu.memref_slice %arg7[%dma_start3A_1077, %scan3A_1067, %dma_start3A_1078, %dma_start3A_1079] : memref<2x26x8x64xf32, #tpu.memory_space<vmem>> -> memref<1x1x8x64xf32, #tpu.memory_space<vmem>>
          %dma_start3A_1081 = tpu.memref_squeeze %dma_start3A_1080 : memref<1x1x8x64xf32, #tpu.memory_space<vmem>> -> memref<8x64xf32, #tpu.memory_space<vmem>>
          %dma_start3A_1082 = arith.constant 0 : i32
          %dma_start3A_1083 = tpu.memref_slice %arg4[%scan3A_1067, %multiple_of3A_1076, %dma_start3A_1082] : memref<26x100001x64xf32, #tpu.memory_space<hbm>> -> memref<1x8x64xf32, #tpu.memory_space<hbm>>
          %dma_start3A_1084 = tpu.memref_squeeze %dma_start3A_1083 : memref<1x8x64xf32, #tpu.memory_space<hbm>> -> memref<8x64xf32, #tpu.memory_space<hbm>>
          %dma_start3A_1085 = arith.constant 0 : i32
          %dma_start3A_1086 = arith.constant 0 : i32
          %dma_start3A_1087 = tpu.memref_slice %arg7[%dma_start3A_1077, %scan3A_1067, %dma_start3A_1085, %dma_start3A_1086] : memref<2x26x8x64xf32, #tpu.memory_space<vmem>> -> memref<1x1x8x64xf32, #tpu.memory_space<vmem>>
          %dma_start3A_1088 = tpu.memref_squeeze %dma_start3A_1087 : memref<1x1x8x64xf32, #tpu.memory_space<vmem>> -> memref<8x64xf32, #tpu.memory_space<vmem>>
          %dma_start3A_1089 = arith.constant 0 : i32
          %dma_start3A_1090 = tpu.memref_slice %arg4[%scan3A_1067, %multiple_of3A_1076, %dma_start3A_1089] : memref<26x100001x64xf32, #tpu.memory_space<hbm>> -> memref<1x8x64xf32, #tpu.memory_space<hbm>>
          %dma_start3A_1091 = tpu.memref_squeeze %dma_start3A_1090 : memref<1x8x64xf32, #tpu.memory_space<hbm>> -> memref<8x64xf32, #tpu.memory_space<hbm>>
          tpu.enqueue_dma source(%dma_start3A_1091 : memref<8x64xf32, #tpu.memory_space<hbm>>) target(%dma_start3A_1088 : memref<8x64xf32, #tpu.memory_space<vmem>>) target_semaphore(%arg10 : memref<!tpu.dma_semaphore, #tpu.memory_space<semaphore_mem>>)
        }
        %scan3A_1044 = arith.constant 26 : i32
      } else {
      }
      %dma_wait3A_212 = arith.constant 0 : i32
      %dma_wait3A_213 = arith.constant 1 : i32
      %dma_wait3A_214 = arith.constant 0 : i32
      %dma_wait3A_215 = arith.constant 0 : i32
      %dma_wait3A_216 = arith.constant 0 : i32
      %dma_wait3A_217 = tpu.memref_slice %arg7[%dma_wait3A_213, %dma_wait3A_214, %dma_wait3A_215, %dma_wait3A_216] : memref<2x26x8x64xf32, #tpu.memory_space<vmem>> -> memref<1x26x8x64xf32, #tpu.memory_space<vmem>>
      %dma_wait3A_218 = tpu.memref_squeeze %dma_wait3A_217 : memref<1x26x8x64xf32, #tpu.memory_space<vmem>> -> memref<26x8x64xf32, #tpu.memory_space<vmem>>
      %dma_wait3A_219 = arith.constant 0 : i32
      %dma_wait3A_220 = arith.constant 0 : i32
      %dma_wait3A_221 = tpu.memref_slice %arg4[%dma_wait3A_212, %dma_wait3A_219, %dma_wait3A_220] : memref<26x100001x64xf32, #tpu.memory_space<hbm>> -> memref<1x208x64xf32, #tpu.memory_space<hbm>>
      %dma_wait3A_222 = tpu.memref_squeeze %dma_wait3A_221 : memref<1x208x64xf32, #tpu.memory_space<hbm>> -> memref<208x64xf32, #tpu.memory_space<hbm>>
      %dma_wait3A_223 = tpu.memref_reshape %dma_wait3A_222 : memref<208x64xf32, #tpu.memory_space<hbm>> -> memref<26x8x64xf32, #tpu.memory_space<hbm>>
      %dma_wait3A_224 = arith.constant 0 : i32
      %dma_wait3A_225 = arith.constant 0 : i32
      %dma_wait3A_226 = arith.constant 0 : i32
      %dma_wait3A_227 = tpu.memref_slice %arg7[%dma_wait3A_213, %dma_wait3A_224, %dma_wait3A_225, %dma_wait3A_226] : memref<2x26x8x64xf32, #tpu.memory_space<vmem>> -> memref<1x26x8x64xf32, #tpu.memory_space<vmem>>
      %dma_wait3A_228 = tpu.memref_squeeze %dma_wait3A_227 : memref<1x26x8x64xf32, #tpu.memory_space<vmem>> -> memref<26x8x64xf32, #tpu.memory_space<vmem>>
      %dma_wait3A_229 = arith.constant 0 : i32
      %dma_wait3A_230 = arith.constant 0 : i32
      %dma_wait3A_231 = tpu.memref_slice %arg4[%dma_wait3A_212, %dma_wait3A_229, %dma_wait3A_230] : memref<26x100001x64xf32, #tpu.memory_space<hbm>> -> memref<1x208x64xf32, #tpu.memory_space<hbm>>
      %dma_wait3A_232 = tpu.memref_squeeze %dma_wait3A_231 : memref<1x208x64xf32, #tpu.memory_space<hbm>> -> memref<208x64xf32, #tpu.memory_space<hbm>>
      %dma_wait3A_233 = tpu.memref_reshape %dma_wait3A_232 : memref<208x64xf32, #tpu.memory_space<hbm>> -> memref<26x8x64xf32, #tpu.memory_space<hbm>>
      tpu.wait_dma2 semaphore(%arg11 : memref<!tpu.dma_semaphore, #tpu.memory_space<semaphore_mem>>) src(%dma_wait3A_233 : memref<26x8x64xf32, #tpu.memory_space<hbm>>) dst(%dma_wait3A_228 : memref<26x8x64xf32, #tpu.memory_space<vmem>>)
      %mul3A_234 = arith.constant 26 : i32
      %mul3A_235 = arith.muli %add3A_204, %mul3A_234 : i32
      %scan3A_236 = arith.constant 0 : i32
      %scan3A_237 = arith.constant 0 : i32
      %scan3A_238 = arith.constant 26 : i32
      %scan3A_239 = arith.addi %scan3A_237, %scan3A_238 : i32
      %scan3A_240 = arith.constant 2 : i32
      scf.for %scan3A_1035 = %scan3A_237 to %scan3A_239 step %scan3A_240  : i32 {
        %add3A_1036 = arith.addi %mul3A_235, %scan3A_1035 : i32
        %get3A_1037 = arith.index_cast %add3A_1036 : i32 to index
        %get3A_1038 = tpu.vector_load %arg6[%get3A_1037] {strides = array<i32>} : memref<13328xi32, #tpu.memory_space<vmem>>, vector<16xi32>,
        %get3A_1039 = vector.shape_cast %get3A_1038 : vector<16xi32> to vector<16xi32>
        %slice3A = vector.extract_strided_slice %get3A_1039 {offsets = [0], sizes = [1], strides = [1]} : vector<16xi32> to vector<1xi32>
        %squeeze3A = vector.extract %slice3A[0] : i32 from vector<1xi32>
        %and3A = arith.constant 7 : i32
        %and3A_1040 = arith.andi %squeeze3A, %and3A : i32
        %get3A_1041 = arith.constant 1 : i32
        %get3A_1042 = arith.index_cast %get3A_1041 : i32 to index
        %get3A_1043 = arith.index_cast %scan3A_1035 : i32 to index
        %get3A_1044 = arith.index_cast %and3A_1040 : i32 to index
        %get3A_1045 = arith.constant 0 : index
        %get3A_1046 = tpu.vector_load %arg7[%get3A_1042, %get3A_1043, %get3A_1044, %get3A_1045] {strides = array<i32>} : memref<2x26x8x64xf32, #tpu.memory_space<vmem>>, vector<1x1x1x16xf32>,
        %get3A_1047 = vector.shape_cast %get3A_1046 : vector<1x1x1x16xf32> to vector<16xf32>
        %swap3A_1048 = arith.constant 0 : i32
        %swap3A_1049 = arith.constant 3 : i32
        %swap3A_1050 = arith.index_cast %swap3A_1048 : i32 to index
        %swap3A_1051 = arith.index_cast %swap3A_1049 : i32 to index
        %swap3A_1052 = arith.index_cast %scan3A_1035 : i32 to index
        %swap3A_1053 = arith.constant 0 : index
        %swap3A_1054 = tpu.vector_load %arg8[%swap3A_1050, %swap3A_1051, %swap3A_1052, %swap3A_1053] {strides = array<i32>} : memref<2x4x27x64xf32, #tpu.memory_space<vmem>>, vector<1x1x1x16xf32>,
        %swap3A_1055 = vector.shape_cast %swap3A_1054 : vector<1x1x1x16xf32> to vector<16xf32>
        %swap3A_1056 = vector.shape_cast %get3A_1047 : vector<16xf32> to vector<1x1x1x16xf32>
        tpu.vector_store %arg8[%swap3A_1050, %swap3A_1051, %swap3A_1052, %swap3A_1053], %swap3A_1056 {strides = array<i32>} : memref<2x4x27x64xf32, #tpu.memory_space<vmem>>, vector<1x1x1x16xf32>,
        %get3A_1057 = arith.constant 1 : i32
        %get3A_1058 = arith.index_cast %get3A_1057 : i32 to index
        %get3A_1059 = arith.index_cast %scan3A_1035 : i32 to index
        %get3A_1060 = arith.index_cast %and3A_1040 : i32 to index
        %get3A_1061 = arith.constant 16 : index
        %get3A_1062 = tpu.vector_load %arg7[%get3A_1058, %get3A_1059, %get3A_1060, %get3A_1061] {strides = array<i32>} : memref<2x26x8x64xf32, #tpu.memory_space<vmem>>, vector<1x1x1x16xf32>,
        %get3A_1063 = vector.shape_cast %get3A_1062 : vector<1x1x1x16xf32> to vector<16xf32>
        %swap3A_1064 = arith.constant 0 : i32
        %swap3A_1065 = arith.constant 3 : i32
        %swap3A_1066 = arith.index_cast %swap3A_1064 : i32 to index
        %swap3A_1067 = arith.index_cast %swap3A_1065 : i32 to index
        %swap3A_1068 = arith.index_cast %scan3A_1035 : i32 to index
        %swap3A_1069 = arith.constant 16 : index
        %swap3A_1070 = tpu.vector_load %arg8[%swap3A_1066, %swap3A_1067, %swap3A_1068, %swap3A_1069] {strides = array<i32>} : memref<2x4x27x64xf32, #tpu.memory_space<vmem>>, vector<1x1x1x16xf32>,
        %swap3A_1071 = vector.shape_cast %swap3A_1070 : vector<1x1x1x16xf32> to vector<16xf32>
        %swap3A_1072 = vector.shape_cast %get3A_1063 : vector<16xf32> to vector<1x1x1x16xf32>
        tpu.vector_store %arg8[%swap3A_1066, %swap3A_1067, %swap3A_1068, %swap3A_1069], %swap3A_1072 {strides = array<i32>} : memref<2x4x27x64xf32, #tpu.memory_space<vmem>>, vector<1x1x1x16xf32>,
        %get3A_1073 = arith.constant 1 : i32
        %get3A_1074 = arith.index_cast %get3A_1073 : i32 to index
        %get3A_1075 = arith.index_cast %scan3A_1035 : i32 to index
        %get3A_1076 = arith.index_cast %and3A_1040 : i32 to index
        %get3A_1077 = arith.constant 32 : index
        %get3A_1078 = tpu.vector_load %arg7[%get3A_1074, %get3A_1075, %get3A_1076, %get3A_1077] {strides = array<i32>} : memref<2x26x8x64xf32, #tpu.memory_space<vmem>>, vector<1x1x1x16xf32>,
        %get3A_1079 = vector.shape_cast %get3A_1078 : vector<1x1x1x16xf32> to vector<16xf32>
        %swap3A_1080 = arith.constant 0 : i32
        %swap3A_1081 = arith.constant 3 : i32
        %swap3A_1082 = arith.index_cast %swap3A_1080 : i32 to index
        %swap3A_1083 = arith.index_cast %swap3A_1081 : i32 to index
        %swap3A_1084 = arith.index_cast %scan3A_1035 : i32 to index
        %swap3A_1085 = arith.constant 32 : index
        %swap3A_1086 = tpu.vector_load %arg8[%swap3A_1082, %swap3A_1083, %swap3A_1084, %swap3A_1085] {strides = array<i32>} : memref<2x4x27x64xf32, #tpu.memory_space<vmem>>, vector<1x1x1x16xf32>,
        %swap3A_1087 = vector.shape_cast %swap3A_1086 : vector<1x1x1x16xf32> to vector<16xf32>
        %swap3A_1088 = vector.shape_cast %get3A_1079 : vector<16xf32> to vector<1x1x1x16xf32>
        tpu.vector_store %arg8[%swap3A_1082, %swap3A_1083, %swap3A_1084, %swap3A_1085], %swap3A_1088 {strides = array<i32>} : memref<2x4x27x64xf32, #tpu.memory_space<vmem>>, vector<1x1x1x16xf32>,
        %get3A_1089 = arith.constant 1 : i32
        %get3A_1090 = arith.index_cast %get3A_1089 : i32 to index
        %get3A_1091 = arith.index_cast %scan3A_1035 : i32 to index
        %get3A_1092 = arith.index_cast %and3A_1040 : i32 to index
        %get3A_1093 = arith.constant 48 : index
        %get3A_1094 = tpu.vector_load %arg7[%get3A_1090, %get3A_1091, %get3A_1092, %get3A_1093] {strides = array<i32>} : memref<2x26x8x64xf32, #tpu.memory_space<vmem>>, vector<1x1x1x16xf32>,
        %get3A_1095 = vector.shape_cast %get3A_1094 : vector<1x1x1x16xf32> to vector<16xf32>
        %swap3A_1096 = arith.constant 0 : i32
        %swap3A_1097 = arith.constant 3 : i32
        %swap3A_1098 = arith.index_cast %swap3A_1096 : i32 to index
        %swap3A_1099 = arith.index_cast %swap3A_1097 : i32 to index
        %swap3A_1100 = arith.index_cast %scan3A_1035 : i32 to index
        %swap3A_1101 = arith.constant 48 : index
        %swap3A_1102 = tpu.vector_load %arg8[%swap3A_1098, %swap3A_1099, %swap3A_1100, %swap3A_1101] {strides = array<i32>} : memref<2x4x27x64xf32, #tpu.memory_space<vmem>>, vector<1x1x1x16xf32>,
        %swap3A_1103 = vector.shape_cast %swap3A_1102 : vector<1x1x1x16xf32> to vector<16xf32>
        %swap3A_1104 = vector.shape_cast %get3A_1095 : vector<16xf32> to vector<1x1x1x16xf32>
        tpu.vector_store %arg8[%swap3A_1098, %swap3A_1099, %swap3A_1100, %swap3A_1101], %swap3A_1104 {strides = array<i32>} : memref<2x4x27x64xf32, #tpu.memory_space<vmem>>, vector<1x1x1x16xf32>,
        %scan3A_1105 = arith.constant 1 : i32
        %scan3A_1106 = arith.addi %scan3A_1035, %scan3A_1105 : i32
        %add3A_1107 = arith.addi %mul3A_235, %scan3A_1106 : i32
        %get3A_1108 = arith.index_cast %add3A_1107 : i32 to index
        %get3A_1109 = tpu.vector_load %arg6[%get3A_1108] {strides = array<i32>} : memref<13328xi32, #tpu.memory_space<vmem>>, vector<16xi32>,
        %get3A_1110 = vector.shape_cast %get3A_1109 : vector<16xi32> to vector<16xi32>
        %slice3A_1111 = vector.extract_strided_slice %get3A_1110 {offsets = [0], sizes = [1], strides = [1]} : vector<16xi32> to vector<1xi32>
        %squeeze3A_1112 = vector.extract %slice3A_1111[0] : i32 from vector<1xi32>
        %and3A_1113 = arith.constant 7 : i32
        %and3A_1114 = arith.andi %squeeze3A_1112, %and3A_1113 : i32
        %get3A_1115 = arith.constant 1 : i32
        %get3A_1116 = arith.index_cast %get3A_1115 : i32 to index
        %get3A_1117 = arith.index_cast %scan3A_1106 : i32 to index
        %get3A_1118 = arith.index_cast %and3A_1114 : i32 to index
        %get3A_1119 = arith.constant 0 : index
        %get3A_1120 = tpu.vector_load %arg7[%get3A_1116, %get3A_1117, %get3A_1118, %get3A_1119] {strides = array<i32>} : memref<2x26x8x64xf32, #tpu.memory_space<vmem>>, vector<1x1x1x16xf32>,
        %get3A_1121 = vector.shape_cast %get3A_1120 : vector<1x1x1x16xf32> to vector<16xf32>
        %swap3A_1122 = arith.constant 0 : i32
        %swap3A_1123 = arith.constant 3 : i32
        %swap3A_1124 = arith.index_cast %swap3A_1122 : i32 to index
        %swap3A_1125 = arith.index_cast %swap3A_1123 : i32 to index
        %swap3A_1126 = arith.index_cast %scan3A_1106 : i32 to index
        %swap3A_1127 = arith.constant 0 : index
        %swap3A_1128 = tpu.vector_load %arg8[%swap3A_1124, %swap3A_1125, %swap3A_1126, %swap3A_1127] {strides = array<i32>} : memref<2x4x27x64xf32, #tpu.memory_space<vmem>>, vector<1x1x1x16xf32>,
        %swap3A_1129 = vector.shape_cast %swap3A_1128 : vector<1x1x1x16xf32> to vector<16xf32>
        %swap3A_1130 = vector.shape_cast %get3A_1121 : vector<16xf32> to vector<1x1x1x16xf32>
        tpu.vector_store %arg8[%swap3A_1124, %swap3A_1125, %swap3A_1126, %swap3A_1127], %swap3A_1130 {strides = array<i32>} : memref<2x4x27x64xf32, #tpu.memory_space<vmem>>, vector<1x1x1x16xf32>,
        %get3A_1131 = arith.constant 1 : i32
        %get3A_1132 = arith.index_cast %get3A_1131 : i32 to index
        %get3A_1133 = arith.index_cast %scan3A_1106 : i32 to index
        %get3A_1134 = arith.index_cast %and3A_1114 : i32 to index
        %get3A_1135 = arith.constant 16 : index
        %get3A_1136 = tpu.vector_load %arg7[%get3A_1132, %get3A_1133, %get3A_1134, %get3A_1135] {strides = array<i32>} : memref<2x26x8x64xf32, #tpu.memory_space<vmem>>, vector<1x1x1x16xf32>,
        %get3A_1137 = vector.shape_cast %get3A_1136 : vector<1x1x1x16xf32> to vector<16xf32>
        %swap3A_1138 = arith.constant 0 : i32
        %swap3A_1139 = arith.constant 3 : i32
        %swap3A_1140 = arith.index_cast %swap3A_1138 : i32 to index
        %swap3A_1141 = arith.index_cast %swap3A_1139 : i32 to index
        %swap3A_1142 = arith.index_cast %scan3A_1106 : i32 to index
        %swap3A_1143 = arith.constant 16 : index
        %swap3A_1144 = tpu.vector_load %arg8[%swap3A_1140, %swap3A_1141, %swap3A_1142, %swap3A_1143] {strides = array<i32>} : memref<2x4x27x64xf32, #tpu.memory_space<vmem>>, vector<1x1x1x16xf32>,
        %swap3A_1145 = vector.shape_cast %swap3A_1144 : vector<1x1x1x16xf32> to vector<16xf32>
        %swap3A_1146 = vector.shape_cast %get3A_1137 : vector<16xf32> to vector<1x1x1x16xf32>
        tpu.vector_store %arg8[%swap3A_1140, %swap3A_1141, %swap3A_1142, %swap3A_1143], %swap3A_1146 {strides = array<i32>} : memref<2x4x27x64xf32, #tpu.memory_space<vmem>>, vector<1x1x1x16xf32>,
        %get3A_1147 = arith.constant 1 : i32
        %get3A_1148 = arith.index_cast %get3A_1147 : i32 to index
        %get3A_1149 = arith.index_cast %scan3A_1106 : i32 to index
        %get3A_1150 = arith.index_cast %and3A_1114 : i32 to index
        %get3A_1151 = arith.constant 32 : index
        %get3A_1152 = tpu.vector_load %arg7[%get3A_1148, %get3A_1149, %get3A_1150, %get3A_1151] {strides = array<i32>} : memref<2x26x8x64xf32, #tpu.memory_space<vmem>>, vector<1x1x1x16xf32>,
        %get3A_1153 = vector.shape_cast %get3A_1152 : vector<1x1x1x16xf32> to vector<16xf32>
        %swap3A_1154 = arith.constant 0 : i32
        %swap3A_1155 = arith.constant 3 : i32
        %swap3A_1156 = arith.index_cast %swap3A_1154 : i32 to index
        %swap3A_1157 = arith.index_cast %swap3A_1155 : i32 to index
        %swap3A_1158 = arith.index_cast %scan3A_1106 : i32 to index
        %swap3A_1159 = arith.constant 32 : index
        %swap3A_1160 = tpu.vector_load %arg8[%swap3A_1156, %swap3A_1157, %swap3A_1158, %swap3A_1159] {strides = array<i32>} : memref<2x4x27x64xf32, #tpu.memory_space<vmem>>, vector<1x1x1x16xf32>,
        %swap3A_1161 = vector.shape_cast %swap3A_1160 : vector<1x1x1x16xf32> to vector<16xf32>
        %swap3A_1162 = vector.shape_cast %get3A_1153 : vector<16xf32> to vector<1x1x1x16xf32>
        tpu.vector_store %arg8[%swap3A_1156, %swap3A_1157, %swap3A_1158, %swap3A_1159], %swap3A_1162 {strides = array<i32>} : memref<2x4x27x64xf32, #tpu.memory_space<vmem>>, vector<1x1x1x16xf32>,
        %get3A_1163 = arith.constant 1 : i32
        %get3A_1164 = arith.index_cast %get3A_1163 : i32 to index
        %get3A_1165 = arith.index_cast %scan3A_1106 : i32 to index
        %get3A_1166 = arith.index_cast %and3A_1114 : i32 to index
        %get3A_1167 = arith.constant 48 : index
        %get3A_1168 = tpu.vector_load %arg7[%get3A_1164, %get3A_1165, %get3A_1166, %get3A_1167] {strides = array<i32>} : memref<2x26x8x64xf32, #tpu.memory_space<vmem>>, vector<1x1x1x16xf32>,
        %get3A_1169 = vector.shape_cast %get3A_1168 : vector<1x1x1x16xf32> to vector<16xf32>
        %swap3A_1170 = arith.constant 0 : i32
        %swap3A_1171 = arith.constant 3 : i32
        %swap3A_1172 = arith.index_cast %swap3A_1170 : i32 to index
        %swap3A_1173 = arith.index_cast %swap3A_1171 : i32 to index
        %swap3A_1174 = arith.index_cast %scan3A_1106 : i32 to index
        %swap3A_1175 = arith.constant 48 : index
        %swap3A_1176 = tpu.vector_load %arg8[%swap3A_1172, %swap3A_1173, %swap3A_1174, %swap3A_1175] {strides = array<i32>} : memref<2x4x27x64xf32, #tpu.memory_space<vmem>>, vector<1x1x1x16xf32>,
        %swap3A_1177 = vector.shape_cast %swap3A_1176 : vector<1x1x1x16xf32> to vector<16xf32>
        %swap3A_1178 = vector.shape_cast %get3A_1169 : vector<16xf32> to vector<1x1x1x16xf32>
        tpu.vector_store %arg8[%swap3A_1172, %swap3A_1173, %swap3A_1174, %swap3A_1175], %swap3A_1178 {strides = array<i32>} : memref<2x4x27x64xf32, #tpu.memory_space<vmem>>, vector<1x1x1x16xf32>,
      }
      %scan3A_241 = arith.constant 26 : i32
      %dma_wait3A_242 = arith.constant 0 : i32
      %dma_wait3A_243 = arith.constant 0 : i32
      %dma_wait3A_244 = arith.constant 0 : i32
      %dma_wait3A_245 = tpu.memref_slice %arg9[%dma_wait3A_242, %dma_wait3A_243, %dma_wait3A_244] : memref<2x4x128xf32, #tpu.memory_space<vmem>> -> memref<1x4x128xf32, #tpu.memory_space<vmem>>
      %dma_wait3A_246 = tpu.memref_squeeze %dma_wait3A_245 : memref<1x4x128xf32, #tpu.memory_space<vmem>> -> memref<4x128xf32, #tpu.memory_space<vmem>>
      %dma_wait3A_247 = arith.constant 0 : i32
      %dma_wait3A_248 = tpu.memref_slice %arg3[%add3A_64, %dma_wait3A_247] : memref<16384x128xf32, #tpu.memory_space<hbm>> -> memref<4x128xf32, #tpu.memory_space<hbm>>
      %dma_wait3A_249 = arith.constant 0 : i32
      %dma_wait3A_250 = arith.constant 0 : i32
      %dma_wait3A_251 = tpu.memref_slice %arg9[%dma_wait3A_242, %dma_wait3A_249, %dma_wait3A_250] : memref<2x4x128xf32, #tpu.memory_space<vmem>> -> memref<1x4x128xf32, #tpu.memory_space<vmem>>
      %dma_wait3A_252 = tpu.memref_squeeze %dma_wait3A_251 : memref<1x4x128xf32, #tpu.memory_space<vmem>> -> memref<4x128xf32, #tpu.memory_space<vmem>>
      %dma_wait3A_253 = arith.constant 0 : i32
      %dma_wait3A_254 = tpu.memref_slice %arg3[%add3A_64, %dma_wait3A_253] : memref<16384x128xf32, #tpu.memory_space<hbm>> -> memref<4x128xf32, #tpu.memory_space<hbm>>
      tpu.wait_dma2 semaphore(%arg14 : memref<!tpu.dma_semaphore, #tpu.memory_space<semaphore_mem>>) src(%dma_wait3A_254 : memref<4x128xf32, #tpu.memory_space<hbm>>) dst(%dma_wait3A_252 : memref<4x128xf32, #tpu.memory_space<vmem>>)
      %get3A = arith.constant 0 : i32
      %get3A_255 = arith.constant 0 : i32
      %get3A_256 = arith.index_cast %get3A : i32 to index
      %get3A_257 = arith.index_cast %get3A_255 : i32 to index
      %get3A_258 = arith.constant 0 : index
      %get3A_259 = tpu.vector_load %arg9[%get3A_256, %get3A_257, %get3A_258] {strides = array<i32>} : memref<2x4x128xf32, #tpu.memory_space<vmem>>, vector<1x1x16xf32>,
      %get3A_260 = vector.shape_cast %get3A_259 : vector<1x1x16xf32> to vector<16xf32>
      %swap3A = arith.constant 0 : i32
      %swap3A_261 = arith.constant 0 : i32
      %swap3A_262 = arith.constant 26 : i32
      %swap3A_263 = arith.index_cast %swap3A : i32 to index
      %swap3A_264 = arith.index_cast %swap3A_261 : i32 to index
      %swap3A_265 = arith.index_cast %swap3A_262 : i32 to index
      %swap3A_266 = arith.constant 0 : index
      %swap3A_267 = tpu.vector_load %arg8[%swap3A_263, %swap3A_264, %swap3A_265, %swap3A_266] {strides = array<i32>} : memref<2x4x27x64xf32, #tpu.memory_space<vmem>>, vector<1x1x1x16xf32>,
      %swap3A_268 = vector.shape_cast %swap3A_267 : vector<1x1x1x16xf32> to vector<16xf32>
      %swap3A_269 = vector.shape_cast %get3A_260 : vector<16xf32> to vector<1x1x1x16xf32>
      tpu.vector_store %arg8[%swap3A_263, %swap3A_264, %swap3A_265, %swap3A_266], %swap3A_269 {strides = array<i32>} : memref<2x4x27x64xf32, #tpu.memory_space<vmem>>, vector<1x1x1x16xf32>,
      %get3A_270 = arith.constant 0 : i32
      %get3A_271 = arith.constant 0 : i32
      %get3A_272 = arith.index_cast %get3A_270 : i32 to index
      %get3A_273 = arith.index_cast %get3A_271 : i32 to index
      %get3A_274 = arith.constant 16 : index
      %get3A_275 = tpu.vector_load %arg9[%get3A_272, %get3A_273, %get3A_274] {strides = array<i32>} : memref<2x4x128xf32, #tpu.memory_space<vmem>>, vector<1x1x16xf32>,
      %get3A_276 = vector.shape_cast %get3A_275 : vector<1x1x16xf32> to vector<16xf32>
      %swap3A_277 = arith.constant 0 : i32
      %swap3A_278 = arith.constant 0 : i32
      %swap3A_279 = arith.constant 26 : i32
      %swap3A_280 = arith.index_cast %swap3A_277 : i32 to index
      %swap3A_281 = arith.index_cast %swap3A_278 : i32 to index
      %swap3A_282 = arith.index_cast %swap3A_279 : i32 to index
      %swap3A_283 = arith.constant 16 : index
      %swap3A_284 = tpu.vector_load %arg8[%swap3A_280, %swap3A_281, %swap3A_282, %swap3A_283] {strides = array<i32>} : memref<2x4x27x64xf32, #tpu.memory_space<vmem>>, vector<1x1x1x16xf32>,
      %swap3A_285 = vector.shape_cast %swap3A_284 : vector<1x1x1x16xf32> to vector<16xf32>
      %swap3A_286 = vector.shape_cast %get3A_276 : vector<16xf32> to vector<1x1x1x16xf32>
      tpu.vector_store %arg8[%swap3A_280, %swap3A_281, %swap3A_282, %swap3A_283], %swap3A_286 {strides = array<i32>} : memref<2x4x27x64xf32, #tpu.memory_space<vmem>>, vector<1x1x1x16xf32>,
      %get3A_287 = arith.constant 0 : i32
      %get3A_288 = arith.constant 0 : i32
      %get3A_289 = arith.index_cast %get3A_287 : i32 to index
      %get3A_290 = arith.index_cast %get3A_288 : i32 to index
      %get3A_291 = arith.constant 32 : index
      %get3A_292 = tpu.vector_load %arg9[%get3A_289, %get3A_290, %get3A_291] {strides = array<i32>} : memref<2x4x128xf32, #tpu.memory_space<vmem>>, vector<1x1x16xf32>,
      %get3A_293 = vector.shape_cast %get3A_292 : vector<1x1x16xf32> to vector<16xf32>
      %swap3A_294 = arith.constant 0 : i32
      %swap3A_295 = arith.constant 0 : i32
      %swap3A_296 = arith.constant 26 : i32
      %swap3A_297 = arith.index_cast %swap3A_294 : i32 to index
      %swap3A_298 = arith.index_cast %swap3A_295 : i32 to index
      %swap3A_299 = arith.index_cast %swap3A_296 : i32 to index
      %swap3A_300 = arith.constant 32 : index
      %swap3A_301 = tpu.vector_load %arg8[%swap3A_297, %swap3A_298, %swap3A_299, %swap3A_300] {strides = array<i32>} : memref<2x4x27x64xf32, #tpu.memory_space<vmem>>, vector<1x1x1x16xf32>,
      %swap3A_302 = vector.shape_cast %swap3A_301 : vector<1x1x1x16xf32> to vector<16xf32>
      %swap3A_303 = vector.shape_cast %get3A_293 : vector<16xf32> to vector<1x1x1x16xf32>
      tpu.vector_store %arg8[%swap3A_297, %swap3A_298, %swap3A_299, %swap3A_300], %swap3A_303 {strides = array<i32>} : memref<2x4x27x64xf32, #tpu.memory_space<vmem>>, vector<1x1x1x16xf32>,
      %get3A_304 = arith.constant 0 : i32
      %get3A_305 = arith.constant 0 : i32
      %get3A_306 = arith.index_cast %get3A_304 : i32 to index
      %get3A_307 = arith.index_cast %get3A_305 : i32 to index
      %get3A_308 = arith.constant 48 : index
      %get3A_309 = tpu.vector_load %arg9[%get3A_306, %get3A_307, %get3A_308] {strides = array<i32>} : memref<2x4x128xf32, #tpu.memory_space<vmem>>, vector<1x1x16xf32>,
      %get3A_310 = vector.shape_cast %get3A_309 : vector<1x1x16xf32> to vector<16xf32>
      %swap3A_311 = arith.constant 0 : i32
      %swap3A_312 = arith.constant 0 : i32
      %swap3A_313 = arith.constant 26 : i32
      %swap3A_314 = arith.index_cast %swap3A_311 : i32 to index
      %swap3A_315 = arith.index_cast %swap3A_312 : i32 to index
      %swap3A_316 = arith.index_cast %swap3A_313 : i32 to index
      %swap3A_317 = arith.constant 48 : index
      %swap3A_318 = tpu.vector_load %arg8[%swap3A_314, %swap3A_315, %swap3A_316, %swap3A_317] {strides = array<i32>} : memref<2x4x27x64xf32, #tpu.memory_space<vmem>>, vector<1x1x1x16xf32>,
      %swap3A_319 = vector.shape_cast %swap3A_318 : vector<1x1x1x16xf32> to vector<16xf32>
      %swap3A_320 = vector.shape_cast %get3A_310 : vector<16xf32> to vector<1x1x1x16xf32>
      tpu.vector_store %arg8[%swap3A_314, %swap3A_315, %swap3A_316, %swap3A_317], %swap3A_320 {strides = array<i32>} : memref<2x4x27x64xf32, #tpu.memory_space<vmem>>, vector<1x1x1x16xf32>,
      %get3A_321 = arith.constant 0 : i32
      %get3A_322 = arith.constant 1 : i32
      %get3A_323 = arith.index_cast %get3A_321 : i32 to index
      %get3A_324 = arith.index_cast %get3A_322 : i32 to index
      %get3A_325 = arith.constant 0 : index
      %get3A_326 = tpu.vector_load %arg9[%get3A_323, %get3A_324, %get3A_325] {strides = array<i32>} : memref<2x4x128xf32, #tpu.memory_space<vmem>>, vector<1x1x16xf32>,
      %get3A_327 = vector.shape_cast %get3A_326 : vector<1x1x16xf32> to vector<16xf32>
      %swap3A_328 = arith.constant 0 : i32
      %swap3A_329 = arith.constant 1 : i32
      %swap3A_330 = arith.constant 26 : i32
      %swap3A_331 = arith.index_cast %swap3A_328 : i32 to index
      %swap3A_332 = arith.index_cast %swap3A_329 : i32 to index
      %swap3A_333 = arith.index_cast %swap3A_330 : i32 to index
      %swap3A_334 = arith.constant 0 : index
      %swap3A_335 = tpu.vector_load %arg8[%swap3A_331, %swap3A_332, %swap3A_333, %swap3A_334] {strides = array<i32>} : memref<2x4x27x64xf32, #tpu.memory_space<vmem>>, vector<1x1x1x16xf32>,
      %swap3A_336 = vector.shape_cast %swap3A_335 : vector<1x1x1x16xf32> to vector<16xf32>
      %swap3A_337 = vector.shape_cast %get3A_327 : vector<16xf32> to vector<1x1x1x16xf32>
      tpu.vector_store %arg8[%swap3A_331, %swap3A_332, %swap3A_333, %swap3A_334], %swap3A_337 {strides = array<i32>} : memref<2x4x27x64xf32, #tpu.memory_space<vmem>>, vector<1x1x1x16xf32>,
      %get3A_338 = arith.constant 0 : i32
      %get3A_339 = arith.constant 1 : i32
      %get3A_340 = arith.index_cast %get3A_338 : i32 to index
      %get3A_341 = arith.index_cast %get3A_339 : i32 to index
      %get3A_342 = arith.constant 16 : index
      %get3A_343 = tpu.vector_load %arg9[%get3A_340, %get3A_341, %get3A_342] {strides = array<i32>} : memref<2x4x128xf32, #tpu.memory_space<vmem>>, vector<1x1x16xf32>,
      %get3A_344 = vector.shape_cast %get3A_343 : vector<1x1x16xf32> to vector<16xf32>
      %swap3A_345 = arith.constant 0 : i32
      %swap3A_346 = arith.constant 1 : i32
      %swap3A_347 = arith.constant 26 : i32
      %swap3A_348 = arith.index_cast %swap3A_345 : i32 to index
      %swap3A_349 = arith.index_cast %swap3A_346 : i32 to index
      %swap3A_350 = arith.index_cast %swap3A_347 : i32 to index
      %swap3A_351 = arith.constant 16 : index
      %swap3A_352 = tpu.vector_load %arg8[%swap3A_348, %swap3A_349, %swap3A_350, %swap3A_351] {strides = array<i32>} : memref<2x4x27x64xf32, #tpu.memory_space<vmem>>, vector<1x1x1x16xf32>,
      %swap3A_353 = vector.shape_cast %swap3A_352 : vector<1x1x1x16xf32> to vector<16xf32>
      %swap3A_354 = vector.shape_cast %get3A_344 : vector<16xf32> to vector<1x1x1x16xf32>
      tpu.vector_store %arg8[%swap3A_348, %swap3A_349, %swap3A_350, %swap3A_351], %swap3A_354 {strides = array<i32>} : memref<2x4x27x64xf32, #tpu.memory_space<vmem>>, vector<1x1x1x16xf32>,
      %get3A_355 = arith.constant 0 : i32
      %get3A_356 = arith.constant 1 : i32
      %get3A_357 = arith.index_cast %get3A_355 : i32 to index
      %get3A_358 = arith.index_cast %get3A_356 : i32 to index
      %get3A_359 = arith.constant 32 : index
      %get3A_360 = tpu.vector_load %arg9[%get3A_357, %get3A_358, %get3A_359] {strides = array<i32>} : memref<2x4x128xf32, #tpu.memory_space<vmem>>, vector<1x1x16xf32>,
      %get3A_361 = vector.shape_cast %get3A_360 : vector<1x1x16xf32> to vector<16xf32>
      %swap3A_362 = arith.constant 0 : i32
      %swap3A_363 = arith.constant 1 : i32
      %swap3A_364 = arith.constant 26 : i32
      %swap3A_365 = arith.index_cast %swap3A_362 : i32 to index
      %swap3A_366 = arith.index_cast %swap3A_363 : i32 to index
      %swap3A_367 = arith.index_cast %swap3A_364 : i32 to index
      %swap3A_368 = arith.constant 32 : index
      %swap3A_369 = tpu.vector_load %arg8[%swap3A_365, %swap3A_366, %swap3A_367, %swap3A_368] {strides = array<i32>} : memref<2x4x27x64xf32, #tpu.memory_space<vmem>>, vector<1x1x1x16xf32>,
      %swap3A_370 = vector.shape_cast %swap3A_369 : vector<1x1x1x16xf32> to vector<16xf32>
      %swap3A_371 = vector.shape_cast %get3A_361 : vector<16xf32> to vector<1x1x1x16xf32>
      tpu.vector_store %arg8[%swap3A_365, %swap3A_366, %swap3A_367, %swap3A_368], %swap3A_371 {strides = array<i32>} : memref<2x4x27x64xf32, #tpu.memory_space<vmem>>, vector<1x1x1x16xf32>,
      %get3A_372 = arith.constant 0 : i32
      %get3A_373 = arith.constant 1 : i32
      %get3A_374 = arith.index_cast %get3A_372 : i32 to index
      %get3A_375 = arith.index_cast %get3A_373 : i32 to index
      %get3A_376 = arith.constant 48 : index
      %get3A_377 = tpu.vector_load %arg9[%get3A_374, %get3A_375, %get3A_376] {strides = array<i32>} : memref<2x4x128xf32, #tpu.memory_space<vmem>>, vector<1x1x16xf32>,
      %get3A_378 = vector.shape_cast %get3A_377 : vector<1x1x16xf32> to vector<16xf32>
      %swap3A_379 = arith.constant 0 : i32
      %swap3A_380 = arith.constant 1 : i32
      %swap3A_381 = arith.constant 26 : i32
      %swap3A_382 = arith.index_cast %swap3A_379 : i32 to index
      %swap3A_383 = arith.index_cast %swap3A_380 : i32 to index
      %swap3A_384 = arith.index_cast %swap3A_381 : i32 to index
      %swap3A_385 = arith.constant 48 : index
      %swap3A_386 = tpu.vector_load %arg8[%swap3A_382, %swap3A_383, %swap3A_384, %swap3A_385] {strides = array<i32>} : memref<2x4x27x64xf32, #tpu.memory_space<vmem>>, vector<1x1x1x16xf32>,
      %swap3A_387 = vector.shape_cast %swap3A_386 : vector<1x1x1x16xf32> to vector<16xf32>
      %swap3A_388 = vector.shape_cast %get3A_378 : vector<16xf32> to vector<1x1x1x16xf32>
      tpu.vector_store %arg8[%swap3A_382, %swap3A_383, %swap3A_384, %swap3A_385], %swap3A_388 {strides = array<i32>} : memref<2x4x27x64xf32, #tpu.memory_space<vmem>>, vector<1x1x1x16xf32>,
      %get3A_389 = arith.constant 0 : i32
      %get3A_390 = arith.constant 2 : i32
      %get3A_391 = arith.index_cast %get3A_389 : i32 to index
      %get3A_392 = arith.index_cast %get3A_390 : i32 to index
      %get3A_393 = arith.constant 0 : index
      %get3A_394 = tpu.vector_load %arg9[%get3A_391, %get3A_392, %get3A_393] {strides = array<i32>} : memref<2x4x128xf32, #tpu.memory_space<vmem>>, vector<1x1x16xf32>,
      %get3A_395 = vector.shape_cast %get3A_394 : vector<1x1x16xf32> to vector<16xf32>
      %swap3A_396 = arith.constant 0 : i32
      %swap3A_397 = arith.constant 2 : i32
      %swap3A_398 = arith.constant 26 : i32
      %swap3A_399 = arith.index_cast %swap3A_396 : i32 to index
      %swap3A_400 = arith.index_cast %swap3A_397 : i32 to index
      %swap3A_401 = arith.index_cast %swap3A_398 : i32 to index
      %swap3A_402 = arith.constant 0 : index
      %swap3A_403 = tpu.vector_load %arg8[%swap3A_399, %swap3A_400, %swap3A_401, %swap3A_402] {strides = array<i32>} : memref<2x4x27x64xf32, #tpu.memory_space<vmem>>, vector<1x1x1x16xf32>,
      %swap3A_404 = vector.shape_cast %swap3A_403 : vector<1x1x1x16xf32> to vector<16xf32>
      %swap3A_405 = vector.shape_cast %get3A_395 : vector<16xf32> to vector<1x1x1x16xf32>
      tpu.vector_store %arg8[%swap3A_399, %swap3A_400, %swap3A_401, %swap3A_402], %swap3A_405 {strides = array<i32>} : memref<2x4x27x64xf32, #tpu.memory_space<vmem>>, vector<1x1x1x16xf32>,
      %get3A_406 = arith.constant 0 : i32
      %get3A_407 = arith.constant 2 : i32
      %get3A_408 = arith.index_cast %get3A_406 : i32 to index
      %get3A_409 = arith.index_cast %get3A_407 : i32 to index
      %get3A_410 = arith.constant 16 : index
      %get3A_411 = tpu.vector_load %arg9[%get3A_408, %get3A_409, %get3A_410] {strides = array<i32>} : memref<2x4x128xf32, #tpu.memory_space<vmem>>, vector<1x1x16xf32>,
      %get3A_412 = vector.shape_cast %get3A_411 : vector<1x1x16xf32> to vector<16xf32>
      %swap3A_413 = arith.constant 0 : i32
      %swap3A_414 = arith.constant 2 : i32
      %swap3A_415 = arith.constant 26 : i32
      %swap3A_416 = arith.index_cast %swap3A_413 : i32 to index
      %swap3A_417 = arith.index_cast %swap3A_414 : i32 to index
      %swap3A_418 = arith.index_cast %swap3A_415 : i32 to index
      %swap3A_419 = arith.constant 16 : index
      %swap3A_420 = tpu.vector_load %arg8[%swap3A_416, %swap3A_417, %swap3A_418, %swap3A_419] {strides = array<i32>} : memref<2x4x27x64xf32, #tpu.memory_space<vmem>>, vector<1x1x1x16xf32>,
      %swap3A_421 = vector.shape_cast %swap3A_420 : vector<1x1x1x16xf32> to vector<16xf32>
      %swap3A_422 = vector.shape_cast %get3A_412 : vector<16xf32> to vector<1x1x1x16xf32>
      tpu.vector_store %arg8[%swap3A_416, %swap3A_417, %swap3A_418, %swap3A_419], %swap3A_422 {strides = array<i32>} : memref<2x4x27x64xf32, #tpu.memory_space<vmem>>, vector<1x1x1x16xf32>,
      %get3A_423 = arith.constant 0 : i32
      %get3A_424 = arith.constant 2 : i32
      %get3A_425 = arith.index_cast %get3A_423 : i32 to index
      %get3A_426 = arith.index_cast %get3A_424 : i32 to index
      %get3A_427 = arith.constant 32 : index
      %get3A_428 = tpu.vector_load %arg9[%get3A_425, %get3A_426, %get3A_427] {strides = array<i32>} : memref<2x4x128xf32, #tpu.memory_space<vmem>>, vector<1x1x16xf32>,
      %get3A_429 = vector.shape_cast %get3A_428 : vector<1x1x16xf32> to vector<16xf32>
      %swap3A_430 = arith.constant 0 : i32
      %swap3A_431 = arith.constant 2 : i32
      %swap3A_432 = arith.constant 26 : i32
      %swap3A_433 = arith.index_cast %swap3A_430 : i32 to index
      %swap3A_434 = arith.index_cast %swap3A_431 : i32 to index
      %swap3A_435 = arith.index_cast %swap3A_432 : i32 to index
      %swap3A_436 = arith.constant 32 : index
      %swap3A_437 = tpu.vector_load %arg8[%swap3A_433, %swap3A_434, %swap3A_435, %swap3A_436] {strides = array<i32>} : memref<2x4x27x64xf32, #tpu.memory_space<vmem>>, vector<1x1x1x16xf32>,
      %swap3A_438 = vector.shape_cast %swap3A_437 : vector<1x1x1x16xf32> to vector<16xf32>
      %swap3A_439 = vector.shape_cast %get3A_429 : vector<16xf32> to vector<1x1x1x16xf32>
      tpu.vector_store %arg8[%swap3A_433, %swap3A_434, %swap3A_435, %swap3A_436], %swap3A_439 {strides = array<i32>} : memref<2x4x27x64xf32, #tpu.memory_space<vmem>>, vector<1x1x1x16xf32>,
      %get3A_440 = arith.constant 0 : i32
      %get3A_441 = arith.constant 2 : i32
      %get3A_442 = arith.index_cast %get3A_440 : i32 to index
      %get3A_443 = arith.index_cast %get3A_441 : i32 to index
      %get3A_444 = arith.constant 48 : index
      %get3A_445 = tpu.vector_load %arg9[%get3A_442, %get3A_443, %get3A_444] {strides = array<i32>} : memref<2x4x128xf32, #tpu.memory_space<vmem>>, vector<1x1x16xf32>,
      %get3A_446 = vector.shape_cast %get3A_445 : vector<1x1x16xf32> to vector<16xf32>
      %swap3A_447 = arith.constant 0 : i32
      %swap3A_448 = arith.constant 2 : i32
      %swap3A_449 = arith.constant 26 : i32
      %swap3A_450 = arith.index_cast %swap3A_447 : i32 to index
      %swap3A_451 = arith.index_cast %swap3A_448 : i32 to index
      %swap3A_452 = arith.index_cast %swap3A_449 : i32 to index
      %swap3A_453 = arith.constant 48 : index
      %swap3A_454 = tpu.vector_load %arg8[%swap3A_450, %swap3A_451, %swap3A_452, %swap3A_453] {strides = array<i32>} : memref<2x4x27x64xf32, #tpu.memory_space<vmem>>, vector<1x1x1x16xf32>,
      %swap3A_455 = vector.shape_cast %swap3A_454 : vector<1x1x1x16xf32> to vector<16xf32>
      %swap3A_456 = vector.shape_cast %get3A_446 : vector<16xf32> to vector<1x1x1x16xf32>
      tpu.vector_store %arg8[%swap3A_450, %swap3A_451, %swap3A_452, %swap3A_453], %swap3A_456 {strides = array<i32>} : memref<2x4x27x64xf32, #tpu.memory_space<vmem>>, vector<1x1x1x16xf32>,
      %get3A_457 = arith.constant 0 : i32
      %get3A_458 = arith.constant 3 : i32
      %get3A_459 = arith.index_cast %get3A_457 : i32 to index
      %get3A_460 = arith.index_cast %get3A_458 : i32 to index
      %get3A_461 = arith.constant 0 : index
      %get3A_462 = tpu.vector_load %arg9[%get3A_459, %get3A_460, %get3A_461] {strides = array<i32>} : memref<2x4x128xf32, #tpu.memory_space<vmem>>, vector<1x1x16xf32>,
      %get3A_463 = vector.shape_cast %get3A_462 : vector<1x1x16xf32> to vector<16xf32>
      %swap3A_464 = arith.constant 0 : i32
      %swap3A_465 = arith.constant 3 : i32
      %swap3A_466 = arith.constant 26 : i32
      %swap3A_467 = arith.index_cast %swap3A_464 : i32 to index
      %swap3A_468 = arith.index_cast %swap3A_465 : i32 to index
      %swap3A_469 = arith.index_cast %swap3A_466 : i32 to index
      %swap3A_470 = arith.constant 0 : index
      %swap3A_471 = tpu.vector_load %arg8[%swap3A_467, %swap3A_468, %swap3A_469, %swap3A_470] {strides = array<i32>} : memref<2x4x27x64xf32, #tpu.memory_space<vmem>>, vector<1x1x1x16xf32>,
      %swap3A_472 = vector.shape_cast %swap3A_471 : vector<1x1x1x16xf32> to vector<16xf32>
      %swap3A_473 = vector.shape_cast %get3A_463 : vector<16xf32> to vector<1x1x1x16xf32>
      tpu.vector_store %arg8[%swap3A_467, %swap3A_468, %swap3A_469, %swap3A_470], %swap3A_473 {strides = array<i32>} : memref<2x4x27x64xf32, #tpu.memory_space<vmem>>, vector<1x1x1x16xf32>,
      %get3A_474 = arith.constant 0 : i32
      %get3A_475 = arith.constant 3 : i32
      %get3A_476 = arith.index_cast %get3A_474 : i32 to index
      %get3A_477 = arith.index_cast %get3A_475 : i32 to index
      %get3A_478 = arith.constant 16 : index
      %get3A_479 = tpu.vector_load %arg9[%get3A_476, %get3A_477, %get3A_478] {strides = array<i32>} : memref<2x4x128xf32, #tpu.memory_space<vmem>>, vector<1x1x16xf32>,
      %get3A_480 = vector.shape_cast %get3A_479 : vector<1x1x16xf32> to vector<16xf32>
      %swap3A_481 = arith.constant 0 : i32
      %swap3A_482 = arith.constant 3 : i32
      %swap3A_483 = arith.constant 26 : i32
      %swap3A_484 = arith.index_cast %swap3A_481 : i32 to index
      %swap3A_485 = arith.index_cast %swap3A_482 : i32 to index
      %swap3A_486 = arith.index_cast %swap3A_483 : i32 to index
      %swap3A_487 = arith.constant 16 : index
      %swap3A_488 = tpu.vector_load %arg8[%swap3A_484, %swap3A_485, %swap3A_486, %swap3A_487] {strides = array<i32>} : memref<2x4x27x64xf32, #tpu.memory_space<vmem>>, vector<1x1x1x16xf32>,
      %swap3A_489 = vector.shape_cast %swap3A_488 : vector<1x1x1x16xf32> to vector<16xf32>
      %swap3A_490 = vector.shape_cast %get3A_480 : vector<16xf32> to vector<1x1x1x16xf32>
      tpu.vector_store %arg8[%swap3A_484, %swap3A_485, %swap3A_486, %swap3A_487], %swap3A_490 {strides = array<i32>} : memref<2x4x27x64xf32, #tpu.memory_space<vmem>>, vector<1x1x1x16xf32>,
      %get3A_491 = arith.constant 0 : i32
      %get3A_492 = arith.constant 3 : i32
      %get3A_493 = arith.index_cast %get3A_491 : i32 to index
      %get3A_494 = arith.index_cast %get3A_492 : i32 to index
      %get3A_495 = arith.constant 32 : index
      %get3A_496 = tpu.vector_load %arg9[%get3A_493, %get3A_494, %get3A_495] {strides = array<i32>} : memref<2x4x128xf32, #tpu.memory_space<vmem>>, vector<1x1x16xf32>,
      %get3A_497 = vector.shape_cast %get3A_496 : vector<1x1x16xf32> to vector<16xf32>
      %swap3A_498 = arith.constant 0 : i32
      %swap3A_499 = arith.constant 3 : i32
      %swap3A_500 = arith.constant 26 : i32
      %swap3A_501 = arith.index_cast %swap3A_498 : i32 to index
      %swap3A_502 = arith.index_cast %swap3A_499 : i32 to index
      %swap3A_503 = arith.index_cast %swap3A_500 : i32 to index
      %swap3A_504 = arith.constant 32 : index
      %swap3A_505 = tpu.vector_load %arg8[%swap3A_501, %swap3A_502, %swap3A_503, %swap3A_504] {strides = array<i32>} : memref<2x4x27x64xf32, #tpu.memory_space<vmem>>, vector<1x1x1x16xf32>,
      %swap3A_506 = vector.shape_cast %swap3A_505 : vector<1x1x1x16xf32> to vector<16xf32>
      %swap3A_507 = vector.shape_cast %get3A_497 : vector<16xf32> to vector<1x1x1x16xf32>
      tpu.vector_store %arg8[%swap3A_501, %swap3A_502, %swap3A_503, %swap3A_504], %swap3A_507 {strides = array<i32>} : memref<2x4x27x64xf32, #tpu.memory_space<vmem>>, vector<1x1x1x16xf32>,
      %get3A_508 = arith.constant 0 : i32
      %get3A_509 = arith.constant 3 : i32
      %get3A_510 = arith.index_cast %get3A_508 : i32 to index
      %get3A_511 = arith.index_cast %get3A_509 : i32 to index
      %get3A_512 = arith.constant 48 : index
      %get3A_513 = tpu.vector_load %arg9[%get3A_510, %get3A_511, %get3A_512] {strides = array<i32>} : memref<2x4x128xf32, #tpu.memory_space<vmem>>, vector<1x1x16xf32>,
      %get3A_514 = vector.shape_cast %get3A_513 : vector<1x1x16xf32> to vector<16xf32>
      %swap3A_515 = arith.constant 0 : i32
      %swap3A_516 = arith.constant 3 : i32
      %swap3A_517 = arith.constant 26 : i32
      %swap3A_518 = arith.index_cast %swap3A_515 : i32 to index
      %swap3A_519 = arith.index_cast %swap3A_516 : i32 to index
      %swap3A_520 = arith.index_cast %swap3A_517 : i32 to index
      %swap3A_521 = arith.constant 48 : index
      %swap3A_522 = tpu.vector_load %arg8[%swap3A_518, %swap3A_519, %swap3A_520, %swap3A_521] {strides = array<i32>} : memref<2x4x27x64xf32, #tpu.memory_space<vmem>>, vector<1x1x1x16xf32>,
      %swap3A_523 = vector.shape_cast %swap3A_522 : vector<1x1x1x16xf32> to vector<16xf32>
      %swap3A_524 = vector.shape_cast %get3A_514 : vector<16xf32> to vector<1x1x1x16xf32>
      tpu.vector_store %arg8[%swap3A_518, %swap3A_519, %swap3A_520, %swap3A_521], %swap3A_524 {strides = array<i32>} : memref<2x4x27x64xf32, #tpu.memory_space<vmem>>, vector<1x1x1x16xf32>,
      %dma_start3A_525 = arith.constant 0 : i32
      %dma_start3A_526 = arith.constant 0 : i32
      %dma_start3A_527 = arith.constant 0 : i32
      %dma_start3A_528 = arith.constant 0 : i32
      %dma_start3A_529 = tpu.memref_slice %arg8[%dma_start3A_525, %dma_start3A_526, %dma_start3A_527, %dma_start3A_528] : memref<2x4x27x64xf32, #tpu.memory_space<vmem>> -> memref<1x4x27x64xf32, #tpu.memory_space<vmem>>
      %dma_start3A_530 = tpu.memref_squeeze %dma_start3A_529 : memref<1x4x27x64xf32, #tpu.memory_space<vmem>> -> memref<4x27x64xf32, #tpu.memory_space<vmem>>
      %dma_start3A_531 = arith.constant 0 : i32
      %dma_start3A_532 = arith.constant 0 : i32
      %dma_start3A_533 = tpu.memref_slice %arg5[%add3A_64, %dma_start3A_531, %dma_start3A_532] : memref<16384x27x64xf32, #tpu.memory_space<hbm>> -> memref<4x27x64xf32, #tpu.memory_space<hbm>>
      %dma_start3A_534 = arith.constant 0 : i32
      %dma_start3A_535 = arith.constant 0 : i32
      %dma_start3A_536 = tpu.memref_slice %arg5[%add3A_64, %dma_start3A_534, %dma_start3A_535] : memref<16384x27x64xf32, #tpu.memory_space<hbm>> -> memref<4x27x64xf32, #tpu.memory_space<hbm>>
      %dma_start3A_537 = arith.constant 0 : i32
      %dma_start3A_538 = arith.constant 0 : i32
      %dma_start3A_539 = arith.constant 0 : i32
      %dma_start3A_540 = tpu.memref_slice %arg8[%dma_start3A_525, %dma_start3A_537, %dma_start3A_538, %dma_start3A_539] : memref<2x4x27x64xf32, #tpu.memory_space<vmem>> -> memref<1x4x27x64xf32, #tpu.memory_space<vmem>>
      %dma_start3A_541 = tpu.memref_squeeze %dma_start3A_540 : memref<1x4x27x64xf32, #tpu.memory_space<vmem>> -> memref<4x27x64xf32, #tpu.memory_space<vmem>>
      tpu.enqueue_dma source(%dma_start3A_541 : memref<4x27x64xf32, #tpu.memory_space<vmem>>) target(%dma_start3A_536 : memref<4x27x64xf32, #tpu.memory_space<hbm>>) target_semaphore(%arg12 : memref<!tpu.dma_semaphore, #tpu.memory_space<semaphore_mem>>)
      %mul3A_542 = arith.constant 2 : i32
      %mul3A_543 = arith.muli %mul3A_542, %scan3A_55 : i32
      %add3A_544 = arith.constant 1 : i32
      %add3A_545 = arith.addi %mul3A_543, %add3A_544 : i32
      %mul3A_546 = arith.constant 512 : i32
      %mul3A_547 = arith.muli %add3A, %mul3A_546 : i32
      %mul3A_548 = arith.constant 4 : i32
      %mul3A_549 = arith.muli %add3A_545, %mul3A_548 : i32
      %add3A_550 = arith.addi %mul3A_547, %mul3A_549 : i32
      %gt3A_551 = arith.constant 0 : i32
      %gt3A_552 = arith.cmpi sgt, %scan3A_55, %gt3A_551 : i32
      %convert_element_type3A_553 = arith.extui %gt3A_552 : i1 to i32
      %cond3A_554 = arith.constant 0 : i32
      %cond3A_555 = arith.cmpi ne, %convert_element_type3A_553, %cond3A_554 : i32
      scf.if %cond3A_555 {
        %sub3A = arith.constant 8 : i32
        %sub3A_1035 = arith.subi %add3A_550, %sub3A : i32
        %dma_wait3A_1036 = arith.constant 1 : i32
        %dma_wait3A_1037 = arith.constant 0 : i32
        %dma_wait3A_1038 = arith.constant 0 : i32
        %dma_wait3A_1039 = arith.constant 0 : i32
        %dma_wait3A_1040 = tpu.memref_slice %arg8[%dma_wait3A_1036, %dma_wait3A_1037, %dma_wait3A_1038, %dma_wait3A_1039] : memref<2x4x27x64xf32, #tpu.memory_space<vmem>> -> memref<1x4x27x64xf32, #tpu.memory_space<vmem>>
        %dma_wait3A_1041 = tpu.memref_squeeze %dma_wait3A_1040 : memref<1x4x27x64xf32, #tpu.memory_space<vmem>> -> memref<4x27x64xf32, #tpu.memory_space<vmem>>
        %dma_wait3A_1042 = arith.constant 0 : i32
        %dma_wait3A_1043 = arith.constant 0 : i32
        %dma_wait3A_1044 = tpu.memref_slice %arg5[%sub3A_1035, %dma_wait3A_1042, %dma_wait3A_1043] : memref<16384x27x64xf32, #tpu.memory_space<hbm>> -> memref<4x27x64xf32, #tpu.memory_space<hbm>>
        %dma_wait3A_1045 = arith.constant 0 : i32
        %dma_wait3A_1046 = arith.constant 0 : i32
        %dma_wait3A_1047 = tpu.memref_slice %arg5[%sub3A_1035, %dma_wait3A_1045, %dma_wait3A_1046] : memref<16384x27x64xf32, #tpu.memory_space<hbm>> -> memref<4x27x64xf32, #tpu.memory_space<hbm>>
        %dma_wait3A_1048 = arith.constant 0 : i32
        %dma_wait3A_1049 = arith.constant 0 : i32
        %dma_wait3A_1050 = arith.constant 0 : i32
        %dma_wait3A_1051 = tpu.memref_slice %arg8[%dma_wait3A_1036, %dma_wait3A_1048, %dma_wait3A_1049, %dma_wait3A_1050] : memref<2x4x27x64xf32, #tpu.memory_space<vmem>> -> memref<1x4x27x64xf32, #tpu.memory_space<vmem>>
        %dma_wait3A_1052 = tpu.memref_squeeze %dma_wait3A_1051 : memref<1x4x27x64xf32, #tpu.memory_space<vmem>> -> memref<4x27x64xf32, #tpu.memory_space<vmem>>
        tpu.wait_dma2 semaphore(%arg13 : memref<!tpu.dma_semaphore, #tpu.memory_space<semaphore_mem>>) src(%dma_wait3A_1052 : memref<4x27x64xf32, #tpu.memory_space<vmem>>) dst(%dma_wait3A_1047 : memref<4x27x64xf32, #tpu.memory_space<hbm>>)
      } else {
      }
      %dma_start3A_556 = arith.constant 1 : i32
      %dma_start3A_557 = arith.constant 0 : i32
      %dma_start3A_558 = arith.constant 0 : i32
      %dma_start3A_559 = tpu.memref_slice %arg9[%dma_start3A_556, %dma_start3A_557, %dma_start3A_558] : memref<2x4x128xf32, #tpu.memory_space<vmem>> -> memref<1x4x128xf32, #tpu.memory_space<vmem>>
      %dma_start3A_560 = tpu.memref_squeeze %dma_start3A_559 : memref<1x4x128xf32, #tpu.memory_space<vmem>> -> memref<4x128xf32, #tpu.memory_space<vmem>>
      %dma_start3A_561 = arith.constant 0 : i32
      %dma_start3A_562 = tpu.memref_slice %arg3[%add3A_550, %dma_start3A_561] : memref<16384x128xf32, #tpu.memory_space<hbm>> -> memref<4x128xf32, #tpu.memory_space<hbm>>
      %dma_start3A_563 = arith.constant 0 : i32
      %dma_start3A_564 = arith.constant 0 : i32
      %dma_start3A_565 = tpu.memref_slice %arg9[%dma_start3A_556, %dma_start3A_563, %dma_start3A_564] : memref<2x4x128xf32, #tpu.memory_space<vmem>> -> memref<1x4x128xf32, #tpu.memory_space<vmem>>
      %dma_start3A_566 = tpu.memref_squeeze %dma_start3A_565 : memref<1x4x128xf32, #tpu.memory_space<vmem>> -> memref<4x128xf32, #tpu.memory_space<vmem>>
      %dma_start3A_567 = arith.constant 0 : i32
      %dma_start3A_568 = tpu.memref_slice %arg3[%add3A_550, %dma_start3A_567] : memref<16384x128xf32, #tpu.memory_space<hbm>> -> memref<4x128xf32, #tpu.memory_space<hbm>>
      tpu.enqueue_dma source(%dma_start3A_568 : memref<4x128xf32, #tpu.memory_space<hbm>>) target(%dma_start3A_566 : memref<4x128xf32, #tpu.memory_space<vmem>>) target_semaphore(%arg14 : memref<!tpu.dma_semaphore, #tpu.memory_space<semaphore_mem>>)
      %mul3A_569 = arith.constant 4 : i32
      %mul3A_570 = arith.muli %add3A_545, %mul3A_569 : i32
      %add3A_571 = arith.constant 0 : i32
      %add3A_572 = arith.addi %mul3A_570, %add3A_571 : i32
      %add3A_573 = arith.constant 1 : i32
      %add3A_574 = arith.addi %add3A_572, %add3A_573 : i32
      %lt3A_575 = arith.constant 512 : i32
      %lt3A_576 = arith.cmpi slt, %add3A_574, %lt3A_575 : i32
      %convert_element_type3A_577 = arith.extui %lt3A_576 : i1 to i32
      %cond3A_578 = arith.constant 0 : i32
      %cond3A_579 = arith.cmpi ne, %convert_element_type3A_577, %cond3A_578 : i32
      scf.if %cond3A_579 {
        %add3A_1035 = arith.constant 1 : i32
        %add3A_1036 = arith.addi %add3A_572, %add3A_1035 : i32
        %mul3A_1037 = arith.constant 26 : i32
        %mul3A_1038 = arith.muli %add3A_1036, %mul3A_1037 : i32
        %scan3A_1039 = arith.constant 0 : i32
        %scan3A_1040 = arith.constant 0 : i32
        %scan3A_1041 = arith.constant 26 : i32
        %scan3A_1042 = arith.addi %scan3A_1040, %scan3A_1041 : i32
        %scan3A_1043 = arith.constant 2 : i32
        scf.for %scan3A_1045 = %scan3A_1040 to %scan3A_1042 step %scan3A_1043  : i32 {
          %add3A_1046 = arith.addi %mul3A_1038, %scan3A_1045 : i32
          %get3A_1047 = arith.index_cast %add3A_1046 : i32 to index
          %get3A_1048 = tpu.vector_load %arg6[%get3A_1047] {strides = array<i32>} : memref<13328xi32, #tpu.memory_space<vmem>>, vector<16xi32>,
          %get3A_1049 = vector.shape_cast %get3A_1048 : vector<16xi32> to vector<16xi32>
          %slice3A = vector.extract_strided_slice %get3A_1049 {offsets = [0], sizes = [1], strides = [1]} : vector<16xi32> to vector<1xi32>
          %squeeze3A = vector.extract %slice3A[0] : i32 from vector<1xi32>
          %and3A = arith.constant -8 : i32
          %and3A_1050 = arith.andi %squeeze3A, %and3A : i32
          %multiple_of3A = tpu.assume_multiple %and3A_1050, 8 : i32
          %dma_start3A_1051 = arith.constant 1 : i32
          %dma_start3A_1052 = arith.constant 0 : i32
          %dma_start3A_1053 = arith.constant 0 : i32
          %dma_start3A_1054 = tpu.memref_slice %arg7[%dma_start3A_1051, %scan3A_1045, %dma_start3A_1052, %dma_start3A_1053] : memref<2x26x8x64xf32, #tpu.memory_space<vmem>> -> memref<1x1x8x64xf32, #tpu.memory_space<vmem>>
          %dma_start3A_1055 = tpu.memref_squeeze %dma_start3A_1054 : memref<1x1x8x64xf32, #tpu.memory_space<vmem>> -> memref<8x64xf32, #tpu.memory_space<vmem>>
          %dma_start3A_1056 = arith.constant 0 : i32
          %dma_start3A_1057 = tpu.memref_slice %arg4[%scan3A_1045, %multiple_of3A, %dma_start3A_1056] : memref<26x100001x64xf32, #tpu.memory_space<hbm>> -> memref<1x8x64xf32, #tpu.memory_space<hbm>>
          %dma_start3A_1058 = tpu.memref_squeeze %dma_start3A_1057 : memref<1x8x64xf32, #tpu.memory_space<hbm>> -> memref<8x64xf32, #tpu.memory_space<hbm>>
          %dma_start3A_1059 = arith.constant 0 : i32
          %dma_start3A_1060 = arith.constant 0 : i32
          %dma_start3A_1061 = tpu.memref_slice %arg7[%dma_start3A_1051, %scan3A_1045, %dma_start3A_1059, %dma_start3A_1060] : memref<2x26x8x64xf32, #tpu.memory_space<vmem>> -> memref<1x1x8x64xf32, #tpu.memory_space<vmem>>
          %dma_start3A_1062 = tpu.memref_squeeze %dma_start3A_1061 : memref<1x1x8x64xf32, #tpu.memory_space<vmem>> -> memref<8x64xf32, #tpu.memory_space<vmem>>
          %dma_start3A_1063 = arith.constant 0 : i32
          %dma_start3A_1064 = tpu.memref_slice %arg4[%scan3A_1045, %multiple_of3A, %dma_start3A_1063] : memref<26x100001x64xf32, #tpu.memory_space<hbm>> -> memref<1x8x64xf32, #tpu.memory_space<hbm>>
          %dma_start3A_1065 = tpu.memref_squeeze %dma_start3A_1064 : memref<1x8x64xf32, #tpu.memory_space<hbm>> -> memref<8x64xf32, #tpu.memory_space<hbm>>
          tpu.enqueue_dma source(%dma_start3A_1065 : memref<8x64xf32, #tpu.memory_space<hbm>>) target(%dma_start3A_1062 : memref<8x64xf32, #tpu.memory_space<vmem>>) target_semaphore(%arg11 : memref<!tpu.dma_semaphore, #tpu.memory_space<semaphore_mem>>)
          %scan3A_1066 = arith.constant 1 : i32
          %scan3A_1067 = arith.addi %scan3A_1045, %scan3A_1066 : i32
          %add3A_1068 = arith.addi %mul3A_1038, %scan3A_1067 : i32
          %get3A_1069 = arith.index_cast %add3A_1068 : i32 to index
          %get3A_1070 = tpu.vector_load %arg6[%get3A_1069] {strides = array<i32>} : memref<13328xi32, #tpu.memory_space<vmem>>, vector<16xi32>,
          %get3A_1071 = vector.shape_cast %get3A_1070 : vector<16xi32> to vector<16xi32>
          %slice3A_1072 = vector.extract_strided_slice %get3A_1071 {offsets = [0], sizes = [1], strides = [1]} : vector<16xi32> to vector<1xi32>
          %squeeze3A_1073 = vector.extract %slice3A_1072[0] : i32 from vector<1xi32>
          %and3A_1074 = arith.constant -8 : i32
          %and3A_1075 = arith.andi %squeeze3A_1073, %and3A_1074 : i32
          %multiple_of3A_1076 = tpu.assume_multiple %and3A_1075, 8 : i32
          %dma_start3A_1077 = arith.constant 1 : i32
          %dma_start3A_1078 = arith.constant 0 : i32
          %dma_start3A_1079 = arith.constant 0 : i32
          %dma_start3A_1080 = tpu.memref_slice %arg7[%dma_start3A_1077, %scan3A_1067, %dma_start3A_1078, %dma_start3A_1079] : memref<2x26x8x64xf32, #tpu.memory_space<vmem>> -> memref<1x1x8x64xf32, #tpu.memory_space<vmem>>
          %dma_start3A_1081 = tpu.memref_squeeze %dma_start3A_1080 : memref<1x1x8x64xf32, #tpu.memory_space<vmem>> -> memref<8x64xf32, #tpu.memory_space<vmem>>
          %dma_start3A_1082 = arith.constant 0 : i32
          %dma_start3A_1083 = tpu.memref_slice %arg4[%scan3A_1067, %multiple_of3A_1076, %dma_start3A_1082] : memref<26x100001x64xf32, #tpu.memory_space<hbm>> -> memref<1x8x64xf32, #tpu.memory_space<hbm>>
          %dma_start3A_1084 = tpu.memref_squeeze %dma_start3A_1083 : memref<1x8x64xf32, #tpu.memory_space<hbm>> -> memref<8x64xf32, #tpu.memory_space<hbm>>
          %dma_start3A_1085 = arith.constant 0 : i32
          %dma_start3A_1086 = arith.constant 0 : i32
          %dma_start3A_1087 = tpu.memref_slice %arg7[%dma_start3A_1077, %scan3A_1067, %dma_start3A_1085, %dma_start3A_1086] : memref<2x26x8x64xf32, #tpu.memory_space<vmem>> -> memref<1x1x8x64xf32, #tpu.memory_space<vmem>>
          %dma_start3A_1088 = tpu.memref_squeeze %dma_start3A_1087 : memref<1x1x8x64xf32, #tpu.memory_space<vmem>> -> memref<8x64xf32, #tpu.memory_space<vmem>>
          %dma_start3A_1089 = arith.constant 0 : i32
          %dma_start3A_1090 = tpu.memref_slice %arg4[%scan3A_1067, %multiple_of3A_1076, %dma_start3A_1089] : memref<26x100001x64xf32, #tpu.memory_space<hbm>> -> memref<1x8x64xf32, #tpu.memory_space<hbm>>
          %dma_start3A_1091 = tpu.memref_squeeze %dma_start3A_1090 : memref<1x8x64xf32, #tpu.memory_space<hbm>> -> memref<8x64xf32, #tpu.memory_space<hbm>>
          tpu.enqueue_dma source(%dma_start3A_1091 : memref<8x64xf32, #tpu.memory_space<hbm>>) target(%dma_start3A_1088 : memref<8x64xf32, #tpu.memory_space<vmem>>) target_semaphore(%arg11 : memref<!tpu.dma_semaphore, #tpu.memory_space<semaphore_mem>>)
        }
        %scan3A_1044 = arith.constant 26 : i32
      } else {
      }
      %dma_wait3A_580 = arith.constant 0 : i32
      %dma_wait3A_581 = arith.constant 0 : i32
      %dma_wait3A_582 = arith.constant 0 : i32
      %dma_wait3A_583 = arith.constant 0 : i32
      %dma_wait3A_584 = arith.constant 0 : i32
      %dma_wait3A_585 = tpu.memref_slice %arg7[%dma_wait3A_581, %dma_wait3A_582, %dma_wait3A_583, %dma_wait3A_584] : memref<2x26x8x64xf32, #tpu.memory_space<vmem>> -> memref<1x26x8x64xf32, #tpu.memory_space<vmem>>
      %dma_wait3A_586 = tpu.memref_squeeze %dma_wait3A_585 : memref<1x26x8x64xf32, #tpu.memory_space<vmem>> -> memref<26x8x64xf32, #tpu.memory_space<vmem>>
      %dma_wait3A_587 = arith.constant 0 : i32
      %dma_wait3A_588 = arith.constant 0 : i32
      %dma_wait3A_589 = tpu.memref_slice %arg4[%dma_wait3A_580, %dma_wait3A_587, %dma_wait3A_588] : memref<26x100001x64xf32, #tpu.memory_space<hbm>> -> memref<1x208x64xf32, #tpu.memory_space<hbm>>
      %dma_wait3A_590 = tpu.memref_squeeze %dma_wait3A_589 : memref<1x208x64xf32, #tpu.memory_space<hbm>> -> memref<208x64xf32, #tpu.memory_space<hbm>>
      %dma_wait3A_591 = tpu.memref_reshape %dma_wait3A_590 : memref<208x64xf32, #tpu.memory_space<hbm>> -> memref<26x8x64xf32, #tpu.memory_space<hbm>>
      %dma_wait3A_592 = arith.constant 0 : i32
      %dma_wait3A_593 = arith.constant 0 : i32
      %dma_wait3A_594 = arith.constant 0 : i32
      %dma_wait3A_595 = tpu.memref_slice %arg7[%dma_wait3A_581, %dma_wait3A_592, %dma_wait3A_593, %dma_wait3A_594] : memref<2x26x8x64xf32, #tpu.memory_space<vmem>> -> memref<1x26x8x64xf32, #tpu.memory_space<vmem>>
      %dma_wait3A_596 = tpu.memref_squeeze %dma_wait3A_595 : memref<1x26x8x64xf32, #tpu.memory_space<vmem>> -> memref<26x8x64xf32, #tpu.memory_space<vmem>>
      %dma_wait3A_597 = arith.constant 0 : i32
      %dma_wait3A_598 = arith.constant 0 : i32
      %dma_wait3A_599 = tpu.memref_slice %arg4[%dma_wait3A_580, %dma_wait3A_597, %dma_wait3A_598] : memref<26x100001x64xf32, #tpu.memory_space<hbm>> -> memref<1x208x64xf32, #tpu.memory_space<hbm>>
      %dma_wait3A_600 = tpu.memref_squeeze %dma_wait3A_599 : memref<1x208x64xf32, #tpu.memory_space<hbm>> -> memref<208x64xf32, #tpu.memory_space<hbm>>
      %dma_wait3A_601 = tpu.memref_reshape %dma_wait3A_600 : memref<208x64xf32, #tpu.memory_space<hbm>> -> memref<26x8x64xf32, #tpu.memory_space<hbm>>
      tpu.wait_dma2 semaphore(%arg10 : memref<!tpu.dma_semaphore, #tpu.memory_space<semaphore_mem>>) src(%dma_wait3A_601 : memref<26x8x64xf32, #tpu.memory_space<hbm>>) dst(%dma_wait3A_596 : memref<26x8x64xf32, #tpu.memory_space<vmem>>)
      %mul3A_602 = arith.constant 26 : i32
      %mul3A_603 = arith.muli %add3A_572, %mul3A_602 : i32
      %scan3A_604 = arith.constant 0 : i32
      %scan3A_605 = arith.constant 0 : i32
      %scan3A_606 = arith.constant 26 : i32
      %scan3A_607 = arith.addi %scan3A_605, %scan3A_606 : i32
      %scan3A_608 = arith.constant 2 : i32
      scf.for %scan3A_1035 = %scan3A_605 to %scan3A_607 step %scan3A_608  : i32 {
        %add3A_1036 = arith.addi %mul3A_603, %scan3A_1035 : i32
        %get3A_1037 = arith.index_cast %add3A_1036 : i32 to index
        %get3A_1038 = tpu.vector_load %arg6[%get3A_1037] {strides = array<i32>} : memref<13328xi32, #tpu.memory_space<vmem>>, vector<16xi32>,
        %get3A_1039 = vector.shape_cast %get3A_1038 : vector<16xi32> to vector<16xi32>
        %slice3A = vector.extract_strided_slice %get3A_1039 {offsets = [0], sizes = [1], strides = [1]} : vector<16xi32> to vector<1xi32>
        %squeeze3A = vector.extract %slice3A[0] : i32 from vector<1xi32>
        %and3A = arith.constant 7 : i32
        %and3A_1040 = arith.andi %squeeze3A, %and3A : i32
        %get3A_1041 = arith.constant 0 : i32
        %get3A_1042 = arith.index_cast %get3A_1041 : i32 to index
        %get3A_1043 = arith.index_cast %scan3A_1035 : i32 to index
        %get3A_1044 = arith.index_cast %and3A_1040 : i32 to index
        %get3A_1045 = arith.constant 0 : index
        %get3A_1046 = tpu.vector_load %arg7[%get3A_1042, %get3A_1043, %get3A_1044, %get3A_1045] {strides = array<i32>} : memref<2x26x8x64xf32, #tpu.memory_space<vmem>>, vector<1x1x1x16xf32>,
        %get3A_1047 = vector.shape_cast %get3A_1046 : vector<1x1x1x16xf32> to vector<16xf32>
        %swap3A_1048 = arith.constant 1 : i32
        %swap3A_1049 = arith.constant 0 : i32
        %swap3A_1050 = arith.index_cast %swap3A_1048 : i32 to index
        %swap3A_1051 = arith.index_cast %swap3A_1049 : i32 to index
        %swap3A_1052 = arith.index_cast %scan3A_1035 : i32 to index
        %swap3A_1053 = arith.constant 0 : index
        %swap3A_1054 = tpu.vector_load %arg8[%swap3A_1050, %swap3A_1051, %swap3A_1052, %swap3A_1053] {strides = array<i32>} : memref<2x4x27x64xf32, #tpu.memory_space<vmem>>, vector<1x1x1x16xf32>,
        %swap3A_1055 = vector.shape_cast %swap3A_1054 : vector<1x1x1x16xf32> to vector<16xf32>
        %swap3A_1056 = vector.shape_cast %get3A_1047 : vector<16xf32> to vector<1x1x1x16xf32>
        tpu.vector_store %arg8[%swap3A_1050, %swap3A_1051, %swap3A_1052, %swap3A_1053], %swap3A_1056 {strides = array<i32>} : memref<2x4x27x64xf32, #tpu.memory_space<vmem>>, vector<1x1x1x16xf32>,
        %get3A_1057 = arith.constant 0 : i32
        %get3A_1058 = arith.index_cast %get3A_1057 : i32 to index
        %get3A_1059 = arith.index_cast %scan3A_1035 : i32 to index
        %get3A_1060 = arith.index_cast %and3A_1040 : i32 to index
        %get3A_1061 = arith.constant 16 : index
        %get3A_1062 = tpu.vector_load %arg7[%get3A_1058, %get3A_1059, %get3A_1060, %get3A_1061] {strides = array<i32>} : memref<2x26x8x64xf32, #tpu.memory_space<vmem>>, vector<1x1x1x16xf32>,
        %get3A_1063 = vector.shape_cast %get3A_1062 : vector<1x1x1x16xf32> to vector<16xf32>
        %swap3A_1064 = arith.constant 1 : i32
        %swap3A_1065 = arith.constant 0 : i32
        %swap3A_1066 = arith.index_cast %swap3A_1064 : i32 to index
        %swap3A_1067 = arith.index_cast %swap3A_1065 : i32 to index
        %swap3A_1068 = arith.index_cast %scan3A_1035 : i32 to index
        %swap3A_1069 = arith.constant 16 : index
        %swap3A_1070 = tpu.vector_load %arg8[%swap3A_1066, %swap3A_1067, %swap3A_1068, %swap3A_1069] {strides = array<i32>} : memref<2x4x27x64xf32, #tpu.memory_space<vmem>>, vector<1x1x1x16xf32>,
        %swap3A_1071 = vector.shape_cast %swap3A_1070 : vector<1x1x1x16xf32> to vector<16xf32>
        %swap3A_1072 = vector.shape_cast %get3A_1063 : vector<16xf32> to vector<1x1x1x16xf32>
        tpu.vector_store %arg8[%swap3A_1066, %swap3A_1067, %swap3A_1068, %swap3A_1069], %swap3A_1072 {strides = array<i32>} : memref<2x4x27x64xf32, #tpu.memory_space<vmem>>, vector<1x1x1x16xf32>,
        %get3A_1073 = arith.constant 0 : i32
        %get3A_1074 = arith.index_cast %get3A_1073 : i32 to index
        %get3A_1075 = arith.index_cast %scan3A_1035 : i32 to index
        %get3A_1076 = arith.index_cast %and3A_1040 : i32 to index
        %get3A_1077 = arith.constant 32 : index
        %get3A_1078 = tpu.vector_load %arg7[%get3A_1074, %get3A_1075, %get3A_1076, %get3A_1077] {strides = array<i32>} : memref<2x26x8x64xf32, #tpu.memory_space<vmem>>, vector<1x1x1x16xf32>,
        %get3A_1079 = vector.shape_cast %get3A_1078 : vector<1x1x1x16xf32> to vector<16xf32>
        %swap3A_1080 = arith.constant 1 : i32
        %swap3A_1081 = arith.constant 0 : i32
        %swap3A_1082 = arith.index_cast %swap3A_1080 : i32 to index
        %swap3A_1083 = arith.index_cast %swap3A_1081 : i32 to index
        %swap3A_1084 = arith.index_cast %scan3A_1035 : i32 to index
        %swap3A_1085 = arith.constant 32 : index
        %swap3A_1086 = tpu.vector_load %arg8[%swap3A_1082, %swap3A_1083, %swap3A_1084, %swap3A_1085] {strides = array<i32>} : memref<2x4x27x64xf32, #tpu.memory_space<vmem>>, vector<1x1x1x16xf32>,
        %swap3A_1087 = vector.shape_cast %swap3A_1086 : vector<1x1x1x16xf32> to vector<16xf32>
        %swap3A_1088 = vector.shape_cast %get3A_1079 : vector<16xf32> to vector<1x1x1x16xf32>
        tpu.vector_store %arg8[%swap3A_1082, %swap3A_1083, %swap3A_1084, %swap3A_1085], %swap3A_1088 {strides = array<i32>} : memref<2x4x27x64xf32, #tpu.memory_space<vmem>>, vector<1x1x1x16xf32>,
        %get3A_1089 = arith.constant 0 : i32
        %get3A_1090 = arith.index_cast %get3A_1089 : i32 to index
        %get3A_1091 = arith.index_cast %scan3A_1035 : i32 to index
        %get3A_1092 = arith.index_cast %and3A_1040 : i32 to index
        %get3A_1093 = arith.constant 48 : index
        %get3A_1094 = tpu.vector_load %arg7[%get3A_1090, %get3A_1091, %get3A_1092, %get3A_1093] {strides = array<i32>} : memref<2x26x8x64xf32, #tpu.memory_space<vmem>>, vector<1x1x1x16xf32>,
        %get3A_1095 = vector.shape_cast %get3A_1094 : vector<1x1x1x16xf32> to vector<16xf32>
        %swap3A_1096 = arith.constant 1 : i32
        %swap3A_1097 = arith.constant 0 : i32
        %swap3A_1098 = arith.index_cast %swap3A_1096 : i32 to index
        %swap3A_1099 = arith.index_cast %swap3A_1097 : i32 to index
        %swap3A_1100 = arith.index_cast %scan3A_1035 : i32 to index
        %swap3A_1101 = arith.constant 48 : index
        %swap3A_1102 = tpu.vector_load %arg8[%swap3A_1098, %swap3A_1099, %swap3A_1100, %swap3A_1101] {strides = array<i32>} : memref<2x4x27x64xf32, #tpu.memory_space<vmem>>, vector<1x1x1x16xf32>,
        %swap3A_1103 = vector.shape_cast %swap3A_1102 : vector<1x1x1x16xf32> to vector<16xf32>
        %swap3A_1104 = vector.shape_cast %get3A_1095 : vector<16xf32> to vector<1x1x1x16xf32>
        tpu.vector_store %arg8[%swap3A_1098, %swap3A_1099, %swap3A_1100, %swap3A_1101], %swap3A_1104 {strides = array<i32>} : memref<2x4x27x64xf32, #tpu.memory_space<vmem>>, vector<1x1x1x16xf32>,
        %scan3A_1105 = arith.constant 1 : i32
        %scan3A_1106 = arith.addi %scan3A_1035, %scan3A_1105 : i32
        %add3A_1107 = arith.addi %mul3A_603, %scan3A_1106 : i32
        %get3A_1108 = arith.index_cast %add3A_1107 : i32 to index
        %get3A_1109 = tpu.vector_load %arg6[%get3A_1108] {strides = array<i32>} : memref<13328xi32, #tpu.memory_space<vmem>>, vector<16xi32>,
        %get3A_1110 = vector.shape_cast %get3A_1109 : vector<16xi32> to vector<16xi32>
        %slice3A_1111 = vector.extract_strided_slice %get3A_1110 {offsets = [0], sizes = [1], strides = [1]} : vector<16xi32> to vector<1xi32>
        %squeeze3A_1112 = vector.extract %slice3A_1111[0] : i32 from vector<1xi32>
        %and3A_1113 = arith.constant 7 : i32
        %and3A_1114 = arith.andi %squeeze3A_1112, %and3A_1113 : i32
        %get3A_1115 = arith.constant 0 : i32
        %get3A_1116 = arith.index_cast %get3A_1115 : i32 to index
        %get3A_1117 = arith.index_cast %scan3A_1106 : i32 to index
        %get3A_1118 = arith.index_cast %and3A_1114 : i32 to index
        %get3A_1119 = arith.constant 0 : index
        %get3A_1120 = tpu.vector_load %arg7[%get3A_1116, %get3A_1117, %get3A_1118, %get3A_1119] {strides = array<i32>} : memref<2x26x8x64xf32, #tpu.memory_space<vmem>>, vector<1x1x1x16xf32>,
        %get3A_1121 = vector.shape_cast %get3A_1120 : vector<1x1x1x16xf32> to vector<16xf32>
        %swap3A_1122 = arith.constant 1 : i32
        %swap3A_1123 = arith.constant 0 : i32
        %swap3A_1124 = arith.index_cast %swap3A_1122 : i32 to index
        %swap3A_1125 = arith.index_cast %swap3A_1123 : i32 to index
        %swap3A_1126 = arith.index_cast %scan3A_1106 : i32 to index
        %swap3A_1127 = arith.constant 0 : index
        %swap3A_1128 = tpu.vector_load %arg8[%swap3A_1124, %swap3A_1125, %swap3A_1126, %swap3A_1127] {strides = array<i32>} : memref<2x4x27x64xf32, #tpu.memory_space<vmem>>, vector<1x1x1x16xf32>,
        %swap3A_1129 = vector.shape_cast %swap3A_1128 : vector<1x1x1x16xf32> to vector<16xf32>
        %swap3A_1130 = vector.shape_cast %get3A_1121 : vector<16xf32> to vector<1x1x1x16xf32>
        tpu.vector_store %arg8[%swap3A_1124, %swap3A_1125, %swap3A_1126, %swap3A_1127], %swap3A_1130 {strides = array<i32>} : memref<2x4x27x64xf32, #tpu.memory_space<vmem>>, vector<1x1x1x16xf32>,
        %get3A_1131 = arith.constant 0 : i32
        %get3A_1132 = arith.index_cast %get3A_1131 : i32 to index
        %get3A_1133 = arith.index_cast %scan3A_1106 : i32 to index
        %get3A_1134 = arith.index_cast %and3A_1114 : i32 to index
        %get3A_1135 = arith.constant 16 : index
        %get3A_1136 = tpu.vector_load %arg7[%get3A_1132, %get3A_1133, %get3A_1134, %get3A_1135] {strides = array<i32>} : memref<2x26x8x64xf32, #tpu.memory_space<vmem>>, vector<1x1x1x16xf32>,
        %get3A_1137 = vector.shape_cast %get3A_1136 : vector<1x1x1x16xf32> to vector<16xf32>
        %swap3A_1138 = arith.constant 1 : i32
        %swap3A_1139 = arith.constant 0 : i32
        %swap3A_1140 = arith.index_cast %swap3A_1138 : i32 to index
        %swap3A_1141 = arith.index_cast %swap3A_1139 : i32 to index
        %swap3A_1142 = arith.index_cast %scan3A_1106 : i32 to index
        %swap3A_1143 = arith.constant 16 : index
        %swap3A_1144 = tpu.vector_load %arg8[%swap3A_1140, %swap3A_1141, %swap3A_1142, %swap3A_1143] {strides = array<i32>} : memref<2x4x27x64xf32, #tpu.memory_space<vmem>>, vector<1x1x1x16xf32>,
        %swap3A_1145 = vector.shape_cast %swap3A_1144 : vector<1x1x1x16xf32> to vector<16xf32>
        %swap3A_1146 = vector.shape_cast %get3A_1137 : vector<16xf32> to vector<1x1x1x16xf32>
        tpu.vector_store %arg8[%swap3A_1140, %swap3A_1141, %swap3A_1142, %swap3A_1143], %swap3A_1146 {strides = array<i32>} : memref<2x4x27x64xf32, #tpu.memory_space<vmem>>, vector<1x1x1x16xf32>,
        %get3A_1147 = arith.constant 0 : i32
        %get3A_1148 = arith.index_cast %get3A_1147 : i32 to index
        %get3A_1149 = arith.index_cast %scan3A_1106 : i32 to index
        %get3A_1150 = arith.index_cast %and3A_1114 : i32 to index
        %get3A_1151 = arith.constant 32 : index
        %get3A_1152 = tpu.vector_load %arg7[%get3A_1148, %get3A_1149, %get3A_1150, %get3A_1151] {strides = array<i32>} : memref<2x26x8x64xf32, #tpu.memory_space<vmem>>, vector<1x1x1x16xf32>,
        %get3A_1153 = vector.shape_cast %get3A_1152 : vector<1x1x1x16xf32> to vector<16xf32>
        %swap3A_1154 = arith.constant 1 : i32
        %swap3A_1155 = arith.constant 0 : i32
        %swap3A_1156 = arith.index_cast %swap3A_1154 : i32 to index
        %swap3A_1157 = arith.index_cast %swap3A_1155 : i32 to index
        %swap3A_1158 = arith.index_cast %scan3A_1106 : i32 to index
        %swap3A_1159 = arith.constant 32 : index
        %swap3A_1160 = tpu.vector_load %arg8[%swap3A_1156, %swap3A_1157, %swap3A_1158, %swap3A_1159] {strides = array<i32>} : memref<2x4x27x64xf32, #tpu.memory_space<vmem>>, vector<1x1x1x16xf32>,
        %swap3A_1161 = vector.shape_cast %swap3A_1160 : vector<1x1x1x16xf32> to vector<16xf32>
        %swap3A_1162 = vector.shape_cast %get3A_1153 : vector<16xf32> to vector<1x1x1x16xf32>
        tpu.vector_store %arg8[%swap3A_1156, %swap3A_1157, %swap3A_1158, %swap3A_1159], %swap3A_1162 {strides = array<i32>} : memref<2x4x27x64xf32, #tpu.memory_space<vmem>>, vector<1x1x1x16xf32>,
        %get3A_1163 = arith.constant 0 : i32
        %get3A_1164 = arith.index_cast %get3A_1163 : i32 to index
        %get3A_1165 = arith.index_cast %scan3A_1106 : i32 to index
        %get3A_1166 = arith.index_cast %and3A_1114 : i32 to index
        %get3A_1167 = arith.constant 48 : index
        %get3A_1168 = tpu.vector_load %arg7[%get3A_1164, %get3A_1165, %get3A_1166, %get3A_1167] {strides = array<i32>} : memref<2x26x8x64xf32, #tpu.memory_space<vmem>>, vector<1x1x1x16xf32>,
        %get3A_1169 = vector.shape_cast %get3A_1168 : vector<1x1x1x16xf32> to vector<16xf32>
        %swap3A_1170 = arith.constant 1 : i32
        %swap3A_1171 = arith.constant 0 : i32
        %swap3A_1172 = arith.index_cast %swap3A_1170 : i32 to index
        %swap3A_1173 = arith.index_cast %swap3A_1171 : i32 to index
        %swap3A_1174 = arith.index_cast %scan3A_1106 : i32 to index
        %swap3A_1175 = arith.constant 48 : index
        %swap3A_1176 = tpu.vector_load %arg8[%swap3A_1172, %swap3A_1173, %swap3A_1174, %swap3A_1175] {strides = array<i32>} : memref<2x4x27x64xf32, #tpu.memory_space<vmem>>, vector<1x1x1x16xf32>,
        %swap3A_1177 = vector.shape_cast %swap3A_1176 : vector<1x1x1x16xf32> to vector<16xf32>
        %swap3A_1178 = vector.shape_cast %get3A_1169 : vector<16xf32> to vector<1x1x1x16xf32>
        tpu.vector_store %arg8[%swap3A_1172, %swap3A_1173, %swap3A_1174, %swap3A_1175], %swap3A_1178 {strides = array<i32>} : memref<2x4x27x64xf32, #tpu.memory_space<vmem>>, vector<1x1x1x16xf32>,
      }
      %scan3A_609 = arith.constant 26 : i32
      %mul3A_610 = arith.constant 4 : i32
      %mul3A_611 = arith.muli %add3A_545, %mul3A_610 : i32
      %add3A_612 = arith.constant 1 : i32
      %add3A_613 = arith.addi %mul3A_611, %add3A_612 : i32
      %add3A_614 = arith.constant 1 : i32
      %add3A_615 = arith.addi %add3A_613, %add3A_614 : i32
      %lt3A_616 = arith.constant 512 : i32
      %lt3A_617 = arith.cmpi slt, %add3A_615, %lt3A_616 : i32
      %convert_element_type3A_618 = arith.extui %lt3A_617 : i1 to i32
      %cond3A_619 = arith.constant 0 : i32
      %cond3A_620 = arith.cmpi ne, %convert_element_type3A_618, %cond3A_619 : i32
      scf.if %cond3A_620 {
        %add3A_1035 = arith.constant 1 : i32
        %add3A_1036 = arith.addi %add3A_613, %add3A_1035 : i32
        %mul3A_1037 = arith.constant 26 : i32
        %mul3A_1038 = arith.muli %add3A_1036, %mul3A_1037 : i32
        %scan3A_1039 = arith.constant 0 : i32
        %scan3A_1040 = arith.constant 0 : i32
        %scan3A_1041 = arith.constant 26 : i32
        %scan3A_1042 = arith.addi %scan3A_1040, %scan3A_1041 : i32
        %scan3A_1043 = arith.constant 2 : i32
        scf.for %scan3A_1045 = %scan3A_1040 to %scan3A_1042 step %scan3A_1043  : i32 {
          %add3A_1046 = arith.addi %mul3A_1038, %scan3A_1045 : i32
          %get3A_1047 = arith.index_cast %add3A_1046 : i32 to index
          %get3A_1048 = tpu.vector_load %arg6[%get3A_1047] {strides = array<i32>} : memref<13328xi32, #tpu.memory_space<vmem>>, vector<16xi32>,
          %get3A_1049 = vector.shape_cast %get3A_1048 : vector<16xi32> to vector<16xi32>
          %slice3A = vector.extract_strided_slice %get3A_1049 {offsets = [0], sizes = [1], strides = [1]} : vector<16xi32> to vector<1xi32>
          %squeeze3A = vector.extract %slice3A[0] : i32 from vector<1xi32>
          %and3A = arith.constant -8 : i32
          %and3A_1050 = arith.andi %squeeze3A, %and3A : i32
          %multiple_of3A = tpu.assume_multiple %and3A_1050, 8 : i32
          %dma_start3A_1051 = arith.constant 0 : i32
          %dma_start3A_1052 = arith.constant 0 : i32
          %dma_start3A_1053 = arith.constant 0 : i32
          %dma_start3A_1054 = tpu.memref_slice %arg7[%dma_start3A_1051, %scan3A_1045, %dma_start3A_1052, %dma_start3A_1053] : memref<2x26x8x64xf32, #tpu.memory_space<vmem>> -> memref<1x1x8x64xf32, #tpu.memory_space<vmem>>
          %dma_start3A_1055 = tpu.memref_squeeze %dma_start3A_1054 : memref<1x1x8x64xf32, #tpu.memory_space<vmem>> -> memref<8x64xf32, #tpu.memory_space<vmem>>
          %dma_start3A_1056 = arith.constant 0 : i32
          %dma_start3A_1057 = tpu.memref_slice %arg4[%scan3A_1045, %multiple_of3A, %dma_start3A_1056] : memref<26x100001x64xf32, #tpu.memory_space<hbm>> -> memref<1x8x64xf32, #tpu.memory_space<hbm>>
          %dma_start3A_1058 = tpu.memref_squeeze %dma_start3A_1057 : memref<1x8x64xf32, #tpu.memory_space<hbm>> -> memref<8x64xf32, #tpu.memory_space<hbm>>
          %dma_start3A_1059 = arith.constant 0 : i32
          %dma_start3A_1060 = arith.constant 0 : i32
          %dma_start3A_1061 = tpu.memref_slice %arg7[%dma_start3A_1051, %scan3A_1045, %dma_start3A_1059, %dma_start3A_1060] : memref<2x26x8x64xf32, #tpu.memory_space<vmem>> -> memref<1x1x8x64xf32, #tpu.memory_space<vmem>>
          %dma_start3A_1062 = tpu.memref_squeeze %dma_start3A_1061 : memref<1x1x8x64xf32, #tpu.memory_space<vmem>> -> memref<8x64xf32, #tpu.memory_space<vmem>>
          %dma_start3A_1063 = arith.constant 0 : i32
          %dma_start3A_1064 = tpu.memref_slice %arg4[%scan3A_1045, %multiple_of3A, %dma_start3A_1063] : memref<26x100001x64xf32, #tpu.memory_space<hbm>> -> memref<1x8x64xf32, #tpu.memory_space<hbm>>
          %dma_start3A_1065 = tpu.memref_squeeze %dma_start3A_1064 : memref<1x8x64xf32, #tpu.memory_space<hbm>> -> memref<8x64xf32, #tpu.memory_space<hbm>>
          tpu.enqueue_dma source(%dma_start3A_1065 : memref<8x64xf32, #tpu.memory_space<hbm>>) target(%dma_start3A_1062 : memref<8x64xf32, #tpu.memory_space<vmem>>) target_semaphore(%arg10 : memref<!tpu.dma_semaphore, #tpu.memory_space<semaphore_mem>>)
          %scan3A_1066 = arith.constant 1 : i32
          %scan3A_1067 = arith.addi %scan3A_1045, %scan3A_1066 : i32
          %add3A_1068 = arith.addi %mul3A_1038, %scan3A_1067 : i32
          %get3A_1069 = arith.index_cast %add3A_1068 : i32 to index
          %get3A_1070 = tpu.vector_load %arg6[%get3A_1069] {strides = array<i32>} : memref<13328xi32, #tpu.memory_space<vmem>>, vector<16xi32>,
          %get3A_1071 = vector.shape_cast %get3A_1070 : vector<16xi32> to vector<16xi32>
          %slice3A_1072 = vector.extract_strided_slice %get3A_1071 {offsets = [0], sizes = [1], strides = [1]} : vector<16xi32> to vector<1xi32>
          %squeeze3A_1073 = vector.extract %slice3A_1072[0] : i32 from vector<1xi32>
          %and3A_1074 = arith.constant -8 : i32
          %and3A_1075 = arith.andi %squeeze3A_1073, %and3A_1074 : i32
          %multiple_of3A_1076 = tpu.assume_multiple %and3A_1075, 8 : i32
          %dma_start3A_1077 = arith.constant 0 : i32
          %dma_start3A_1078 = arith.constant 0 : i32
          %dma_start3A_1079 = arith.constant 0 : i32
          %dma_start3A_1080 = tpu.memref_slice %arg7[%dma_start3A_1077, %scan3A_1067, %dma_start3A_1078, %dma_start3A_1079] : memref<2x26x8x64xf32, #tpu.memory_space<vmem>> -> memref<1x1x8x64xf32, #tpu.memory_space<vmem>>
          %dma_start3A_1081 = tpu.memref_squeeze %dma_start3A_1080 : memref<1x1x8x64xf32, #tpu.memory_space<vmem>> -> memref<8x64xf32, #tpu.memory_space<vmem>>
          %dma_start3A_1082 = arith.constant 0 : i32
          %dma_start3A_1083 = tpu.memref_slice %arg4[%scan3A_1067, %multiple_of3A_1076, %dma_start3A_1082] : memref<26x100001x64xf32, #tpu.memory_space<hbm>> -> memref<1x8x64xf32, #tpu.memory_space<hbm>>
          %dma_start3A_1084 = tpu.memref_squeeze %dma_start3A_1083 : memref<1x8x64xf32, #tpu.memory_space<hbm>> -> memref<8x64xf32, #tpu.memory_space<hbm>>
          %dma_start3A_1085 = arith.constant 0 : i32
          %dma_start3A_1086 = arith.constant 0 : i32
          %dma_start3A_1087 = tpu.memref_slice %arg7[%dma_start3A_1077, %scan3A_1067, %dma_start3A_1085, %dma_start3A_1086] : memref<2x26x8x64xf32, #tpu.memory_space<vmem>> -> memref<1x1x8x64xf32, #tpu.memory_space<vmem>>
          %dma_start3A_1088 = tpu.memref_squeeze %dma_start3A_1087 : memref<1x1x8x64xf32, #tpu.memory_space<vmem>> -> memref<8x64xf32, #tpu.memory_space<vmem>>
          %dma_start3A_1089 = arith.constant 0 : i32
          %dma_start3A_1090 = tpu.memref_slice %arg4[%scan3A_1067, %multiple_of3A_1076, %dma_start3A_1089] : memref<26x100001x64xf32, #tpu.memory_space<hbm>> -> memref<1x8x64xf32, #tpu.memory_space<hbm>>
          %dma_start3A_1091 = tpu.memref_squeeze %dma_start3A_1090 : memref<1x8x64xf32, #tpu.memory_space<hbm>> -> memref<8x64xf32, #tpu.memory_space<hbm>>
          tpu.enqueue_dma source(%dma_start3A_1091 : memref<8x64xf32, #tpu.memory_space<hbm>>) target(%dma_start3A_1088 : memref<8x64xf32, #tpu.memory_space<vmem>>) target_semaphore(%arg10 : memref<!tpu.dma_semaphore, #tpu.memory_space<semaphore_mem>>)
        }
        %scan3A_1044 = arith.constant 26 : i32
      } else {
      }
      %dma_wait3A_621 = arith.constant 0 : i32
      %dma_wait3A_622 = arith.constant 1 : i32
      %dma_wait3A_623 = arith.constant 0 : i32
      %dma_wait3A_624 = arith.constant 0 : i32
      %dma_wait3A_625 = arith.constant 0 : i32
      %dma_wait3A_626 = tpu.memref_slice %arg7[%dma_wait3A_622, %dma_wait3A_623, %dma_wait3A_624, %dma_wait3A_625] : memref<2x26x8x64xf32, #tpu.memory_space<vmem>> -> memref<1x26x8x64xf32, #tpu.memory_space<vmem>>
      %dma_wait3A_627 = tpu.memref_squeeze %dma_wait3A_626 : memref<1x26x8x64xf32, #tpu.memory_space<vmem>> -> memref<26x8x64xf32, #tpu.memory_space<vmem>>
      %dma_wait3A_628 = arith.constant 0 : i32
      %dma_wait3A_629 = arith.constant 0 : i32
      %dma_wait3A_630 = tpu.memref_slice %arg4[%dma_wait3A_621, %dma_wait3A_628, %dma_wait3A_629] : memref<26x100001x64xf32, #tpu.memory_space<hbm>> -> memref<1x208x64xf32, #tpu.memory_space<hbm>>
      %dma_wait3A_631 = tpu.memref_squeeze %dma_wait3A_630 : memref<1x208x64xf32, #tpu.memory_space<hbm>> -> memref<208x64xf32, #tpu.memory_space<hbm>>
      %dma_wait3A_632 = tpu.memref_reshape %dma_wait3A_631 : memref<208x64xf32, #tpu.memory_space<hbm>> -> memref<26x8x64xf32, #tpu.memory_space<hbm>>
      %dma_wait3A_633 = arith.constant 0 : i32
      %dma_wait3A_634 = arith.constant 0 : i32
      %dma_wait3A_635 = arith.constant 0 : i32
      %dma_wait3A_636 = tpu.memref_slice %arg7[%dma_wait3A_622, %dma_wait3A_633, %dma_wait3A_634, %dma_wait3A_635] : memref<2x26x8x64xf32, #tpu.memory_space<vmem>> -> memref<1x26x8x64xf32, #tpu.memory_space<vmem>>
      %dma_wait3A_637 = tpu.memref_squeeze %dma_wait3A_636 : memref<1x26x8x64xf32, #tpu.memory_space<vmem>> -> memref<26x8x64xf32, #tpu.memory_space<vmem>>
      %dma_wait3A_638 = arith.constant 0 : i32
      %dma_wait3A_639 = arith.constant 0 : i32
      %dma_wait3A_640 = tpu.memref_slice %arg4[%dma_wait3A_621, %dma_wait3A_638, %dma_wait3A_639] : memref<26x100001x64xf32, #tpu.memory_space<hbm>> -> memref<1x208x64xf32, #tpu.memory_space<hbm>>
      %dma_wait3A_641 = tpu.memref_squeeze %dma_wait3A_640 : memref<1x208x64xf32, #tpu.memory_space<hbm>> -> memref<208x64xf32, #tpu.memory_space<hbm>>
      %dma_wait3A_642 = tpu.memref_reshape %dma_wait3A_641 : memref<208x64xf32, #tpu.memory_space<hbm>> -> memref<26x8x64xf32, #tpu.memory_space<hbm>>
      tpu.wait_dma2 semaphore(%arg11 : memref<!tpu.dma_semaphore, #tpu.memory_space<semaphore_mem>>) src(%dma_wait3A_642 : memref<26x8x64xf32, #tpu.memory_space<hbm>>) dst(%dma_wait3A_637 : memref<26x8x64xf32, #tpu.memory_space<vmem>>)
      %mul3A_643 = arith.constant 26 : i32
      %mul3A_644 = arith.muli %add3A_613, %mul3A_643 : i32
      %scan3A_645 = arith.constant 0 : i32
      %scan3A_646 = arith.constant 0 : i32
      %scan3A_647 = arith.constant 26 : i32
      %scan3A_648 = arith.addi %scan3A_646, %scan3A_647 : i32
      %scan3A_649 = arith.constant 2 : i32
      scf.for %scan3A_1035 = %scan3A_646 to %scan3A_648 step %scan3A_649  : i32 {
        %add3A_1036 = arith.addi %mul3A_644, %scan3A_1035 : i32
        %get3A_1037 = arith.index_cast %add3A_1036 : i32 to index
        %get3A_1038 = tpu.vector_load %arg6[%get3A_1037] {strides = array<i32>} : memref<13328xi32, #tpu.memory_space<vmem>>, vector<16xi32>,
        %get3A_1039 = vector.shape_cast %get3A_1038 : vector<16xi32> to vector<16xi32>
        %slice3A = vector.extract_strided_slice %get3A_1039 {offsets = [0], sizes = [1], strides = [1]} : vector<16xi32> to vector<1xi32>
        %squeeze3A = vector.extract %slice3A[0] : i32 from vector<1xi32>
        %and3A = arith.constant 7 : i32
        %and3A_1040 = arith.andi %squeeze3A, %and3A : i32
        %get3A_1041 = arith.constant 1 : i32
        %get3A_1042 = arith.index_cast %get3A_1041 : i32 to index
        %get3A_1043 = arith.index_cast %scan3A_1035 : i32 to index
        %get3A_1044 = arith.index_cast %and3A_1040 : i32 to index
        %get3A_1045 = arith.constant 0 : index
        %get3A_1046 = tpu.vector_load %arg7[%get3A_1042, %get3A_1043, %get3A_1044, %get3A_1045] {strides = array<i32>} : memref<2x26x8x64xf32, #tpu.memory_space<vmem>>, vector<1x1x1x16xf32>,
        %get3A_1047 = vector.shape_cast %get3A_1046 : vector<1x1x1x16xf32> to vector<16xf32>
        %swap3A_1048 = arith.constant 1 : i32
        %swap3A_1049 = arith.constant 1 : i32
        %swap3A_1050 = arith.index_cast %swap3A_1048 : i32 to index
        %swap3A_1051 = arith.index_cast %swap3A_1049 : i32 to index
        %swap3A_1052 = arith.index_cast %scan3A_1035 : i32 to index
        %swap3A_1053 = arith.constant 0 : index
        %swap3A_1054 = tpu.vector_load %arg8[%swap3A_1050, %swap3A_1051, %swap3A_1052, %swap3A_1053] {strides = array<i32>} : memref<2x4x27x64xf32, #tpu.memory_space<vmem>>, vector<1x1x1x16xf32>,
        %swap3A_1055 = vector.shape_cast %swap3A_1054 : vector<1x1x1x16xf32> to vector<16xf32>
        %swap3A_1056 = vector.shape_cast %get3A_1047 : vector<16xf32> to vector<1x1x1x16xf32>
        tpu.vector_store %arg8[%swap3A_1050, %swap3A_1051, %swap3A_1052, %swap3A_1053], %swap3A_1056 {strides = array<i32>} : memref<2x4x27x64xf32, #tpu.memory_space<vmem>>, vector<1x1x1x16xf32>,
        %get3A_1057 = arith.constant 1 : i32
        %get3A_1058 = arith.index_cast %get3A_1057 : i32 to index
        %get3A_1059 = arith.index_cast %scan3A_1035 : i32 to index
        %get3A_1060 = arith.index_cast %and3A_1040 : i32 to index
        %get3A_1061 = arith.constant 16 : index
        %get3A_1062 = tpu.vector_load %arg7[%get3A_1058, %get3A_1059, %get3A_1060, %get3A_1061] {strides = array<i32>} : memref<2x26x8x64xf32, #tpu.memory_space<vmem>>, vector<1x1x1x16xf32>,
        %get3A_1063 = vector.shape_cast %get3A_1062 : vector<1x1x1x16xf32> to vector<16xf32>
        %swap3A_1064 = arith.constant 1 : i32
        %swap3A_1065 = arith.constant 1 : i32
        %swap3A_1066 = arith.index_cast %swap3A_1064 : i32 to index
        %swap3A_1067 = arith.index_cast %swap3A_1065 : i32 to index
        %swap3A_1068 = arith.index_cast %scan3A_1035 : i32 to index
        %swap3A_1069 = arith.constant 16 : index
        %swap3A_1070 = tpu.vector_load %arg8[%swap3A_1066, %swap3A_1067, %swap3A_1068, %swap3A_1069] {strides = array<i32>} : memref<2x4x27x64xf32, #tpu.memory_space<vmem>>, vector<1x1x1x16xf32>,
        %swap3A_1071 = vector.shape_cast %swap3A_1070 : vector<1x1x1x16xf32> to vector<16xf32>
        %swap3A_1072 = vector.shape_cast %get3A_1063 : vector<16xf32> to vector<1x1x1x16xf32>
        tpu.vector_store %arg8[%swap3A_1066, %swap3A_1067, %swap3A_1068, %swap3A_1069], %swap3A_1072 {strides = array<i32>} : memref<2x4x27x64xf32, #tpu.memory_space<vmem>>, vector<1x1x1x16xf32>,
        %get3A_1073 = arith.constant 1 : i32
        %get3A_1074 = arith.index_cast %get3A_1073 : i32 to index
        %get3A_1075 = arith.index_cast %scan3A_1035 : i32 to index
        %get3A_1076 = arith.index_cast %and3A_1040 : i32 to index
        %get3A_1077 = arith.constant 32 : index
        %get3A_1078 = tpu.vector_load %arg7[%get3A_1074, %get3A_1075, %get3A_1076, %get3A_1077] {strides = array<i32>} : memref<2x26x8x64xf32, #tpu.memory_space<vmem>>, vector<1x1x1x16xf32>,
        %get3A_1079 = vector.shape_cast %get3A_1078 : vector<1x1x1x16xf32> to vector<16xf32>
        %swap3A_1080 = arith.constant 1 : i32
        %swap3A_1081 = arith.constant 1 : i32
        %swap3A_1082 = arith.index_cast %swap3A_1080 : i32 to index
        %swap3A_1083 = arith.index_cast %swap3A_1081 : i32 to index
        %swap3A_1084 = arith.index_cast %scan3A_1035 : i32 to index
        %swap3A_1085 = arith.constant 32 : index
        %swap3A_1086 = tpu.vector_load %arg8[%swap3A_1082, %swap3A_1083, %swap3A_1084, %swap3A_1085] {strides = array<i32>} : memref<2x4x27x64xf32, #tpu.memory_space<vmem>>, vector<1x1x1x16xf32>,
        %swap3A_1087 = vector.shape_cast %swap3A_1086 : vector<1x1x1x16xf32> to vector<16xf32>
        %swap3A_1088 = vector.shape_cast %get3A_1079 : vector<16xf32> to vector<1x1x1x16xf32>
        tpu.vector_store %arg8[%swap3A_1082, %swap3A_1083, %swap3A_1084, %swap3A_1085], %swap3A_1088 {strides = array<i32>} : memref<2x4x27x64xf32, #tpu.memory_space<vmem>>, vector<1x1x1x16xf32>,
        %get3A_1089 = arith.constant 1 : i32
        %get3A_1090 = arith.index_cast %get3A_1089 : i32 to index
        %get3A_1091 = arith.index_cast %scan3A_1035 : i32 to index
        %get3A_1092 = arith.index_cast %and3A_1040 : i32 to index
        %get3A_1093 = arith.constant 48 : index
        %get3A_1094 = tpu.vector_load %arg7[%get3A_1090, %get3A_1091, %get3A_1092, %get3A_1093] {strides = array<i32>} : memref<2x26x8x64xf32, #tpu.memory_space<vmem>>, vector<1x1x1x16xf32>,
        %get3A_1095 = vector.shape_cast %get3A_1094 : vector<1x1x1x16xf32> to vector<16xf32>
        %swap3A_1096 = arith.constant 1 : i32
        %swap3A_1097 = arith.constant 1 : i32
        %swap3A_1098 = arith.index_cast %swap3A_1096 : i32 to index
        %swap3A_1099 = arith.index_cast %swap3A_1097 : i32 to index
        %swap3A_1100 = arith.index_cast %scan3A_1035 : i32 to index
        %swap3A_1101 = arith.constant 48 : index
        %swap3A_1102 = tpu.vector_load %arg8[%swap3A_1098, %swap3A_1099, %swap3A_1100, %swap3A_1101] {strides = array<i32>} : memref<2x4x27x64xf32, #tpu.memory_space<vmem>>, vector<1x1x1x16xf32>,
        %swap3A_1103 = vector.shape_cast %swap3A_1102 : vector<1x1x1x16xf32> to vector<16xf32>
        %swap3A_1104 = vector.shape_cast %get3A_1095 : vector<16xf32> to vector<1x1x1x16xf32>
        tpu.vector_store %arg8[%swap3A_1098, %swap3A_1099, %swap3A_1100, %swap3A_1101], %swap3A_1104 {strides = array<i32>} : memref<2x4x27x64xf32, #tpu.memory_space<vmem>>, vector<1x1x1x16xf32>,
        %scan3A_1105 = arith.constant 1 : i32
        %scan3A_1106 = arith.addi %scan3A_1035, %scan3A_1105 : i32
        %add3A_1107 = arith.addi %mul3A_644, %scan3A_1106 : i32
        %get3A_1108 = arith.index_cast %add3A_1107 : i32 to index
        %get3A_1109 = tpu.vector_load %arg6[%get3A_1108] {strides = array<i32>} : memref<13328xi32, #tpu.memory_space<vmem>>, vector<16xi32>,
        %get3A_1110 = vector.shape_cast %get3A_1109 : vector<16xi32> to vector<16xi32>
        %slice3A_1111 = vector.extract_strided_slice %get3A_1110 {offsets = [0], sizes = [1], strides = [1]} : vector<16xi32> to vector<1xi32>
        %squeeze3A_1112 = vector.extract %slice3A_1111[0] : i32 from vector<1xi32>
        %and3A_1113 = arith.constant 7 : i32
        %and3A_1114 = arith.andi %squeeze3A_1112, %and3A_1113 : i32
        %get3A_1115 = arith.constant 1 : i32
        %get3A_1116 = arith.index_cast %get3A_1115 : i32 to index
        %get3A_1117 = arith.index_cast %scan3A_1106 : i32 to index
        %get3A_1118 = arith.index_cast %and3A_1114 : i32 to index
        %get3A_1119 = arith.constant 0 : index
        %get3A_1120 = tpu.vector_load %arg7[%get3A_1116, %get3A_1117, %get3A_1118, %get3A_1119] {strides = array<i32>} : memref<2x26x8x64xf32, #tpu.memory_space<vmem>>, vector<1x1x1x16xf32>,
        %get3A_1121 = vector.shape_cast %get3A_1120 : vector<1x1x1x16xf32> to vector<16xf32>
        %swap3A_1122 = arith.constant 1 : i32
        %swap3A_1123 = arith.constant 1 : i32
        %swap3A_1124 = arith.index_cast %swap3A_1122 : i32 to index
        %swap3A_1125 = arith.index_cast %swap3A_1123 : i32 to index
        %swap3A_1126 = arith.index_cast %scan3A_1106 : i32 to index
        %swap3A_1127 = arith.constant 0 : index
        %swap3A_1128 = tpu.vector_load %arg8[%swap3A_1124, %swap3A_1125, %swap3A_1126, %swap3A_1127] {strides = array<i32>} : memref<2x4x27x64xf32, #tpu.memory_space<vmem>>, vector<1x1x1x16xf32>,
        %swap3A_1129 = vector.shape_cast %swap3A_1128 : vector<1x1x1x16xf32> to vector<16xf32>
        %swap3A_1130 = vector.shape_cast %get3A_1121 : vector<16xf32> to vector<1x1x1x16xf32>
        tpu.vector_store %arg8[%swap3A_1124, %swap3A_1125, %swap3A_1126, %swap3A_1127], %swap3A_1130 {strides = array<i32>} : memref<2x4x27x64xf32, #tpu.memory_space<vmem>>, vector<1x1x1x16xf32>,
        %get3A_1131 = arith.constant 1 : i32
        %get3A_1132 = arith.index_cast %get3A_1131 : i32 to index
        %get3A_1133 = arith.index_cast %scan3A_1106 : i32 to index
        %get3A_1134 = arith.index_cast %and3A_1114 : i32 to index
        %get3A_1135 = arith.constant 16 : index
        %get3A_1136 = tpu.vector_load %arg7[%get3A_1132, %get3A_1133, %get3A_1134, %get3A_1135] {strides = array<i32>} : memref<2x26x8x64xf32, #tpu.memory_space<vmem>>, vector<1x1x1x16xf32>,
        %get3A_1137 = vector.shape_cast %get3A_1136 : vector<1x1x1x16xf32> to vector<16xf32>
        %swap3A_1138 = arith.constant 1 : i32
        %swap3A_1139 = arith.constant 1 : i32
        %swap3A_1140 = arith.index_cast %swap3A_1138 : i32 to index
        %swap3A_1141 = arith.index_cast %swap3A_1139 : i32 to index
        %swap3A_1142 = arith.index_cast %scan3A_1106 : i32 to index
        %swap3A_1143 = arith.constant 16 : index
        %swap3A_1144 = tpu.vector_load %arg8[%swap3A_1140, %swap3A_1141, %swap3A_1142, %swap3A_1143] {strides = array<i32>} : memref<2x4x27x64xf32, #tpu.memory_space<vmem>>, vector<1x1x1x16xf32>,
        %swap3A_1145 = vector.shape_cast %swap3A_1144 : vector<1x1x1x16xf32> to vector<16xf32>
        %swap3A_1146 = vector.shape_cast %get3A_1137 : vector<16xf32> to vector<1x1x1x16xf32>
        tpu.vector_store %arg8[%swap3A_1140, %swap3A_1141, %swap3A_1142, %swap3A_1143], %swap3A_1146 {strides = array<i32>} : memref<2x4x27x64xf32, #tpu.memory_space<vmem>>, vector<1x1x1x16xf32>,
        %get3A_1147 = arith.constant 1 : i32
        %get3A_1148 = arith.index_cast %get3A_1147 : i32 to index
        %get3A_1149 = arith.index_cast %scan3A_1106 : i32 to index
        %get3A_1150 = arith.index_cast %and3A_1114 : i32 to index
        %get3A_1151 = arith.constant 32 : index
        %get3A_1152 = tpu.vector_load %arg7[%get3A_1148, %get3A_1149, %get3A_1150, %get3A_1151] {strides = array<i32>} : memref<2x26x8x64xf32, #tpu.memory_space<vmem>>, vector<1x1x1x16xf32>,
        %get3A_1153 = vector.shape_cast %get3A_1152 : vector<1x1x1x16xf32> to vector<16xf32>
        %swap3A_1154 = arith.constant 1 : i32
        %swap3A_1155 = arith.constant 1 : i32
        %swap3A_1156 = arith.index_cast %swap3A_1154 : i32 to index
        %swap3A_1157 = arith.index_cast %swap3A_1155 : i32 to index
        %swap3A_1158 = arith.index_cast %scan3A_1106 : i32 to index
        %swap3A_1159 = arith.constant 32 : index
        %swap3A_1160 = tpu.vector_load %arg8[%swap3A_1156, %swap3A_1157, %swap3A_1158, %swap3A_1159] {strides = array<i32>} : memref<2x4x27x64xf32, #tpu.memory_space<vmem>>, vector<1x1x1x16xf32>,
        %swap3A_1161 = vector.shape_cast %swap3A_1160 : vector<1x1x1x16xf32> to vector<16xf32>
        %swap3A_1162 = vector.shape_cast %get3A_1153 : vector<16xf32> to vector<1x1x1x16xf32>
        tpu.vector_store %arg8[%swap3A_1156, %swap3A_1157, %swap3A_1158, %swap3A_1159], %swap3A_1162 {strides = array<i32>} : memref<2x4x27x64xf32, #tpu.memory_space<vmem>>, vector<1x1x1x16xf32>,
        %get3A_1163 = arith.constant 1 : i32
        %get3A_1164 = arith.index_cast %get3A_1163 : i32 to index
        %get3A_1165 = arith.index_cast %scan3A_1106 : i32 to index
        %get3A_1166 = arith.index_cast %and3A_1114 : i32 to index
        %get3A_1167 = arith.constant 48 : index
        %get3A_1168 = tpu.vector_load %arg7[%get3A_1164, %get3A_1165, %get3A_1166, %get3A_1167] {strides = array<i32>} : memref<2x26x8x64xf32, #tpu.memory_space<vmem>>, vector<1x1x1x16xf32>,
        %get3A_1169 = vector.shape_cast %get3A_1168 : vector<1x1x1x16xf32> to vector<16xf32>
        %swap3A_1170 = arith.constant 1 : i32
        %swap3A_1171 = arith.constant 1 : i32
        %swap3A_1172 = arith.index_cast %swap3A_1170 : i32 to index
        %swap3A_1173 = arith.index_cast %swap3A_1171 : i32 to index
        %swap3A_1174 = arith.index_cast %scan3A_1106 : i32 to index
        %swap3A_1175 = arith.constant 48 : index
        %swap3A_1176 = tpu.vector_load %arg8[%swap3A_1172, %swap3A_1173, %swap3A_1174, %swap3A_1175] {strides = array<i32>} : memref<2x4x27x64xf32, #tpu.memory_space<vmem>>, vector<1x1x1x16xf32>,
        %swap3A_1177 = vector.shape_cast %swap3A_1176 : vector<1x1x1x16xf32> to vector<16xf32>
        %swap3A_1178 = vector.shape_cast %get3A_1169 : vector<16xf32> to vector<1x1x1x16xf32>
        tpu.vector_store %arg8[%swap3A_1172, %swap3A_1173, %swap3A_1174, %swap3A_1175], %swap3A_1178 {strides = array<i32>} : memref<2x4x27x64xf32, #tpu.memory_space<vmem>>, vector<1x1x1x16xf32>,
      }
      %scan3A_650 = arith.constant 26 : i32
      %mul3A_651 = arith.constant 4 : i32
      %mul3A_652 = arith.muli %add3A_545, %mul3A_651 : i32
      %add3A_653 = arith.constant 2 : i32
      %add3A_654 = arith.addi %mul3A_652, %add3A_653 : i32
      %add3A_655 = arith.constant 1 : i32
      %add3A_656 = arith.addi %add3A_654, %add3A_655 : i32
      %lt3A_657 = arith.constant 512 : i32
      %lt3A_658 = arith.cmpi slt, %add3A_656, %lt3A_657 : i32
      %convert_element_type3A_659 = arith.extui %lt3A_658 : i1 to i32
      %cond3A_660 = arith.constant 0 : i32
      %cond3A_661 = arith.cmpi ne, %convert_element_type3A_659, %cond3A_660 : i32
      scf.if %cond3A_661 {
        %add3A_1035 = arith.constant 1 : i32
        %add3A_1036 = arith.addi %add3A_654, %add3A_1035 : i32
        %mul3A_1037 = arith.constant 26 : i32
        %mul3A_1038 = arith.muli %add3A_1036, %mul3A_1037 : i32
        %scan3A_1039 = arith.constant 0 : i32
        %scan3A_1040 = arith.constant 0 : i32
        %scan3A_1041 = arith.constant 26 : i32
        %scan3A_1042 = arith.addi %scan3A_1040, %scan3A_1041 : i32
        %scan3A_1043 = arith.constant 2 : i32
        scf.for %scan3A_1045 = %scan3A_1040 to %scan3A_1042 step %scan3A_1043  : i32 {
          %add3A_1046 = arith.addi %mul3A_1038, %scan3A_1045 : i32
          %get3A_1047 = arith.index_cast %add3A_1046 : i32 to index
          %get3A_1048 = tpu.vector_load %arg6[%get3A_1047] {strides = array<i32>} : memref<13328xi32, #tpu.memory_space<vmem>>, vector<16xi32>,
          %get3A_1049 = vector.shape_cast %get3A_1048 : vector<16xi32> to vector<16xi32>
          %slice3A = vector.extract_strided_slice %get3A_1049 {offsets = [0], sizes = [1], strides = [1]} : vector<16xi32> to vector<1xi32>
          %squeeze3A = vector.extract %slice3A[0] : i32 from vector<1xi32>
          %and3A = arith.constant -8 : i32
          %and3A_1050 = arith.andi %squeeze3A, %and3A : i32
          %multiple_of3A = tpu.assume_multiple %and3A_1050, 8 : i32
          %dma_start3A_1051 = arith.constant 1 : i32
          %dma_start3A_1052 = arith.constant 0 : i32
          %dma_start3A_1053 = arith.constant 0 : i32
          %dma_start3A_1054 = tpu.memref_slice %arg7[%dma_start3A_1051, %scan3A_1045, %dma_start3A_1052, %dma_start3A_1053] : memref<2x26x8x64xf32, #tpu.memory_space<vmem>> -> memref<1x1x8x64xf32, #tpu.memory_space<vmem>>
          %dma_start3A_1055 = tpu.memref_squeeze %dma_start3A_1054 : memref<1x1x8x64xf32, #tpu.memory_space<vmem>> -> memref<8x64xf32, #tpu.memory_space<vmem>>
          %dma_start3A_1056 = arith.constant 0 : i32
          %dma_start3A_1057 = tpu.memref_slice %arg4[%scan3A_1045, %multiple_of3A, %dma_start3A_1056] : memref<26x100001x64xf32, #tpu.memory_space<hbm>> -> memref<1x8x64xf32, #tpu.memory_space<hbm>>
          %dma_start3A_1058 = tpu.memref_squeeze %dma_start3A_1057 : memref<1x8x64xf32, #tpu.memory_space<hbm>> -> memref<8x64xf32, #tpu.memory_space<hbm>>
          %dma_start3A_1059 = arith.constant 0 : i32
          %dma_start3A_1060 = arith.constant 0 : i32
          %dma_start3A_1061 = tpu.memref_slice %arg7[%dma_start3A_1051, %scan3A_1045, %dma_start3A_1059, %dma_start3A_1060] : memref<2x26x8x64xf32, #tpu.memory_space<vmem>> -> memref<1x1x8x64xf32, #tpu.memory_space<vmem>>
          %dma_start3A_1062 = tpu.memref_squeeze %dma_start3A_1061 : memref<1x1x8x64xf32, #tpu.memory_space<vmem>> -> memref<8x64xf32, #tpu.memory_space<vmem>>
          %dma_start3A_1063 = arith.constant 0 : i32
          %dma_start3A_1064 = tpu.memref_slice %arg4[%scan3A_1045, %multiple_of3A, %dma_start3A_1063] : memref<26x100001x64xf32, #tpu.memory_space<hbm>> -> memref<1x8x64xf32, #tpu.memory_space<hbm>>
          %dma_start3A_1065 = tpu.memref_squeeze %dma_start3A_1064 : memref<1x8x64xf32, #tpu.memory_space<hbm>> -> memref<8x64xf32, #tpu.memory_space<hbm>>
          tpu.enqueue_dma source(%dma_start3A_1065 : memref<8x64xf32, #tpu.memory_space<hbm>>) target(%dma_start3A_1062 : memref<8x64xf32, #tpu.memory_space<vmem>>) target_semaphore(%arg11 : memref<!tpu.dma_semaphore, #tpu.memory_space<semaphore_mem>>)
          %scan3A_1066 = arith.constant 1 : i32
          %scan3A_1067 = arith.addi %scan3A_1045, %scan3A_1066 : i32
          %add3A_1068 = arith.addi %mul3A_1038, %scan3A_1067 : i32
          %get3A_1069 = arith.index_cast %add3A_1068 : i32 to index
          %get3A_1070 = tpu.vector_load %arg6[%get3A_1069] {strides = array<i32>} : memref<13328xi32, #tpu.memory_space<vmem>>, vector<16xi32>,
          %get3A_1071 = vector.shape_cast %get3A_1070 : vector<16xi32> to vector<16xi32>
          %slice3A_1072 = vector.extract_strided_slice %get3A_1071 {offsets = [0], sizes = [1], strides = [1]} : vector<16xi32> to vector<1xi32>
          %squeeze3A_1073 = vector.extract %slice3A_1072[0] : i32 from vector<1xi32>
          %and3A_1074 = arith.constant -8 : i32
          %and3A_1075 = arith.andi %squeeze3A_1073, %and3A_1074 : i32
          %multiple_of3A_1076 = tpu.assume_multiple %and3A_1075, 8 : i32
          %dma_start3A_1077 = arith.constant 1 : i32
          %dma_start3A_1078 = arith.constant 0 : i32
          %dma_start3A_1079 = arith.constant 0 : i32
          %dma_start3A_1080 = tpu.memref_slice %arg7[%dma_start3A_1077, %scan3A_1067, %dma_start3A_1078, %dma_start3A_1079] : memref<2x26x8x64xf32, #tpu.memory_space<vmem>> -> memref<1x1x8x64xf32, #tpu.memory_space<vmem>>
          %dma_start3A_1081 = tpu.memref_squeeze %dma_start3A_1080 : memref<1x1x8x64xf32, #tpu.memory_space<vmem>> -> memref<8x64xf32, #tpu.memory_space<vmem>>
          %dma_start3A_1082 = arith.constant 0 : i32
          %dma_start3A_1083 = tpu.memref_slice %arg4[%scan3A_1067, %multiple_of3A_1076, %dma_start3A_1082] : memref<26x100001x64xf32, #tpu.memory_space<hbm>> -> memref<1x8x64xf32, #tpu.memory_space<hbm>>
          %dma_start3A_1084 = tpu.memref_squeeze %dma_start3A_1083 : memref<1x8x64xf32, #tpu.memory_space<hbm>> -> memref<8x64xf32, #tpu.memory_space<hbm>>
          %dma_start3A_1085 = arith.constant 0 : i32
          %dma_start3A_1086 = arith.constant 0 : i32
          %dma_start3A_1087 = tpu.memref_slice %arg7[%dma_start3A_1077, %scan3A_1067, %dma_start3A_1085, %dma_start3A_1086] : memref<2x26x8x64xf32, #tpu.memory_space<vmem>> -> memref<1x1x8x64xf32, #tpu.memory_space<vmem>>
          %dma_start3A_1088 = tpu.memref_squeeze %dma_start3A_1087 : memref<1x1x8x64xf32, #tpu.memory_space<vmem>> -> memref<8x64xf32, #tpu.memory_space<vmem>>
          %dma_start3A_1089 = arith.constant 0 : i32
          %dma_start3A_1090 = tpu.memref_slice %arg4[%scan3A_1067, %multiple_of3A_1076, %dma_start3A_1089] : memref<26x100001x64xf32, #tpu.memory_space<hbm>> -> memref<1x8x64xf32, #tpu.memory_space<hbm>>
          %dma_start3A_1091 = tpu.memref_squeeze %dma_start3A_1090 : memref<1x8x64xf32, #tpu.memory_space<hbm>> -> memref<8x64xf32, #tpu.memory_space<hbm>>
          tpu.enqueue_dma source(%dma_start3A_1091 : memref<8x64xf32, #tpu.memory_space<hbm>>) target(%dma_start3A_1088 : memref<8x64xf32, #tpu.memory_space<vmem>>) target_semaphore(%arg11 : memref<!tpu.dma_semaphore, #tpu.memory_space<semaphore_mem>>)
        }
        %scan3A_1044 = arith.constant 26 : i32
      } else {
      }
      %dma_wait3A_662 = arith.constant 0 : i32
      %dma_wait3A_663 = arith.constant 0 : i32
      %dma_wait3A_664 = arith.constant 0 : i32
      %dma_wait3A_665 = arith.constant 0 : i32
      %dma_wait3A_666 = arith.constant 0 : i32
      %dma_wait3A_667 = tpu.memref_slice %arg7[%dma_wait3A_663, %dma_wait3A_664, %dma_wait3A_665, %dma_wait3A_666] : memref<2x26x8x64xf32, #tpu.memory_space<vmem>> -> memref<1x26x8x64xf32, #tpu.memory_space<vmem>>
      %dma_wait3A_668 = tpu.memref_squeeze %dma_wait3A_667 : memref<1x26x8x64xf32, #tpu.memory_space<vmem>> -> memref<26x8x64xf32, #tpu.memory_space<vmem>>
      %dma_wait3A_669 = arith.constant 0 : i32
      %dma_wait3A_670 = arith.constant 0 : i32
      %dma_wait3A_671 = tpu.memref_slice %arg4[%dma_wait3A_662, %dma_wait3A_669, %dma_wait3A_670] : memref<26x100001x64xf32, #tpu.memory_space<hbm>> -> memref<1x208x64xf32, #tpu.memory_space<hbm>>
      %dma_wait3A_672 = tpu.memref_squeeze %dma_wait3A_671 : memref<1x208x64xf32, #tpu.memory_space<hbm>> -> memref<208x64xf32, #tpu.memory_space<hbm>>
      %dma_wait3A_673 = tpu.memref_reshape %dma_wait3A_672 : memref<208x64xf32, #tpu.memory_space<hbm>> -> memref<26x8x64xf32, #tpu.memory_space<hbm>>
      %dma_wait3A_674 = arith.constant 0 : i32
      %dma_wait3A_675 = arith.constant 0 : i32
      %dma_wait3A_676 = arith.constant 0 : i32
      %dma_wait3A_677 = tpu.memref_slice %arg7[%dma_wait3A_663, %dma_wait3A_674, %dma_wait3A_675, %dma_wait3A_676] : memref<2x26x8x64xf32, #tpu.memory_space<vmem>> -> memref<1x26x8x64xf32, #tpu.memory_space<vmem>>
      %dma_wait3A_678 = tpu.memref_squeeze %dma_wait3A_677 : memref<1x26x8x64xf32, #tpu.memory_space<vmem>> -> memref<26x8x64xf32, #tpu.memory_space<vmem>>
      %dma_wait3A_679 = arith.constant 0 : i32
      %dma_wait3A_680 = arith.constant 0 : i32
      %dma_wait3A_681 = tpu.memref_slice %arg4[%dma_wait3A_662, %dma_wait3A_679, %dma_wait3A_680] : memref<26x100001x64xf32, #tpu.memory_space<hbm>> -> memref<1x208x64xf32, #tpu.memory_space<hbm>>
      %dma_wait3A_682 = tpu.memref_squeeze %dma_wait3A_681 : memref<1x208x64xf32, #tpu.memory_space<hbm>> -> memref<208x64xf32, #tpu.memory_space<hbm>>
      %dma_wait3A_683 = tpu.memref_reshape %dma_wait3A_682 : memref<208x64xf32, #tpu.memory_space<hbm>> -> memref<26x8x64xf32, #tpu.memory_space<hbm>>
      tpu.wait_dma2 semaphore(%arg10 : memref<!tpu.dma_semaphore, #tpu.memory_space<semaphore_mem>>) src(%dma_wait3A_683 : memref<26x8x64xf32, #tpu.memory_space<hbm>>) dst(%dma_wait3A_678 : memref<26x8x64xf32, #tpu.memory_space<vmem>>)
      %mul3A_684 = arith.constant 26 : i32
      %mul3A_685 = arith.muli %add3A_654, %mul3A_684 : i32
      %scan3A_686 = arith.constant 0 : i32
      %scan3A_687 = arith.constant 0 : i32
      %scan3A_688 = arith.constant 26 : i32
      %scan3A_689 = arith.addi %scan3A_687, %scan3A_688 : i32
      %scan3A_690 = arith.constant 2 : i32
      scf.for %scan3A_1035 = %scan3A_687 to %scan3A_689 step %scan3A_690  : i32 {
        %add3A_1036 = arith.addi %mul3A_685, %scan3A_1035 : i32
        %get3A_1037 = arith.index_cast %add3A_1036 : i32 to index
        %get3A_1038 = tpu.vector_load %arg6[%get3A_1037] {strides = array<i32>} : memref<13328xi32, #tpu.memory_space<vmem>>, vector<16xi32>,
        %get3A_1039 = vector.shape_cast %get3A_1038 : vector<16xi32> to vector<16xi32>
        %slice3A = vector.extract_strided_slice %get3A_1039 {offsets = [0], sizes = [1], strides = [1]} : vector<16xi32> to vector<1xi32>
        %squeeze3A = vector.extract %slice3A[0] : i32 from vector<1xi32>
        %and3A = arith.constant 7 : i32
        %and3A_1040 = arith.andi %squeeze3A, %and3A : i32
        %get3A_1041 = arith.constant 0 : i32
        %get3A_1042 = arith.index_cast %get3A_1041 : i32 to index
        %get3A_1043 = arith.index_cast %scan3A_1035 : i32 to index
        %get3A_1044 = arith.index_cast %and3A_1040 : i32 to index
        %get3A_1045 = arith.constant 0 : index
        %get3A_1046 = tpu.vector_load %arg7[%get3A_1042, %get3A_1043, %get3A_1044, %get3A_1045] {strides = array<i32>} : memref<2x26x8x64xf32, #tpu.memory_space<vmem>>, vector<1x1x1x16xf32>,
        %get3A_1047 = vector.shape_cast %get3A_1046 : vector<1x1x1x16xf32> to vector<16xf32>
        %swap3A_1048 = arith.constant 1 : i32
        %swap3A_1049 = arith.constant 2 : i32
        %swap3A_1050 = arith.index_cast %swap3A_1048 : i32 to index
        %swap3A_1051 = arith.index_cast %swap3A_1049 : i32 to index
        %swap3A_1052 = arith.index_cast %scan3A_1035 : i32 to index
        %swap3A_1053 = arith.constant 0 : index
        %swap3A_1054 = tpu.vector_load %arg8[%swap3A_1050, %swap3A_1051, %swap3A_1052, %swap3A_1053] {strides = array<i32>} : memref<2x4x27x64xf32, #tpu.memory_space<vmem>>, vector<1x1x1x16xf32>,
        %swap3A_1055 = vector.shape_cast %swap3A_1054 : vector<1x1x1x16xf32> to vector<16xf32>
        %swap3A_1056 = vector.shape_cast %get3A_1047 : vector<16xf32> to vector<1x1x1x16xf32>
        tpu.vector_store %arg8[%swap3A_1050, %swap3A_1051, %swap3A_1052, %swap3A_1053], %swap3A_1056 {strides = array<i32>} : memref<2x4x27x64xf32, #tpu.memory_space<vmem>>, vector<1x1x1x16xf32>,
        %get3A_1057 = arith.constant 0 : i32
        %get3A_1058 = arith.index_cast %get3A_1057 : i32 to index
        %get3A_1059 = arith.index_cast %scan3A_1035 : i32 to index
        %get3A_1060 = arith.index_cast %and3A_1040 : i32 to index
        %get3A_1061 = arith.constant 16 : index
        %get3A_1062 = tpu.vector_load %arg7[%get3A_1058, %get3A_1059, %get3A_1060, %get3A_1061] {strides = array<i32>} : memref<2x26x8x64xf32, #tpu.memory_space<vmem>>, vector<1x1x1x16xf32>,
        %get3A_1063 = vector.shape_cast %get3A_1062 : vector<1x1x1x16xf32> to vector<16xf32>
        %swap3A_1064 = arith.constant 1 : i32
        %swap3A_1065 = arith.constant 2 : i32
        %swap3A_1066 = arith.index_cast %swap3A_1064 : i32 to index
        %swap3A_1067 = arith.index_cast %swap3A_1065 : i32 to index
        %swap3A_1068 = arith.index_cast %scan3A_1035 : i32 to index
        %swap3A_1069 = arith.constant 16 : index
        %swap3A_1070 = tpu.vector_load %arg8[%swap3A_1066, %swap3A_1067, %swap3A_1068, %swap3A_1069] {strides = array<i32>} : memref<2x4x27x64xf32, #tpu.memory_space<vmem>>, vector<1x1x1x16xf32>,
        %swap3A_1071 = vector.shape_cast %swap3A_1070 : vector<1x1x1x16xf32> to vector<16xf32>
        %swap3A_1072 = vector.shape_cast %get3A_1063 : vector<16xf32> to vector<1x1x1x16xf32>
        tpu.vector_store %arg8[%swap3A_1066, %swap3A_1067, %swap3A_1068, %swap3A_1069], %swap3A_1072 {strides = array<i32>} : memref<2x4x27x64xf32, #tpu.memory_space<vmem>>, vector<1x1x1x16xf32>,
        %get3A_1073 = arith.constant 0 : i32
        %get3A_1074 = arith.index_cast %get3A_1073 : i32 to index
        %get3A_1075 = arith.index_cast %scan3A_1035 : i32 to index
        %get3A_1076 = arith.index_cast %and3A_1040 : i32 to index
        %get3A_1077 = arith.constant 32 : index
        %get3A_1078 = tpu.vector_load %arg7[%get3A_1074, %get3A_1075, %get3A_1076, %get3A_1077] {strides = array<i32>} : memref<2x26x8x64xf32, #tpu.memory_space<vmem>>, vector<1x1x1x16xf32>,
        %get3A_1079 = vector.shape_cast %get3A_1078 : vector<1x1x1x16xf32> to vector<16xf32>
        %swap3A_1080 = arith.constant 1 : i32
        %swap3A_1081 = arith.constant 2 : i32
        %swap3A_1082 = arith.index_cast %swap3A_1080 : i32 to index
        %swap3A_1083 = arith.index_cast %swap3A_1081 : i32 to index
        %swap3A_1084 = arith.index_cast %scan3A_1035 : i32 to index
        %swap3A_1085 = arith.constant 32 : index
        %swap3A_1086 = tpu.vector_load %arg8[%swap3A_1082, %swap3A_1083, %swap3A_1084, %swap3A_1085] {strides = array<i32>} : memref<2x4x27x64xf32, #tpu.memory_space<vmem>>, vector<1x1x1x16xf32>,
        %swap3A_1087 = vector.shape_cast %swap3A_1086 : vector<1x1x1x16xf32> to vector<16xf32>
        %swap3A_1088 = vector.shape_cast %get3A_1079 : vector<16xf32> to vector<1x1x1x16xf32>
        tpu.vector_store %arg8[%swap3A_1082, %swap3A_1083, %swap3A_1084, %swap3A_1085], %swap3A_1088 {strides = array<i32>} : memref<2x4x27x64xf32, #tpu.memory_space<vmem>>, vector<1x1x1x16xf32>,
        %get3A_1089 = arith.constant 0 : i32
        %get3A_1090 = arith.index_cast %get3A_1089 : i32 to index
        %get3A_1091 = arith.index_cast %scan3A_1035 : i32 to index
        %get3A_1092 = arith.index_cast %and3A_1040 : i32 to index
        %get3A_1093 = arith.constant 48 : index
        %get3A_1094 = tpu.vector_load %arg7[%get3A_1090, %get3A_1091, %get3A_1092, %get3A_1093] {strides = array<i32>} : memref<2x26x8x64xf32, #tpu.memory_space<vmem>>, vector<1x1x1x16xf32>,
        %get3A_1095 = vector.shape_cast %get3A_1094 : vector<1x1x1x16xf32> to vector<16xf32>
        %swap3A_1096 = arith.constant 1 : i32
        %swap3A_1097 = arith.constant 2 : i32
        %swap3A_1098 = arith.index_cast %swap3A_1096 : i32 to index
        %swap3A_1099 = arith.index_cast %swap3A_1097 : i32 to index
        %swap3A_1100 = arith.index_cast %scan3A_1035 : i32 to index
        %swap3A_1101 = arith.constant 48 : index
        %swap3A_1102 = tpu.vector_load %arg8[%swap3A_1098, %swap3A_1099, %swap3A_1100, %swap3A_1101] {strides = array<i32>} : memref<2x4x27x64xf32, #tpu.memory_space<vmem>>, vector<1x1x1x16xf32>,
        %swap3A_1103 = vector.shape_cast %swap3A_1102 : vector<1x1x1x16xf32> to vector<16xf32>
        %swap3A_1104 = vector.shape_cast %get3A_1095 : vector<16xf32> to vector<1x1x1x16xf32>
        tpu.vector_store %arg8[%swap3A_1098, %swap3A_1099, %swap3A_1100, %swap3A_1101], %swap3A_1104 {strides = array<i32>} : memref<2x4x27x64xf32, #tpu.memory_space<vmem>>, vector<1x1x1x16xf32>,
        %scan3A_1105 = arith.constant 1 : i32
        %scan3A_1106 = arith.addi %scan3A_1035, %scan3A_1105 : i32
        %add3A_1107 = arith.addi %mul3A_685, %scan3A_1106 : i32
        %get3A_1108 = arith.index_cast %add3A_1107 : i32 to index
        %get3A_1109 = tpu.vector_load %arg6[%get3A_1108] {strides = array<i32>} : memref<13328xi32, #tpu.memory_space<vmem>>, vector<16xi32>,
        %get3A_1110 = vector.shape_cast %get3A_1109 : vector<16xi32> to vector<16xi32>
        %slice3A_1111 = vector.extract_strided_slice %get3A_1110 {offsets = [0], sizes = [1], strides = [1]} : vector<16xi32> to vector<1xi32>
        %squeeze3A_1112 = vector.extract %slice3A_1111[0] : i32 from vector<1xi32>
        %and3A_1113 = arith.constant 7 : i32
        %and3A_1114 = arith.andi %squeeze3A_1112, %and3A_1113 : i32
        %get3A_1115 = arith.constant 0 : i32
        %get3A_1116 = arith.index_cast %get3A_1115 : i32 to index
        %get3A_1117 = arith.index_cast %scan3A_1106 : i32 to index
        %get3A_1118 = arith.index_cast %and3A_1114 : i32 to index
        %get3A_1119 = arith.constant 0 : index
        %get3A_1120 = tpu.vector_load %arg7[%get3A_1116, %get3A_1117, %get3A_1118, %get3A_1119] {strides = array<i32>} : memref<2x26x8x64xf32, #tpu.memory_space<vmem>>, vector<1x1x1x16xf32>,
        %get3A_1121 = vector.shape_cast %get3A_1120 : vector<1x1x1x16xf32> to vector<16xf32>
        %swap3A_1122 = arith.constant 1 : i32
        %swap3A_1123 = arith.constant 2 : i32
        %swap3A_1124 = arith.index_cast %swap3A_1122 : i32 to index
        %swap3A_1125 = arith.index_cast %swap3A_1123 : i32 to index
        %swap3A_1126 = arith.index_cast %scan3A_1106 : i32 to index
        %swap3A_1127 = arith.constant 0 : index
        %swap3A_1128 = tpu.vector_load %arg8[%swap3A_1124, %swap3A_1125, %swap3A_1126, %swap3A_1127] {strides = array<i32>} : memref<2x4x27x64xf32, #tpu.memory_space<vmem>>, vector<1x1x1x16xf32>,
        %swap3A_1129 = vector.shape_cast %swap3A_1128 : vector<1x1x1x16xf32> to vector<16xf32>
        %swap3A_1130 = vector.shape_cast %get3A_1121 : vector<16xf32> to vector<1x1x1x16xf32>
        tpu.vector_store %arg8[%swap3A_1124, %swap3A_1125, %swap3A_1126, %swap3A_1127], %swap3A_1130 {strides = array<i32>} : memref<2x4x27x64xf32, #tpu.memory_space<vmem>>, vector<1x1x1x16xf32>,
        %get3A_1131 = arith.constant 0 : i32
        %get3A_1132 = arith.index_cast %get3A_1131 : i32 to index
        %get3A_1133 = arith.index_cast %scan3A_1106 : i32 to index
        %get3A_1134 = arith.index_cast %and3A_1114 : i32 to index
        %get3A_1135 = arith.constant 16 : index
        %get3A_1136 = tpu.vector_load %arg7[%get3A_1132, %get3A_1133, %get3A_1134, %get3A_1135] {strides = array<i32>} : memref<2x26x8x64xf32, #tpu.memory_space<vmem>>, vector<1x1x1x16xf32>,
        %get3A_1137 = vector.shape_cast %get3A_1136 : vector<1x1x1x16xf32> to vector<16xf32>
        %swap3A_1138 = arith.constant 1 : i32
        %swap3A_1139 = arith.constant 2 : i32
        %swap3A_1140 = arith.index_cast %swap3A_1138 : i32 to index
        %swap3A_1141 = arith.index_cast %swap3A_1139 : i32 to index
        %swap3A_1142 = arith.index_cast %scan3A_1106 : i32 to index
        %swap3A_1143 = arith.constant 16 : index
        %swap3A_1144 = tpu.vector_load %arg8[%swap3A_1140, %swap3A_1141, %swap3A_1142, %swap3A_1143] {strides = array<i32>} : memref<2x4x27x64xf32, #tpu.memory_space<vmem>>, vector<1x1x1x16xf32>,
        %swap3A_1145 = vector.shape_cast %swap3A_1144 : vector<1x1x1x16xf32> to vector<16xf32>
        %swap3A_1146 = vector.shape_cast %get3A_1137 : vector<16xf32> to vector<1x1x1x16xf32>
        tpu.vector_store %arg8[%swap3A_1140, %swap3A_1141, %swap3A_1142, %swap3A_1143], %swap3A_1146 {strides = array<i32>} : memref<2x4x27x64xf32, #tpu.memory_space<vmem>>, vector<1x1x1x16xf32>,
        %get3A_1147 = arith.constant 0 : i32
        %get3A_1148 = arith.index_cast %get3A_1147 : i32 to index
        %get3A_1149 = arith.index_cast %scan3A_1106 : i32 to index
        %get3A_1150 = arith.index_cast %and3A_1114 : i32 to index
        %get3A_1151 = arith.constant 32 : index
        %get3A_1152 = tpu.vector_load %arg7[%get3A_1148, %get3A_1149, %get3A_1150, %get3A_1151] {strides = array<i32>} : memref<2x26x8x64xf32, #tpu.memory_space<vmem>>, vector<1x1x1x16xf32>,
        %get3A_1153 = vector.shape_cast %get3A_1152 : vector<1x1x1x16xf32> to vector<16xf32>
        %swap3A_1154 = arith.constant 1 : i32
        %swap3A_1155 = arith.constant 2 : i32
        %swap3A_1156 = arith.index_cast %swap3A_1154 : i32 to index
        %swap3A_1157 = arith.index_cast %swap3A_1155 : i32 to index
        %swap3A_1158 = arith.index_cast %scan3A_1106 : i32 to index
        %swap3A_1159 = arith.constant 32 : index
        %swap3A_1160 = tpu.vector_load %arg8[%swap3A_1156, %swap3A_1157, %swap3A_1158, %swap3A_1159] {strides = array<i32>} : memref<2x4x27x64xf32, #tpu.memory_space<vmem>>, vector<1x1x1x16xf32>,
        %swap3A_1161 = vector.shape_cast %swap3A_1160 : vector<1x1x1x16xf32> to vector<16xf32>
        %swap3A_1162 = vector.shape_cast %get3A_1153 : vector<16xf32> to vector<1x1x1x16xf32>
        tpu.vector_store %arg8[%swap3A_1156, %swap3A_1157, %swap3A_1158, %swap3A_1159], %swap3A_1162 {strides = array<i32>} : memref<2x4x27x64xf32, #tpu.memory_space<vmem>>, vector<1x1x1x16xf32>,
        %get3A_1163 = arith.constant 0 : i32
        %get3A_1164 = arith.index_cast %get3A_1163 : i32 to index
        %get3A_1165 = arith.index_cast %scan3A_1106 : i32 to index
        %get3A_1166 = arith.index_cast %and3A_1114 : i32 to index
        %get3A_1167 = arith.constant 48 : index
        %get3A_1168 = tpu.vector_load %arg7[%get3A_1164, %get3A_1165, %get3A_1166, %get3A_1167] {strides = array<i32>} : memref<2x26x8x64xf32, #tpu.memory_space<vmem>>, vector<1x1x1x16xf32>,
        %get3A_1169 = vector.shape_cast %get3A_1168 : vector<1x1x1x16xf32> to vector<16xf32>
        %swap3A_1170 = arith.constant 1 : i32
        %swap3A_1171 = arith.constant 2 : i32
        %swap3A_1172 = arith.index_cast %swap3A_1170 : i32 to index
        %swap3A_1173 = arith.index_cast %swap3A_1171 : i32 to index
        %swap3A_1174 = arith.index_cast %scan3A_1106 : i32 to index
        %swap3A_1175 = arith.constant 48 : index
        %swap3A_1176 = tpu.vector_load %arg8[%swap3A_1172, %swap3A_1173, %swap3A_1174, %swap3A_1175] {strides = array<i32>} : memref<2x4x27x64xf32, #tpu.memory_space<vmem>>, vector<1x1x1x16xf32>,
        %swap3A_1177 = vector.shape_cast %swap3A_1176 : vector<1x1x1x16xf32> to vector<16xf32>
        %swap3A_1178 = vector.shape_cast %get3A_1169 : vector<16xf32> to vector<1x1x1x16xf32>
        tpu.vector_store %arg8[%swap3A_1172, %swap3A_1173, %swap3A_1174, %swap3A_1175], %swap3A_1178 {strides = array<i32>} : memref<2x4x27x64xf32, #tpu.memory_space<vmem>>, vector<1x1x1x16xf32>,
      }
      %scan3A_691 = arith.constant 26 : i32
      %mul3A_692 = arith.constant 4 : i32
      %mul3A_693 = arith.muli %add3A_545, %mul3A_692 : i32
      %add3A_694 = arith.constant 3 : i32
      %add3A_695 = arith.addi %mul3A_693, %add3A_694 : i32
      %add3A_696 = arith.constant 1 : i32
      %add3A_697 = arith.addi %add3A_695, %add3A_696 : i32
      %lt3A_698 = arith.constant 512 : i32
      %lt3A_699 = arith.cmpi slt, %add3A_697, %lt3A_698 : i32
      %convert_element_type3A_700 = arith.extui %lt3A_699 : i1 to i32
      %cond3A_701 = arith.constant 0 : i32
      %cond3A_702 = arith.cmpi ne, %convert_element_type3A_700, %cond3A_701 : i32
      scf.if %cond3A_702 {
        %add3A_1035 = arith.constant 1 : i32
        %add3A_1036 = arith.addi %add3A_695, %add3A_1035 : i32
        %mul3A_1037 = arith.constant 26 : i32
        %mul3A_1038 = arith.muli %add3A_1036, %mul3A_1037 : i32
        %scan3A_1039 = arith.constant 0 : i32
        %scan3A_1040 = arith.constant 0 : i32
        %scan3A_1041 = arith.constant 26 : i32
        %scan3A_1042 = arith.addi %scan3A_1040, %scan3A_1041 : i32
        %scan3A_1043 = arith.constant 2 : i32
        scf.for %scan3A_1045 = %scan3A_1040 to %scan3A_1042 step %scan3A_1043  : i32 {
          %add3A_1046 = arith.addi %mul3A_1038, %scan3A_1045 : i32
          %get3A_1047 = arith.index_cast %add3A_1046 : i32 to index
          %get3A_1048 = tpu.vector_load %arg6[%get3A_1047] {strides = array<i32>} : memref<13328xi32, #tpu.memory_space<vmem>>, vector<16xi32>,
          %get3A_1049 = vector.shape_cast %get3A_1048 : vector<16xi32> to vector<16xi32>
          %slice3A = vector.extract_strided_slice %get3A_1049 {offsets = [0], sizes = [1], strides = [1]} : vector<16xi32> to vector<1xi32>
          %squeeze3A = vector.extract %slice3A[0] : i32 from vector<1xi32>
          %and3A = arith.constant -8 : i32
          %and3A_1050 = arith.andi %squeeze3A, %and3A : i32
          %multiple_of3A = tpu.assume_multiple %and3A_1050, 8 : i32
          %dma_start3A_1051 = arith.constant 0 : i32
          %dma_start3A_1052 = arith.constant 0 : i32
          %dma_start3A_1053 = arith.constant 0 : i32
          %dma_start3A_1054 = tpu.memref_slice %arg7[%dma_start3A_1051, %scan3A_1045, %dma_start3A_1052, %dma_start3A_1053] : memref<2x26x8x64xf32, #tpu.memory_space<vmem>> -> memref<1x1x8x64xf32, #tpu.memory_space<vmem>>
          %dma_start3A_1055 = tpu.memref_squeeze %dma_start3A_1054 : memref<1x1x8x64xf32, #tpu.memory_space<vmem>> -> memref<8x64xf32, #tpu.memory_space<vmem>>
          %dma_start3A_1056 = arith.constant 0 : i32
          %dma_start3A_1057 = tpu.memref_slice %arg4[%scan3A_1045, %multiple_of3A, %dma_start3A_1056] : memref<26x100001x64xf32, #tpu.memory_space<hbm>> -> memref<1x8x64xf32, #tpu.memory_space<hbm>>
          %dma_start3A_1058 = tpu.memref_squeeze %dma_start3A_1057 : memref<1x8x64xf32, #tpu.memory_space<hbm>> -> memref<8x64xf32, #tpu.memory_space<hbm>>
          %dma_start3A_1059 = arith.constant 0 : i32
          %dma_start3A_1060 = arith.constant 0 : i32
          %dma_start3A_1061 = tpu.memref_slice %arg7[%dma_start3A_1051, %scan3A_1045, %dma_start3A_1059, %dma_start3A_1060] : memref<2x26x8x64xf32, #tpu.memory_space<vmem>> -> memref<1x1x8x64xf32, #tpu.memory_space<vmem>>
          %dma_start3A_1062 = tpu.memref_squeeze %dma_start3A_1061 : memref<1x1x8x64xf32, #tpu.memory_space<vmem>> -> memref<8x64xf32, #tpu.memory_space<vmem>>
          %dma_start3A_1063 = arith.constant 0 : i32
          %dma_start3A_1064 = tpu.memref_slice %arg4[%scan3A_1045, %multiple_of3A, %dma_start3A_1063] : memref<26x100001x64xf32, #tpu.memory_space<hbm>> -> memref<1x8x64xf32, #tpu.memory_space<hbm>>
          %dma_start3A_1065 = tpu.memref_squeeze %dma_start3A_1064 : memref<1x8x64xf32, #tpu.memory_space<hbm>> -> memref<8x64xf32, #tpu.memory_space<hbm>>
          tpu.enqueue_dma source(%dma_start3A_1065 : memref<8x64xf32, #tpu.memory_space<hbm>>) target(%dma_start3A_1062 : memref<8x64xf32, #tpu.memory_space<vmem>>) target_semaphore(%arg10 : memref<!tpu.dma_semaphore, #tpu.memory_space<semaphore_mem>>)
          %scan3A_1066 = arith.constant 1 : i32
          %scan3A_1067 = arith.addi %scan3A_1045, %scan3A_1066 : i32
          %add3A_1068 = arith.addi %mul3A_1038, %scan3A_1067 : i32
          %get3A_1069 = arith.index_cast %add3A_1068 : i32 to index
          %get3A_1070 = tpu.vector_load %arg6[%get3A_1069] {strides = array<i32>} : memref<13328xi32, #tpu.memory_space<vmem>>, vector<16xi32>,
          %get3A_1071 = vector.shape_cast %get3A_1070 : vector<16xi32> to vector<16xi32>
          %slice3A_1072 = vector.extract_strided_slice %get3A_1071 {offsets = [0], sizes = [1], strides = [1]} : vector<16xi32> to vector<1xi32>
          %squeeze3A_1073 = vector.extract %slice3A_1072[0] : i32 from vector<1xi32>
          %and3A_1074 = arith.constant -8 : i32
          %and3A_1075 = arith.andi %squeeze3A_1073, %and3A_1074 : i32
          %multiple_of3A_1076 = tpu.assume_multiple %and3A_1075, 8 : i32
          %dma_start3A_1077 = arith.constant 0 : i32
          %dma_start3A_1078 = arith.constant 0 : i32
          %dma_start3A_1079 = arith.constant 0 : i32
          %dma_start3A_1080 = tpu.memref_slice %arg7[%dma_start3A_1077, %scan3A_1067, %dma_start3A_1078, %dma_start3A_1079] : memref<2x26x8x64xf32, #tpu.memory_space<vmem>> -> memref<1x1x8x64xf32, #tpu.memory_space<vmem>>
          %dma_start3A_1081 = tpu.memref_squeeze %dma_start3A_1080 : memref<1x1x8x64xf32, #tpu.memory_space<vmem>> -> memref<8x64xf32, #tpu.memory_space<vmem>>
          %dma_start3A_1082 = arith.constant 0 : i32
          %dma_start3A_1083 = tpu.memref_slice %arg4[%scan3A_1067, %multiple_of3A_1076, %dma_start3A_1082] : memref<26x100001x64xf32, #tpu.memory_space<hbm>> -> memref<1x8x64xf32, #tpu.memory_space<hbm>>
          %dma_start3A_1084 = tpu.memref_squeeze %dma_start3A_1083 : memref<1x8x64xf32, #tpu.memory_space<hbm>> -> memref<8x64xf32, #tpu.memory_space<hbm>>
          %dma_start3A_1085 = arith.constant 0 : i32
          %dma_start3A_1086 = arith.constant 0 : i32
          %dma_start3A_1087 = tpu.memref_slice %arg7[%dma_start3A_1077, %scan3A_1067, %dma_start3A_1085, %dma_start3A_1086] : memref<2x26x8x64xf32, #tpu.memory_space<vmem>> -> memref<1x1x8x64xf32, #tpu.memory_space<vmem>>
          %dma_start3A_1088 = tpu.memref_squeeze %dma_start3A_1087 : memref<1x1x8x64xf32, #tpu.memory_space<vmem>> -> memref<8x64xf32, #tpu.memory_space<vmem>>
          %dma_start3A_1089 = arith.constant 0 : i32
          %dma_start3A_1090 = tpu.memref_slice %arg4[%scan3A_1067, %multiple_of3A_1076, %dma_start3A_1089] : memref<26x100001x64xf32, #tpu.memory_space<hbm>> -> memref<1x8x64xf32, #tpu.memory_space<hbm>>
          %dma_start3A_1091 = tpu.memref_squeeze %dma_start3A_1090 : memref<1x8x64xf32, #tpu.memory_space<hbm>> -> memref<8x64xf32, #tpu.memory_space<hbm>>
          tpu.enqueue_dma source(%dma_start3A_1091 : memref<8x64xf32, #tpu.memory_space<hbm>>) target(%dma_start3A_1088 : memref<8x64xf32, #tpu.memory_space<vmem>>) target_semaphore(%arg10 : memref<!tpu.dma_semaphore, #tpu.memory_space<semaphore_mem>>)
        }
        %scan3A_1044 = arith.constant 26 : i32
      } else {
      }
      %dma_wait3A_703 = arith.constant 0 : i32
      %dma_wait3A_704 = arith.constant 1 : i32
      %dma_wait3A_705 = arith.constant 0 : i32
      %dma_wait3A_706 = arith.constant 0 : i32
      %dma_wait3A_707 = arith.constant 0 : i32
      %dma_wait3A_708 = tpu.memref_slice %arg7[%dma_wait3A_704, %dma_wait3A_705, %dma_wait3A_706, %dma_wait3A_707] : memref<2x26x8x64xf32, #tpu.memory_space<vmem>> -> memref<1x26x8x64xf32, #tpu.memory_space<vmem>>
      %dma_wait3A_709 = tpu.memref_squeeze %dma_wait3A_708 : memref<1x26x8x64xf32, #tpu.memory_space<vmem>> -> memref<26x8x64xf32, #tpu.memory_space<vmem>>
      %dma_wait3A_710 = arith.constant 0 : i32
      %dma_wait3A_711 = arith.constant 0 : i32
      %dma_wait3A_712 = tpu.memref_slice %arg4[%dma_wait3A_703, %dma_wait3A_710, %dma_wait3A_711] : memref<26x100001x64xf32, #tpu.memory_space<hbm>> -> memref<1x208x64xf32, #tpu.memory_space<hbm>>
      %dma_wait3A_713 = tpu.memref_squeeze %dma_wait3A_712 : memref<1x208x64xf32, #tpu.memory_space<hbm>> -> memref<208x64xf32, #tpu.memory_space<hbm>>
      %dma_wait3A_714 = tpu.memref_reshape %dma_wait3A_713 : memref<208x64xf32, #tpu.memory_space<hbm>> -> memref<26x8x64xf32, #tpu.memory_space<hbm>>
      %dma_wait3A_715 = arith.constant 0 : i32
      %dma_wait3A_716 = arith.constant 0 : i32
      %dma_wait3A_717 = arith.constant 0 : i32
      %dma_wait3A_718 = tpu.memref_slice %arg7[%dma_wait3A_704, %dma_wait3A_715, %dma_wait3A_716, %dma_wait3A_717] : memref<2x26x8x64xf32, #tpu.memory_space<vmem>> -> memref<1x26x8x64xf32, #tpu.memory_space<vmem>>
      %dma_wait3A_719 = tpu.memref_squeeze %dma_wait3A_718 : memref<1x26x8x64xf32, #tpu.memory_space<vmem>> -> memref<26x8x64xf32, #tpu.memory_space<vmem>>
      %dma_wait3A_720 = arith.constant 0 : i32
      %dma_wait3A_721 = arith.constant 0 : i32
      %dma_wait3A_722 = tpu.memref_slice %arg4[%dma_wait3A_703, %dma_wait3A_720, %dma_wait3A_721] : memref<26x100001x64xf32, #tpu.memory_space<hbm>> -> memref<1x208x64xf32, #tpu.memory_space<hbm>>
      %dma_wait3A_723 = tpu.memref_squeeze %dma_wait3A_722 : memref<1x208x64xf32, #tpu.memory_space<hbm>> -> memref<208x64xf32, #tpu.memory_space<hbm>>
      %dma_wait3A_724 = tpu.memref_reshape %dma_wait3A_723 : memref<208x64xf32, #tpu.memory_space<hbm>> -> memref<26x8x64xf32, #tpu.memory_space<hbm>>
      tpu.wait_dma2 semaphore(%arg11 : memref<!tpu.dma_semaphore, #tpu.memory_space<semaphore_mem>>) src(%dma_wait3A_724 : memref<26x8x64xf32, #tpu.memory_space<hbm>>) dst(%dma_wait3A_719 : memref<26x8x64xf32, #tpu.memory_space<vmem>>)
      %mul3A_725 = arith.constant 26 : i32
      %mul3A_726 = arith.muli %add3A_695, %mul3A_725 : i32
      %scan3A_727 = arith.constant 0 : i32
      %scan3A_728 = arith.constant 0 : i32
      %scan3A_729 = arith.constant 26 : i32
      %scan3A_730 = arith.addi %scan3A_728, %scan3A_729 : i32
      %scan3A_731 = arith.constant 2 : i32
      scf.for %scan3A_1035 = %scan3A_728 to %scan3A_730 step %scan3A_731  : i32 {
        %add3A_1036 = arith.addi %mul3A_726, %scan3A_1035 : i32
        %get3A_1037 = arith.index_cast %add3A_1036 : i32 to index
        %get3A_1038 = tpu.vector_load %arg6[%get3A_1037] {strides = array<i32>} : memref<13328xi32, #tpu.memory_space<vmem>>, vector<16xi32>,
        %get3A_1039 = vector.shape_cast %get3A_1038 : vector<16xi32> to vector<16xi32>
        %slice3A = vector.extract_strided_slice %get3A_1039 {offsets = [0], sizes = [1], strides = [1]} : vector<16xi32> to vector<1xi32>
        %squeeze3A = vector.extract %slice3A[0] : i32 from vector<1xi32>
        %and3A = arith.constant 7 : i32
        %and3A_1040 = arith.andi %squeeze3A, %and3A : i32
        %get3A_1041 = arith.constant 1 : i32
        %get3A_1042 = arith.index_cast %get3A_1041 : i32 to index
        %get3A_1043 = arith.index_cast %scan3A_1035 : i32 to index
        %get3A_1044 = arith.index_cast %and3A_1040 : i32 to index
        %get3A_1045 = arith.constant 0 : index
        %get3A_1046 = tpu.vector_load %arg7[%get3A_1042, %get3A_1043, %get3A_1044, %get3A_1045] {strides = array<i32>} : memref<2x26x8x64xf32, #tpu.memory_space<vmem>>, vector<1x1x1x16xf32>,
        %get3A_1047 = vector.shape_cast %get3A_1046 : vector<1x1x1x16xf32> to vector<16xf32>
        %swap3A_1048 = arith.constant 1 : i32
        %swap3A_1049 = arith.constant 3 : i32
        %swap3A_1050 = arith.index_cast %swap3A_1048 : i32 to index
        %swap3A_1051 = arith.index_cast %swap3A_1049 : i32 to index
        %swap3A_1052 = arith.index_cast %scan3A_1035 : i32 to index
        %swap3A_1053 = arith.constant 0 : index
        %swap3A_1054 = tpu.vector_load %arg8[%swap3A_1050, %swap3A_1051, %swap3A_1052, %swap3A_1053] {strides = array<i32>} : memref<2x4x27x64xf32, #tpu.memory_space<vmem>>, vector<1x1x1x16xf32>,
        %swap3A_1055 = vector.shape_cast %swap3A_1054 : vector<1x1x1x16xf32> to vector<16xf32>
        %swap3A_1056 = vector.shape_cast %get3A_1047 : vector<16xf32> to vector<1x1x1x16xf32>
        tpu.vector_store %arg8[%swap3A_1050, %swap3A_1051, %swap3A_1052, %swap3A_1053], %swap3A_1056 {strides = array<i32>} : memref<2x4x27x64xf32, #tpu.memory_space<vmem>>, vector<1x1x1x16xf32>,
        %get3A_1057 = arith.constant 1 : i32
        %get3A_1058 = arith.index_cast %get3A_1057 : i32 to index
        %get3A_1059 = arith.index_cast %scan3A_1035 : i32 to index
        %get3A_1060 = arith.index_cast %and3A_1040 : i32 to index
        %get3A_1061 = arith.constant 16 : index
        %get3A_1062 = tpu.vector_load %arg7[%get3A_1058, %get3A_1059, %get3A_1060, %get3A_1061] {strides = array<i32>} : memref<2x26x8x64xf32, #tpu.memory_space<vmem>>, vector<1x1x1x16xf32>,
        %get3A_1063 = vector.shape_cast %get3A_1062 : vector<1x1x1x16xf32> to vector<16xf32>
        %swap3A_1064 = arith.constant 1 : i32
        %swap3A_1065 = arith.constant 3 : i32
        %swap3A_1066 = arith.index_cast %swap3A_1064 : i32 to index
        %swap3A_1067 = arith.index_cast %swap3A_1065 : i32 to index
        %swap3A_1068 = arith.index_cast %scan3A_1035 : i32 to index
        %swap3A_1069 = arith.constant 16 : index
        %swap3A_1070 = tpu.vector_load %arg8[%swap3A_1066, %swap3A_1067, %swap3A_1068, %swap3A_1069] {strides = array<i32>} : memref<2x4x27x64xf32, #tpu.memory_space<vmem>>, vector<1x1x1x16xf32>,
        %swap3A_1071 = vector.shape_cast %swap3A_1070 : vector<1x1x1x16xf32> to vector<16xf32>
        %swap3A_1072 = vector.shape_cast %get3A_1063 : vector<16xf32> to vector<1x1x1x16xf32>
        tpu.vector_store %arg8[%swap3A_1066, %swap3A_1067, %swap3A_1068, %swap3A_1069], %swap3A_1072 {strides = array<i32>} : memref<2x4x27x64xf32, #tpu.memory_space<vmem>>, vector<1x1x1x16xf32>,
        %get3A_1073 = arith.constant 1 : i32
        %get3A_1074 = arith.index_cast %get3A_1073 : i32 to index
        %get3A_1075 = arith.index_cast %scan3A_1035 : i32 to index
        %get3A_1076 = arith.index_cast %and3A_1040 : i32 to index
        %get3A_1077 = arith.constant 32 : index
        %get3A_1078 = tpu.vector_load %arg7[%get3A_1074, %get3A_1075, %get3A_1076, %get3A_1077] {strides = array<i32>} : memref<2x26x8x64xf32, #tpu.memory_space<vmem>>, vector<1x1x1x16xf32>,
        %get3A_1079 = vector.shape_cast %get3A_1078 : vector<1x1x1x16xf32> to vector<16xf32>
        %swap3A_1080 = arith.constant 1 : i32
        %swap3A_1081 = arith.constant 3 : i32
        %swap3A_1082 = arith.index_cast %swap3A_1080 : i32 to index
        %swap3A_1083 = arith.index_cast %swap3A_1081 : i32 to index
        %swap3A_1084 = arith.index_cast %scan3A_1035 : i32 to index
        %swap3A_1085 = arith.constant 32 : index
        %swap3A_1086 = tpu.vector_load %arg8[%swap3A_1082, %swap3A_1083, %swap3A_1084, %swap3A_1085] {strides = array<i32>} : memref<2x4x27x64xf32, #tpu.memory_space<vmem>>, vector<1x1x1x16xf32>,
        %swap3A_1087 = vector.shape_cast %swap3A_1086 : vector<1x1x1x16xf32> to vector<16xf32>
        %swap3A_1088 = vector.shape_cast %get3A_1079 : vector<16xf32> to vector<1x1x1x16xf32>
        tpu.vector_store %arg8[%swap3A_1082, %swap3A_1083, %swap3A_1084, %swap3A_1085], %swap3A_1088 {strides = array<i32>} : memref<2x4x27x64xf32, #tpu.memory_space<vmem>>, vector<1x1x1x16xf32>,
        %get3A_1089 = arith.constant 1 : i32
        %get3A_1090 = arith.index_cast %get3A_1089 : i32 to index
        %get3A_1091 = arith.index_cast %scan3A_1035 : i32 to index
        %get3A_1092 = arith.index_cast %and3A_1040 : i32 to index
        %get3A_1093 = arith.constant 48 : index
        %get3A_1094 = tpu.vector_load %arg7[%get3A_1090, %get3A_1091, %get3A_1092, %get3A_1093] {strides = array<i32>} : memref<2x26x8x64xf32, #tpu.memory_space<vmem>>, vector<1x1x1x16xf32>,
        %get3A_1095 = vector.shape_cast %get3A_1094 : vector<1x1x1x16xf32> to vector<16xf32>
        %swap3A_1096 = arith.constant 1 : i32
        %swap3A_1097 = arith.constant 3 : i32
        %swap3A_1098 = arith.index_cast %swap3A_1096 : i32 to index
        %swap3A_1099 = arith.index_cast %swap3A_1097 : i32 to index
        %swap3A_1100 = arith.index_cast %scan3A_1035 : i32 to index
        %swap3A_1101 = arith.constant 48 : index
        %swap3A_1102 = tpu.vector_load %arg8[%swap3A_1098, %swap3A_1099, %swap3A_1100, %swap3A_1101] {strides = array<i32>} : memref<2x4x27x64xf32, #tpu.memory_space<vmem>>, vector<1x1x1x16xf32>,
        %swap3A_1103 = vector.shape_cast %swap3A_1102 : vector<1x1x1x16xf32> to vector<16xf32>
        %swap3A_1104 = vector.shape_cast %get3A_1095 : vector<16xf32> to vector<1x1x1x16xf32>
        tpu.vector_store %arg8[%swap3A_1098, %swap3A_1099, %swap3A_1100, %swap3A_1101], %swap3A_1104 {strides = array<i32>} : memref<2x4x27x64xf32, #tpu.memory_space<vmem>>, vector<1x1x1x16xf32>,
        %scan3A_1105 = arith.constant 1 : i32
        %scan3A_1106 = arith.addi %scan3A_1035, %scan3A_1105 : i32
        %add3A_1107 = arith.addi %mul3A_726, %scan3A_1106 : i32
        %get3A_1108 = arith.index_cast %add3A_1107 : i32 to index
        %get3A_1109 = tpu.vector_load %arg6[%get3A_1108] {strides = array<i32>} : memref<13328xi32, #tpu.memory_space<vmem>>, vector<16xi32>,
        %get3A_1110 = vector.shape_cast %get3A_1109 : vector<16xi32> to vector<16xi32>
        %slice3A_1111 = vector.extract_strided_slice %get3A_1110 {offsets = [0], sizes = [1], strides = [1]} : vector<16xi32> to vector<1xi32>
        %squeeze3A_1112 = vector.extract %slice3A_1111[0] : i32 from vector<1xi32>
        %and3A_1113 = arith.constant 7 : i32
        %and3A_1114 = arith.andi %squeeze3A_1112, %and3A_1113 : i32
        %get3A_1115 = arith.constant 1 : i32
        %get3A_1116 = arith.index_cast %get3A_1115 : i32 to index
        %get3A_1117 = arith.index_cast %scan3A_1106 : i32 to index
        %get3A_1118 = arith.index_cast %and3A_1114 : i32 to index
        %get3A_1119 = arith.constant 0 : index
        %get3A_1120 = tpu.vector_load %arg7[%get3A_1116, %get3A_1117, %get3A_1118, %get3A_1119] {strides = array<i32>} : memref<2x26x8x64xf32, #tpu.memory_space<vmem>>, vector<1x1x1x16xf32>,
        %get3A_1121 = vector.shape_cast %get3A_1120 : vector<1x1x1x16xf32> to vector<16xf32>
        %swap3A_1122 = arith.constant 1 : i32
        %swap3A_1123 = arith.constant 3 : i32
        %swap3A_1124 = arith.index_cast %swap3A_1122 : i32 to index
        %swap3A_1125 = arith.index_cast %swap3A_1123 : i32 to index
        %swap3A_1126 = arith.index_cast %scan3A_1106 : i32 to index
        %swap3A_1127 = arith.constant 0 : index
        %swap3A_1128 = tpu.vector_load %arg8[%swap3A_1124, %swap3A_1125, %swap3A_1126, %swap3A_1127] {strides = array<i32>} : memref<2x4x27x64xf32, #tpu.memory_space<vmem>>, vector<1x1x1x16xf32>,
        %swap3A_1129 = vector.shape_cast %swap3A_1128 : vector<1x1x1x16xf32> to vector<16xf32>
        %swap3A_1130 = vector.shape_cast %get3A_1121 : vector<16xf32> to vector<1x1x1x16xf32>
        tpu.vector_store %arg8[%swap3A_1124, %swap3A_1125, %swap3A_1126, %swap3A_1127], %swap3A_1130 {strides = array<i32>} : memref<2x4x27x64xf32, #tpu.memory_space<vmem>>, vector<1x1x1x16xf32>,
        %get3A_1131 = arith.constant 1 : i32
        %get3A_1132 = arith.index_cast %get3A_1131 : i32 to index
        %get3A_1133 = arith.index_cast %scan3A_1106 : i32 to index
        %get3A_1134 = arith.index_cast %and3A_1114 : i32 to index
        %get3A_1135 = arith.constant 16 : index
        %get3A_1136 = tpu.vector_load %arg7[%get3A_1132, %get3A_1133, %get3A_1134, %get3A_1135] {strides = array<i32>} : memref<2x26x8x64xf32, #tpu.memory_space<vmem>>, vector<1x1x1x16xf32>,
        %get3A_1137 = vector.shape_cast %get3A_1136 : vector<1x1x1x16xf32> to vector<16xf32>
        %swap3A_1138 = arith.constant 1 : i32
        %swap3A_1139 = arith.constant 3 : i32
        %swap3A_1140 = arith.index_cast %swap3A_1138 : i32 to index
        %swap3A_1141 = arith.index_cast %swap3A_1139 : i32 to index
        %swap3A_1142 = arith.index_cast %scan3A_1106 : i32 to index
        %swap3A_1143 = arith.constant 16 : index
        %swap3A_1144 = tpu.vector_load %arg8[%swap3A_1140, %swap3A_1141, %swap3A_1142, %swap3A_1143] {strides = array<i32>} : memref<2x4x27x64xf32, #tpu.memory_space<vmem>>, vector<1x1x1x16xf32>,
        %swap3A_1145 = vector.shape_cast %swap3A_1144 : vector<1x1x1x16xf32> to vector<16xf32>
        %swap3A_1146 = vector.shape_cast %get3A_1137 : vector<16xf32> to vector<1x1x1x16xf32>
        tpu.vector_store %arg8[%swap3A_1140, %swap3A_1141, %swap3A_1142, %swap3A_1143], %swap3A_1146 {strides = array<i32>} : memref<2x4x27x64xf32, #tpu.memory_space<vmem>>, vector<1x1x1x16xf32>,
        %get3A_1147 = arith.constant 1 : i32
        %get3A_1148 = arith.index_cast %get3A_1147 : i32 to index
        %get3A_1149 = arith.index_cast %scan3A_1106 : i32 to index
        %get3A_1150 = arith.index_cast %and3A_1114 : i32 to index
        %get3A_1151 = arith.constant 32 : index
        %get3A_1152 = tpu.vector_load %arg7[%get3A_1148, %get3A_1149, %get3A_1150, %get3A_1151] {strides = array<i32>} : memref<2x26x8x64xf32, #tpu.memory_space<vmem>>, vector<1x1x1x16xf32>,
        %get3A_1153 = vector.shape_cast %get3A_1152 : vector<1x1x1x16xf32> to vector<16xf32>
        %swap3A_1154 = arith.constant 1 : i32
        %swap3A_1155 = arith.constant 3 : i32
        %swap3A_1156 = arith.index_cast %swap3A_1154 : i32 to index
        %swap3A_1157 = arith.index_cast %swap3A_1155 : i32 to index
        %swap3A_1158 = arith.index_cast %scan3A_1106 : i32 to index
        %swap3A_1159 = arith.constant 32 : index
        %swap3A_1160 = tpu.vector_load %arg8[%swap3A_1156, %swap3A_1157, %swap3A_1158, %swap3A_1159] {strides = array<i32>} : memref<2x4x27x64xf32, #tpu.memory_space<vmem>>, vector<1x1x1x16xf32>,
        %swap3A_1161 = vector.shape_cast %swap3A_1160 : vector<1x1x1x16xf32> to vector<16xf32>
        %swap3A_1162 = vector.shape_cast %get3A_1153 : vector<16xf32> to vector<1x1x1x16xf32>
        tpu.vector_store %arg8[%swap3A_1156, %swap3A_1157, %swap3A_1158, %swap3A_1159], %swap3A_1162 {strides = array<i32>} : memref<2x4x27x64xf32, #tpu.memory_space<vmem>>, vector<1x1x1x16xf32>,
        %get3A_1163 = arith.constant 1 : i32
        %get3A_1164 = arith.index_cast %get3A_1163 : i32 to index
        %get3A_1165 = arith.index_cast %scan3A_1106 : i32 to index
        %get3A_1166 = arith.index_cast %and3A_1114 : i32 to index
        %get3A_1167 = arith.constant 48 : index
        %get3A_1168 = tpu.vector_load %arg7[%get3A_1164, %get3A_1165, %get3A_1166, %get3A_1167] {strides = array<i32>} : memref<2x26x8x64xf32, #tpu.memory_space<vmem>>, vector<1x1x1x16xf32>,
        %get3A_1169 = vector.shape_cast %get3A_1168 : vector<1x1x1x16xf32> to vector<16xf32>
        %swap3A_1170 = arith.constant 1 : i32
        %swap3A_1171 = arith.constant 3 : i32
        %swap3A_1172 = arith.index_cast %swap3A_1170 : i32 to index
        %swap3A_1173 = arith.index_cast %swap3A_1171 : i32 to index
        %swap3A_1174 = arith.index_cast %scan3A_1106 : i32 to index
        %swap3A_1175 = arith.constant 48 : index
        %swap3A_1176 = tpu.vector_load %arg8[%swap3A_1172, %swap3A_1173, %swap3A_1174, %swap3A_1175] {strides = array<i32>} : memref<2x4x27x64xf32, #tpu.memory_space<vmem>>, vector<1x1x1x16xf32>,
        %swap3A_1177 = vector.shape_cast %swap3A_1176 : vector<1x1x1x16xf32> to vector<16xf32>
        %swap3A_1178 = vector.shape_cast %get3A_1169 : vector<16xf32> to vector<1x1x1x16xf32>
        tpu.vector_store %arg8[%swap3A_1172, %swap3A_1173, %swap3A_1174, %swap3A_1175], %swap3A_1178 {strides = array<i32>} : memref<2x4x27x64xf32, #tpu.memory_space<vmem>>, vector<1x1x1x16xf32>,
      }
      %scan3A_732 = arith.constant 26 : i32
      %dma_wait3A_733 = arith.constant 1 : i32
      %dma_wait3A_734 = arith.constant 0 : i32
      %dma_wait3A_735 = arith.constant 0 : i32
      %dma_wait3A_736 = tpu.memref_slice %arg9[%dma_wait3A_733, %dma_wait3A_734, %dma_wait3A_735] : memref<2x4x128xf32, #tpu.memory_space<vmem>> -> memref<1x4x128xf32, #tpu.memory_space<vmem>>
      %dma_wait3A_737 = tpu.memref_squeeze %dma_wait3A_736 : memref<1x4x128xf32, #tpu.memory_space<vmem>> -> memref<4x128xf32, #tpu.memory_space<vmem>>
      %dma_wait3A_738 = arith.constant 0 : i32
      %dma_wait3A_739 = tpu.memref_slice %arg3[%add3A_550, %dma_wait3A_738] : memref<16384x128xf32, #tpu.memory_space<hbm>> -> memref<4x128xf32, #tpu.memory_space<hbm>>
      %dma_wait3A_740 = arith.constant 0 : i32
      %dma_wait3A_741 = arith.constant 0 : i32
      %dma_wait3A_742 = tpu.memref_slice %arg9[%dma_wait3A_733, %dma_wait3A_740, %dma_wait3A_741] : memref<2x4x128xf32, #tpu.memory_space<vmem>> -> memref<1x4x128xf32, #tpu.memory_space<vmem>>
      %dma_wait3A_743 = tpu.memref_squeeze %dma_wait3A_742 : memref<1x4x128xf32, #tpu.memory_space<vmem>> -> memref<4x128xf32, #tpu.memory_space<vmem>>
      %dma_wait3A_744 = arith.constant 0 : i32
      %dma_wait3A_745 = tpu.memref_slice %arg3[%add3A_550, %dma_wait3A_744] : memref<16384x128xf32, #tpu.memory_space<hbm>> -> memref<4x128xf32, #tpu.memory_space<hbm>>
      tpu.wait_dma2 semaphore(%arg14 : memref<!tpu.dma_semaphore, #tpu.memory_space<semaphore_mem>>) src(%dma_wait3A_745 : memref<4x128xf32, #tpu.memory_space<hbm>>) dst(%dma_wait3A_743 : memref<4x128xf32, #tpu.memory_space<vmem>>)
      %get3A_746 = arith.constant 1 : i32
      %get3A_747 = arith.constant 0 : i32
      %get3A_748 = arith.index_cast %get3A_746 : i32 to index
      %get3A_749 = arith.index_cast %get3A_747 : i32 to index
      %get3A_750 = arith.constant 0 : index
      %get3A_751 = tpu.vector_load %arg9[%get3A_748, %get3A_749, %get3A_750] {strides = array<i32>} : memref<2x4x128xf32, #tpu.memory_space<vmem>>, vector<1x1x16xf32>,
      %get3A_752 = vector.shape_cast %get3A_751 : vector<1x1x16xf32> to vector<16xf32>
      %swap3A_753 = arith.constant 1 : i32
      %swap3A_754 = arith.constant 0 : i32
      %swap3A_755 = arith.constant 26 : i32
      %swap3A_756 = arith.index_cast %swap3A_753 : i32 to index
      %swap3A_757 = arith.index_cast %swap3A_754 : i32 to index
      %swap3A_758 = arith.index_cast %swap3A_755 : i32 to index
      %swap3A_759 = arith.constant 0 : index
      %swap3A_760 = tpu.vector_load %arg8[%swap3A_756, %swap3A_757, %swap3A_758, %swap3A_759] {strides = array<i32>} : memref<2x4x27x64xf32, #tpu.memory_space<vmem>>, vector<1x1x1x16xf32>,
      %swap3A_761 = vector.shape_cast %swap3A_760 : vector<1x1x1x16xf32> to vector<16xf32>
      %swap3A_762 = vector.shape_cast %get3A_752 : vector<16xf32> to vector<1x1x1x16xf32>
      tpu.vector_store %arg8[%swap3A_756, %swap3A_757, %swap3A_758, %swap3A_759], %swap3A_762 {strides = array<i32>} : memref<2x4x27x64xf32, #tpu.memory_space<vmem>>, vector<1x1x1x16xf32>,
      %get3A_763 = arith.constant 1 : i32
      %get3A_764 = arith.constant 0 : i32
      %get3A_765 = arith.index_cast %get3A_763 : i32 to index
      %get3A_766 = arith.index_cast %get3A_764 : i32 to index
      %get3A_767 = arith.constant 16 : index
      %get3A_768 = tpu.vector_load %arg9[%get3A_765, %get3A_766, %get3A_767] {strides = array<i32>} : memref<2x4x128xf32, #tpu.memory_space<vmem>>, vector<1x1x16xf32>,
      %get3A_769 = vector.shape_cast %get3A_768 : vector<1x1x16xf32> to vector<16xf32>
      %swap3A_770 = arith.constant 1 : i32
      %swap3A_771 = arith.constant 0 : i32
      %swap3A_772 = arith.constant 26 : i32
      %swap3A_773 = arith.index_cast %swap3A_770 : i32 to index
      %swap3A_774 = arith.index_cast %swap3A_771 : i32 to index
      %swap3A_775 = arith.index_cast %swap3A_772 : i32 to index
      %swap3A_776 = arith.constant 16 : index
      %swap3A_777 = tpu.vector_load %arg8[%swap3A_773, %swap3A_774, %swap3A_775, %swap3A_776] {strides = array<i32>} : memref<2x4x27x64xf32, #tpu.memory_space<vmem>>, vector<1x1x1x16xf32>,
      %swap3A_778 = vector.shape_cast %swap3A_777 : vector<1x1x1x16xf32> to vector<16xf32>
      %swap3A_779 = vector.shape_cast %get3A_769 : vector<16xf32> to vector<1x1x1x16xf32>
      tpu.vector_store %arg8[%swap3A_773, %swap3A_774, %swap3A_775, %swap3A_776], %swap3A_779 {strides = array<i32>} : memref<2x4x27x64xf32, #tpu.memory_space<vmem>>, vector<1x1x1x16xf32>,
      %get3A_780 = arith.constant 1 : i32
      %get3A_781 = arith.constant 0 : i32
      %get3A_782 = arith.index_cast %get3A_780 : i32 to index
      %get3A_783 = arith.index_cast %get3A_781 : i32 to index
      %get3A_784 = arith.constant 32 : index
      %get3A_785 = tpu.vector_load %arg9[%get3A_782, %get3A_783, %get3A_784] {strides = array<i32>} : memref<2x4x128xf32, #tpu.memory_space<vmem>>, vector<1x1x16xf32>,
      %get3A_786 = vector.shape_cast %get3A_785 : vector<1x1x16xf32> to vector<16xf32>
      %swap3A_787 = arith.constant 1 : i32
      %swap3A_788 = arith.constant 0 : i32
      %swap3A_789 = arith.constant 26 : i32
      %swap3A_790 = arith.index_cast %swap3A_787 : i32 to index
      %swap3A_791 = arith.index_cast %swap3A_788 : i32 to index
      %swap3A_792 = arith.index_cast %swap3A_789 : i32 to index
      %swap3A_793 = arith.constant 32 : index
      %swap3A_794 = tpu.vector_load %arg8[%swap3A_790, %swap3A_791, %swap3A_792, %swap3A_793] {strides = array<i32>} : memref<2x4x27x64xf32, #tpu.memory_space<vmem>>, vector<1x1x1x16xf32>,
      %swap3A_795 = vector.shape_cast %swap3A_794 : vector<1x1x1x16xf32> to vector<16xf32>
      %swap3A_796 = vector.shape_cast %get3A_786 : vector<16xf32> to vector<1x1x1x16xf32>
      tpu.vector_store %arg8[%swap3A_790, %swap3A_791, %swap3A_792, %swap3A_793], %swap3A_796 {strides = array<i32>} : memref<2x4x27x64xf32, #tpu.memory_space<vmem>>, vector<1x1x1x16xf32>,
      %get3A_797 = arith.constant 1 : i32
      %get3A_798 = arith.constant 0 : i32
      %get3A_799 = arith.index_cast %get3A_797 : i32 to index
      %get3A_800 = arith.index_cast %get3A_798 : i32 to index
      %get3A_801 = arith.constant 48 : index
      %get3A_802 = tpu.vector_load %arg9[%get3A_799, %get3A_800, %get3A_801] {strides = array<i32>} : memref<2x4x128xf32, #tpu.memory_space<vmem>>, vector<1x1x16xf32>,
      %get3A_803 = vector.shape_cast %get3A_802 : vector<1x1x16xf32> to vector<16xf32>
      %swap3A_804 = arith.constant 1 : i32
      %swap3A_805 = arith.constant 0 : i32
      %swap3A_806 = arith.constant 26 : i32
      %swap3A_807 = arith.index_cast %swap3A_804 : i32 to index
      %swap3A_808 = arith.index_cast %swap3A_805 : i32 to index
      %swap3A_809 = arith.index_cast %swap3A_806 : i32 to index
      %swap3A_810 = arith.constant 48 : index
      %swap3A_811 = tpu.vector_load %arg8[%swap3A_807, %swap3A_808, %swap3A_809, %swap3A_810] {strides = array<i32>} : memref<2x4x27x64xf32, #tpu.memory_space<vmem>>, vector<1x1x1x16xf32>,
      %swap3A_812 = vector.shape_cast %swap3A_811 : vector<1x1x1x16xf32> to vector<16xf32>
      %swap3A_813 = vector.shape_cast %get3A_803 : vector<16xf32> to vector<1x1x1x16xf32>
      tpu.vector_store %arg8[%swap3A_807, %swap3A_808, %swap3A_809, %swap3A_810], %swap3A_813 {strides = array<i32>} : memref<2x4x27x64xf32, #tpu.memory_space<vmem>>, vector<1x1x1x16xf32>,
      %get3A_814 = arith.constant 1 : i32
      %get3A_815 = arith.constant 1 : i32
      %get3A_816 = arith.index_cast %get3A_814 : i32 to index
      %get3A_817 = arith.index_cast %get3A_815 : i32 to index
      %get3A_818 = arith.constant 0 : index
      %get3A_819 = tpu.vector_load %arg9[%get3A_816, %get3A_817, %get3A_818] {strides = array<i32>} : memref<2x4x128xf32, #tpu.memory_space<vmem>>, vector<1x1x16xf32>,
      %get3A_820 = vector.shape_cast %get3A_819 : vector<1x1x16xf32> to vector<16xf32>
      %swap3A_821 = arith.constant 1 : i32
      %swap3A_822 = arith.constant 1 : i32
      %swap3A_823 = arith.constant 26 : i32
      %swap3A_824 = arith.index_cast %swap3A_821 : i32 to index
      %swap3A_825 = arith.index_cast %swap3A_822 : i32 to index
      %swap3A_826 = arith.index_cast %swap3A_823 : i32 to index
      %swap3A_827 = arith.constant 0 : index
      %swap3A_828 = tpu.vector_load %arg8[%swap3A_824, %swap3A_825, %swap3A_826, %swap3A_827] {strides = array<i32>} : memref<2x4x27x64xf32, #tpu.memory_space<vmem>>, vector<1x1x1x16xf32>,
      %swap3A_829 = vector.shape_cast %swap3A_828 : vector<1x1x1x16xf32> to vector<16xf32>
      %swap3A_830 = vector.shape_cast %get3A_820 : vector<16xf32> to vector<1x1x1x16xf32>
      tpu.vector_store %arg8[%swap3A_824, %swap3A_825, %swap3A_826, %swap3A_827], %swap3A_830 {strides = array<i32>} : memref<2x4x27x64xf32, #tpu.memory_space<vmem>>, vector<1x1x1x16xf32>,
      %get3A_831 = arith.constant 1 : i32
      %get3A_832 = arith.constant 1 : i32
      %get3A_833 = arith.index_cast %get3A_831 : i32 to index
      %get3A_834 = arith.index_cast %get3A_832 : i32 to index
      %get3A_835 = arith.constant 16 : index
      %get3A_836 = tpu.vector_load %arg9[%get3A_833, %get3A_834, %get3A_835] {strides = array<i32>} : memref<2x4x128xf32, #tpu.memory_space<vmem>>, vector<1x1x16xf32>,
      %get3A_837 = vector.shape_cast %get3A_836 : vector<1x1x16xf32> to vector<16xf32>
      %swap3A_838 = arith.constant 1 : i32
      %swap3A_839 = arith.constant 1 : i32
      %swap3A_840 = arith.constant 26 : i32
      %swap3A_841 = arith.index_cast %swap3A_838 : i32 to index
      %swap3A_842 = arith.index_cast %swap3A_839 : i32 to index
      %swap3A_843 = arith.index_cast %swap3A_840 : i32 to index
      %swap3A_844 = arith.constant 16 : index
      %swap3A_845 = tpu.vector_load %arg8[%swap3A_841, %swap3A_842, %swap3A_843, %swap3A_844] {strides = array<i32>} : memref<2x4x27x64xf32, #tpu.memory_space<vmem>>, vector<1x1x1x16xf32>,
      %swap3A_846 = vector.shape_cast %swap3A_845 : vector<1x1x1x16xf32> to vector<16xf32>
      %swap3A_847 = vector.shape_cast %get3A_837 : vector<16xf32> to vector<1x1x1x16xf32>
      tpu.vector_store %arg8[%swap3A_841, %swap3A_842, %swap3A_843, %swap3A_844], %swap3A_847 {strides = array<i32>} : memref<2x4x27x64xf32, #tpu.memory_space<vmem>>, vector<1x1x1x16xf32>,
      %get3A_848 = arith.constant 1 : i32
      %get3A_849 = arith.constant 1 : i32
      %get3A_850 = arith.index_cast %get3A_848 : i32 to index
      %get3A_851 = arith.index_cast %get3A_849 : i32 to index
      %get3A_852 = arith.constant 32 : index
      %get3A_853 = tpu.vector_load %arg9[%get3A_850, %get3A_851, %get3A_852] {strides = array<i32>} : memref<2x4x128xf32, #tpu.memory_space<vmem>>, vector<1x1x16xf32>,
      %get3A_854 = vector.shape_cast %get3A_853 : vector<1x1x16xf32> to vector<16xf32>
      %swap3A_855 = arith.constant 1 : i32
      %swap3A_856 = arith.constant 1 : i32
      %swap3A_857 = arith.constant 26 : i32
      %swap3A_858 = arith.index_cast %swap3A_855 : i32 to index
      %swap3A_859 = arith.index_cast %swap3A_856 : i32 to index
      %swap3A_860 = arith.index_cast %swap3A_857 : i32 to index
      %swap3A_861 = arith.constant 32 : index
      %swap3A_862 = tpu.vector_load %arg8[%swap3A_858, %swap3A_859, %swap3A_860, %swap3A_861] {strides = array<i32>} : memref<2x4x27x64xf32, #tpu.memory_space<vmem>>, vector<1x1x1x16xf32>,
      %swap3A_863 = vector.shape_cast %swap3A_862 : vector<1x1x1x16xf32> to vector<16xf32>
      %swap3A_864 = vector.shape_cast %get3A_854 : vector<16xf32> to vector<1x1x1x16xf32>
      tpu.vector_store %arg8[%swap3A_858, %swap3A_859, %swap3A_860, %swap3A_861], %swap3A_864 {strides = array<i32>} : memref<2x4x27x64xf32, #tpu.memory_space<vmem>>, vector<1x1x1x16xf32>,
      %get3A_865 = arith.constant 1 : i32
      %get3A_866 = arith.constant 1 : i32
      %get3A_867 = arith.index_cast %get3A_865 : i32 to index
      %get3A_868 = arith.index_cast %get3A_866 : i32 to index
      %get3A_869 = arith.constant 48 : index
      %get3A_870 = tpu.vector_load %arg9[%get3A_867, %get3A_868, %get3A_869] {strides = array<i32>} : memref<2x4x128xf32, #tpu.memory_space<vmem>>, vector<1x1x16xf32>,
      %get3A_871 = vector.shape_cast %get3A_870 : vector<1x1x16xf32> to vector<16xf32>
      %swap3A_872 = arith.constant 1 : i32
      %swap3A_873 = arith.constant 1 : i32
      %swap3A_874 = arith.constant 26 : i32
      %swap3A_875 = arith.index_cast %swap3A_872 : i32 to index
      %swap3A_876 = arith.index_cast %swap3A_873 : i32 to index
      %swap3A_877 = arith.index_cast %swap3A_874 : i32 to index
      %swap3A_878 = arith.constant 48 : index
      %swap3A_879 = tpu.vector_load %arg8[%swap3A_875, %swap3A_876, %swap3A_877, %swap3A_878] {strides = array<i32>} : memref<2x4x27x64xf32, #tpu.memory_space<vmem>>, vector<1x1x1x16xf32>,
      %swap3A_880 = vector.shape_cast %swap3A_879 : vector<1x1x1x16xf32> to vector<16xf32>
      %swap3A_881 = vector.shape_cast %get3A_871 : vector<16xf32> to vector<1x1x1x16xf32>
      tpu.vector_store %arg8[%swap3A_875, %swap3A_876, %swap3A_877, %swap3A_878], %swap3A_881 {strides = array<i32>} : memref<2x4x27x64xf32, #tpu.memory_space<vmem>>, vector<1x1x1x16xf32>,
      %get3A_882 = arith.constant 1 : i32
      %get3A_883 = arith.constant 2 : i32
      %get3A_884 = arith.index_cast %get3A_882 : i32 to index
      %get3A_885 = arith.index_cast %get3A_883 : i32 to index
      %get3A_886 = arith.constant 0 : index
      %get3A_887 = tpu.vector_load %arg9[%get3A_884, %get3A_885, %get3A_886] {strides = array<i32>} : memref<2x4x128xf32, #tpu.memory_space<vmem>>, vector<1x1x16xf32>,
      %get3A_888 = vector.shape_cast %get3A_887 : vector<1x1x16xf32> to vector<16xf32>
      %swap3A_889 = arith.constant 1 : i32
      %swap3A_890 = arith.constant 2 : i32
      %swap3A_891 = arith.constant 26 : i32
      %swap3A_892 = arith.index_cast %swap3A_889 : i32 to index
      %swap3A_893 = arith.index_cast %swap3A_890 : i32 to index
      %swap3A_894 = arith.index_cast %swap3A_891 : i32 to index
      %swap3A_895 = arith.constant 0 : index
      %swap3A_896 = tpu.vector_load %arg8[%swap3A_892, %swap3A_893, %swap3A_894, %swap3A_895] {strides = array<i32>} : memref<2x4x27x64xf32, #tpu.memory_space<vmem>>, vector<1x1x1x16xf32>,
      %swap3A_897 = vector.shape_cast %swap3A_896 : vector<1x1x1x16xf32> to vector<16xf32>
      %swap3A_898 = vector.shape_cast %get3A_888 : vector<16xf32> to vector<1x1x1x16xf32>
      tpu.vector_store %arg8[%swap3A_892, %swap3A_893, %swap3A_894, %swap3A_895], %swap3A_898 {strides = array<i32>} : memref<2x4x27x64xf32, #tpu.memory_space<vmem>>, vector<1x1x1x16xf32>,
      %get3A_899 = arith.constant 1 : i32
      %get3A_900 = arith.constant 2 : i32
      %get3A_901 = arith.index_cast %get3A_899 : i32 to index
      %get3A_902 = arith.index_cast %get3A_900 : i32 to index
      %get3A_903 = arith.constant 16 : index
      %get3A_904 = tpu.vector_load %arg9[%get3A_901, %get3A_902, %get3A_903] {strides = array<i32>} : memref<2x4x128xf32, #tpu.memory_space<vmem>>, vector<1x1x16xf32>,
      %get3A_905 = vector.shape_cast %get3A_904 : vector<1x1x16xf32> to vector<16xf32>
      %swap3A_906 = arith.constant 1 : i32
      %swap3A_907 = arith.constant 2 : i32
      %swap3A_908 = arith.constant 26 : i32
      %swap3A_909 = arith.index_cast %swap3A_906 : i32 to index
      %swap3A_910 = arith.index_cast %swap3A_907 : i32 to index
      %swap3A_911 = arith.index_cast %swap3A_908 : i32 to index
      %swap3A_912 = arith.constant 16 : index
      %swap3A_913 = tpu.vector_load %arg8[%swap3A_909, %swap3A_910, %swap3A_911, %swap3A_912] {strides = array<i32>} : memref<2x4x27x64xf32, #tpu.memory_space<vmem>>, vector<1x1x1x16xf32>,
      %swap3A_914 = vector.shape_cast %swap3A_913 : vector<1x1x1x16xf32> to vector<16xf32>
      %swap3A_915 = vector.shape_cast %get3A_905 : vector<16xf32> to vector<1x1x1x16xf32>
      tpu.vector_store %arg8[%swap3A_909, %swap3A_910, %swap3A_911, %swap3A_912], %swap3A_915 {strides = array<i32>} : memref<2x4x27x64xf32, #tpu.memory_space<vmem>>, vector<1x1x1x16xf32>,
      %get3A_916 = arith.constant 1 : i32
      %get3A_917 = arith.constant 2 : i32
      %get3A_918 = arith.index_cast %get3A_916 : i32 to index
      %get3A_919 = arith.index_cast %get3A_917 : i32 to index
      %get3A_920 = arith.constant 32 : index
      %get3A_921 = tpu.vector_load %arg9[%get3A_918, %get3A_919, %get3A_920] {strides = array<i32>} : memref<2x4x128xf32, #tpu.memory_space<vmem>>, vector<1x1x16xf32>,
      %get3A_922 = vector.shape_cast %get3A_921 : vector<1x1x16xf32> to vector<16xf32>
      %swap3A_923 = arith.constant 1 : i32
      %swap3A_924 = arith.constant 2 : i32
      %swap3A_925 = arith.constant 26 : i32
      %swap3A_926 = arith.index_cast %swap3A_923 : i32 to index
      %swap3A_927 = arith.index_cast %swap3A_924 : i32 to index
      %swap3A_928 = arith.index_cast %swap3A_925 : i32 to index
      %swap3A_929 = arith.constant 32 : index
      %swap3A_930 = tpu.vector_load %arg8[%swap3A_926, %swap3A_927, %swap3A_928, %swap3A_929] {strides = array<i32>} : memref<2x4x27x64xf32, #tpu.memory_space<vmem>>, vector<1x1x1x16xf32>,
      %swap3A_931 = vector.shape_cast %swap3A_930 : vector<1x1x1x16xf32> to vector<16xf32>
      %swap3A_932 = vector.shape_cast %get3A_922 : vector<16xf32> to vector<1x1x1x16xf32>
      tpu.vector_store %arg8[%swap3A_926, %swap3A_927, %swap3A_928, %swap3A_929], %swap3A_932 {strides = array<i32>} : memref<2x4x27x64xf32, #tpu.memory_space<vmem>>, vector<1x1x1x16xf32>,
      %get3A_933 = arith.constant 1 : i32
      %get3A_934 = arith.constant 2 : i32
      %get3A_935 = arith.index_cast %get3A_933 : i32 to index
      %get3A_936 = arith.index_cast %get3A_934 : i32 to index
      %get3A_937 = arith.constant 48 : index
      %get3A_938 = tpu.vector_load %arg9[%get3A_935, %get3A_936, %get3A_937] {strides = array<i32>} : memref<2x4x128xf32, #tpu.memory_space<vmem>>, vector<1x1x16xf32>,
      %get3A_939 = vector.shape_cast %get3A_938 : vector<1x1x16xf32> to vector<16xf32>
      %swap3A_940 = arith.constant 1 : i32
      %swap3A_941 = arith.constant 2 : i32
      %swap3A_942 = arith.constant 26 : i32
      %swap3A_943 = arith.index_cast %swap3A_940 : i32 to index
      %swap3A_944 = arith.index_cast %swap3A_941 : i32 to index
      %swap3A_945 = arith.index_cast %swap3A_942 : i32 to index
      %swap3A_946 = arith.constant 48 : index
      %swap3A_947 = tpu.vector_load %arg8[%swap3A_943, %swap3A_944, %swap3A_945, %swap3A_946] {strides = array<i32>} : memref<2x4x27x64xf32, #tpu.memory_space<vmem>>, vector<1x1x1x16xf32>,
      %swap3A_948 = vector.shape_cast %swap3A_947 : vector<1x1x1x16xf32> to vector<16xf32>
      %swap3A_949 = vector.shape_cast %get3A_939 : vector<16xf32> to vector<1x1x1x16xf32>
      tpu.vector_store %arg8[%swap3A_943, %swap3A_944, %swap3A_945, %swap3A_946], %swap3A_949 {strides = array<i32>} : memref<2x4x27x64xf32, #tpu.memory_space<vmem>>, vector<1x1x1x16xf32>,
      %get3A_950 = arith.constant 1 : i32
      %get3A_951 = arith.constant 3 : i32
      %get3A_952 = arith.index_cast %get3A_950 : i32 to index
      %get3A_953 = arith.index_cast %get3A_951 : i32 to index
      %get3A_954 = arith.constant 0 : index
      %get3A_955 = tpu.vector_load %arg9[%get3A_952, %get3A_953, %get3A_954] {strides = array<i32>} : memref<2x4x128xf32, #tpu.memory_space<vmem>>, vector<1x1x16xf32>,
      %get3A_956 = vector.shape_cast %get3A_955 : vector<1x1x16xf32> to vector<16xf32>
      %swap3A_957 = arith.constant 1 : i32
      %swap3A_958 = arith.constant 3 : i32
      %swap3A_959 = arith.constant 26 : i32
      %swap3A_960 = arith.index_cast %swap3A_957 : i32 to index
      %swap3A_961 = arith.index_cast %swap3A_958 : i32 to index
      %swap3A_962 = arith.index_cast %swap3A_959 : i32 to index
      %swap3A_963 = arith.constant 0 : index
      %swap3A_964 = tpu.vector_load %arg8[%swap3A_960, %swap3A_961, %swap3A_962, %swap3A_963] {strides = array<i32>} : memref<2x4x27x64xf32, #tpu.memory_space<vmem>>, vector<1x1x1x16xf32>,
      %swap3A_965 = vector.shape_cast %swap3A_964 : vector<1x1x1x16xf32> to vector<16xf32>
      %swap3A_966 = vector.shape_cast %get3A_956 : vector<16xf32> to vector<1x1x1x16xf32>
      tpu.vector_store %arg8[%swap3A_960, %swap3A_961, %swap3A_962, %swap3A_963], %swap3A_966 {strides = array<i32>} : memref<2x4x27x64xf32, #tpu.memory_space<vmem>>, vector<1x1x1x16xf32>,
      %get3A_967 = arith.constant 1 : i32
      %get3A_968 = arith.constant 3 : i32
      %get3A_969 = arith.index_cast %get3A_967 : i32 to index
      %get3A_970 = arith.index_cast %get3A_968 : i32 to index
      %get3A_971 = arith.constant 16 : index
      %get3A_972 = tpu.vector_load %arg9[%get3A_969, %get3A_970, %get3A_971] {strides = array<i32>} : memref<2x4x128xf32, #tpu.memory_space<vmem>>, vector<1x1x16xf32>,
      %get3A_973 = vector.shape_cast %get3A_972 : vector<1x1x16xf32> to vector<16xf32>
      %swap3A_974 = arith.constant 1 : i32
      %swap3A_975 = arith.constant 3 : i32
      %swap3A_976 = arith.constant 26 : i32
      %swap3A_977 = arith.index_cast %swap3A_974 : i32 to index
      %swap3A_978 = arith.index_cast %swap3A_975 : i32 to index
      %swap3A_979 = arith.index_cast %swap3A_976 : i32 to index
      %swap3A_980 = arith.constant 16 : index
      %swap3A_981 = tpu.vector_load %arg8[%swap3A_977, %swap3A_978, %swap3A_979, %swap3A_980] {strides = array<i32>} : memref<2x4x27x64xf32, #tpu.memory_space<vmem>>, vector<1x1x1x16xf32>,
      %swap3A_982 = vector.shape_cast %swap3A_981 : vector<1x1x1x16xf32> to vector<16xf32>
      %swap3A_983 = vector.shape_cast %get3A_973 : vector<16xf32> to vector<1x1x1x16xf32>
      tpu.vector_store %arg8[%swap3A_977, %swap3A_978, %swap3A_979, %swap3A_980], %swap3A_983 {strides = array<i32>} : memref<2x4x27x64xf32, #tpu.memory_space<vmem>>, vector<1x1x1x16xf32>,
      %get3A_984 = arith.constant 1 : i32
      %get3A_985 = arith.constant 3 : i32
      %get3A_986 = arith.index_cast %get3A_984 : i32 to index
      %get3A_987 = arith.index_cast %get3A_985 : i32 to index
      %get3A_988 = arith.constant 32 : index
      %get3A_989 = tpu.vector_load %arg9[%get3A_986, %get3A_987, %get3A_988] {strides = array<i32>} : memref<2x4x128xf32, #tpu.memory_space<vmem>>, vector<1x1x16xf32>,
      %get3A_990 = vector.shape_cast %get3A_989 : vector<1x1x16xf32> to vector<16xf32>
      %swap3A_991 = arith.constant 1 : i32
      %swap3A_992 = arith.constant 3 : i32
      %swap3A_993 = arith.constant 26 : i32
      %swap3A_994 = arith.index_cast %swap3A_991 : i32 to index
      %swap3A_995 = arith.index_cast %swap3A_992 : i32 to index
      %swap3A_996 = arith.index_cast %swap3A_993 : i32 to index
      %swap3A_997 = arith.constant 32 : index
      %swap3A_998 = tpu.vector_load %arg8[%swap3A_994, %swap3A_995, %swap3A_996, %swap3A_997] {strides = array<i32>} : memref<2x4x27x64xf32, #tpu.memory_space<vmem>>, vector<1x1x1x16xf32>,
      %swap3A_999 = vector.shape_cast %swap3A_998 : vector<1x1x1x16xf32> to vector<16xf32>
      %swap3A_1000 = vector.shape_cast %get3A_990 : vector<16xf32> to vector<1x1x1x16xf32>
      tpu.vector_store %arg8[%swap3A_994, %swap3A_995, %swap3A_996, %swap3A_997], %swap3A_1000 {strides = array<i32>} : memref<2x4x27x64xf32, #tpu.memory_space<vmem>>, vector<1x1x1x16xf32>,
      %get3A_1001 = arith.constant 1 : i32
      %get3A_1002 = arith.constant 3 : i32
      %get3A_1003 = arith.index_cast %get3A_1001 : i32 to index
      %get3A_1004 = arith.index_cast %get3A_1002 : i32 to index
      %get3A_1005 = arith.constant 48 : index
      %get3A_1006 = tpu.vector_load %arg9[%get3A_1003, %get3A_1004, %get3A_1005] {strides = array<i32>} : memref<2x4x128xf32, #tpu.memory_space<vmem>>, vector<1x1x16xf32>,
      %get3A_1007 = vector.shape_cast %get3A_1006 : vector<1x1x16xf32> to vector<16xf32>
      %swap3A_1008 = arith.constant 1 : i32
      %swap3A_1009 = arith.constant 3 : i32
      %swap3A_1010 = arith.constant 26 : i32
      %swap3A_1011 = arith.index_cast %swap3A_1008 : i32 to index
      %swap3A_1012 = arith.index_cast %swap3A_1009 : i32 to index
      %swap3A_1013 = arith.index_cast %swap3A_1010 : i32 to index
      %swap3A_1014 = arith.constant 48 : index
      %swap3A_1015 = tpu.vector_load %arg8[%swap3A_1011, %swap3A_1012, %swap3A_1013, %swap3A_1014] {strides = array<i32>} : memref<2x4x27x64xf32, #tpu.memory_space<vmem>>, vector<1x1x1x16xf32>,
      %swap3A_1016 = vector.shape_cast %swap3A_1015 : vector<1x1x1x16xf32> to vector<16xf32>
      %swap3A_1017 = vector.shape_cast %get3A_1007 : vector<16xf32> to vector<1x1x1x16xf32>
      tpu.vector_store %arg8[%swap3A_1011, %swap3A_1012, %swap3A_1013, %swap3A_1014], %swap3A_1017 {strides = array<i32>} : memref<2x4x27x64xf32, #tpu.memory_space<vmem>>, vector<1x1x1x16xf32>,
      %dma_start3A_1018 = arith.constant 1 : i32
      %dma_start3A_1019 = arith.constant 0 : i32
      %dma_start3A_1020 = arith.constant 0 : i32
      %dma_start3A_1021 = arith.constant 0 : i32
      %dma_start3A_1022 = tpu.memref_slice %arg8[%dma_start3A_1018, %dma_start3A_1019, %dma_start3A_1020, %dma_start3A_1021] : memref<2x4x27x64xf32, #tpu.memory_space<vmem>> -> memref<1x4x27x64xf32, #tpu.memory_space<vmem>>
      %dma_start3A_1023 = tpu.memref_squeeze %dma_start3A_1022 : memref<1x4x27x64xf32, #tpu.memory_space<vmem>> -> memref<4x27x64xf32, #tpu.memory_space<vmem>>
      %dma_start3A_1024 = arith.constant 0 : i32
      %dma_start3A_1025 = arith.constant 0 : i32
      %dma_start3A_1026 = tpu.memref_slice %arg5[%add3A_550, %dma_start3A_1024, %dma_start3A_1025] : memref<16384x27x64xf32, #tpu.memory_space<hbm>> -> memref<4x27x64xf32, #tpu.memory_space<hbm>>
      %dma_start3A_1027 = arith.constant 0 : i32
      %dma_start3A_1028 = arith.constant 0 : i32
      %dma_start3A_1029 = tpu.memref_slice %arg5[%add3A_550, %dma_start3A_1027, %dma_start3A_1028] : memref<16384x27x64xf32, #tpu.memory_space<hbm>> -> memref<4x27x64xf32, #tpu.memory_space<hbm>>
      %dma_start3A_1030 = arith.constant 0 : i32
      %dma_start3A_1031 = arith.constant 0 : i32
      %dma_start3A_1032 = arith.constant 0 : i32
      %dma_start3A_1033 = tpu.memref_slice %arg8[%dma_start3A_1018, %dma_start3A_1030, %dma_start3A_1031, %dma_start3A_1032] : memref<2x4x27x64xf32, #tpu.memory_space<vmem>> -> memref<1x4x27x64xf32, #tpu.memory_space<vmem>>
      %dma_start3A_1034 = tpu.memref_squeeze %dma_start3A_1033 : memref<1x4x27x64xf32, #tpu.memory_space<vmem>> -> memref<4x27x64xf32, #tpu.memory_space<vmem>>
      tpu.enqueue_dma source(%dma_start3A_1034 : memref<4x27x64xf32, #tpu.memory_space<vmem>>) target(%dma_start3A_1029 : memref<4x27x64xf32, #tpu.memory_space<hbm>>) target_semaphore(%arg13 : memref<!tpu.dma_semaphore, #tpu.memory_space<semaphore_mem>>)
    }
    %scan3A_13 = arith.constant 64 : i32
    %mul3A_14 = arith.constant 512 : i32
    %mul3A_15 = arith.muli %add3A, %mul3A_14 : i32
    %add3A_16 = arith.constant 504 : i32
    %add3A_17 = arith.addi %mul3A_15, %add3A_16 : i32
    %dma_wait3A = arith.constant 0 : i32
    %dma_wait3A_18 = arith.constant 0 : i32
    %dma_wait3A_19 = arith.constant 0 : i32
    %dma_wait3A_20 = arith.constant 0 : i32
    %dma_wait3A_21 = tpu.memref_slice %arg8[%dma_wait3A, %dma_wait3A_18, %dma_wait3A_19, %dma_wait3A_20] : memref<2x4x27x64xf32, #tpu.memory_space<vmem>> -> memref<1x4x27x64xf32, #tpu.memory_space<vmem>>
    %dma_wait3A_22 = tpu.memref_squeeze %dma_wait3A_21 : memref<1x4x27x64xf32, #tpu.memory_space<vmem>> -> memref<4x27x64xf32, #tpu.memory_space<vmem>>
    %dma_wait3A_23 = arith.constant 0 : i32
    %dma_wait3A_24 = arith.constant 0 : i32
    %dma_wait3A_25 = tpu.memref_slice %arg5[%add3A_17, %dma_wait3A_23, %dma_wait3A_24] : memref<16384x27x64xf32, #tpu.memory_space<hbm>> -> memref<4x27x64xf32, #tpu.memory_space<hbm>>
    %dma_wait3A_26 = arith.constant 0 : i32
    %dma_wait3A_27 = arith.constant 0 : i32
    %dma_wait3A_28 = tpu.memref_slice %arg5[%add3A_17, %dma_wait3A_26, %dma_wait3A_27] : memref<16384x27x64xf32, #tpu.memory_space<hbm>> -> memref<4x27x64xf32, #tpu.memory_space<hbm>>
    %dma_wait3A_29 = arith.constant 0 : i32
    %dma_wait3A_30 = arith.constant 0 : i32
    %dma_wait3A_31 = arith.constant 0 : i32
    %dma_wait3A_32 = tpu.memref_slice %arg8[%dma_wait3A, %dma_wait3A_29, %dma_wait3A_30, %dma_wait3A_31] : memref<2x4x27x64xf32, #tpu.memory_space<vmem>> -> memref<1x4x27x64xf32, #tpu.memory_space<vmem>>
    %dma_wait3A_33 = tpu.memref_squeeze %dma_wait3A_32 : memref<1x4x27x64xf32, #tpu.memory_space<vmem>> -> memref<4x27x64xf32, #tpu.memory_space<vmem>>
    tpu.wait_dma2 semaphore(%arg12 : memref<!tpu.dma_semaphore, #tpu.memory_space<semaphore_mem>>) src(%dma_wait3A_33 : memref<4x27x64xf32, #tpu.memory_space<vmem>>) dst(%dma_wait3A_28 : memref<4x27x64xf32, #tpu.memory_space<hbm>>)
    %mul3A_34 = arith.constant 512 : i32
    %mul3A_35 = arith.muli %add3A, %mul3A_34 : i32
    %add3A_36 = arith.constant 508 : i32
    %add3A_37 = arith.addi %mul3A_35, %add3A_36 : i32
    %dma_wait3A_38 = arith.constant 1 : i32
    %dma_wait3A_39 = arith.constant 0 : i32
    %dma_wait3A_40 = arith.constant 0 : i32
    %dma_wait3A_41 = arith.constant 0 : i32
    %dma_wait3A_42 = tpu.memref_slice %arg8[%dma_wait3A_38, %dma_wait3A_39, %dma_wait3A_40, %dma_wait3A_41] : memref<2x4x27x64xf32, #tpu.memory_space<vmem>> -> memref<1x4x27x64xf32, #tpu.memory_space<vmem>>
    %dma_wait3A_43 = tpu.memref_squeeze %dma_wait3A_42 : memref<1x4x27x64xf32, #tpu.memory_space<vmem>> -> memref<4x27x64xf32, #tpu.memory_space<vmem>>
    %dma_wait3A_44 = arith.constant 0 : i32
    %dma_wait3A_45 = arith.constant 0 : i32
    %dma_wait3A_46 = tpu.memref_slice %arg5[%add3A_37, %dma_wait3A_44, %dma_wait3A_45] : memref<16384x27x64xf32, #tpu.memory_space<hbm>> -> memref<4x27x64xf32, #tpu.memory_space<hbm>>
    %dma_wait3A_47 = arith.constant 0 : i32
    %dma_wait3A_48 = arith.constant 0 : i32
    %dma_wait3A_49 = tpu.memref_slice %arg5[%add3A_37, %dma_wait3A_47, %dma_wait3A_48] : memref<16384x27x64xf32, #tpu.memory_space<hbm>> -> memref<4x27x64xf32, #tpu.memory_space<hbm>>
    %dma_wait3A_50 = arith.constant 0 : i32
    %dma_wait3A_51 = arith.constant 0 : i32
    %dma_wait3A_52 = arith.constant 0 : i32
    %dma_wait3A_53 = tpu.memref_slice %arg8[%dma_wait3A_38, %dma_wait3A_50, %dma_wait3A_51, %dma_wait3A_52] : memref<2x4x27x64xf32, #tpu.memory_space<vmem>> -> memref<1x4x27x64xf32, #tpu.memory_space<vmem>>
    %dma_wait3A_54 = tpu.memref_squeeze %dma_wait3A_53 : memref<1x4x27x64xf32, #tpu.memory_space<vmem>> -> memref<4x27x64xf32, #tpu.memory_space<vmem>>
    tpu.wait_dma2 semaphore(%arg13 : memref<!tpu.dma_semaphore, #tpu.memory_space<semaphore_mem>>) src(%dma_wait3A_54 : memref<4x27x64xf32, #tpu.memory_space<vmem>>) dst(%dma_wait3A_49 : memref<4x27x64xf32, #tpu.memory_space<hbm>>)
    return
  }
}

module attributes {stable_mosaic.version = 14 : i64} {
  func.func @body(%arg0: i32, %arg1: memref<2048x13xf32, #tpu.memory_space<vmem>>, %arg2: memref<13x64xf32, #tpu.memory_space<vmem>>, %arg3: memref<1x64xf32, #tpu.memory_space<vmem>>, %arg4: memref<2048x128xf32, #tpu.memory_space<vmem>>) attributes {dimension_semantics = [#tpu.dimension_semantics<arbitrary>], iteration_bounds = array<i64: 8>, scalar_prefetch = 0 : i64, scratch_operands = 0 : i64, tpu.core_type = #tpu.core_type<tc>, window_params = [{transform_indices = @transform_0, window_bounds = array<i64: 2048, 13>}, {pipeline_mode = #tpu.pipeline_mode<synchronous>, transform_indices = @transform_1, window_bounds = array<i64: 13, 64>}, {pipeline_mode = #tpu.pipeline_mode<synchronous>, transform_indices = @transform_2, window_bounds = array<i64: 1, 64>}, {transform_indices = @transform_3, window_bounds = array<i64: 2048, 128>}]} {
    %get3A = arith.constant 0 : index
    %get3A_0 = arith.constant 0 : index
    %get3A_1 = vector.load %arg1[%get3A, %get3A_0] : memref<2048x13xf32, #tpu.memory_space<vmem>>, vector<2048x13xf32>
    %get3A_2 = arith.constant 0 : index
    %get3A_3 = arith.constant 0 : index
    %get3A_4 = vector.load %arg2[%get3A_2, %get3A_3] : memref<13x64xf32, #tpu.memory_space<vmem>>, vector<13x64xf32>
    %dot_general3A = arith.constant dense<0.000000e+00> : vector<2048x64xf32>
    %dot_general3A_5 = tpu.matmul %get3A_1, %get3A_4, %dot_general3A {dimension_numbers = #tpu.dot_dimension_numbers<[1], [0], [0], [1], [0, 0, 1, 1], [], []>, transpose_lhs_hint = false} : vector<2048x13xf32>, vector<13x64xf32>, vector<2048x64xf32> -> vector<2048x64xf32>
    %get3A_6 = arith.constant 0 : index
    %get3A_7 = arith.constant 0 : index
    %get3A_8 = vector.load %arg3[%get3A_6, %get3A_7] : memref<1x64xf32, #tpu.memory_space<vmem>>, vector<1x64xf32>
    %add3A = vector.broadcast %get3A_8 : vector<1x64xf32> to vector<2048x64xf32>
    %add3A_9 = arith.addf %dot_general3A_5, %add3A : vector<2048x64xf32>
    %swap3A = arith.constant 0 : index
    %swap3A_10 = arith.constant 0 : index
    %swap3A_11 = vector.load %arg4[%swap3A, %swap3A_10] : memref<2048x128xf32, #tpu.memory_space<vmem>>, vector<2048x64xf32>
    tpu.vector_store %arg4[%swap3A, %swap3A_10], %add3A_9 {strides = array<i32>} : memref<2048x128xf32, #tpu.memory_space<vmem>>, vector<2048x64xf32>,
    return
  }
  func.func @transform_0(%arg0: i32) -> (i32, i32) {
    %c0_i32 = arith.constant 0 : i32
    %c0_i32_0 = arith.constant 0 : i32
    return %arg0, %c0_i32 : i32, i32
  }
  func.func @transform_1(%arg0: i32) -> (i32, i32) {
    %c0_i32 = arith.constant 0 : i32
    %c0_i32_0 = arith.constant 0 : i32
    %c0_i32_1 = arith.constant 0 : i32
    return %c0_i32, %c0_i32_0 : i32, i32
  }
  func.func @transform_2(%arg0: i32) -> (i32, i32) {
    %c0_i32 = arith.constant 0 : i32
    %c0_i32_0 = arith.constant 0 : i32
    %c0_i32_1 = arith.constant 0 : i32
    return %c0_i32, %c0_i32_0 : i32, i32
  }
  func.func @transform_3(%arg0: i32) -> (i32, i32) {
    %c0_i32 = arith.constant 0 : i32
    %c0_i32_0 = arith.constant 0 : i32
    return %arg0, %c0_i32 : i32, i32
  }
}

</mosaic_0001>

<sc_bundles>
// kernel: kernel.4.cloned.1.call-start
scs
__scs_entry_jumppad:
0x0: {  	(pc) =	sbr.rel $0x88, $3  }
0x1: {  	(tag) =	ssettag $0x0;
	lr =	simm.s32 $0x1  }
0x2: {  	[smem:$0x3F9C] =	sst lr;
	_ =	strace $0xD0000000  }
0x3: {  	_ = 	snop  }
0x4: {  	_ = 	snop  }
0x5: {  	_ = 	snop  }
0x6: {  	_ = 	snop  }
0x7: {  	_ = 	snop  }
__scs_overlays_trampoline_lowered:
0x8: {  	[smem:$0x3FAB] =	sst s0  }
0x9: {  	[smem:$0x3FAC] =	sst s1  }
0xa: {  	[smem:$0x3FAD] =	sst s2  }
0xb: {  	[smem:$0x3FAE] =	sst s3  }
0xc: {  	[smem:$0x3FAF] =	sst s4  }
0xd: {  	[smem:$0x3FB0] =	sst s5  }
0xe: {  	[smem:$0x3FB1] =	sst s6  }
0xf: {  	[smem:$0x3FB2] =	sst s7  }
0x10: {  	[smem:$0x3FB3] =	sst s8  }
0x11: {  	[smem:$0x3FB4] =	sst s9;
	s0 =	simm.s32 @!p0 $0x0  }
0x12: {  	s1 =	sld [smem:$0x3F9A];
	s0 =	simm.s32 @p0 $0x1  }
0x13: {  	[smem:$0x3FB5] =	sst s0;
	s0 =	simm.s32 @!p1 $0x0  }
0x14: {  	s2 =	sld [smem:$0x3F99];
	s0 =	simm.s32 @p1 $0x1  }
0x15: {  	[smem:$0x3FB6] =	sst s0;
	s0 =	simm.s32 @!p2 $0x0  }
0x16: {  	s3 =	sld [smem:$0x3FDB];
	s0 =	simm.s32 @p2 $0x1  }
0x17: {  	s4 =	simm.s32 $0x1BF5;
	[smem:$0x3FB8] =	sst s0  }
0x18: {  	s0 =	sld [smem:$0x3F9B];
	_ =	swait.ge [sflag:s4], $0x0  }
0x19: {  	s7 =	sld [smem:$0x3F9C]  }
0x1a: {  	s8 =	sadd.s32 $0xFFFFE003, lr  }
0x1b: {  	s9 =	sadd.s32 $0xFFFFFEF7, lr;
	s5 =	simm.s32 $0xFFFFFFFF;
	p2 =	slt.u32 s8, $0xFFFFF086  }
0x1c: {  	p1 =	slt.u32 s9, $0xF7A;
	s5 =	simm.s32 @!p2 $0x0  }
0x1d: {  	s5 =	simm.s32 @p1 $0x1;
	p0 =	seq.s32 s7, s2  }
0x1e: {  	s7 =	smul.u32 @!p0 $0xF7A, s2;
	p2 =	seq.s32 @!p0 s5, $0x0  }
0x1f: {  	s9 =	smul.u32 $0xF7A, s1;
	s8 =	simm.s32 @!p0 $0x1BF5;
	p2 =	por !p2, p0  }
0x20: {  	[sflag:s8] =	ssyncset.s32 @!p0 $0xFFFFF086;
	s6 =	sadd.s32 @!p0 s3, s7;
	s7 =	simm.s32 @!p0 $0x108  }
0x21: {  	s3 =	sadd.s32 s3, s9;
	s6 =	sadd.s32 @!p0 $0x88, s6;
	s7 =	simm.s32 @p2 $0x1082  }
0x22: {  	[simem:s7], [sflag:s8] =	dma.local @!p0 [hbm:s6], $0xF7A  }
0x23: {  	s9 =	sor.u32 $0xD0000000, s2;
	s6 =	simm.s32 $0x108;
	_ =	swait.ge @!p0 [sflag:s8], $0x0  }
0x24: {  	s3 =	sadd.s32 $0x88, s3;
	s6 =	simm.s32 @!p1 $0x1082;
	[sflag:s4] =	ssyncset.s32 $0xFFFFF086  }
0x25: {  	[simem:s6], [sflag:s4] =	dma.local [hbm:s3], $0xF7A  }
0x26: {  	[smem:$0x3F9C] =	sst s1;
	(tag) =	ssettag s2;
	_ =	strace s9  }
0x27: {  	s1 =	sld [smem:$0x3FAC]  }
0x28: {  	s2 =	sld [smem:$0x3FAD]  }
0x29: {  	s4 =	sld [smem:$0x3FAF]  }
0x2a: {  	p0 =	seq.s32 s5, $0x0;
	s5 =	sld [smem:$0x3FB0]  }
0x2b: {  	s6 =	sld [smem:$0x3FB1]  }
0x2c: {  	s7 =	sld [smem:$0x3FB2]  }
0x2d: {  	s3 =	simm.s32 $0x108;
	s8 =	sld [smem:$0x3FB3]  }
0x2e: {  	s3 =	simm.s32 @!p0 $0x1082;
	s9 =	sld [smem:$0x3FB4]  }
0x2f: {  	lr =	sadd.s32 s0, s3;
	s0 =	sld [smem:$0x3FAB]  }
0x30: {  	s3 =	sld [smem:$0x3FAE]  }
0x31: {  	[smem:$0x3FB7] =	sst s10  }
0x32: {  	s10 =	sld [smem:$0x3FB5];
	_ =	sdelay $0x3  }
0x33: {  	p0 =	seq.s32 s10, $0x1;
	s10 =	sld [smem:$0x3FB7];
	_ =	sdelay $0x3  }
0x34: {  	[smem:$0x3FB7] =	sst s10  }
0x35: {  	s10 =	sld [smem:$0x3FB6];
	_ =	sdelay $0x3  }
0x36: {  	p1 =	seq.s32 s10, $0x1;
	s10 =	sld [smem:$0x3FB7];
	_ =	sdelay $0x3  }
0x37: {  	[smem:$0x3FB7] =	sst s10  }
0x38: {  	s10 =	sld [smem:$0x3FB8]  }
0x39: {  	_ = 	snop;
	(pc) =	sbr.ind lr, $3  }
0x3a: {  	_ = 	snop  }
0x3b: {  	_ = 	snop  }
0x3c: {  	p2 =	seq.s32 s10, $0x1;
	s10 =	sld [smem:$0x3FB7]  }
0x3d: {  	_ =	shalt  }
0x3e: {  	_ =	shalt  }
0x3f: {  	_ =	shalt  }
0x40: {  	_ =	shalt  }
0x41: {  	_ =	shalt  }
0x42: {  	_ =	shalt  }
0x43: {  	_ =	shalt  }
0x44: {  	_ =	shalt  }
0x45: {  	_ =	shalt  }
0x46: {  	_ =	shalt  }
0x47: {  	_ =	shalt  }
0x48: {  	_ =	shalt  }
0x49: {  	_ =	shalt  }
0x4a: {  	_ =	shalt  }
0x4b: {  	_ =	shalt  }
0x4c: {  	_ =	shalt  }
0x4d: {  	_ =	shalt  }
0x4e: {  	_ =	shalt  }
0x4f: {  	_ =	shalt  }
0x50: {  	_ =	shalt  }
0x51: {  	_ =	shalt  }
0x52: {  	_ =	shalt  }
0x53: {  	_ =	shalt  }
0x54: {  	_ =	shalt  }
0x55: {  	_ =	shalt  }
0x56: {  	_ =	shalt  }
0x57: {  	_ =	shalt  }
0x58: {  	_ =	shalt  }
0x59: {  	_ =	shalt  }
0x5a: {  	_ =	shalt  }
0x5b: {  	_ =	shalt  }
0x5c: {  	_ =	shalt  }
0x5d: {  	_ =	shalt  }
0x5e: {  	_ =	shalt  }
0x5f: {  	_ =	shalt  }
0x60: {  	_ =	shalt  }
0x61: {  	_ =	shalt  }
0x62: {  	_ =	shalt  }
0x63: {  	_ =	shalt  }
0x64: {  	_ =	shalt  }
0x65: {  	_ =	shalt  }
0x66: {  	_ =	shalt  }
0x67: {  	_ =	shalt  }
0x68: {  	_ =	shalt  }
0x69: {  	_ =	shalt  }
0x6a: {  	_ =	shalt  }
0x6b: {  	_ =	shalt  }
0x6c: {  	_ =	shalt  }
0x6d: {  	_ =	shalt  }
0x6e: {  	_ =	shalt  }
0x6f: {  	_ =	shalt  }
0x70: {  	_ =	shalt  }
0x71: {  	_ =	shalt  }
0x72: {  	_ =	shalt  }
0x73: {  	_ =	shalt  }
0x74: {  	_ =	shalt  }
0x75: {  	_ =	shalt  }
0x76: {  	_ =	shalt  }
0x77: {  	_ =	shalt  }
0x78: {  	_ =	shalt  }
0x79: {  	_ =	shalt  }
0x7a: {  	_ =	shalt  }
0x7b: {  	_ =	shalt  }
0x7c: {  	_ =	shalt  }
0x7d: {  	_ =	shalt  }
0x7e: {  	_ =	shalt  }
0x7f: {  	_ =	shalt  }
0x80: {  	_ =	shalt  }
0x81: {  	_ =	shalt  }
0x82: {  	_ =	shalt  }
0x83: {  	_ =	shalt  }
0x84: {  	_ =	shalt  }
0x85: {  	_ =	shalt  }
0x86: {  	_ =	shalt  }
0x87: {  	_ =	shalt  }
.Lfunc_end0:
.L_simem_size_0:
called_computation_lowered:
.L_overlay_start_0:
0x88: {  	s2 =	sld [smem:$0x3FD9]  }
0x89: {  	s3 =	sld [smem:$0x3FFE];
	_ =	sdelay $0x1  }
0x8a: {  	s1 =	srdreg.scid  }
0x8b: {  	s0 =	sand.u32 $0x1, s1  }
0x8c: {  	s17 =	sshll.u32 s0, $0xA;
	s2 =	sadd.s32 s3, s2  }
0x8d: {  	s2 =	sadd.s32 s2, s17  }
0x8e: {  	[smem:$0x3FC3] =	sst s2  }
0x8f: {  	_ = 	snop  }
0x90: {  	s2 =	sld [smem:$0x3FD0];
	(tm) =	ssettm $0x1  }
0x91: {  	s18 =	sld [smem:$0x3FFB];
	_ =	sdelay $0x3  }
0x92: {  	_ =	strace s18  }
0x93: {  	s3 =	sld [smem:$0x3FFC];
	_ =	sdelay $0x3  }
0x94: {  	_ =	strace s3  }
0x95: {  	s3 =	sld [smem:$0x3FFD];
	_ =	sdelay $0x3  }
0x96: {  	_ =	strace s3  }
0x97: {  	_ =	strace $0x8FFFFFFF  }
0x98: {  	s19 =	sld [smem:$0x3FDB];
	_ =	sdelay $0x1  }
0x99: {  	s4 =	simm.s32 $_scs_section_size  }
0x9a: {  	s5 =	simm.s32 $_size__tile_overlayer_lowered;
	s6 =	simm.s32 $_tile_overlayer_lowered  }
0x9b: {  	s22 =	simm.s32 $0x1BFF;
	s21 =	sshll.u32 s6, $0x1;
	s3 =	sadd.s32 s4, s19  }
0x9c: {  	s7 =	simm.s32 $0x0;
	s20 =	sshll.u32 s5, $0x1;
	s5 =	sadd.s32 s21, s3  }
0x9d: {  	[timem:s7], [sflag:s22] =	dma.local [hbm:s5], s20  }
0x9e: {  	_ =	swait.ge [sflag:s22], s20  }
0x9f: {  	s4 =	ssub.s32 $0x0, s20;
	[sflag:s22] =	ssyncset.done $0x0  }
0xa0: {  	[sflag:s22] =	ssyncadd.s32 s4;
	_ =	sdelay $0x1  }
0xa1: {  	s23 =	simm.s32 $0x1B8B  }
0xa2: {  	_ =	swait.ge [sflag:s23], $0x1  }
0xa3: {  	[sflag:s23] =	ssyncset.done $0x0  }
0xa4: {  	s25 =	simm.s32 $0x1B8E;
	s24 =	sld [smem:$0x3FFE];
	[sflag:s23] =	ssyncadd.s32 $0xFFFFFFFF  }
0xa5: {  	s26 =	simm.s32 $execute0_lowered;
	[smem:$0x3FD2] =	sst s25  }
0xa6: {  	s5 =	sshll.u32 s26, $0x1;
	_ =	strace $0x80000046;
	[dreg:$0x1] =	wrdreg $0xFFFFFFFF  }
0xa7: {  	s28 =	simm.s32 $_size_execute0_lowered;
	s3 =	sadd.s32 s3, s5;
	[dreg:$0x0] =	wrdreg $0x0  }
0xa8: {  	s5 =	sshll.u32 s28, $0x1;
	[dreg:$0x2] =	wrdreg s3  }
0xa9: {  	[dreg:$0x3] =	wrdreg s5  }
0xaa: {  	[dreg:$0x4] =	wrdreg $0xC0  }
0xab: {  	_ =	task [dreg:s7], $0x5FFFF  }
0xac: {  	[dreg:$0x1] =	wrdreg $0xFFFFFFFF  }
0xad: {  	[dreg:$0x0] =	wrdreg $0x60  }
0xae: {  	[dreg:$0x2] =	wrdreg s24  }
0xaf: {  	[dreg:$0x3] =	wrdreg s2  }
0xb0: {  	[dreg:$0x4] =	wrdreg $0x9  }
0xb1: {  	_ =	task.clear_ibuf [dreg:s7], $0x5FFFF;
	_ =	strace $0x90000046  }
0xb2: {  	s29 =	simm.s32 $0x9;
	_ =	strace $0x80000048  }
0xb3: {  	_ =	swait.ge [sflag:s29], $0x1  }
0xb4: {  	[sflag:s29] =	ssyncadd.s32 $0xFFFFFFFF  }
0xb5: {  	_ =	strace $0x90000048  }
0xb6: {  	_ =	sfence  }
0xb7: {  	s30 =	sld [smem:$0x0];
	_ =	sdelay $0x2  }
0xb8: {  	s31 =	sshll.u32 s1, $0xD;
	s1 =	sshrl.u32 s1, $0x2  }
0xb9: {  	s3 =	sand.u32 $0x4000, s31;
	s1 =	sadd.s32 s1, s30  }
0xba: {  	s0 =	sor.u32 s3, s0;
	s1 =	sshll.u32 s1, $0x11  }
0xbb: {  	s0 =	sor.u32 s1, s0  }
0xbc: {  	s0 =	sadd.s32 $0x8F2B, s0  }
0xbd: {  	[sflag:s0] =	ssyncadd.remote.s32 $0x1  }
0xbe: {  	_ =	sfence.sel $0xFFFF  }
0xbf: {  	[dreg:$0x0] =	wrdreg $0xFFFFFFFF;
	(pc) =	sbr.abs _section_cstart, $3  }
0xc0: {  	[dreg:$0x1] =	wrdreg $0xFFFFFFFF  }
0xc1: {  	_ =	task.clear_ibuf [dreg:s7], $0x2FFFF;
	_ =	strace $0x9FFFFFFF  }
0xc2: {  	(tm) =	ssettm $0x7FFFFFFF  }
0xc3: {  	_ =	shalt  }
tec
execute0_lowered:
.L_overlay_start_1:
0x0: {  	(tag) =	ssettag $0x1  }
0x1: {  	s0 =	srdreg.scid  }
0x2: {  	s2 =	stileid.u32;
	s1 =	rddreg [dreg:$0x0]  }
0x3: {  	s11 =	simm.s32 $0x1;
	s12 =	simm.s32 $0x2;
	s13 =	simm.s32 $0x5  }
0x4: {  	s19 =	simm.s32 $0x14480;
	s20 =	simm.s32 $0x15480;
	s21 =	simm.s32 $0x16480  }
0x5: {  	s22 =	simm.s32 $0x17480;
	s0 =	sand.u32 $0x1, s0;
	s3 =	sshll.u32 s2, $0x1  }
0x6: {  	s2 =	rddreg [dreg:$0x1];
	s6 =	sor.u32 s0, s3;
	s0 =	ssub.s32 $0x2, s0  }
0x7: {  	s3 =	simm.s32 $0x0;
	s4 =	smul.u32 $0x680, s6;
	s30 =	sshrl.u32 s0, $0x1  }
0x8: {  	s5 =	sadd.s32 $0x27BB000, s1;
	[smem:$0x7FF] =	sst s3;
	s0 =	ssub.s32 s0, s30  }
0x9: {  	_ =	strace $0x80000047;
	s7 =	sadd.s32 s4, s1;
	s0 =	smax.u32 s0, $0x1  }
0xa: {  	s4 =	sadd.s32 $0xDE00, s1;
	s31 =	sadd.s32 $0xE00, s7;
	[dreg:$0x4] =	wrdreg s0  }
0xb: {  	s7 =	sshll.u32 s6, $0x9;
	s6 =	simm.s32 $0x0;
	[dreg:$0x3] =	wrdreg s31  }
.LBB2_1:
0xc: {  	[dreg:$0x5] =	wrdreg s6  }
0xd: {  	s0 =	rddreg [dreg:$0x3];
	s18 =	simm.s32 $0x6  }
0xe: {  	[tilespmem:s3], [sflag:$0x6] =	stream.linear.gather [hbm4b:s0+s3], $0x3400, $0x38;
	[tilespmem:$0x18880] =	vst v63  }
0xf: {  	_ =	swait.ge [sflag:s18], $0x3400  }
0x10: {  	[sflag:s18] =	ssyncset.done $0x0  }
0x11: {  	[sflag:s18] =	ssyncadd.s32 $0xFFFFCC00  }
0x12: {  	v0 =	vld [tilespmem:s11+$0xFFFFFFFF];
	_ =	sdelay $0x4  }
0x13: {  	(v2sf) =	vpush v0, $0x0;
	_ =	sdelay $0xe  }
0x14: {  	s23 =	spop (v2sf)  }
0x15: {  	s0 =	sshll.u32 s23, $0x7  }
0x16: {  	s0 =	sand.u32 $0x7FFFFC00, s0  }
0x17: {  	s0 =	sadd.s32 $0xC35400, s0  }
0x18: {  	s0 =	sadd.s32 $0xFF3CAC00, s0  }
0x19: {  	s0 =	sshrl.u32 s0, $0x3  }
0x1a: {  	s1 =	simm.s32 $0x3480;
	s0 =	sadd.s32 s4, s0  }
0x1b: {  	[tilespmem:s1], [sflag:$0x1] =	stream.linear.gather [hbm4b:s0+s3], $0x400, $0x38;
	[tilespmem:$0x18880] =	vst v63  }
0x1c: {  	v63 =	vld [tilespmem:s11+$0x0];
	_ =	sdelay $0x4  }
0x1d: {  	(v2sf) =	vpush v63, $0x0;
	_ =	sdelay $0xd  }
0x1e: {  	s14 =	simm.s32 $0x3880;
	s10 =	simm.s32 $0x0  }
0x1f: {  	s26 =	simm.s32 $0xD1;
	s28 =	simm.s32 $0x9D;
	s24 =	spop (v2sf)  }
0x20: {  	s29 =	simm.s32 $0xB7;
	s30 =	simm.s32 $0x83;
	s0 =	sshll.u32 s24, $0x7  }
0x21: {  	s31 =	simm.s32 $0x4F;
	s15 =	simm.s32 $0x3;
	s0 =	sand.u32 $0x7FFFFC00, s0  }
0x22: {  	s6 =	simm.s32 $0x1B;
	s16 =	simm.s32 $0x4080;
	s25 =	sadd.s32 $0xC35400, s0  }
0x23: {  	s23 =	simm.s32 $0x249FC00;
	s1 =	simm.s32 $0x69;
	s8 =	sshrl.u32 s25, $0x3  }
0x24: {  	s0 =	simm.s32 $0x35;
	s24 =	sadd.s32 s4, s8;
	s8 =	simm.s32 $0x0  }
.LBB2_2:
0x25: {  	[tilespmem:s14], [sflag:$0x1] =	stream.linear.gather [hbm4b:s24+s8], $0x400, $0x38;
	[tilespmem:$0x18880] =	vst v63  }
0x26: {  	s10 =	sadd.s32 $0x2, s10;
	s14 =	smov.u32 s16;
	v0 =	vld [tilespmem:s15+$0xFFFFFFFF]  }
0x27: {  	p0 =	slt.u32 s10, $0x18;
	_ =	sdelay $0x3  }
0x28: {  	(v2sf) =	vpush v0, $0x0;
	_ =	sdelay $0xe  }
0x29: {  	s8 =	spop (v2sf)  }
0x2a: {  	s8 =	sshll.u32 s8, $0x7  }
0x2b: {  	s8 =	sand.u32 $0x7FFFFC00, s8  }
0x2c: {  	s8 =	sadd.s32 s8, s23  }
0x2d: {  	s8 =	sadd.s32 $0xFF3CAC00, s8  }
0x2e: {  	s8 =	sshrl.u32 s8, $0x3  }
0x2f: {  	s9 =	sadd.s32 $0xFFFFFC00, s16;
	s17 =	sadd.s32 s4, s8;
	s8 =	simm.s32 $0x0  }
0x30: {  	[tilespmem:s9], [sflag:$0x1] =	stream.linear.gather [hbm4b:s17+s8], $0x400, $0x38;
	[tilespmem:$0x18880] =	vst v63  }
0x31: {  	v0 =	vld [tilespmem:s15+$0x0];
	_ =	sdelay $0x4  }
0x32: {  	(v2sf) =	vpush v0, $0x0;
	_ =	sdelay $0xe  }
0x33: {  	s9 =	spop (v2sf)  }
.Ltmp0:
0x34: {  	s9 =	sshll.u32 s9, $0x7;
	(pc) =	sbr.rel @p0 .LBB2_2-.Ltmp0, $4  }
0x35: {  	s9 =	sand.u32 $0x7FFFFC00, s9  }
0x36: {  	s17 =	sadd.s32 s9, s23;
	s9 =	simm.s32 $0x1  }
0x37: {  	s15 =	sadd.s32 $0x2, s15;
	s17 =	sshrl.u32 s17, $0x3  }
0x38: {  	s16 =	sadd.s32 $0x800, s16;
	s23 =	sadd.s32 $0x186A800, s23;
	s24 =	sadd.s32 s4, s17  }
0x39: {  	[tilespmem:s14], [sflag:$0x1] =	stream.linear.gather [hbm4b:s24+s8], $0x400, $0x38;
	[tilespmem:$0x18880] =	vst v63  }
.LBB2_4:
0x3a: {  	p0 =	seq.s32 s8, $0x0  }
0x3b: {  	s10 =	sshll.u32 s8, $0x3;
	s14 =	simm.s32 @!p0 $0x3  }
0x3c: {  	s23 =	sadd.s32 s7, s10;
	_ =	swait.ge @!p0 [sflag:s14], $0x3600  }
0x3d: {  	s10 =	sshll.u32 s23, $0x4;
	[sflag:s14] =	ssyncset.done @!p0 $0x0  }
0x3e: {  	s17 =	simm.s32 $0x18480;
	s10 =	sadd.s32 s2, s10;
	[sflag:s14] =	ssyncadd.s32 @!p0 $0xFFFFCA00  }
0x3f: {  	[tilespmem:s17], [sflag:$0x5] =	stream.linear.gather [hbm4b:s10+s3], $0x200, $0x38;
	[tilespmem:$0x18880] =	vst v63  }
0x40: {  	v0 =	vld [tilespmem:s6+$0xFFFFFFFF];
	_ =	sdelay $0x4  }
0x41: {  	(v2sf) =	vpush v0, $0x0;
	_ =	sdelay $0xe  }
0x42: {  	s18 =	spop (v2sf)  }
0x43: {  	s10 =	sshll.u32 s18, $0x7  }
0x44: {  	s10 =	sand.u32 $0x7FFFFC00, s10  }
0x45: {  	s10 =	sadd.s32 $0xC35400, s10  }
0x46: {  	s10 =	sadd.s32 $0xFF3CAC00, s10  }
0x47: {  	s10 =	sshrl.u32 s10, $0x3  }
0x48: {  	s24 =	simm.s32 $0x9C80;
	s10 =	sadd.s32 s4, s10  }
0x49: {  	[tilespmem:s24], [sflag:$0x2] =	stream.linear.gather [hbm4b:s10+s3], $0x400, $0x38;
	[tilespmem:$0x18880] =	vst v63  }
0x4a: {  	v63 =	vld [tilespmem:s6+$0x0];
	_ =	sdelay $0x4  }
0x4b: {  	(v2sf) =	vpush v63, $0x0;
	_ =	sdelay $0xe  }
0x4c: {  	s25 =	spop (v2sf)  }
0x4d: {  	s10 =	sshll.u32 s25, $0x7  }
0x4e: {  	s10 =	sand.u32 $0x7FFFFC00, s10  }
0x4f: {  	s14 =	simm.s32 $0xA080;
	s15 =	sadd.s32 $0xC35400, s10  }
0x50: {  	s24 =	sadd.s32 $0x2, s6;
	s10 =	simm.s32 $0x0;
	s16 =	sshrl.u32 s15, $0x3  }
0x51: {  	s15 =	simm.s32 $0x249FC00;
	s25 =	sadd.s32 s4, s16;
	s16 =	simm.s32 $0xA880  }
.LBB2_5:
0x52: {  	[tilespmem:s14], [sflag:$0x2] =	stream.linear.gather [hbm4b:s25+s3], $0x400, $0x38;
	[tilespmem:$0x18880] =	vst v63  }
0x53: {  	s10 =	sadd.s32 $0x2, s10;
	s14 =	smov.u32 s16;
	v0 =	vld [tilespmem:s24+$0xFFFFFFFF]  }
0x54: {  	p1 =	slt.u32 s10, $0x18;
	_ =	sdelay $0x3  }
0x55: {  	(v2sf) =	vpush v0, $0x0;
	_ =	sdelay $0xe  }
0x56: {  	s17 =	spop (v2sf)  }
0x57: {  	s17 =	sshll.u32 s17, $0x7  }
0x58: {  	s17 =	sand.u32 $0x7FFFFC00, s17  }
0x59: {  	s17 =	sadd.s32 s17, s15  }
0x5a: {  	s17 =	sadd.s32 $0xFF3CAC00, s17  }
0x5b: {  	s17 =	sshrl.u32 s17, $0x3  }
0x5c: {  	s25 =	sadd.s32 $0xFFFFFC00, s16;
	s17 =	sadd.s32 s4, s17  }
0x5d: {  	[tilespmem:s25], [sflag:$0x2] =	stream.linear.gather [hbm4b:s17+s3], $0x400, $0x38;
	[tilespmem:$0x18880] =	vst v63  }
0x5e: {  	v0 =	vld [tilespmem:s24+$0x0];
	_ =	sdelay $0x4  }
0x5f: {  	(v2sf) =	vpush v0, $0x0;
	_ =	sdelay $0xe  }
0x60: {  	s17 =	spop (v2sf)  }
.Ltmp1:
0x61: {  	s17 =	sshll.u32 s17, $0x7;
	(pc) =	sbr.rel @p1 .LBB2_5-.Ltmp1, $4  }
0x62: {  	s17 =	sand.u32 $0x7FFFFC00, s17  }
0x63: {  	s17 =	sadd.s32 s17, s15  }
0x64: {  	s15 =	sadd.s32 $0x186A800, s15;
	s17 =	sshrl.u32 s17, $0x3  }
0x65: {  	s16 =	sadd.s32 $0x800, s16;
	s24 =	sadd.s32 $0x2, s24;
	s25 =	sadd.s32 s4, s17  }
0x66: {  	[tilespmem:s14], [sflag:$0x2] =	stream.linear.gather [hbm4b:s25+s3], $0x400, $0x38;
	[tilespmem:$0x18880] =	vst v63  }
0x67: {  	_ =	swait.ge [sflag:s11], $0x6800  }
0x68: {  	[sflag:s11] =	ssyncset.done $0x0  }
0x69: {  	[sflag:s11] =	ssyncadd.s32 $0xFFFF9800  }
0x6a: {  	v0 =	vld [tilespmem:s9+$0xFFFFFFFF];
	_ =	sdelay $0x4  }
0x6b: {  	(v2sf) =	vpush v0, $0x0;
	_ =	sdelay $0xe  }
0x6c: {  	s10 =	spop (v2sf)  }
0x6d: {  	s10 =	sand.u32 $0x7, s10  }
0x6e: {  	s10 =	sshll.u32 s10, $0x7  }
0x6f: {  	s10 =	sadd.s32 $0x3880, s10  }
0x70: {  	v62 =	vld [tilespmem:s10+$0xFFFFFC00];
	_ =	sdelay $0x3  }
0x71: {  	s25 =	simm.s32 $0x10500  }
0x72: {  	[tilespmem:s25+$0xFFFFFF80] =	vst v62  }
0x73: {  	v0 =	vld [tilespmem:s10+$0xFFFFFC10];
	_ =	sdelay $0x4  }
0x74: {  	[tilespmem:s25+$0xFFFFFF90] =	vst v0  }
0x75: {  	v0 =	vld [tilespmem:s10+$0xFFFFFC20];
	_ =	sdelay $0x4  }
0x76: {  	[tilespmem:s25+$0xFFFFFFA0] =	vst v0  }
0x77: {  	v0 =	vld [tilespmem:s10+$0xFFFFFC30];
	_ =	sdelay $0x4  }
0x78: {  	[tilespmem:s25+$0xFFFFFFB0] =	vst v0  }
0x79: {  	v0 =	vld [tilespmem:s9+$0x0];
	_ =	sdelay $0x4  }
0x7a: {  	(v2sf) =	vpush v0, $0x0;
	_ =	sdelay $0xe  }
0x7b: {  	s24 =	spop (v2sf)  }
0x7c: {  	s10 =	sand.u32 $0x7, s24  }
0x7d: {  	s10 =	sshll.u32 s10, $0x7  }
0x7e: {  	s10 =	sadd.s32 $0x3880, s10  }
0x7f: {  	v63 =	vld [tilespmem:s10+$0x0];
	_ =	sdelay $0x4  }
0x80: {  	[tilespmem:s25+$0x0] =	vst v63  }
0x81: {  	v0 =	vld [tilespmem:s10+$0x10];
	_ =	sdelay $0x4  }
0x82: {  	[tilespmem:s25+$0x10] =	vst v0  }
0x83: {  	v0 =	vld [tilespmem:s10+$0x20];
	_ =	sdelay $0x4  }
0x84: {  	[tilespmem:s25+$0x20] =	vst v0  }
0x85: {  	v0 =	vld [tilespmem:s10+$0x30];
	_ =	sdelay $0x3  }
0x86: {  	s14 =	sadd.s32 $0x2, s9  }
0x87: {  	s15 =	simm.s32 $0x3880;
	s24 =	simm.s32 $0x3880;
	s10 =	simm.s32 $0x0;
	[tilespmem:s25+$0x30] =	vst v0  }
.LBB2_7:
0x88: {  	v0 =	vld [tilespmem:s14+$0xFFFFFFFF];
	s10 =	sadd.s32 $0x2, s10  }
0x89: {  	p1 =	slt.u32 s10, $0x18;
	_ =	sdelay $0x3  }
0x8a: {  	(v2sf) =	vpush v0, $0x0;
	_ =	sdelay $0xe  }
0x8b: {  	s16 =	spop (v2sf)  }
0x8c: {  	s16 =	sand.u32 $0x7, s16  }
0x8d: {  	s15 =	sadd.s32 $0x800, s15;
	s16 =	sshll.u32 s16, $0x7  }
0x8e: {  	s16 =	sadd.s32 s16, s15  }
0x8f: {  	v0 =	vld [tilespmem:s16+$0xFFFFFC00];
	_ =	sdelay $0x3  }
0x90: {  	s25 =	sadd.s32 $0x100, s25  }
0x91: {  	[tilespmem:s25+$0xFFFFFF80] =	vst v0  }
0x92: {  	v0 =	vld [tilespmem:s16+$0xFFFFFC10];
	_ =	sdelay $0x4  }
0x93: {  	[tilespmem:s25+$0xFFFFFF90] =	vst v0  }
0x94: {  	v0 =	vld [tilespmem:s16+$0xFFFFFC20];
	_ =	sdelay $0x4  }
0x95: {  	[tilespmem:s25+$0xFFFFFFA0] =	vst v0  }
0x96: {  	v0 =	vld [tilespmem:s16+$0xFFFFFC30];
	_ =	sdelay $0x4  }
0x97: {  	[tilespmem:s25+$0xFFFFFFB0] =	vst v0  }
0x98: {  	v0 =	vld [tilespmem:s14+$0x0];
	_ =	sdelay $0x4  }
0x99: {  	(v2sf) =	vpush v0, $0x0;
	_ =	sdelay $0xe  }
0x9a: {  	s16 =	spop (v2sf)  }
0x9b: {  	s16 =	sand.u32 $0x7, s16  }
0x9c: {  	s16 =	sshll.u32 s16, $0x7  }
0x9d: {  	s16 =	sadd.s32 s16, s15  }
0x9e: {  	v0 =	vld [tilespmem:s16+$0x0];
	_ =	sdelay $0x4  }
0x9f: {  	[tilespmem:s25+$0x0] =	vst v0  }
0xa0: {  	v0 =	vld [tilespmem:s16+$0x10];
	_ =	sdelay $0x4  }
0xa1: {  	[tilespmem:s25+$0x10] =	vst v0  }
0xa2: {  	v0 =	vld [tilespmem:s16+$0x20];
	_ =	sdelay $0x4  }
0xa3: {  	[tilespmem:s25+$0x20] =	vst v0  }
0xa4: {  	v0 =	vld [tilespmem:s16+$0x30]  }
.Ltmp2:
0xa5: {  	(pc) =	sbr.rel @p1 .LBB2_7-.Ltmp2, $2  }
0xa6: {  	_ =	sdelay $0x2  }
0xa7: {  	s14 =	sadd.s32 $0x2, s14;
	[tilespmem:s25+$0x30] =	vst v0  }
0xa8: {  	v0 =	vld [tilespmem:s0+$0xFFFFFFFF];
	_ =	sdelay $0x4  }
0xa9: {  	(v2sf) =	vpush v0, $0x0;
	_ =	sdelay $0xe  }
0xaa: {  	s10 =	spop (v2sf)  }
0xab: {  	s10 =	sshll.u32 s10, $0x7  }
0xac: {  	s10 =	sand.u32 $0x7FFFFC00, s10  }
0xad: {  	s10 =	sadd.s32 $0xC35400, s10  }
0xae: {  	s10 =	sadd.s32 $0xFF3CAC00, s10  }
0xaf: {  	s10 =	sshrl.u32 s10, $0x3  }
0xb0: {  	s14 =	simm.s32 $0x3480;
	s10 =	sadd.s32 s4, s10  }
0xb1: {  	[tilespmem:s14], [sflag:$0x1] =	stream.linear.gather [hbm4b:s10+s3], $0x400, $0x38;
	[tilespmem:$0x18880] =	vst v63  }
0xb2: {  	v63 =	vld [tilespmem:s0+$0x0];
	_ =	sdelay $0x4  }
0xb3: {  	(v2sf) =	vpush v63, $0x0;
	_ =	sdelay $0xe  }
0xb4: {  	s18 =	spop (v2sf)  }
0xb5: {  	s10 =	sshll.u32 s18, $0x7  }
0xb6: {  	s10 =	sand.u32 $0x7FFFFC00, s10  }
0xb7: {  	s25 =	sadd.s32 $0xC35400, s10  }
0xb8: {  	s16 =	sadd.s32 $0x2, s0;
	s14 =	simm.s32 $0x249FC00;
	s15 =	sshrl.u32 s25, $0x3  }
0xb9: {  	s10 =	simm.s32 $0x0;
	s25 =	sadd.s32 s4, s15;
	s15 =	simm.s32 $0x4080  }
.LBB2_9:
0xba: {  	[tilespmem:s24], [sflag:$0x1] =	stream.linear.gather [hbm4b:s25+s3], $0x400, $0x38;
	[tilespmem:$0x18880] =	vst v63  }
0xbb: {  	s10 =	sadd.s32 $0x2, s10;
	s24 =	smov.u32 s15;
	v0 =	vld [tilespmem:s16+$0xFFFFFFFF]  }
0xbc: {  	p1 =	slt.u32 s10, $0x18;
	_ =	sdelay $0x3  }
0xbd: {  	(v2sf) =	vpush v0, $0x0;
	_ =	sdelay $0xe  }
0xbe: {  	s17 =	spop (v2sf)  }
0xbf: {  	s17 =	sshll.u32 s17, $0x7  }
0xc0: {  	s17 =	sand.u32 $0x7FFFFC00, s17  }
0xc1: {  	s17 =	sadd.s32 s17, s14  }
0xc2: {  	s17 =	sadd.s32 $0xFF3CAC00, s17  }
0xc3: {  	s17 =	sshrl.u32 s17, $0x3  }
0xc4: {  	s25 =	sadd.s32 $0xFFFFFC00, s15;
	s17 =	sadd.s32 s4, s17  }
0xc5: {  	[tilespmem:s25], [sflag:$0x1] =	stream.linear.gather [hbm4b:s17+s3], $0x400, $0x38;
	[tilespmem:$0x18880] =	vst v63  }
0xc6: {  	v0 =	vld [tilespmem:s16+$0x0];
	_ =	sdelay $0x4  }
0xc7: {  	(v2sf) =	vpush v0, $0x0;
	_ =	sdelay $0xe  }
0xc8: {  	s17 =	spop (v2sf)  }
.Ltmp3:
0xc9: {  	s17 =	sshll.u32 s17, $0x7;
	(pc) =	sbr.rel @p1 .LBB2_9-.Ltmp3, $4  }
0xca: {  	s17 =	sand.u32 $0x7FFFFC00, s17  }
0xcb: {  	s17 =	sadd.s32 s17, s14  }
0xcc: {  	s14 =	sadd.s32 $0x186A800, s14;
	s17 =	sshrl.u32 s17, $0x3  }
0xcd: {  	s15 =	sadd.s32 $0x800, s15;
	s16 =	sadd.s32 $0x2, s16;
	s25 =	sadd.s32 s4, s17  }
0xce: {  	[tilespmem:s24], [sflag:$0x1] =	stream.linear.gather [hbm4b:s25+s3], $0x400, $0x38;
	[tilespmem:$0x18880] =	vst v63  }
0xcf: {  	_ =	swait.ge [sflag:s12], $0x6800  }
0xd0: {  	[sflag:s12] =	ssyncset.done $0x0  }
0xd1: {  	[sflag:s12] =	ssyncadd.s32 $0xFFFF9800  }
0xd2: {  	v0 =	vld [tilespmem:s6+$0xFFFFFFFF];
	_ =	sdelay $0x4  }
0xd3: {  	(v2sf) =	vpush v0, $0x0;
	_ =	sdelay $0xe  }
0xd4: {  	s10 =	spop (v2sf)  }
0xd5: {  	s10 =	sand.u32 $0x7, s10  }
0xd6: {  	s10 =	sshll.u32 s10, $0x7  }
0xd7: {  	s10 =	sadd.s32 $0xA0B0, s10  }
0xd8: {  	v62 =	vld [tilespmem:s10+$0xFFFFFBD0];
	_ =	sdelay $0x3  }
0xd9: {  	s24 =	simm.s32 $0x11530  }
0xda: {  	[tilespmem:s24+$0xFFFFFF50] =	vst v62  }
0xdb: {  	v0 =	vld [tilespmem:s10+$0xFFFFFBE0];
	_ =	sdelay $0x4  }
0xdc: {  	[tilespmem:s24+$0xFFFFFF60] =	vst v0  }
0xdd: {  	v0 =	vld [tilespmem:s10+$0xFFFFFBF0];
	_ =	sdelay $0x4  }
0xde: {  	[tilespmem:s24+$0xFFFFFF70] =	vst v0  }
0xdf: {  	v0 =	vld [tilespmem:s10+$0xFFFFFC00];
	_ =	sdelay $0x4  }
0xe0: {  	[tilespmem:s24+$0xFFFFFF80] =	vst v0  }
0xe1: {  	v0 =	vld [tilespmem:s6+$0x0];
	_ =	sdelay $0x4  }
0xe2: {  	(v2sf) =	vpush v0, $0x0;
	_ =	sdelay $0xe  }
0xe3: {  	s25 =	spop (v2sf)  }
0xe4: {  	s10 =	sand.u32 $0x7, s25  }
0xe5: {  	s10 =	sshll.u32 s10, $0x7  }
0xe6: {  	s10 =	sadd.s32 $0xA0B0, s10  }
0xe7: {  	v63 =	vld [tilespmem:s10+$0xFFFFFFD0];
	_ =	sdelay $0x4  }
0xe8: {  	[tilespmem:s24+$0xFFFFFFD0] =	vst v63  }
0xe9: {  	v0 =	vld [tilespmem:s10+$0xFFFFFFE0];
	_ =	sdelay $0x4  }
0xea: {  	[tilespmem:s24+$0xFFFFFFE0] =	vst v0  }
0xeb: {  	v0 =	vld [tilespmem:s10+$0xFFFFFFF0];
	_ =	sdelay $0x4  }
0xec: {  	[tilespmem:s24+$0xFFFFFFF0] =	vst v0  }
0xed: {  	v0 =	vld [tilespmem:s10+$0x0];
	_ =	sdelay $0x4  }
0xee: {  	s14 =	sadd.s32 $0x2, s6;
	s25 =	simm.s32 $0x0;
	s10 =	simm.s32 $0xA0B0;
	[tilespmem:s24+$0x0] =	vst v0  }
.LBB2_11:
0xef: {  	v0 =	vld [tilespmem:s14+$0xFFFFFFFF];
	s25 =	sadd.s32 $0x2, s25  }
0xf0: {  	p1 =	slt.u32 s25, $0x18;
	_ =	sdelay $0x3  }
0xf1: {  	(v2sf) =	vpush v0, $0x0;
	_ =	sdelay $0xe  }
0xf2: {  	s15 =	spop (v2sf)  }
0xf3: {  	s15 =	sand.u32 $0x7, s15  }
0xf4: {  	s10 =	sadd.s32 $0x800, s10;
	s15 =	sshll.u32 s15, $0x7  }
0xf5: {  	s15 =	sadd.s32 s15, s10  }
0xf6: {  	v0 =	vld [tilespmem:s15+$0xFFFFFBD0];
	_ =	sdelay $0x3  }
0xf7: {  	s24 =	sadd.s32 $0x100, s24  }
0xf8: {  	[tilespmem:s24+$0xFFFFFF50] =	vst v0  }
0xf9: {  	v0 =	vld [tilespmem:s15+$0xFFFFFBE0];
	_ =	sdelay $0x4  }
0xfa: {  	[tilespmem:s24+$0xFFFFFF60] =	vst v0  }
0xfb: {  	v0 =	vld [tilespmem:s15+$0xFFFFFBF0];
	_ =	sdelay $0x4  }
0xfc: {  	[tilespmem:s24+$0xFFFFFF70] =	vst v0  }
0xfd: {  	v0 =	vld [tilespmem:s15+$0xFFFFFC00];
	_ =	sdelay $0x4  }
0xfe: {  	[tilespmem:s24+$0xFFFFFF80] =	vst v0  }
0xff: {  	v0 =	vld [tilespmem:s14+$0x0];
	_ =	sdelay $0x4  }
0x100: {  	(v2sf) =	vpush v0, $0x0;
	_ =	sdelay $0xe  }
0x101: {  	s15 =	spop (v2sf)  }
0x102: {  	s15 =	sand.u32 $0x7, s15  }
0x103: {  	s15 =	sshll.u32 s15, $0x7  }
0x104: {  	s15 =	sadd.s32 s15, s10  }
0x105: {  	v0 =	vld [tilespmem:s15+$0xFFFFFFD0];
	_ =	sdelay $0x4  }
0x106: {  	[tilespmem:s24+$0xFFFFFFD0] =	vst v0  }
0x107: {  	v0 =	vld [tilespmem:s15+$0xFFFFFFE0];
	_ =	sdelay $0x4  }
0x108: {  	[tilespmem:s24+$0xFFFFFFE0] =	vst v0  }
0x109: {  	v0 =	vld [tilespmem:s15+$0xFFFFFFF0];
	_ =	sdelay $0x4  }
0x10a: {  	[tilespmem:s24+$0xFFFFFFF0] =	vst v0  }
0x10b: {  	v0 =	vld [tilespmem:s15+$0x0]  }
.Ltmp4:
0x10c: {  	(pc) =	sbr.rel @p1 .LBB2_11-.Ltmp4, $2  }
0x10d: {  	_ =	sdelay $0x2  }
0x10e: {  	s14 =	sadd.s32 $0x2, s14;
	s15 =	simm.s32 $0xA080;
	[tilespmem:s24+$0x0] =	vst v0  }
0x10f: {  	v0 =	vld [tilespmem:s31+$0xFFFFFFFF];
	_ =	sdelay $0x4  }
0x110: {  	(v2sf) =	vpush v0, $0x0;
	_ =	sdelay $0xe  }
0x111: {  	s10 =	spop (v2sf)  }
0x112: {  	s10 =	sshll.u32 s10, $0x7  }
0x113: {  	s10 =	sand.u32 $0x7FFFFC00, s10  }
0x114: {  	s10 =	sadd.s32 $0xC35400, s10  }
0x115: {  	s10 =	sadd.s32 $0xFF3CAC00, s10  }
0x116: {  	s10 =	sshrl.u32 s10, $0x3  }
0x117: {  	s14 =	simm.s32 $0x9C80;
	s10 =	sadd.s32 s4, s10  }
0x118: {  	[tilespmem:s14], [sflag:$0x2] =	stream.linear.gather [hbm4b:s10+s3], $0x400, $0x38;
	[tilespmem:$0x18880] =	vst v63  }
0x119: {  	v63 =	vld [tilespmem:s31+$0x0];
	_ =	sdelay $0x4  }
0x11a: {  	(v2sf) =	vpush v63, $0x0;
	_ =	sdelay $0xe  }
0x11b: {  	s24 =	spop (v2sf)  }
0x11c: {  	s10 =	sshll.u32 s24, $0x7  }
0x11d: {  	s10 =	sand.u32 $0x7FFFFC00, s10  }
0x11e: {  	s25 =	sadd.s32 $0xC35400, s10  }
0x11f: {  	s14 =	simm.s32 $0x249FC00;
	s24 =	sadd.s32 $0x2, s31;
	s16 =	sshrl.u32 s25, $0x3  }
0x120: {  	s10 =	simm.s32 $0x0;
	s25 =	sadd.s32 s4, s16;
	s16 =	simm.s32 $0xA880  }
.LBB2_13:
0x121: {  	[tilespmem:s15], [sflag:$0x2] =	stream.linear.gather [hbm4b:s25+s3], $0x400, $0x38;
	[tilespmem:$0x18880] =	vst v63  }
0x122: {  	s10 =	sadd.s32 $0x2, s10;
	s15 =	smov.u32 s16;
	v0 =	vld [tilespmem:s24+$0xFFFFFFFF]  }
0x123: {  	p1 =	slt.u32 s10, $0x18;
	_ =	sdelay $0x3  }
0x124: {  	(v2sf) =	vpush v0, $0x0;
	_ =	sdelay $0xe  }
0x125: {  	s17 =	spop (v2sf)  }
0x126: {  	s17 =	sshll.u32 s17, $0x7  }
0x127: {  	s17 =	sand.u32 $0x7FFFFC00, s17  }
0x128: {  	s17 =	sadd.s32 s17, s14  }
0x129: {  	s17 =	sadd.s32 $0xFF3CAC00, s17  }
0x12a: {  	s17 =	sshrl.u32 s17, $0x3  }
0x12b: {  	s25 =	sadd.s32 $0xFFFFFC00, s16;
	s17 =	sadd.s32 s4, s17  }
0x12c: {  	[tilespmem:s25], [sflag:$0x2] =	stream.linear.gather [hbm4b:s17+s3], $0x400, $0x38;
	[tilespmem:$0x18880] =	vst v63  }
0x12d: {  	v0 =	vld [tilespmem:s24+$0x0];
	_ =	sdelay $0x4  }
0x12e: {  	(v2sf) =	vpush v0, $0x0;
	_ =	sdelay $0xe  }
0x12f: {  	s17 =	spop (v2sf)  }
.Ltmp5:
0x130: {  	s17 =	sshll.u32 s17, $0x7;
	(pc) =	sbr.rel @p1 .LBB2_13-.Ltmp5, $4  }
0x131: {  	s17 =	sand.u32 $0x7FFFFC00, s17  }
0x132: {  	s17 =	sadd.s32 s17, s14  }
0x133: {  	s14 =	sadd.s32 $0x186A800, s14;
	s17 =	sshrl.u32 s17, $0x3  }
0x134: {  	s16 =	sadd.s32 $0x800, s16;
	s24 =	sadd.s32 $0x2, s24;
	s25 =	sadd.s32 s4, s17  }
0x135: {  	[tilespmem:s15], [sflag:$0x2] =	stream.linear.gather [hbm4b:s25+s3], $0x400, $0x38;
	[tilespmem:$0x18880] =	vst v63  }
0x136: {  	_ =	swait.ge [sflag:s11], $0x6800  }
0x137: {  	[sflag:s11] =	ssyncset.done $0x0  }
0x138: {  	[sflag:s11] =	ssyncadd.s32 $0xFFFF9800  }
0x139: {  	v0 =	vld [tilespmem:s0+$0xFFFFFFFF];
	_ =	sdelay $0x4  }
0x13a: {  	(v2sf) =	vpush v0, $0x0;
	_ =	sdelay $0xe  }
0x13b: {  	s10 =	spop (v2sf)  }
0x13c: {  	s10 =	sand.u32 $0x7, s10  }
0x13d: {  	s10 =	sshll.u32 s10, $0x7  }
0x13e: {  	s10 =	sadd.s32 $0x3880, s10  }
0x13f: {  	v62 =	vld [tilespmem:s10+$0xFFFFFC00];
	_ =	sdelay $0x3  }
0x140: {  	s25 =	simm.s32 $0x12530  }
0x141: {  	[tilespmem:s25+$0xFFFFFF50] =	vst v62  }
0x142: {  	v0 =	vld [tilespmem:s10+$0xFFFFFC10];
	_ =	sdelay $0x4  }
0x143: {  	[tilespmem:s25+$0xFFFFFF60] =	vst v0  }
0x144: {  	v0 =	vld [tilespmem:s10+$0xFFFFFC20];
	_ =	sdelay $0x4  }
0x145: {  	[tilespmem:s25+$0xFFFFFF70] =	vst v0  }
0x146: {  	v0 =	vld [tilespmem:s10+$0xFFFFFC30];
	_ =	sdelay $0x4  }
0x147: {  	[tilespmem:s25+$0xFFFFFF80] =	vst v0  }
0x148: {  	v0 =	vld [tilespmem:s0+$0x0];
	_ =	sdelay $0x4  }
0x149: {  	(v2sf) =	vpush v0, $0x0;
	_ =	sdelay $0xe  }
0x14a: {  	s24 =	spop (v2sf)  }
0x14b: {  	s10 =	sand.u32 $0x7, s24  }
0x14c: {  	s10 =	sshll.u32 s10, $0x7  }
0x14d: {  	s10 =	sadd.s32 $0x3880, s10  }
0x14e: {  	v63 =	vld [tilespmem:s10+$0x0];
	_ =	sdelay $0x4  }
0x14f: {  	[tilespmem:s25+$0xFFFFFFD0] =	vst v63  }
0x150: {  	v0 =	vld [tilespmem:s10+$0x10];
	_ =	sdelay $0x4  }
0x151: {  	[tilespmem:s25+$0xFFFFFFE0] =	vst v0  }
0x152: {  	v0 =	vld [tilespmem:s10+$0x20];
	_ =	sdelay $0x4  }
0x153: {  	[tilespmem:s25+$0xFFFFFFF0] =	vst v0  }
0x154: {  	v0 =	vld [tilespmem:s10+$0x30];
	_ =	sdelay $0x3  }
0x155: {  	s14 =	sadd.s32 $0x2, s0  }
0x156: {  	s15 =	simm.s32 $0x3880;
	s24 =	simm.s32 $0x3880;
	s10 =	simm.s32 $0x0;
	[tilespmem:s25+$0x0] =	vst v0  }
.LBB2_15:
0x157: {  	v0 =	vld [tilespmem:s14+$0xFFFFFFFF];
	s10 =	sadd.s32 $0x2, s10  }
0x158: {  	p1 =	slt.u32 s10, $0x18;
	_ =	sdelay $0x3  }
0x159: {  	(v2sf) =	vpush v0, $0x0;
	_ =	sdelay $0xe  }
0x15a: {  	s16 =	spop (v2sf)  }
0x15b: {  	s16 =	sand.u32 $0x7, s16  }
0x15c: {  	s15 =	sadd.s32 $0x800, s15;
	s16 =	sshll.u32 s16, $0x7  }
0x15d: {  	s16 =	sadd.s32 s16, s15  }
0x15e: {  	v0 =	vld [tilespmem:s16+$0xFFFFFC00];
	_ =	sdelay $0x3  }
0x15f: {  	s25 =	sadd.s32 $0x100, s25  }
0x160: {  	[tilespmem:s25+$0xFFFFFF50] =	vst v0  }
0x161: {  	v0 =	vld [tilespmem:s16+$0xFFFFFC10];
	_ =	sdelay $0x4  }
0x162: {  	[tilespmem:s25+$0xFFFFFF60] =	vst v0  }
0x163: {  	v0 =	vld [tilespmem:s16+$0xFFFFFC20];
	_ =	sdelay $0x4  }
0x164: {  	[tilespmem:s25+$0xFFFFFF70] =	vst v0  }
0x165: {  	v0 =	vld [tilespmem:s16+$0xFFFFFC30];
	_ =	sdelay $0x4  }
0x166: {  	[tilespmem:s25+$0xFFFFFF80] =	vst v0  }
0x167: {  	v0 =	vld [tilespmem:s14+$0x0];
	_ =	sdelay $0x4  }
0x168: {  	(v2sf) =	vpush v0, $0x0;
	_ =	sdelay $0xe  }
0x169: {  	s16 =	spop (v2sf)  }
0x16a: {  	s16 =	sand.u32 $0x7, s16  }
0x16b: {  	s16 =	sshll.u32 s16, $0x7  }
0x16c: {  	s16 =	sadd.s32 s16, s15  }
0x16d: {  	v0 =	vld [tilespmem:s16+$0x0];
	_ =	sdelay $0x4  }
0x16e: {  	[tilespmem:s25+$0xFFFFFFD0] =	vst v0  }
0x16f: {  	v0 =	vld [tilespmem:s16+$0x10];
	_ =	sdelay $0x4  }
0x170: {  	[tilespmem:s25+$0xFFFFFFE0] =	vst v0  }
0x171: {  	v0 =	vld [tilespmem:s16+$0x20];
	_ =	sdelay $0x4  }
0x172: {  	[tilespmem:s25+$0xFFFFFFF0] =	vst v0  }
0x173: {  	v0 =	vld [tilespmem:s16+$0x30]  }
.Ltmp6:
0x174: {  	(pc) =	sbr.rel @p1 .LBB2_15-.Ltmp6, $2  }
0x175: {  	_ =	sdelay $0x2  }
0x176: {  	s14 =	sadd.s32 $0x2, s14;
	[tilespmem:s25+$0x0] =	vst v0  }
0x177: {  	v0 =	vld [tilespmem:s1+$0xFFFFFFFF];
	_ =	sdelay $0x4  }
0x178: {  	(v2sf) =	vpush v0, $0x0;
	_ =	sdelay $0xe  }
0x179: {  	s10 =	spop (v2sf)  }
0x17a: {  	s10 =	sshll.u32 s10, $0x7  }
0x17b: {  	s10 =	sand.u32 $0x7FFFFC00, s10  }
0x17c: {  	s10 =	sadd.s32 $0xC35400, s10  }
0x17d: {  	s10 =	sadd.s32 $0xFF3CAC00, s10  }
0x17e: {  	s10 =	sshrl.u32 s10, $0x3  }
0x17f: {  	s14 =	simm.s32 $0x3480;
	s10 =	sadd.s32 s4, s10  }
0x180: {  	[tilespmem:s14], [sflag:$0x1] =	stream.linear.gather [hbm4b:s10+s3], $0x400, $0x38;
	[tilespmem:$0x18880] =	vst v63  }
0x181: {  	v63 =	vld [tilespmem:s1+$0x0];
	_ =	sdelay $0x4  }
0x182: {  	(v2sf) =	vpush v63, $0x0;
	_ =	sdelay $0xe  }
0x183: {  	s18 =	spop (v2sf)  }
0x184: {  	s10 =	sshll.u32 s18, $0x7  }
0x185: {  	s10 =	sand.u32 $0x7FFFFC00, s10  }
0x186: {  	s25 =	sadd.s32 $0xC35400, s10  }
0x187: {  	s16 =	sadd.s32 $0x2, s1;
	s14 =	simm.s32 $0x249FC00;
	s15 =	sshrl.u32 s25, $0x3  }
0x188: {  	s10 =	simm.s32 $0x0;
	s25 =	sadd.s32 s4, s15;
	s15 =	simm.s32 $0x4080  }
.LBB2_17:
0x189: {  	[tilespmem:s24], [sflag:$0x1] =	stream.linear.gather [hbm4b:s25+s3], $0x400, $0x38;
	[tilespmem:$0x18880] =	vst v63  }
0x18a: {  	s10 =	sadd.s32 $0x2, s10;
	s24 =	smov.u32 s15;
	v0 =	vld [tilespmem:s16+$0xFFFFFFFF]  }
0x18b: {  	p1 =	slt.u32 s10, $0x18;
	_ =	sdelay $0x3  }
0x18c: {  	(v2sf) =	vpush v0, $0x0;
	_ =	sdelay $0xe  }
0x18d: {  	s17 =	spop (v2sf)  }
0x18e: {  	s17 =	sshll.u32 s17, $0x7  }
0x18f: {  	s17 =	sand.u32 $0x7FFFFC00, s17  }
0x190: {  	s17 =	sadd.s32 s17, s14  }
0x191: {  	s17 =	sadd.s32 $0xFF3CAC00, s17  }
0x192: {  	s17 =	sshrl.u32 s17, $0x3  }
0x193: {  	s25 =	sadd.s32 $0xFFFFFC00, s15;
	s17 =	sadd.s32 s4, s17  }
0x194: {  	[tilespmem:s25], [sflag:$0x1] =	stream.linear.gather [hbm4b:s17+s3], $0x400, $0x38;
	[tilespmem:$0x18880] =	vst v63  }
0x195: {  	v0 =	vld [tilespmem:s16+$0x0];
	_ =	sdelay $0x4  }
0x196: {  	(v2sf) =	vpush v0, $0x0;
	_ =	sdelay $0xe  }
0x197: {  	s17 =	spop (v2sf)  }
.Ltmp7:
0x198: {  	s17 =	sshll.u32 s17, $0x7;
	(pc) =	sbr.rel @p1 .LBB2_17-.Ltmp7, $4  }
0x199: {  	s17 =	sand.u32 $0x7FFFFC00, s17  }
0x19a: {  	s17 =	sadd.s32 s17, s14  }
0x19b: {  	s14 =	sadd.s32 $0x186A800, s14;
	s17 =	sshrl.u32 s17, $0x3  }
0x19c: {  	s15 =	sadd.s32 $0x800, s15;
	s16 =	sadd.s32 $0x2, s16;
	s25 =	sadd.s32 s4, s17  }
0x19d: {  	[tilespmem:s24], [sflag:$0x1] =	stream.linear.gather [hbm4b:s25+s3], $0x400, $0x38;
	[tilespmem:$0x18880] =	vst v63  }
0x19e: {  	_ =	swait.ge [sflag:s12], $0x6800  }
0x19f: {  	[sflag:s12] =	ssyncset.done $0x0  }
0x1a0: {  	[sflag:s12] =	ssyncadd.s32 $0xFFFF9800  }
0x1a1: {  	v0 =	vld [tilespmem:s31+$0xFFFFFFFF];
	_ =	sdelay $0x4  }
0x1a2: {  	(v2sf) =	vpush v0, $0x0;
	_ =	sdelay $0xe  }
0x1a3: {  	s10 =	spop (v2sf)  }
0x1a4: {  	s10 =	sand.u32 $0x7, s10  }
0x1a5: {  	s10 =	sshll.u32 s10, $0x7  }
0x1a6: {  	s14 =	sadd.s32 $0xA0B0, s10  }
0x1a7: {  	v62 =	vld [tilespmem:s14+$0xFFFFFBD0];
	_ =	sdelay $0x3  }
0x1a8: {  	s10 =	simm.s32 $0x13530  }
0x1a9: {  	[tilespmem:s10+$0xFFFFFF50] =	vst v62  }
0x1aa: {  	v0 =	vld [tilespmem:s14+$0xFFFFFBE0];
	_ =	sdelay $0x4  }
0x1ab: {  	[tilespmem:s10+$0xFFFFFF60] =	vst v0  }
0x1ac: {  	v0 =	vld [tilespmem:s14+$0xFFFFFBF0];
	_ =	sdelay $0x4  }
0x1ad: {  	[tilespmem:s10+$0xFFFFFF70] =	vst v0  }
0x1ae: {  	v0 =	vld [tilespmem:s14+$0xFFFFFC00];
	_ =	sdelay $0x4  }
0x1af: {  	[tilespmem:s10+$0xFFFFFF80] =	vst v0  }
0x1b0: {  	v0 =	vld [tilespmem:s31+$0x0];
	_ =	sdelay $0x4  }
0x1b1: {  	(v2sf) =	vpush v0, $0x0;
	_ =	sdelay $0xe  }
0x1b2: {  	s25 =	spop (v2sf)  }
0x1b3: {  	s14 =	sand.u32 $0x7, s25  }
0x1b4: {  	s14 =	sshll.u32 s14, $0x7  }
0x1b5: {  	s14 =	sadd.s32 $0xA0B0, s14  }
0x1b6: {  	v63 =	vld [tilespmem:s14+$0xFFFFFFD0];
	_ =	sdelay $0x4  }
0x1b7: {  	[tilespmem:s10+$0xFFFFFFD0] =	vst v63  }
0x1b8: {  	v0 =	vld [tilespmem:s14+$0xFFFFFFE0];
	_ =	sdelay $0x4  }
0x1b9: {  	[tilespmem:s10+$0xFFFFFFE0] =	vst v0  }
0x1ba: {  	v0 =	vld [tilespmem:s14+$0xFFFFFFF0];
	_ =	sdelay $0x4  }
0x1bb: {  	[tilespmem:s10+$0xFFFFFFF0] =	vst v0  }
0x1bc: {  	v0 =	vld [tilespmem:s14+$0x0];
	_ =	sdelay $0x4  }
0x1bd: {  	s24 =	simm.s32 $0xA0B0;
	s15 =	sadd.s32 $0x2, s31;
	s14 =	simm.s32 $0x0;
	[tilespmem:s10+$0x0] =	vst v0  }
.LBB2_19:
0x1be: {  	v0 =	vld [tilespmem:s15+$0xFFFFFFFF];
	s14 =	sadd.s32 $0x2, s14  }
0x1bf: {  	p1 =	slt.u32 s14, $0x18;
	_ =	sdelay $0x3  }
0x1c0: {  	(v2sf) =	vpush v0, $0x0;
	_ =	sdelay $0xe  }
0x1c1: {  	s16 =	spop (v2sf)  }
0x1c2: {  	s16 =	sand.u32 $0x7, s16  }
0x1c3: {  	s24 =	sadd.s32 $0x800, s24;
	s16 =	sshll.u32 s16, $0x7  }
0x1c4: {  	s16 =	sadd.s32 s16, s24  }
0x1c5: {  	v0 =	vld [tilespmem:s16+$0xFFFFFBD0];
	_ =	sdelay $0x3  }
0x1c6: {  	s10 =	sadd.s32 $0x100, s10  }
0x1c7: {  	[tilespmem:s10+$0xFFFFFF50] =	vst v0  }
0x1c8: {  	v0 =	vld [tilespmem:s16+$0xFFFFFBE0];
	_ =	sdelay $0x4  }
0x1c9: {  	[tilespmem:s10+$0xFFFFFF60] =	vst v0  }
0x1ca: {  	v0 =	vld [tilespmem:s16+$0xFFFFFBF0];
	_ =	sdelay $0x4  }
0x1cb: {  	[tilespmem:s10+$0xFFFFFF70] =	vst v0  }
0x1cc: {  	v0 =	vld [tilespmem:s16+$0xFFFFFC00];
	_ =	sdelay $0x4  }
0x1cd: {  	[tilespmem:s10+$0xFFFFFF80] =	vst v0  }
0x1ce: {  	v0 =	vld [tilespmem:s15+$0x0];
	_ =	sdelay $0x4  }
0x1cf: {  	(v2sf) =	vpush v0, $0x0;
	_ =	sdelay $0xe  }
0x1d0: {  	s16 =	spop (v2sf)  }
0x1d1: {  	s16 =	sand.u32 $0x7, s16  }
0x1d2: {  	s16 =	sshll.u32 s16, $0x7  }
0x1d3: {  	s16 =	sadd.s32 s16, s24  }
0x1d4: {  	v0 =	vld [tilespmem:s16+$0xFFFFFFD0];
	_ =	sdelay $0x4  }
0x1d5: {  	[tilespmem:s10+$0xFFFFFFD0] =	vst v0  }
0x1d6: {  	v0 =	vld [tilespmem:s16+$0xFFFFFFE0];
	_ =	sdelay $0x4  }
0x1d7: {  	[tilespmem:s10+$0xFFFFFFE0] =	vst v0  }
0x1d8: {  	v0 =	vld [tilespmem:s16+$0xFFFFFFF0];
	_ =	sdelay $0x4  }
0x1d9: {  	[tilespmem:s10+$0xFFFFFFF0] =	vst v0  }
0x1da: {  	v0 =	vld [tilespmem:s16+$0x0]  }
.Ltmp8:
0x1db: {  	(pc) =	sbr.rel @p1 .LBB2_19-.Ltmp8, $2  }
0x1dc: {  	_ =	sdelay $0x2  }
0x1dd: {  	s15 =	sadd.s32 $0x2, s15;
	[tilespmem:s10+$0x0] =	vst v0  }
0x1de: {  	_ =	swait.ge [sflag:s13], $0x200  }
0x1df: {  	[sflag:s13] =	ssyncset.done $0x0  }
0x1e0: {  	[sflag:s13] =	ssyncadd.s32 $0xFFFFFE00  }
0x1e1: {  	v0 =	vld [tilespmem:$0x18480]  }
0x1e2: {  	v1 =	vld [tilespmem:$0x18490]  }
0x1e3: {  	v2 =	vld [tilespmem:$0x184A0]  }
0x1e4: {  	v3 =	vld [tilespmem:$0x184B0]  }
0x1e5: {  	v4 =	vld [tilespmem:$0x18500]  }
0x1e6: {  	v51 =	vld [tilespmem:$0x18510];
	[tilespmem:$0x11180] =	vst v0  }
0x1e7: {  	v52 =	vld [tilespmem:$0x18520];
	[tilespmem:$0x11190] =	vst v1  }
0x1e8: {  	v53 =	vld [tilespmem:$0x18530];
	[tilespmem:$0x111A0] =	vst v2  }
0x1e9: {  	v54 =	vld [tilespmem:$0x18580];
	[tilespmem:$0x111B0] =	vst v3  }
0x1ea: {  	v55 =	vld [tilespmem:$0x18590];
	[tilespmem:$0x12180] =	vst v4  }
0x1eb: {  	v56 =	vld [tilespmem:$0x185A0];
	[tilespmem:$0x12190] =	vst v51  }
0x1ec: {  	v57 =	vld [tilespmem:$0x185B0];
	[tilespmem:$0x121A0] =	vst v52  }
0x1ed: {  	v58 =	vld [tilespmem:$0x18600];
	[tilespmem:$0x121B0] =	vst v53  }
0x1ee: {  	v59 =	vld [tilespmem:$0x18610];
	[tilespmem:$0x13180] =	vst v54  }
0x1ef: {  	v60 =	vld [tilespmem:$0x18620];
	[tilespmem:$0x13190] =	vst v55  }
0x1f0: {  	v61 =	vld [tilespmem:$0x18630];
	[tilespmem:$0x131A0] =	vst v56  }
0x1f1: {  	[tilespmem:$0x131B0] =	vst v57  }
0x1f2: {  	[tilespmem:$0x14180] =	vst v58  }
0x1f3: {  	[tilespmem:$0x14190] =	vst v59  }
0x1f4: {  	s10 =	sshll.u32 s23, $0x9;
	[tilespmem:$0x141A0] =	vst v60  }
0x1f5: {  	s14 =	simm.s32 $0x10480;
	s10 =	sadd.s32 s5, s10;
	[tilespmem:$0x141B0] =	vst v61  }
0x1f6: {  	[hbm4b:s10+s3] =	stream.linear.scatter [tilespmem:s14], [sflag:$0x3], $0xD80, $0x38;
	[tilespmem:$0x18880] =	vst v63  }
0x1f7: {  	s15 =	simm.s32 $0x11480;
	s25 =	sadd.s32 $0x200, s10  }
0x1f8: {  	[hbm4b:s25+s3] =	stream.linear.scatter [tilespmem:s15], [sflag:$0x3], $0xD80, $0x38;
	[tilespmem:$0x18880] =	vst v63  }
0x1f9: {  	s17 =	simm.s32 $0x12480;
	s24 =	sshllo.u32 s8, $0x1;
	s16 =	sadd.s32 $0x400, s10  }
0x1fa: {  	[hbm4b:s16+s3] =	stream.linear.scatter [tilespmem:s17], [sflag:$0x3], $0xD80, $0x38;
	[tilespmem:$0x18880] =	vst v63  }
0x1fb: {  	s18 =	simm.s32 $0x13480;
	s23 =	sshll.u32 s24, $0x2;
	s10 =	sadd.s32 $0x600, s10  }
0x1fc: {  	[hbm4b:s10+s3] =	stream.linear.scatter [tilespmem:s18], [sflag:$0x3], $0xD80, $0x38;
	[tilespmem:$0x18880] =	vst v63  }
0x1fd: {  	s23 =	sadd.s32 s7, s23;
	s10 =	simm.s32 @!p0 $0x4  }
0x1fe: {  	s25 =	sshll.u32 s23, $0x4;
	_ =	swait.ge @!p0 [sflag:s10], $0x3600  }
0x1ff: {  	s14 =	sand.u32 $0x1FFFFFC0, s25;
	[sflag:s10] =	ssyncset.done @!p0 $0x0  }
0x200: {  	s15 =	simm.s32 $0x18680;
	s14 =	sadd.s32 s2, s14;
	[sflag:s10] =	ssyncadd.s32 @!p0 $0xFFFFCA00  }
0x201: {  	[tilespmem:s15], [sflag:$0x5] =	stream.linear.gather [hbm4b:s14+s3], $0x200, $0x38;
	[tilespmem:$0x18880] =	vst v63  }
0x202: {  	v62 =	vld [tilespmem:s30+$0xFFFFFFFF];
	_ =	sdelay $0x4  }
0x203: {  	(v2sf) =	vpush v62, $0x0;
	_ =	sdelay $0xe  }
0x204: {  	s16 =	spop (v2sf)  }
0x205: {  	s10 =	sshll.u32 s16, $0x7  }
0x206: {  	s10 =	sand.u32 $0x7FFFFC00, s10  }
0x207: {  	s10 =	sadd.s32 $0xC35400, s10  }
0x208: {  	s10 =	sadd.s32 $0xFF3CAC00, s10  }
0x209: {  	s10 =	sshrl.u32 s10, $0x3  }
0x20a: {  	s17 =	simm.s32 $0x9C80;
	s10 =	sadd.s32 s4, s10  }
0x20b: {  	[tilespmem:s17], [sflag:$0x2] =	stream.linear.gather [hbm4b:s10+s3], $0x400, $0x38;
	[tilespmem:$0x18880] =	vst v63  }
0x20c: {  	v63 =	vld [tilespmem:s30+$0x0];
	_ =	sdelay $0x4  }
0x20d: {  	(v2sf) =	vpush v63, $0x0;
	_ =	sdelay $0xe  }
0x20e: {  	s18 =	spop (v2sf)  }
0x20f: {  	s10 =	sshll.u32 s18, $0x7  }
0x210: {  	s10 =	sand.u32 $0x7FFFFC00, s10  }
0x211: {  	s14 =	simm.s32 $0xA080;
	s25 =	sadd.s32 $0xC35400, s10  }
0x212: {  	s15 =	simm.s32 $0x249FC00;
	s10 =	simm.s32 $0x0;
	s16 =	sshrl.u32 s25, $0x3  }
0x213: {  	s25 =	sadd.s32 $0x2, s30;
	s17 =	sadd.s32 s4, s16;
	s16 =	simm.s32 $0xA880  }
.LBB2_21:
0x214: {  	[tilespmem:s14], [sflag:$0x2] =	stream.linear.gather [hbm4b:s17+s3], $0x400, $0x38;
	[tilespmem:$0x18880] =	vst v63  }
0x215: {  	s10 =	sadd.s32 $0x2, s10;
	s14 =	smov.u32 s16;
	v0 =	vld [tilespmem:s25+$0xFFFFFFFF]  }
0x216: {  	p0 =	slt.u32 s10, $0x18;
	_ =	sdelay $0x3  }
0x217: {  	(v2sf) =	vpush v0, $0x0;
	_ =	sdelay $0xe  }
0x218: {  	s17 =	spop (v2sf)  }
0x219: {  	s17 =	sshll.u32 s17, $0x7  }
0x21a: {  	s17 =	sand.u32 $0x7FFFFC00, s17  }
0x21b: {  	s17 =	sadd.s32 s17, s15  }
0x21c: {  	s17 =	sadd.s32 $0xFF3CAC00, s17  }
0x21d: {  	s17 =	sshrl.u32 s17, $0x3  }
0x21e: {  	s18 =	sadd.s32 $0xFFFFFC00, s16;
	s17 =	sadd.s32 s4, s17  }
0x21f: {  	[tilespmem:s18], [sflag:$0x2] =	stream.linear.gather [hbm4b:s17+s3], $0x400, $0x38;
	[tilespmem:$0x18880] =	vst v63  }
0x220: {  	v0 =	vld [tilespmem:s25+$0x0];
	_ =	sdelay $0x4  }
0x221: {  	(v2sf) =	vpush v0, $0x0;
	_ =	sdelay $0xe  }
0x222: {  	s17 =	spop (v2sf)  }
.Ltmp9:
0x223: {  	s17 =	sshll.u32 s17, $0x7;
	(pc) =	sbr.rel @p0 .LBB2_21-.Ltmp9, $4  }
0x224: {  	s17 =	sand.u32 $0x7FFFFC00, s17  }
0x225: {  	s17 =	sadd.s32 s17, s15  }
0x226: {  	s15 =	sadd.s32 $0x186A800, s15;
	s17 =	sshrl.u32 s17, $0x3  }
0x227: {  	s16 =	sadd.s32 $0x800, s16;
	s25 =	sadd.s32 $0x2, s25;
	s17 =	sadd.s32 s4, s17  }
0x228: {  	[tilespmem:s14], [sflag:$0x2] =	stream.linear.gather [hbm4b:s17+s3], $0x400, $0x38;
	[tilespmem:$0x18880] =	vst v63  }
0x229: {  	_ =	swait.ge [sflag:s11], $0x6800  }
0x22a: {  	[sflag:s11] =	ssyncset.done $0x0  }
0x22b: {  	[sflag:s11] =	ssyncadd.s32 $0xFFFF9800  }
0x22c: {  	v0 =	vld [tilespmem:s1+$0xFFFFFFFF];
	_ =	sdelay $0x4  }
0x22d: {  	(v2sf) =	vpush v0, $0x0;
	_ =	sdelay $0xe  }
0x22e: {  	s10 =	spop (v2sf)  }
0x22f: {  	s10 =	sand.u32 $0x7, s10  }
0x230: {  	s10 =	sshll.u32 s10, $0x7  }
0x231: {  	s18 =	sadd.s32 $0x3880, s10  }
0x232: {  	v62 =	vld [tilespmem:s18+$0xFFFFFC00];
	_ =	sdelay $0x3  }
0x233: {  	s10 =	simm.s32 $0x14530  }
0x234: {  	[tilespmem:s10+$0xFFFFFF50] =	vst v62  }
0x235: {  	v0 =	vld [tilespmem:s18+$0xFFFFFC10];
	_ =	sdelay $0x4  }
0x236: {  	[tilespmem:s10+$0xFFFFFF60] =	vst v0  }
0x237: {  	v0 =	vld [tilespmem:s18+$0xFFFFFC20];
	_ =	sdelay $0x4  }
0x238: {  	[tilespmem:s10+$0xFFFFFF70] =	vst v0  }
0x239: {  	v0 =	vld [tilespmem:s18+$0xFFFFFC30];
	_ =	sdelay $0x4  }
0x23a: {  	[tilespmem:s10+$0xFFFFFF80] =	vst v0  }
0x23b: {  	v0 =	vld [tilespmem:s1+$0x0];
	_ =	sdelay $0x4  }
0x23c: {  	(v2sf) =	vpush v0, $0x0;
	_ =	sdelay $0xe  }
0x23d: {  	s25 =	spop (v2sf)  }
0x23e: {  	s14 =	sand.u32 $0x7, s25  }
0x23f: {  	s14 =	sshll.u32 s14, $0x7  }
0x240: {  	s14 =	sadd.s32 $0x3880, s14  }
0x241: {  	v63 =	vld [tilespmem:s14+$0x0];
	_ =	sdelay $0x4  }
0x242: {  	[tilespmem:s10+$0xFFFFFFD0] =	vst v63  }
0x243: {  	v0 =	vld [tilespmem:s14+$0x10];
	_ =	sdelay $0x4  }
0x244: {  	[tilespmem:s10+$0xFFFFFFE0] =	vst v0  }
0x245: {  	v0 =	vld [tilespmem:s14+$0x20];
	_ =	sdelay $0x4  }
0x246: {  	[tilespmem:s10+$0xFFFFFFF0] =	vst v0  }
0x247: {  	v0 =	vld [tilespmem:s14+$0x30];
	_ =	sdelay $0x3  }
0x248: {  	s15 =	sadd.s32 $0x2, s1  }
0x249: {  	s16 =	simm.s32 $0x3880;
	s25 =	simm.s32 $0x3880;
	s14 =	simm.s32 $0x0;
	[tilespmem:s10+$0x0] =	vst v0  }
.LBB2_23:
0x24a: {  	v0 =	vld [tilespmem:s15+$0xFFFFFFFF];
	s14 =	sadd.s32 $0x2, s14  }
0x24b: {  	p0 =	slt.u32 s14, $0x18;
	_ =	sdelay $0x3  }
0x24c: {  	(v2sf) =	vpush v0, $0x0;
	_ =	sdelay $0xe  }
0x24d: {  	s17 =	spop (v2sf)  }
0x24e: {  	s17 =	sand.u32 $0x7, s17  }
0x24f: {  	s16 =	sadd.s32 $0x800, s16;
	s17 =	sshll.u32 s17, $0x7  }
0x250: {  	s17 =	sadd.s32 s17, s16  }
0x251: {  	v0 =	vld [tilespmem:s17+$0xFFFFFC00];
	_ =	sdelay $0x3  }
0x252: {  	s10 =	sadd.s32 $0x100, s10  }
0x253: {  	[tilespmem:s10+$0xFFFFFF50] =	vst v0  }
0x254: {  	v0 =	vld [tilespmem:s17+$0xFFFFFC10];
	_ =	sdelay $0x4  }
0x255: {  	[tilespmem:s10+$0xFFFFFF60] =	vst v0  }
0x256: {  	v0 =	vld [tilespmem:s17+$0xFFFFFC20];
	_ =	sdelay $0x4  }
0x257: {  	[tilespmem:s10+$0xFFFFFF70] =	vst v0  }
0x258: {  	v0 =	vld [tilespmem:s17+$0xFFFFFC30];
	_ =	sdelay $0x4  }
0x259: {  	[tilespmem:s10+$0xFFFFFF80] =	vst v0  }
0x25a: {  	v0 =	vld [tilespmem:s15+$0x0];
	_ =	sdelay $0x4  }
0x25b: {  	(v2sf) =	vpush v0, $0x0;
	_ =	sdelay $0xe  }
0x25c: {  	s17 =	spop (v2sf)  }
0x25d: {  	s17 =	sand.u32 $0x7, s17  }
0x25e: {  	s17 =	sshll.u32 s17, $0x7  }
0x25f: {  	s17 =	sadd.s32 s17, s16  }
0x260: {  	v0 =	vld [tilespmem:s17+$0x0];
	_ =	sdelay $0x4  }
0x261: {  	[tilespmem:s10+$0xFFFFFFD0] =	vst v0  }
0x262: {  	v0 =	vld [tilespmem:s17+$0x10];
	_ =	sdelay $0x4  }
0x263: {  	[tilespmem:s10+$0xFFFFFFE0] =	vst v0  }
0x264: {  	v0 =	vld [tilespmem:s17+$0x20];
	_ =	sdelay $0x4  }
0x265: {  	[tilespmem:s10+$0xFFFFFFF0] =	vst v0  }
0x266: {  	v0 =	vld [tilespmem:s17+$0x30]  }
.Ltmp10:
0x267: {  	(pc) =	sbr.rel @p0 .LBB2_23-.Ltmp10, $2  }
0x268: {  	_ =	sdelay $0x2  }
0x269: {  	s15 =	sadd.s32 $0x2, s15;
	[tilespmem:s10+$0x0] =	vst v0  }
0x26a: {  	v0 =	vld [tilespmem:s28+$0xFFFFFFFF];
	_ =	sdelay $0x4  }
0x26b: {  	(v2sf) =	vpush v0, $0x0;
	_ =	sdelay $0xe  }
0x26c: {  	s10 =	spop (v2sf)  }
0x26d: {  	s10 =	sshll.u32 s10, $0x7  }
0x26e: {  	s10 =	sand.u32 $0x7FFFFC00, s10  }
0x26f: {  	s10 =	sadd.s32 $0xC35400, s10  }
0x270: {  	s10 =	sadd.s32 $0xFF3CAC00, s10  }
0x271: {  	s10 =	sshrl.u32 s10, $0x3  }
0x272: {  	s14 =	simm.s32 $0x3480;
	s10 =	sadd.s32 s4, s10  }
0x273: {  	[tilespmem:s14], [sflag:$0x1] =	stream.linear.gather [hbm4b:s10+s3], $0x400, $0x38;
	[tilespmem:$0x18880] =	vst v63  }
0x274: {  	v63 =	vld [tilespmem:s28+$0x0];
	_ =	sdelay $0x4  }
0x275: {  	(v2sf) =	vpush v63, $0x0;
	_ =	sdelay $0xe  }
0x276: {  	s17 =	spop (v2sf)  }
0x277: {  	s10 =	sshll.u32 s17, $0x7  }
0x278: {  	s10 =	sand.u32 $0x7FFFFC00, s10  }
0x279: {  	s18 =	sadd.s32 $0xC35400, s10  }
0x27a: {  	s16 =	sadd.s32 $0x2, s28;
	s14 =	simm.s32 $0x249FC00;
	s15 =	sshrl.u32 s18, $0x3  }
0x27b: {  	s10 =	simm.s32 $0x0;
	s17 =	sadd.s32 s4, s15;
	s15 =	simm.s32 $0x4080  }
.LBB2_25:
0x27c: {  	[tilespmem:s25], [sflag:$0x1] =	stream.linear.gather [hbm4b:s17+s3], $0x400, $0x38;
	[tilespmem:$0x18880] =	vst v63  }
0x27d: {  	s10 =	sadd.s32 $0x2, s10;
	s25 =	smov.u32 s15;
	v0 =	vld [tilespmem:s16+$0xFFFFFFFF]  }
0x27e: {  	p0 =	slt.u32 s10, $0x18;
	_ =	sdelay $0x3  }
0x27f: {  	(v2sf) =	vpush v0, $0x0;
	_ =	sdelay $0xe  }
0x280: {  	s17 =	spop (v2sf)  }
0x281: {  	s17 =	sshll.u32 s17, $0x7  }
0x282: {  	s17 =	sand.u32 $0x7FFFFC00, s17  }
0x283: {  	s17 =	sadd.s32 s17, s14  }
0x284: {  	s17 =	sadd.s32 $0xFF3CAC00, s17  }
0x285: {  	s17 =	sshrl.u32 s17, $0x3  }
0x286: {  	s18 =	sadd.s32 $0xFFFFFC00, s15;
	s17 =	sadd.s32 s4, s17  }
0x287: {  	[tilespmem:s18], [sflag:$0x1] =	stream.linear.gather [hbm4b:s17+s3], $0x400, $0x38;
	[tilespmem:$0x18880] =	vst v63  }
0x288: {  	v0 =	vld [tilespmem:s16+$0x0];
	_ =	sdelay $0x4  }
0x289: {  	(v2sf) =	vpush v0, $0x0;
	_ =	sdelay $0xe  }
0x28a: {  	s17 =	spop (v2sf)  }
.Ltmp11:
0x28b: {  	s17 =	sshll.u32 s17, $0x7;
	(pc) =	sbr.rel @p0 .LBB2_25-.Ltmp11, $4  }
0x28c: {  	s17 =	sand.u32 $0x7FFFFC00, s17  }
0x28d: {  	s17 =	sadd.s32 s17, s14  }
0x28e: {  	s14 =	sadd.s32 $0x186A800, s14;
	s17 =	sshrl.u32 s17, $0x3  }
0x28f: {  	s15 =	sadd.s32 $0x800, s15;
	s16 =	sadd.s32 $0x2, s16;
	s17 =	sadd.s32 s4, s17  }
0x290: {  	[tilespmem:s25], [sflag:$0x1] =	stream.linear.gather [hbm4b:s17+s3], $0x400, $0x38;
	[tilespmem:$0x18880] =	vst v63  }
0x291: {  	_ =	swait.ge [sflag:s12], $0x6800  }
0x292: {  	[sflag:s12] =	ssyncset.done $0x0  }
0x293: {  	[sflag:s12] =	ssyncadd.s32 $0xFFFF9800  }
0x294: {  	v0 =	vld [tilespmem:s30+$0xFFFFFFFF];
	_ =	sdelay $0x4  }
0x295: {  	(v2sf) =	vpush v0, $0x0;
	_ =	sdelay $0xe  }
0x296: {  	s10 =	spop (v2sf)  }
0x297: {  	s10 =	sand.u32 $0x7, s10  }
0x298: {  	s10 =	sshll.u32 s10, $0x7  }
0x299: {  	s14 =	sadd.s32 $0xA0B0, s10  }
0x29a: {  	v62 =	vld [tilespmem:s14+$0xFFFFFBD0];
	_ =	sdelay $0x3  }
0x29b: {  	s10 =	simm.s32 $0x15530  }
0x29c: {  	[tilespmem:s10+$0xFFFFFF50] =	vst v62  }
0x29d: {  	v0 =	vld [tilespmem:s14+$0xFFFFFBE0];
	_ =	sdelay $0x4  }
0x29e: {  	[tilespmem:s10+$0xFFFFFF60] =	vst v0  }
0x29f: {  	v0 =	vld [tilespmem:s14+$0xFFFFFBF0];
	_ =	sdelay $0x4  }
0x2a0: {  	[tilespmem:s10+$0xFFFFFF70] =	vst v0  }
0x2a1: {  	v0 =	vld [tilespmem:s14+$0xFFFFFC00];
	_ =	sdelay $0x4  }
0x2a2: {  	[tilespmem:s10+$0xFFFFFF80] =	vst v0  }
0x2a3: {  	v0 =	vld [tilespmem:s30+$0x0];
	_ =	sdelay $0x4  }
0x2a4: {  	(v2sf) =	vpush v0, $0x0;
	_ =	sdelay $0xe  }
0x2a5: {  	s25 =	spop (v2sf)  }
0x2a6: {  	s14 =	sand.u32 $0x7, s25  }
0x2a7: {  	s14 =	sshll.u32 s14, $0x7  }
0x2a8: {  	s14 =	sadd.s32 $0xA0B0, s14  }
0x2a9: {  	v63 =	vld [tilespmem:s14+$0xFFFFFFD0];
	_ =	sdelay $0x4  }
0x2aa: {  	[tilespmem:s10+$0xFFFFFFD0] =	vst v63  }
0x2ab: {  	v0 =	vld [tilespmem:s14+$0xFFFFFFE0];
	_ =	sdelay $0x4  }
0x2ac: {  	[tilespmem:s10+$0xFFFFFFE0] =	vst v0  }
0x2ad: {  	v0 =	vld [tilespmem:s14+$0xFFFFFFF0];
	_ =	sdelay $0x4  }
0x2ae: {  	[tilespmem:s10+$0xFFFFFFF0] =	vst v0  }
0x2af: {  	v0 =	vld [tilespmem:s14+$0x0];
	_ =	sdelay $0x4  }
0x2b0: {  	s15 =	sadd.s32 $0x2, s30;
	s25 =	simm.s32 $0xA0B0;
	s14 =	simm.s32 $0x0;
	[tilespmem:s10+$0x0] =	vst v0  }
.LBB2_27:
0x2b1: {  	v0 =	vld [tilespmem:s15+$0xFFFFFFFF];
	s14 =	sadd.s32 $0x2, s14  }
0x2b2: {  	p0 =	slt.u32 s14, $0x18;
	_ =	sdelay $0x3  }
0x2b3: {  	(v2sf) =	vpush v0, $0x0;
	_ =	sdelay $0xe  }
0x2b4: {  	s16 =	spop (v2sf)  }
0x2b5: {  	s16 =	sand.u32 $0x7, s16  }
0x2b6: {  	s25 =	sadd.s32 $0x800, s25;
	s16 =	sshll.u32 s16, $0x7  }
0x2b7: {  	s16 =	sadd.s32 s16, s25  }
0x2b8: {  	v0 =	vld [tilespmem:s16+$0xFFFFFBD0];
	_ =	sdelay $0x3  }
0x2b9: {  	s10 =	sadd.s32 $0x100, s10  }
0x2ba: {  	[tilespmem:s10+$0xFFFFFF50] =	vst v0  }
0x2bb: {  	v0 =	vld [tilespmem:s16+$0xFFFFFBE0];
	_ =	sdelay $0x4  }
0x2bc: {  	[tilespmem:s10+$0xFFFFFF60] =	vst v0  }
0x2bd: {  	v0 =	vld [tilespmem:s16+$0xFFFFFBF0];
	_ =	sdelay $0x4  }
0x2be: {  	[tilespmem:s10+$0xFFFFFF70] =	vst v0  }
0x2bf: {  	v0 =	vld [tilespmem:s16+$0xFFFFFC00];
	_ =	sdelay $0x4  }
0x2c0: {  	[tilespmem:s10+$0xFFFFFF80] =	vst v0  }
0x2c1: {  	v0 =	vld [tilespmem:s15+$0x0];
	_ =	sdelay $0x4  }
0x2c2: {  	(v2sf) =	vpush v0, $0x0;
	_ =	sdelay $0xe  }
0x2c3: {  	s16 =	spop (v2sf)  }
0x2c4: {  	s16 =	sand.u32 $0x7, s16  }
0x2c5: {  	s16 =	sshll.u32 s16, $0x7  }
0x2c6: {  	s16 =	sadd.s32 s16, s25  }
0x2c7: {  	v0 =	vld [tilespmem:s16+$0xFFFFFFD0];
	_ =	sdelay $0x4  }
0x2c8: {  	[tilespmem:s10+$0xFFFFFFD0] =	vst v0  }
0x2c9: {  	v0 =	vld [tilespmem:s16+$0xFFFFFFE0];
	_ =	sdelay $0x4  }
0x2ca: {  	[tilespmem:s10+$0xFFFFFFE0] =	vst v0  }
0x2cb: {  	v0 =	vld [tilespmem:s16+$0xFFFFFFF0];
	_ =	sdelay $0x4  }
0x2cc: {  	[tilespmem:s10+$0xFFFFFFF0] =	vst v0  }
0x2cd: {  	v0 =	vld [tilespmem:s16+$0x0]  }
.Ltmp12:
0x2ce: {  	(pc) =	sbr.rel @p0 .LBB2_27-.Ltmp12, $2  }
0x2cf: {  	_ =	sdelay $0x2  }
0x2d0: {  	s15 =	sadd.s32 $0x2, s15;
	s16 =	simm.s32 $0xA080;
	[tilespmem:s10+$0x0] =	vst v0  }
0x2d1: {  	v0 =	vld [tilespmem:s29+$0xFFFFFFFF];
	_ =	sdelay $0x4  }
0x2d2: {  	(v2sf) =	vpush v0, $0x0;
	_ =	sdelay $0xe  }
0x2d3: {  	s10 =	spop (v2sf)  }
0x2d4: {  	s10 =	sshll.u32 s10, $0x7  }
0x2d5: {  	s10 =	sand.u32 $0x7FFFFC00, s10  }
0x2d6: {  	s10 =	sadd.s32 $0xC35400, s10  }
0x2d7: {  	s10 =	sadd.s32 $0xFF3CAC00, s10  }
0x2d8: {  	s10 =	sshrl.u32 s10, $0x3  }
0x2d9: {  	s14 =	simm.s32 $0x9C80;
	s10 =	sadd.s32 s4, s10  }
0x2da: {  	[tilespmem:s14], [sflag:$0x2] =	stream.linear.gather [hbm4b:s10+s3], $0x400, $0x38;
	[tilespmem:$0x18880] =	vst v63  }
0x2db: {  	v63 =	vld [tilespmem:s29+$0x0];
	_ =	sdelay $0x4  }
0x2dc: {  	(v2sf) =	vpush v63, $0x0;
	_ =	sdelay $0xe  }
0x2dd: {  	s18 =	spop (v2sf)  }
0x2de: {  	s10 =	sshll.u32 s18, $0x7  }
0x2df: {  	s10 =	sand.u32 $0x7FFFFC00, s10  }
0x2e0: {  	s25 =	sadd.s32 $0xC35400, s10  }
0x2e1: {  	s14 =	simm.s32 $0x249FC00;
	s10 =	simm.s32 $0x0;
	s15 =	sshrl.u32 s25, $0x3  }
0x2e2: {  	s25 =	sadd.s32 $0x2, s29;
	s17 =	sadd.s32 s4, s15;
	s15 =	simm.s32 $0xA880  }
.LBB2_29:
0x2e3: {  	[tilespmem:s16], [sflag:$0x2] =	stream.linear.gather [hbm4b:s17+s3], $0x400, $0x38;
	[tilespmem:$0x18880] =	vst v63  }
0x2e4: {  	s10 =	sadd.s32 $0x2, s10;
	s16 =	smov.u32 s15;
	v0 =	vld [tilespmem:s25+$0xFFFFFFFF]  }
0x2e5: {  	p0 =	slt.u32 s10, $0x18;
	_ =	sdelay $0x3  }
0x2e6: {  	(v2sf) =	vpush v0, $0x0;
	_ =	sdelay $0xe  }
0x2e7: {  	s17 =	spop (v2sf)  }
0x2e8: {  	s17 =	sshll.u32 s17, $0x7  }
0x2e9: {  	s17 =	sand.u32 $0x7FFFFC00, s17  }
0x2ea: {  	s17 =	sadd.s32 s17, s14  }
0x2eb: {  	s17 =	sadd.s32 $0xFF3CAC00, s17  }
0x2ec: {  	s17 =	sshrl.u32 s17, $0x3  }
0x2ed: {  	s18 =	sadd.s32 $0xFFFFFC00, s15;
	s17 =	sadd.s32 s4, s17  }
0x2ee: {  	[tilespmem:s18], [sflag:$0x2] =	stream.linear.gather [hbm4b:s17+s3], $0x400, $0x38;
	[tilespmem:$0x18880] =	vst v63  }
0x2ef: {  	v0 =	vld [tilespmem:s25+$0x0];
	_ =	sdelay $0x4  }
0x2f0: {  	(v2sf) =	vpush v0, $0x0;
	_ =	sdelay $0xe  }
0x2f1: {  	s17 =	spop (v2sf)  }
.Ltmp13:
0x2f2: {  	s17 =	sshll.u32 s17, $0x7;
	(pc) =	sbr.rel @p0 .LBB2_29-.Ltmp13, $4  }
0x2f3: {  	s17 =	sand.u32 $0x7FFFFC00, s17  }
0x2f4: {  	s17 =	sadd.s32 s17, s14  }
0x2f5: {  	s14 =	sadd.s32 $0x186A800, s14;
	s17 =	sshrl.u32 s17, $0x3  }
0x2f6: {  	s15 =	sadd.s32 $0x800, s15;
	s25 =	sadd.s32 $0x2, s25;
	s17 =	sadd.s32 s4, s17  }
0x2f7: {  	[tilespmem:s16], [sflag:$0x2] =	stream.linear.gather [hbm4b:s17+s3], $0x400, $0x38;
	[tilespmem:$0x18880] =	vst v63  }
0x2f8: {  	_ =	swait.ge [sflag:s11], $0x6800  }
0x2f9: {  	[sflag:s11] =	ssyncset.done $0x0  }
0x2fa: {  	[sflag:s11] =	ssyncadd.s32 $0xFFFF9800  }
0x2fb: {  	v0 =	vld [tilespmem:s28+$0xFFFFFFFF];
	_ =	sdelay $0x4  }
0x2fc: {  	(v2sf) =	vpush v0, $0x0;
	_ =	sdelay $0xe  }
0x2fd: {  	s10 =	spop (v2sf)  }
0x2fe: {  	s10 =	sand.u32 $0x7, s10  }
0x2ff: {  	s10 =	sshll.u32 s10, $0x7  }
0x300: {  	s14 =	sadd.s32 $0x3880, s10  }
0x301: {  	v62 =	vld [tilespmem:s14+$0xFFFFFC00];
	_ =	sdelay $0x3  }
0x302: {  	s10 =	simm.s32 $0x16530  }
0x303: {  	[tilespmem:s10+$0xFFFFFF50] =	vst v62  }
0x304: {  	v0 =	vld [tilespmem:s14+$0xFFFFFC10];
	_ =	sdelay $0x4  }
0x305: {  	[tilespmem:s10+$0xFFFFFF60] =	vst v0  }
0x306: {  	v0 =	vld [tilespmem:s14+$0xFFFFFC20];
	_ =	sdelay $0x4  }
0x307: {  	[tilespmem:s10+$0xFFFFFF70] =	vst v0  }
0x308: {  	v0 =	vld [tilespmem:s14+$0xFFFFFC30];
	_ =	sdelay $0x4  }
0x309: {  	[tilespmem:s10+$0xFFFFFF80] =	vst v0  }
0x30a: {  	v0 =	vld [tilespmem:s28+$0x0];
	_ =	sdelay $0x4  }
0x30b: {  	(v2sf) =	vpush v0, $0x0;
	_ =	sdelay $0xe  }
0x30c: {  	s25 =	spop (v2sf)  }
0x30d: {  	s14 =	sand.u32 $0x7, s25  }
0x30e: {  	s14 =	sshll.u32 s14, $0x7  }
0x30f: {  	s14 =	sadd.s32 $0x3880, s14  }
0x310: {  	v63 =	vld [tilespmem:s14+$0x0];
	_ =	sdelay $0x4  }
0x311: {  	[tilespmem:s10+$0xFFFFFFD0] =	vst v63  }
0x312: {  	v0 =	vld [tilespmem:s14+$0x10];
	_ =	sdelay $0x4  }
0x313: {  	[tilespmem:s10+$0xFFFFFFE0] =	vst v0  }
0x314: {  	v0 =	vld [tilespmem:s14+$0x20];
	_ =	sdelay $0x4  }
0x315: {  	[tilespmem:s10+$0xFFFFFFF0] =	vst v0  }
0x316: {  	v0 =	vld [tilespmem:s14+$0x30];
	_ =	sdelay $0x4  }
0x317: {  	s15 =	sadd.s32 $0x2, s28;
	s25 =	simm.s32 $0x0;
	s14 =	simm.s32 $0x3880;
	[tilespmem:s10+$0x0] =	vst v0  }
.LBB2_31:
0x318: {  	v0 =	vld [tilespmem:s15+$0xFFFFFFFF];
	s25 =	sadd.s32 $0x2, s25  }
0x319: {  	p0 =	slt.u32 s25, $0x18;
	_ =	sdelay $0x3  }
0x31a: {  	(v2sf) =	vpush v0, $0x0;
	_ =	sdelay $0xe  }
0x31b: {  	s16 =	spop (v2sf)  }
0x31c: {  	s16 =	sand.u32 $0x7, s16  }
0x31d: {  	s14 =	sadd.s32 $0x800, s14;
	s16 =	sshll.u32 s16, $0x7  }
0x31e: {  	s16 =	sadd.s32 s16, s14  }
0x31f: {  	v0 =	vld [tilespmem:s16+$0xFFFFFC00];
	_ =	sdelay $0x3  }
0x320: {  	s10 =	sadd.s32 $0x100, s10  }
0x321: {  	[tilespmem:s10+$0xFFFFFF50] =	vst v0  }
0x322: {  	v0 =	vld [tilespmem:s16+$0xFFFFFC10];
	_ =	sdelay $0x4  }
0x323: {  	[tilespmem:s10+$0xFFFFFF60] =	vst v0  }
0x324: {  	v0 =	vld [tilespmem:s16+$0xFFFFFC20];
	_ =	sdelay $0x4  }
0x325: {  	[tilespmem:s10+$0xFFFFFF70] =	vst v0  }
0x326: {  	v0 =	vld [tilespmem:s16+$0xFFFFFC30];
	_ =	sdelay $0x4  }
0x327: {  	[tilespmem:s10+$0xFFFFFF80] =	vst v0  }
0x328: {  	v0 =	vld [tilespmem:s15+$0x0];
	_ =	sdelay $0x4  }
0x329: {  	(v2sf) =	vpush v0, $0x0;
	_ =	sdelay $0xe  }
0x32a: {  	s16 =	spop (v2sf)  }
0x32b: {  	s16 =	sand.u32 $0x7, s16  }
0x32c: {  	s16 =	sshll.u32 s16, $0x7  }
0x32d: {  	s16 =	sadd.s32 s16, s14  }
0x32e: {  	v0 =	vld [tilespmem:s16+$0x0];
	_ =	sdelay $0x4  }
0x32f: {  	[tilespmem:s10+$0xFFFFFFD0] =	vst v0  }
0x330: {  	v0 =	vld [tilespmem:s16+$0x10];
	_ =	sdelay $0x4  }
0x331: {  	[tilespmem:s10+$0xFFFFFFE0] =	vst v0  }
0x332: {  	v0 =	vld [tilespmem:s16+$0x20];
	_ =	sdelay $0x4  }
0x333: {  	[tilespmem:s10+$0xFFFFFFF0] =	vst v0  }
0x334: {  	v0 =	vld [tilespmem:s16+$0x30]  }
.Ltmp14:
0x335: {  	(pc) =	sbr.rel @p0 .LBB2_31-.Ltmp14, $2  }
0x336: {  	_ =	sdelay $0x2  }
0x337: {  	s15 =	sadd.s32 $0x2, s15;
	[tilespmem:s10+$0x0] =	vst v0  }
0x338: {  	p0 =	sgt.u32 s24, $0x7E  }
.Ltmp15:
0x339: {  	_ = 	snop;
	(pc) =	sbr.rel @p0 .LBB2_36-.Ltmp15, $1  }
0x33a: {  	_ =	sdelay $0x3  }
0x33b: {  	v0 =	vld [tilespmem:s26+$0xFFFFFFFF];
	_ =	sdelay $0x4  }
0x33c: {  	(v2sf) =	vpush v0, $0x0;
	_ =	sdelay $0xe  }
0x33d: {  	s10 =	spop (v2sf)  }
0x33e: {  	s10 =	sshll.u32 s10, $0x7  }
0x33f: {  	s10 =	sand.u32 $0x7FFFFC00, s10  }
0x340: {  	s10 =	sadd.s32 $0xC35400, s10  }
0x341: {  	s10 =	sadd.s32 $0xFF3CAC00, s10  }
0x342: {  	s10 =	sshrl.u32 s10, $0x3  }
0x343: {  	s14 =	simm.s32 $0x3480;
	s10 =	sadd.s32 s4, s10  }
0x344: {  	[tilespmem:s14], [sflag:$0x1] =	stream.linear.gather [hbm4b:s10+s3], $0x400, $0x38;
	[tilespmem:$0x18880] =	vst v63  }
0x345: {  	v63 =	vld [tilespmem:s26+$0x0];
	_ =	sdelay $0x4  }
0x346: {  	(v2sf) =	vpush v63, $0x0;
	_ =	sdelay $0xe  }
0x347: {  	s25 =	spop (v2sf)  }
0x348: {  	s10 =	sshll.u32 s25, $0x7  }
0x349: {  	s10 =	sand.u32 $0x7FFFFC00, s10  }
0x34a: {  	s24 =	sadd.s32 $0x2, s26;
	s15 =	sadd.s32 $0xC35400, s10  }
0x34b: {  	s14 =	simm.s32 $0x3880;
	s10 =	simm.s32 $0x0;
	s16 =	sshrl.u32 s15, $0x3  }
0x34c: {  	s15 =	simm.s32 $0x249FC00;
	s17 =	sadd.s32 s4, s16;
	s16 =	simm.s32 $0x4080  }
.LBB2_34:
0x34d: {  	[tilespmem:s14], [sflag:$0x1] =	stream.linear.gather [hbm4b:s17+s3], $0x400, $0x38;
	[tilespmem:$0x18880] =	vst v63  }
0x34e: {  	s10 =	sadd.s32 $0x2, s10;
	s14 =	smov.u32 s16;
	v0 =	vld [tilespmem:s24+$0xFFFFFFFF]  }
0x34f: {  	p0 =	slt.u32 s10, $0x18;
	_ =	sdelay $0x3  }
0x350: {  	(v2sf) =	vpush v0, $0x0;
	_ =	sdelay $0xe  }
0x351: {  	s17 =	spop (v2sf)  }
0x352: {  	s17 =	sshll.u32 s17, $0x7  }
0x353: {  	s17 =	sand.u32 $0x7FFFFC00, s17  }
0x354: {  	s17 =	sadd.s32 s17, s15  }
0x355: {  	s17 =	sadd.s32 $0xFF3CAC00, s17  }
0x356: {  	s17 =	sshrl.u32 s17, $0x3  }
0x357: {  	s18 =	sadd.s32 $0xFFFFFC00, s16;
	s17 =	sadd.s32 s4, s17  }
0x358: {  	[tilespmem:s18], [sflag:$0x1] =	stream.linear.gather [hbm4b:s17+s3], $0x400, $0x38;
	[tilespmem:$0x18880] =	vst v63  }
0x359: {  	v0 =	vld [tilespmem:s24+$0x0];
	_ =	sdelay $0x4  }
0x35a: {  	(v2sf) =	vpush v0, $0x0;
	_ =	sdelay $0xe  }
0x35b: {  	s17 =	spop (v2sf)  }
.Ltmp16:
0x35c: {  	s17 =	sshll.u32 s17, $0x7;
	(pc) =	sbr.rel @p0 .LBB2_34-.Ltmp16, $4  }
0x35d: {  	s17 =	sand.u32 $0x7FFFFC00, s17  }
0x35e: {  	s17 =	sadd.s32 s17, s15  }
0x35f: {  	s15 =	sadd.s32 $0x186A800, s15;
	s17 =	sshrl.u32 s17, $0x3  }
0x360: {  	s16 =	sadd.s32 $0x800, s16;
	s24 =	sadd.s32 $0x2, s24;
	s17 =	sadd.s32 s4, s17  }
0x361: {  	[tilespmem:s14], [sflag:$0x1] =	stream.linear.gather [hbm4b:s17+s3], $0x400, $0x38;
	[tilespmem:$0x18880] =	vst v63  }
.LBB2_36:
0x362: {  	_ =	swait.ge [sflag:s12], $0x6800  }
0x363: {  	[sflag:s12] =	ssyncset.done $0x0  }
0x364: {  	[sflag:s12] =	ssyncadd.s32 $0xFFFF9800  }
0x365: {  	v0 =	vld [tilespmem:s29+$0xFFFFFFFF];
	_ =	sdelay $0x4  }
0x366: {  	(v2sf) =	vpush v0, $0x0;
	_ =	sdelay $0xe  }
0x367: {  	s10 =	spop (v2sf)  }
0x368: {  	s10 =	sand.u32 $0x7, s10  }
0x369: {  	s10 =	sshll.u32 s10, $0x7  }
0x36a: {  	s14 =	sadd.s32 $0xA0B0, s10  }
0x36b: {  	v62 =	vld [tilespmem:s14+$0xFFFFFBD0];
	_ =	sdelay $0x3  }
0x36c: {  	s10 =	simm.s32 $0x17530  }
0x36d: {  	[tilespmem:s10+$0xFFFFFF50] =	vst v62  }
0x36e: {  	v0 =	vld [tilespmem:s14+$0xFFFFFBE0];
	_ =	sdelay $0x4  }
0x36f: {  	[tilespmem:s10+$0xFFFFFF60] =	vst v0  }
0x370: {  	v0 =	vld [tilespmem:s14+$0xFFFFFBF0];
	_ =	sdelay $0x4  }
0x371: {  	[tilespmem:s10+$0xFFFFFF70] =	vst v0  }
0x372: {  	v0 =	vld [tilespmem:s14+$0xFFFFFC00];
	_ =	sdelay $0x4  }
0x373: {  	[tilespmem:s10+$0xFFFFFF80] =	vst v0  }
0x374: {  	v0 =	vld [tilespmem:s29+$0x0];
	_ =	sdelay $0x4  }
0x375: {  	(v2sf) =	vpush v0, $0x0;
	_ =	sdelay $0xe  }
0x376: {  	s25 =	spop (v2sf)  }
0x377: {  	s14 =	sand.u32 $0x7, s25  }
0x378: {  	s14 =	sshll.u32 s14, $0x7  }
0x379: {  	s14 =	sadd.s32 $0xA0B0, s14  }
0x37a: {  	v63 =	vld [tilespmem:s14+$0xFFFFFFD0];
	_ =	sdelay $0x4  }
0x37b: {  	[tilespmem:s10+$0xFFFFFFD0] =	vst v63  }
0x37c: {  	v0 =	vld [tilespmem:s14+$0xFFFFFFE0];
	_ =	sdelay $0x4  }
0x37d: {  	[tilespmem:s10+$0xFFFFFFE0] =	vst v0  }
0x37e: {  	v0 =	vld [tilespmem:s14+$0xFFFFFFF0];
	_ =	sdelay $0x4  }
0x37f: {  	[tilespmem:s10+$0xFFFFFFF0] =	vst v0  }
0x380: {  	v0 =	vld [tilespmem:s14+$0x0];
	_ =	sdelay $0x4  }
0x381: {  	s24 =	simm.s32 $0x0;
	s15 =	sadd.s32 $0x2, s29;
	s14 =	simm.s32 $0xA0B0;
	[tilespmem:s10+$0x0] =	vst v0  }
.LBB2_37:
0x382: {  	v0 =	vld [tilespmem:s15+$0xFFFFFFFF];
	s24 =	sadd.s32 $0x2, s24  }
0x383: {  	p0 =	slt.u32 s24, $0x18;
	_ =	sdelay $0x3  }
0x384: {  	(v2sf) =	vpush v0, $0x0;
	_ =	sdelay $0xe  }
0x385: {  	s16 =	spop (v2sf)  }
0x386: {  	s16 =	sand.u32 $0x7, s16  }
0x387: {  	s14 =	sadd.s32 $0x800, s14;
	s16 =	sshll.u32 s16, $0x7  }
0x388: {  	s16 =	sadd.s32 s16, s14  }
0x389: {  	v0 =	vld [tilespmem:s16+$0xFFFFFBD0];
	_ =	sdelay $0x3  }
0x38a: {  	s10 =	sadd.s32 $0x100, s10  }
0x38b: {  	[tilespmem:s10+$0xFFFFFF50] =	vst v0  }
0x38c: {  	v0 =	vld [tilespmem:s16+$0xFFFFFBE0];
	_ =	sdelay $0x4  }
0x38d: {  	[tilespmem:s10+$0xFFFFFF60] =	vst v0  }
0x38e: {  	v0 =	vld [tilespmem:s16+$0xFFFFFBF0];
	_ =	sdelay $0x4  }
0x38f: {  	[tilespmem:s10+$0xFFFFFF70] =	vst v0  }
0x390: {  	v0 =	vld [tilespmem:s16+$0xFFFFFC00];
	_ =	sdelay $0x4  }
0x391: {  	[tilespmem:s10+$0xFFFFFF80] =	vst v0  }
0x392: {  	v0 =	vld [tilespmem:s15+$0x0];
	_ =	sdelay $0x4  }
0x393: {  	(v2sf) =	vpush v0, $0x0;
	_ =	sdelay $0xe  }
0x394: {  	s16 =	spop (v2sf)  }
0x395: {  	s16 =	sand.u32 $0x7, s16  }
0x396: {  	s16 =	sshll.u32 s16, $0x7  }
0x397: {  	s16 =	sadd.s32 s16, s14  }
0x398: {  	v0 =	vld [tilespmem:s16+$0xFFFFFFD0];
	_ =	sdelay $0x4  }
0x399: {  	[tilespmem:s10+$0xFFFFFFD0] =	vst v0  }
0x39a: {  	v0 =	vld [tilespmem:s16+$0xFFFFFFE0];
	_ =	sdelay $0x4  }
0x39b: {  	[tilespmem:s10+$0xFFFFFFE0] =	vst v0  }
0x39c: {  	v0 =	vld [tilespmem:s16+$0xFFFFFFF0];
	_ =	sdelay $0x4  }
0x39d: {  	[tilespmem:s10+$0xFFFFFFF0] =	vst v0  }
0x39e: {  	v0 =	vld [tilespmem:s16+$0x0]  }
.Ltmp17:
0x39f: {  	(pc) =	sbr.rel @p0 .LBB2_37-.Ltmp17, $2  }
0x3a0: {  	_ =	sdelay $0x2  }
0x3a1: {  	s15 =	sadd.s32 $0x2, s15;
	[tilespmem:s10+$0x0] =	vst v0  }
0x3a2: {  	_ =	swait.ge [sflag:s13], $0x200  }
0x3a3: {  	[sflag:s13] =	ssyncset.done $0x0  }
0x3a4: {  	[sflag:s13] =	ssyncadd.s32 $0xFFFFFE00  }
0x3a5: {  	v0 =	vld [tilespmem:$0x18680]  }
0x3a6: {  	v1 =	vld [tilespmem:$0x18690]  }
0x3a7: {  	v2 =	vld [tilespmem:$0x186A0]  }
0x3a8: {  	v3 =	vld [tilespmem:$0x186B0]  }
0x3a9: {  	v4 =	vld [tilespmem:$0x18700]  }
0x3aa: {  	v53 =	vld [tilespmem:$0x18710];
	[tilespmem:$0x15180] =	vst v0  }
0x3ab: {  	v54 =	vld [tilespmem:$0x18720];
	[tilespmem:$0x15190] =	vst v1  }
0x3ac: {  	v55 =	vld [tilespmem:$0x18730];
	[tilespmem:$0x151A0] =	vst v2  }
0x3ad: {  	v56 =	vld [tilespmem:$0x18780];
	[tilespmem:$0x151B0] =	vst v3  }
0x3ae: {  	v57 =	vld [tilespmem:$0x18790];
	[tilespmem:$0x16180] =	vst v4  }
0x3af: {  	v58 =	vld [tilespmem:$0x187A0];
	[tilespmem:$0x16190] =	vst v53  }
0x3b0: {  	v59 =	vld [tilespmem:$0x187B0];
	[tilespmem:$0x161A0] =	vst v54  }
0x3b1: {  	v60 =	vld [tilespmem:$0x18800];
	[tilespmem:$0x161B0] =	vst v55  }
0x3b2: {  	v61 =	vld [tilespmem:$0x18810];
	[tilespmem:$0x17180] =	vst v56  }
0x3b3: {  	v62 =	vld [tilespmem:$0x18820];
	[tilespmem:$0x17190] =	vst v57  }
0x3b4: {  	v63 =	vld [tilespmem:$0x18830];
	[tilespmem:$0x171A0] =	vst v58  }
0x3b5: {  	[tilespmem:$0x171B0] =	vst v59  }
0x3b6: {  	[tilespmem:$0x18180] =	vst v60  }
0x3b7: {  	s10 =	sshll.u32 s23, $0x9;
	[tilespmem:$0x18190] =	vst v61  }
0x3b8: {  	s8 =	sadd.s32 $0x1, s8;
	s10 =	sand.u32 $0x1FFFF800, s10;
	[tilespmem:$0x181A0] =	vst v62  }
0x3b9: {  	s6 =	sadd.s32 $0xD0, s6;
	s9 =	sadd.s32 $0xD0, s9;
	s10 =	sadd.s32 s5, s10;
	[tilespmem:$0x181B0] =	vst v63  }
0x3ba: {  	[hbm4b:s10+s3] =	stream.linear.scatter [tilespmem:s19], [sflag:$0x4], $0xD80, $0x38;
	[tilespmem:$0x18880] =	vst v63  }
0x3bb: {  	s0 =	sadd.s32 $0xD0, s0;
	p0 =	sne.s32 s8, $0x40;
	s14 =	sadd.s32 $0x200, s10  }
0x3bc: {  	[hbm4b:s14+s3] =	stream.linear.scatter [tilespmem:s20], [sflag:$0x4], $0xD80, $0x38;
	[tilespmem:$0x18880] =	vst v63  }
.Ltmp18:
0x3bd: {  	s31 =	sadd.s32 $0xD0, s31;
	s1 =	sadd.s32 $0xD0, s1;
	(pc) =	sbr.rel @p0 .LBB2_4-.Ltmp18, $4  }
0x3be: {  	s30 =	sadd.s32 $0xD0, s30;
	s28 =	sadd.s32 $0xD0, s28;
	s25 =	sadd.s32 $0x400, s10  }
0x3bf: {  	[hbm4b:s25+s3] =	stream.linear.scatter [tilespmem:s21], [sflag:$0x4], $0xD80, $0x38;
	[tilespmem:$0x18880] =	vst v63  }
0x3c0: {  	s29 =	sadd.s32 $0xD0, s29;
	s26 =	sadd.s32 $0xD0, s26;
	s10 =	sadd.s32 $0x600, s10  }
0x3c1: {  	[hbm4b:s10+s3] =	stream.linear.scatter [tilespmem:s22], [sflag:$0x4], $0xD80, $0x38;
	[tilespmem:$0x18880] =	vst v63  }
0x3c2: {  	s0 =	simm.s32 $0x3  }
0x3c3: {  	_ =	swait.ge [sflag:s0], $0x3600  }
0x3c4: {  	[sflag:s0] =	ssyncset.done $0x0  }
0x3c5: {  	s1 =	simm.s32 $0x4;
	[sflag:s0] =	ssyncadd.s32 $0xFFFFCA00  }
0x3c6: {  	_ =	swait.ge [sflag:s1], $0x3600  }
0x3c7: {  	s6 =	rddreg [dreg:$0x5]  }
0x3c8: {  	s31 =	rddreg [dreg:$0x4];
	s6 =	sadd.s32 $0x1, s6  }
0x3c9: {  	p0 =	sne.s32 s6, s31  }
.Ltmp19:
0x3ca: {  	_ = 	snop;
	(pc) =	sbr.rel @p0 .LBB2_1-.Ltmp19, $3  }
0x3cb: {  	_ =	sdelay $0x1  }
0x3cc: {  	[sflag:s1] =	ssyncset.done $0x0  }
0x3cd: {  	[sflag:s1] =	ssyncadd.s32 $0xFFFFCA00  }
0x3ce: {  	_ =	sfence.sel $0x180000  }
0x3cf: {  	[bflag:$0x0] =	sbarrier.arrive $0xFFFF  }
0x3d0: {  	_ =	strace $0x90000047  }
0x3d1: {  	s0 =	stileid.u32;
	[bflag:$0x2] =	sbarrier.arrive $0xFFFF  }
0x3d2: {  	p0 =	sne.s32 s0, $0x0;
	s0 =	rddreg [dreg:$0x2]  }
0x3d3: {  	s0 =	sadd.s32 @!p0 $0x100000, s0  }
0x3d4: {  	[sflag:s0] =	ssyncadd.tile.s32 @!p0 $0x1;
	_ =	shalt  }
.Lfunc_end2:
_tile_overlayer_lowered:
.L_overlay_start_2:
0x3d5: {  	(tag) =	ssettag $0x2  }
0x3d6: {  	s0 =	rddreg [dreg:$0x0];
	s2 =	stileid.u32  }
0x3d7: {  	s1 =	rddreg [dreg:$0x1];
	p0 =	sne.s32 s2, $0x0  }
0x3d8: {  	s3 =	rddreg [dreg:$0x2];
	[bflag:$0x3] =	sbarrier.arrive $0xFFFF;
	s2 =	simm.s32 @!p0 $0x1C06  }
0x3d9: {  	[timem:s3], [sflag:s2] =	dma.local @!p0 [hbm:s0], s1  }
0x3da: {  	s0 =	simm.s32 @!p0 $0x6  }
0x3db: {  	_ =	swait.ge @!p0 [sflag:s0], s1  }
0x3dc: {  	s1 =	ssub.s32 @!p0 $0x0, s1;
	[sflag:s0] =	ssyncset.done @!p0 $0x0  }
0x3dd: {  	[sflag:s0] =	ssyncadd.s32 @!p0 s1  }
0x3de: {  	[bflag:$0x3] =	sbarrier.arrive $0xFFFF  }
0x3df: {  	_ =	shalt  }

</sc_bundles>
